<compile_context>
chip_gen: v7x
topology: tpu7x:2x2x1
jax: 0.10.2.dev20260603
libtpu: 0.0.44.dev20260713+nightly
codegen_flags: <defaults>
</compile_context>

<pallas_src>
import functools

import jax
import jax.numpy as jnp
import numpy as np
from jax.experimental import pallas as pl
from jax.experimental.pallas import tpu as pltpu

_STRIDES = [4, 8, 16, 32, 64]
_SIZES = [(128, 128), (64, 64), (32, 32), (16, 16), (8, 8)]
_B = 2
_C = 256
_NA = 3


def _head_kernel(x_ref, w9_ref, cb_ref, wh_ref, bh_ref, o_ref):
    r = pl.program_id(1)
    rb = o_ref.shape[1]
    w = o_ref.shape[2]
    wp = w + 2
    acc = None
    for dy in range(3):
        a = x_ref[0, pl.ds(r * rb + dy, rb), :, :]
        a2 = a.reshape(rb * wp, _C)
        for dx in range(3):
            y = jax.lax.dot_general(
                a2, w9_ref[dy * 3 + dx],
                (((1,), (0,)), ((), ())),
                precision=jax.lax.Precision.DEFAULT,
                preferred_element_type=jnp.float32,
            ).reshape(rb, wp, _C)
            t = y[:, dx:dx + w, :]
            acc = t if acc is None else acc + t
    z = jnp.maximum(acc + cb_ref[0, :], 0.0)
    h = jax.lax.dot_general(
        z.reshape(rb * w, _C), wh_ref[...],
        (((1,), (0,)), ((), ())),
        precision=jax.lax.Precision.DEFAULT,
        preferred_element_type=jnp.float32,
    ) + bh_ref[0, :]
    o_ref[0] = h.reshape(rb, w, 24)


def _run_level_head(xp, w9, cb, wh, bh, h, w):
    rb = 8
    grid = (_B, h // rb)
    return pl.pallas_call(
        _head_kernel,
        grid=grid,
        in_specs=[
            pl.BlockSpec((1, h + 2, w + 2, _C), lambda b, r: (b, 0, 0, 0)),
            pl.BlockSpec((9, _C, _C), lambda b, r: (0, 0, 0)),
            pl.BlockSpec((1, _C), lambda b, r: (0, 0)),
            pl.BlockSpec((_C, 24), lambda b, r: (0, 0)),
            pl.BlockSpec((1, 24), lambda b, r: (0, 0)),
        ],
        out_specs=pl.BlockSpec((1, rb, w, 24), lambda b, r: (b, r, 0, 0)),
        out_shape=jax.ShapeDtypeStruct((_B, h, w, 24), jnp.float32),
        compiler_params=pltpu.CompilerParams(vmem_limit_bytes=110 * 1024 * 1024),
    )(xp, w9, cb, wh, bh)


def _make_anchors(h, w, stride):
    base = stride * 8.0
    ratios = jnp.array([0.5, 1.0, 2.0], jnp.float32)
    aw = base / jnp.sqrt(ratios)
    ah = base * jnp.sqrt(ratios)
    xs = (jnp.arange(w, dtype=jnp.float32) + 0.5) * stride
    ys = (jnp.arange(h, dtype=jnp.float32) + 0.5) * stride
    cy, cx = jnp.meshgrid(ys, xs, indexing='ij')
    cx = jnp.broadcast_to(cx[None], (_NA, h, w))
    cy = jnp.broadcast_to(cy[None], (_NA, h, w))
    aw = jnp.broadcast_to(aw[:, None, None], (_NA, h, w))
    ah = jnp.broadcast_to(ah[:, None, None], (_NA, h, w))
    return jnp.stack([cx, cy, aw, ah], -1).reshape(_NA * h * w, 4)


def _decode_midpoint(reg, anchors):
    cx, cy, aw, ah = anchors[:, 0], anchors[:, 1], anchors[:, 2], anchors[:, 3]
    dx, dy, dw, dh, da, db = [reg[..., i] for i in range(6)]
    x = dx * aw + cx
    y = dy * ah + cy
    w = aw * jnp.exp(jnp.clip(dw, -8.0, 8.0))
    h = ah * jnp.exp(jnp.clip(dh, -8.0, 8.0))
    da_ = da * w
    db_ = db * h
    v1 = jnp.stack([x + da_, y - h / 2], -1)
    v2 = jnp.stack([x + w / 2, y + db_], -1)
    v3 = jnp.stack([x - da_, y + h / 2], -1)
    v4 = jnp.stack([x - w / 2, y - db_], -1)
    return jnp.stack([v1, v2, v3, v4], -2)


_NMS_N = 2048
_NMS_K = 256


def _nms_kernel(bc_ref, br_ref, keep_ref, sup_scr):
    thr = 0.8
    n = _NMS_N
    kk = _NMS_K
    x1c = bc_ref[0, 0:1, :]
    y1c = bc_ref[0, 1:2, :]
    x2c = bc_ref[0, 2:3, :]
    y2c = bc_ref[0, 3:4, :]
    areac = jnp.maximum(x2c - x1c, 0.0) * jnp.maximum(y2c - y1c, 0.0)
    iotan = jax.lax.broadcasted_iota(jnp.int32, (1, n), 1)
    for blk in range(n // kk):
        base = blk * kk
        x1r = br_ref[0, pl.ds(base, kk), 0:1]
        y1r = br_ref[0, pl.ds(base, kk), 1:2]
        x2r = br_ref[0, pl.ds(base, kk), 2:3]
        y2r = br_ref[0, pl.ds(base, kk), 3:4]
        arear = jnp.maximum(x2r - x1r, 0.0) * jnp.maximum(y2r - y1r, 0.0)
        xx1 = jnp.maximum(x1r, x1c)
        yy1 = jnp.maximum(y1r, y1c)
        xx2 = jnp.minimum(x2r, x2c)
        yy2 = jnp.minimum(y2r, y2c)
        inter = jnp.maximum(xx2 - xx1, 0.0) * jnp.maximum(yy2 - yy1, 0.0)
        iou = inter / (arear + areac - inter + 1e-9)
        rowidx = base + jax.lax.broadcasted_iota(jnp.int32, (kk, 1), 0)
        sup_scr[pl.ds(base, kk), :] = jnp.where(
            (iou > thr) & (iotan > rowidx), 1.0, 0.0)

    def body(carry):
        keep, _ = carry
        s = jax.lax.dot_general(
            keep, sup_scr[...], (((1,), (0,)), ((), ())),
            precision=jax.lax.Precision.DEFAULT,
            preferred_element_type=jnp.float32)
        keep_new = jnp.where(s > 0.5, 0.0, 1.0)
        changed = jnp.sum(jnp.abs(keep_new - keep)) > 0.0
        return keep_new, changed

    def cond(carry):
        return carry[1]

    keep0 = jnp.ones((8, n), jnp.float32)
    keep, _ = jax.lax.while_loop(cond, body, (keep0, True))
    keep_ref[...] = keep[0:1, :].reshape(1, 1, _NMS_N)


def _run_nms(boxes_r):
    from jax.experimental.pallas import tpu as _pltpu
    q = boxes_r.shape[0]
    boxes_c = jnp.transpose(boxes_r, (0, 2, 1))
    return pl.pallas_call(
        _nms_kernel,
        grid=(q,),
        in_specs=[
            pl.BlockSpec((1, 4, _NMS_N), lambda i: (i, 0, 0)),
            pl.BlockSpec((1, _NMS_N, 4), lambda i: (i, 0, 0)),
        ],
        out_specs=pl.BlockSpec((1, 1, _NMS_N), lambda i: (i, 0, 0)),
        out_shape=jax.ShapeDtypeStruct((q, 1, _NMS_N), jnp.float32),
        scratch_shapes=[
            _pltpu.VMEM((_NMS_N, _NMS_N), jnp.float32),
        ],
        compiler_params=pltpu.CompilerParams(
            vmem_limit_bytes=110 * 1024 * 1024),
    )(boxes_c, boxes_r)


def kernel(p2, p3, p4, p5, p6, conv_w, conv_b, reg_w, reg_b, obj_w, obj_b):
    feats = [p2, p3, p4, p5, p6]
    w9 = jnp.transpose(conv_w, (2, 3, 1, 0)).reshape(9, _C, _C)
    cb = conv_b.reshape(1, _C)
    wh = jnp.concatenate([
        reg_w.reshape(18, _C).T,
        obj_w.reshape(3, _C).T,
        jnp.zeros((_C, 3), jnp.float32),
    ], axis=1)
    bh = jnp.concatenate([reg_b, obj_b, jnp.zeros((3,), jnp.float32)]).reshape(1, 24)

    level_props = []
    level_scores = []
    level_keeps = []
    for s_idx, v in enumerate(feats):
        b, _, h, w = v.shape
        xp = jnp.pad(jnp.transpose(v, (0, 2, 3, 1)),
                     ((0, 0), (1, 1), (1, 1), (0, 0)))
        head = _run_level_head(xp, w9, cb, wh, bh, h, w)
        reg = head[..., :18].reshape(b, h, w, _NA, 6)
        reg = jnp.transpose(reg, (0, 3, 1, 2, 4)).reshape(b, _NA * h * w, 6)
        obj = jnp.transpose(head[..., 18:21], (0, 3, 1, 2)).reshape(b, _NA * h * w)
        anchors = _make_anchors(h, w, _STRIDES[s_idx])
        props_b = []
        scores_b = []
        hbb_b = []
        for bi in range(b):
            k = min(2000, obj.shape[1])
            vals, idx = jax.lax.top_k(obj[bi], k)
            reg_k = reg[bi][idx]
            verts_k = _decode_midpoint(reg_k, anchors[idx])
            hbb_k = jnp.concatenate([verts_k.min(axis=1), verts_k.max(axis=1)], -1)
            props_b.append(verts_k)
            scores_b.append(vals)
            hbb_b.append(jnp.pad(hbb_k, ((0, _NMS_N - k), (0, 0))))
        level_props.append(props_b)
        level_scores.append(scores_b)
        level_keeps.append(hbb_b)

    boxes_r = jnp.stack([level_keeps[l][bi]
                         for l in range(len(feats)) for bi in range(_B)])
    keepm = _run_nms(boxes_r)
    for l in range(len(feats)):
        for bi in range(_B):
            k = level_scores[l][bi].shape[0]
            level_keeps[l][bi] = keepm[l * _B + bi, 0, :k].astype(bool)

    out_p = jnp.zeros((_B, 1000, 8), jnp.float32)
    out_s = jnp.zeros((_B, 1000), jnp.float32)
    for bi in range(_B):
        merged = jnp.concatenate([level_scores[l][bi] for l in range(len(feats))])
        kept = jnp.concatenate([level_keeps[l][bi] for l in range(len(feats))])
        props = jnp.concatenate([level_props[l][bi] for l in range(len(feats))], 0)
        props = props.reshape(-1, 8)
        kk = min(1000, merged.shape[0])
        masked = jnp.where(kept, merged, -jnp.inf)
        _, tidx = jax.lax.top_k(masked, kk)
        topmask = jnp.zeros((merged.shape[0],), bool).at[tidx].set(True)
        sel = topmask & kept
        dst = jnp.where(sel, jnp.cumsum(sel) - 1, 1000)
        out_p = out_p.at[bi, dst].set(props, mode='drop')
        out_s = out_s.at[bi, dst].set(merged, mode='drop')
    return out_p, out_s

# --- scband reference (transcript-rebuilt; emitter-appended) ---
"""Pipeline reference for scband-oriented-rpn-79894981640649 (READ-ONLY COPY).

The authoritative reference and input builder live on the scoring server;
editing this copy changes nothing except your own understanding.
"""

import jax, jax.numpy as jnp
import numpy as np

STRIDES = [4, 8, 16, 32, 64]
SIZES = [(128, 128), (64, 64), (32, 32), (16, 16), (8, 8)]
B = 2
C = 256
NA = 3


def conv2d(x, w, b, padding='SAME'):
    y = jax.lax.conv_general_dilated(x, w, (1, 1), padding,
                                     dimension_numbers=('NCHW', 'OIHW', 'NCHW'))
    return y + b[None, :, None, None]


def make_anchors(h, w, stride):
    base = stride * 8.0
    ratios = jnp.array([0.5, 1.0, 2.0], jnp.float32)
    aw = base / jnp.sqrt(ratios)
    ah = base * jnp.sqrt(ratios)
    xs = (jnp.arange(w, dtype=jnp.float32) + 0.5) * stride
    ys = (jnp.arange(h, dtype=jnp.float32) + 0.5) * stride
    cy, cx = jnp.meshgrid(ys, xs, indexing='ij')
    cx = jnp.broadcast_to(cx[None], (NA, h, w))
    cy = jnp.broadcast_to(cy[None], (NA, h, w))
    aw = jnp.broadcast_to(aw[:, None, None], (NA, h, w))
    ah = jnp.broadcast_to(ah[:, None, None], (NA, h, w))
    return jnp.stack([cx, cy, aw, ah], -1).reshape(NA * h * w, 4)


def decode_midpoint(reg, anchors):
    # reg [B, A, 6] (dx,dy,dw,dh,dalpha,dbeta); anchors [A, 4] (cx,cy,w,h)
    cx, cy, aw, ah = anchors[:, 0], anchors[:, 1], anchors[:, 2], anchors[:, 3]
    dx, dy, dw, dh, da, db = [reg[..., i] for i in range(6)]
    x = dx * aw + cx
    y = dy * ah + cy
    w = aw * jnp.exp(jnp.clip(dw, -8.0, 8.0))
    h = ah * jnp.exp(jnp.clip(dh, -8.0, 8.0))
    da_ = da * w
    db_ = db * h
    v1 = jnp.stack([x + da_, y - h / 2], -1)
    v2 = jnp.stack([x + w / 2, y + db_], -1)
    v3 = jnp.stack([x - da_, y + h / 2], -1)
    v4 = jnp.stack([x - w / 2, y - db_], -1)
    return jnp.stack([v1, v2, v3, v4], -2)  # [B, A, 4, 2]


def nms(boxes, scores, thr):
    # greedy hard-NMS on horizontal boxes [N,4] (x1,y1,x2,y2)
    # returns (order, keep) where order is the score-descending permutation and
    # keep is a fixed-shape boolean mask aligned with order
    n = boxes.shape[0]
    order = jnp.argsort(-scores)
    b = boxes[order]
    area = jnp.clip(b[:, 2] - b[:, 0], 0) * jnp.clip(b[:, 3] - b[:, 1], 0)
    x1 = jnp.maximum(b[:, None, 0], b[None, :, 0])
    y1 = jnp.maximum(b[:, None, 1], b[None, :, 1])
    x2 = jnp.minimum(b[:, None, 2], b[None, :, 2])
    y2 = jnp.minimum(b[:, None, 3], b[None, :, 3])
    inter = jnp.clip(x2 - x1, 0) * jnp.clip(y2 - y1, 0)
    iou = inter / (area[:, None] + area[None, :] - inter + 1e-9)
    def body(i, keep):
        sup = (iou[i] > thr) & (jnp.arange(n) > i) & keep[i]
        return keep & (~sup)
    keep = jax.lax.fori_loop(0, n, body, jnp.ones((n,), bool))
    return order, keep


def setup_inputs(seed: int = 0) -> dict:
    key = jax.random.key(seed)
    ks = jax.random.split(key, 12)
    inp = {}
    for i, (h, w) in enumerate(SIZES):
        inp[f'p{i + 2}'] = jax.random.normal(ks[i], (B, C, h, w), jnp.float32)
    inp['conv_w'] = jax.random.normal(ks[5], (256, C, 3, 3), jnp.float32) * 0.02
    inp['conv_b'] = jnp.zeros((256,), jnp.float32)
    inp['reg_w'] = jax.random.normal(ks[6], (6 * NA, 256, 1, 1), jnp.float32) * 0.02
    inp['reg_b'] = jnp.zeros((6 * NA,), jnp.float32)
    inp['obj_w'] = jax.random.normal(ks[7], (NA, 256, 1, 1), jnp.float32) * 0.02
    inp['obj_b'] = jnp.zeros((NA,), jnp.float32)
    return inp


def reference(p2, p3, p4, p5, p6, conv_w, conv_b, reg_w, reg_b, obj_w, obj_b):
    feats = [p2, p3, p4, p5, p6]
    level_props = []
    level_scores = []
    level_keeps = []
    for s_idx, v in enumerate(feats):
        z = jax.nn.relu(conv2d(v, conv_w, conv_b))
        reg = conv2d(z, reg_w, reg_b)
        b, _, h, w = reg.shape
        reg = jnp.moveaxis(reg.reshape(b, NA, 6, h, w), 2, -1).reshape(b, NA * h * w, 6)
        obj = conv2d(z, obj_w, obj_b).reshape(b, NA * h * w)
        anchors = make_anchors(h, w, STRIDES[s_idx])
        verts = decode_midpoint(reg, anchors)  # [B, A, 4, 2]
        hbb = jnp.concatenate([verts.min(axis=2), verts.max(axis=2)], -1)  # [B, A, 4]
        props_b = []
        scores_b = []
        keeps_b = []
        for bi in range(b):
            k = min(2000, obj.shape[1])
            vals, idx = jax.lax.top_k(obj[bi], k)
            order, keep = nms(hbb[bi][idx], vals, 0.8)
            props_b.append(verts[bi][idx][order])
            scores_b.append(vals[order])
            keeps_b.append(keep)
        level_props.append(props_b)
        level_scores.append(scores_b)
        level_keeps.append(keeps_b)
    # cross-level top-1000 selection per batch element, padded to fixed shape
    out_p = jnp.zeros((B, 1000, 8), jnp.float32)
    out_s = jnp.zeros((B, 1000), jnp.float32)
    for bi in range(B):
        merged = jnp.concatenate([level_scores[l][bi] for l in range(len(feats))])
        kept = jnp.concatenate([level_keeps[l][bi] for l in range(len(feats))])
        props = jnp.concatenate([level_props[l][bi] for l in range(len(feats))], 0)
        props = props.reshape(-1, 8)
        kk = min(1000, merged.shape[0])
        masked = jnp.where(kept, merged, -jnp.inf)
        _, tidx = jax.lax.top_k(masked, kk)
        topmask = jnp.zeros((merged.shape[0],), bool).at[tidx].set(True)
        sel = topmask & kept
        dst = jnp.where(sel, jnp.cumsum(sel) - 1, 1000)
        out_p = out_p.at[bi, dst].set(props, mode='drop')
        out_s = out_s.at[bi, dst].set(merged, mode='drop')
    return out_p, out_s

if __name__ == "__main__":
    import jax
    _d = setup_inputs()
    print(jax.jit(kernel)(*tuple(_d.values())))

</pallas_src>

<mosaic_0001>
module attributes {stable_mosaic.version = 14 : i64} {
  func.func @_head_kernel(%arg0: i32, %arg1: i32, %arg2: memref<1x10x10x256xf32, #tpu.memory_space<vmem>>, %arg3: memref<9x256x256xf32, #tpu.memory_space<vmem>>, %arg4: memref<1x256xf32, #tpu.memory_space<vmem>>, %arg5: memref<256x24xf32, #tpu.memory_space<vmem>>, %arg6: memref<1x24xf32, #tpu.memory_space<vmem>>, %arg7: memref<1x8x8x24xf32, #tpu.memory_space<vmem>>) attributes {dimension_semantics = [#tpu.dimension_semantics<arbitrary>, #tpu.dimension_semantics<arbitrary>], iteration_bounds = array<i64: 2, 1>, scalar_prefetch = 0 : i64, scratch_operands = 0 : i64, tpu.core_type = #tpu.core_type<tc>, window_params = [{transform_indices = @transform_0, window_bounds = array<i64: 1, 10, 10, 256>}, {pipeline_mode = #tpu.pipeline_mode<synchronous>, transform_indices = @transform_1, window_bounds = array<i64: 9, 256, 256>}, {pipeline_mode = #tpu.pipeline_mode<synchronous>, transform_indices = @transform_2, window_bounds = array<i64: 1, 256>}, {pipeline_mode = #tpu.pipeline_mode<synchronous>, transform_indices = @transform_3, window_bounds = array<i64: 256, 24>}, {pipeline_mode = #tpu.pipeline_mode<synchronous>, transform_indices = @transform_4, window_bounds = array<i64: 1, 24>}, {transform_indices = @transform_5, window_bounds = array<i64: 1, 8, 8, 24>}]} {
    %mul3A = arith.constant 8 : i32
    %mul3A_0 = arith.muli %arg1, %mul3A : i32
    %add3A = arith.constant 0 : i32
    %add3A_1 = arith.addi %mul3A_0, %add3A : i32
    %get3A = arith.constant 0 : index
    %get3A_2 = arith.index_cast %add3A_1 : i32 to index
    %get3A_3 = arith.constant 0 : index
    %get3A_4 = arith.constant 0 : index
    %get3A_5 = vector.load %arg2[%get3A, %get3A_2, %get3A_3, %get3A_4] : memref<1x10x10x256xf32, #tpu.memory_space<vmem>>, vector<1x8x10x256xf32>
    %get3A_6 = vector.shape_cast %get3A_5 : vector<1x8x10x256xf32> to vector<8x10x256xf32>
    %reshape3A = vector.shape_cast %get3A_6 : vector<8x10x256xf32> to vector<80x256xf32>
    %get3A_7 = arith.constant 0 : index
    %get3A_8 = arith.constant 0 : index
    %get3A_9 = arith.constant 0 : index
    %get3A_10 = vector.load %arg3[%get3A_7, %get3A_8, %get3A_9] : memref<9x256x256xf32, #tpu.memory_space<vmem>>, vector<1x256x256xf32>
    %get3A_11 = vector.shape_cast %get3A_10 : vector<1x256x256xf32> to vector<256x256xf32>
    %dot_general3A = arith.constant dense<0.000000e+00> : vector<80x256xf32>
    %dot_general3A_12 = tpu.matmul %reshape3A, %get3A_11, %dot_general3A {dimension_numbers = #tpu.dot_dimension_numbers<[1], [0], [0], [1], [0, 0, 1, 1], [], []>, transpose_lhs_hint = false} : vector<80x256xf32>, vector<256x256xf32>, vector<80x256xf32> -> vector<80x256xf32>
    %reshape3A_13 = vector.shape_cast %dot_general3A_12 : vector<80x256xf32> to vector<8x10x256xf32>
    %slice3A = vector.extract_strided_slice %reshape3A_13 {offsets = [0, 0, 0], sizes = [8, 8, 256], strides = [1, 1, 1]} : vector<8x10x256xf32> to vector<8x8x256xf32>
    %get3A_14 = arith.constant 1 : index
    %get3A_15 = arith.constant 0 : index
    %get3A_16 = arith.constant 0 : index
    %get3A_17 = vector.load %arg3[%get3A_14, %get3A_15, %get3A_16] : memref<9x256x256xf32, #tpu.memory_space<vmem>>, vector<1x256x256xf32>
    %get3A_18 = vector.shape_cast %get3A_17 : vector<1x256x256xf32> to vector<256x256xf32>
    %dot_general3A_19 = arith.constant dense<0.000000e+00> : vector<80x256xf32>
    %dot_general3A_20 = tpu.matmul %reshape3A, %get3A_18, %dot_general3A_19 {dimension_numbers = #tpu.dot_dimension_numbers<[1], [0], [0], [1], [0, 0, 1, 1], [], []>, transpose_lhs_hint = false} : vector<80x256xf32>, vector<256x256xf32>, vector<80x256xf32> -> vector<80x256xf32>
    %reshape3A_21 = vector.shape_cast %dot_general3A_20 : vector<80x256xf32> to vector<8x10x256xf32>
    %slice3A_22 = vector.extract_strided_slice %reshape3A_21 {offsets = [0, 1, 0], sizes = [8, 8, 256], strides = [1, 1, 1]} : vector<8x10x256xf32> to vector<8x8x256xf32>
    %add3A_23 = arith.addf %slice3A, %slice3A_22 : vector<8x8x256xf32>
    %get3A_24 = arith.constant 2 : index
    %get3A_25 = arith.constant 0 : index
    %get3A_26 = arith.constant 0 : index
    %get3A_27 = vector.load %arg3[%get3A_24, %get3A_25, %get3A_26] : memref<9x256x256xf32, #tpu.memory_space<vmem>>, vector<1x256x256xf32>
    %get3A_28 = vector.shape_cast %get3A_27 : vector<1x256x256xf32> to vector<256x256xf32>
    %dot_general3A_29 = arith.constant dense<0.000000e+00> : vector<80x256xf32>
    %dot_general3A_30 = tpu.matmul %reshape3A, %get3A_28, %dot_general3A_29 {dimension_numbers = #tpu.dot_dimension_numbers<[1], [0], [0], [1], [0, 0, 1, 1], [], []>, transpose_lhs_hint = false} : vector<80x256xf32>, vector<256x256xf32>, vector<80x256xf32> -> vector<80x256xf32>
    %reshape3A_31 = vector.shape_cast %dot_general3A_30 : vector<80x256xf32> to vector<8x10x256xf32>
    %slice3A_32 = vector.extract_strided_slice %reshape3A_31 {offsets = [0, 2, 0], sizes = [8, 8, 256], strides = [1, 1, 1]} : vector<8x10x256xf32> to vector<8x8x256xf32>
    %add3A_33 = arith.addf %add3A_23, %slice3A_32 : vector<8x8x256xf32>
    %mul3A_34 = arith.constant 8 : i32
    %mul3A_35 = arith.muli %arg1, %mul3A_34 : i32
    %add3A_36 = arith.constant 1 : i32
    %add3A_37 = arith.addi %mul3A_35, %add3A_36 : i32
    %get3A_38 = arith.constant 0 : index
    %get3A_39 = arith.index_cast %add3A_37 : i32 to index
    %get3A_40 = arith.constant 0 : index
    %get3A_41 = arith.constant 0 : index
    %get3A_42 = vector.load %arg2[%get3A_38, %get3A_39, %get3A_40, %get3A_41] : memref<1x10x10x256xf32, #tpu.memory_space<vmem>>, vector<1x8x10x256xf32>
    %get3A_43 = vector.shape_cast %get3A_42 : vector<1x8x10x256xf32> to vector<8x10x256xf32>
    %reshape3A_44 = vector.shape_cast %get3A_43 : vector<8x10x256xf32> to vector<80x256xf32>
    %get3A_45 = arith.constant 3 : index
    %get3A_46 = arith.constant 0 : index
    %get3A_47 = arith.constant 0 : index
    %get3A_48 = vector.load %arg3[%get3A_45, %get3A_46, %get3A_47] : memref<9x256x256xf32, #tpu.memory_space<vmem>>, vector<1x256x256xf32>
    %get3A_49 = vector.shape_cast %get3A_48 : vector<1x256x256xf32> to vector<256x256xf32>
    %dot_general3A_50 = arith.constant dense<0.000000e+00> : vector<80x256xf32>
    %dot_general3A_51 = tpu.matmul %reshape3A_44, %get3A_49, %dot_general3A_50 {dimension_numbers = #tpu.dot_dimension_numbers<[1], [0], [0], [1], [0, 0, 1, 1], [], []>, transpose_lhs_hint = false} : vector<80x256xf32>, vector<256x256xf32>, vector<80x256xf32> -> vector<80x256xf32>
    %reshape3A_52 = vector.shape_cast %dot_general3A_51 : vector<80x256xf32> to vector<8x10x256xf32>
    %slice3A_53 = vector.extract_strided_slice %reshape3A_52 {offsets = [0, 0, 0], sizes = [8, 8, 256], strides = [1, 1, 1]} : vector<8x10x256xf32> to vector<8x8x256xf32>
    %add3A_54 = arith.addf %add3A_33, %slice3A_53 : vector<8x8x256xf32>
    %get3A_55 = arith.constant 4 : index
    %get3A_56 = arith.constant 0 : index
    %get3A_57 = arith.constant 0 : index
    %get3A_58 = vector.load %arg3[%get3A_55, %get3A_56, %get3A_57] : memref<9x256x256xf32, #tpu.memory_space<vmem>>, vector<1x256x256xf32>
    %get3A_59 = vector.shape_cast %get3A_58 : vector<1x256x256xf32> to vector<256x256xf32>
    %dot_general3A_60 = arith.constant dense<0.000000e+00> : vector<80x256xf32>
    %dot_general3A_61 = tpu.matmul %reshape3A_44, %get3A_59, %dot_general3A_60 {dimension_numbers = #tpu.dot_dimension_numbers<[1], [0], [0], [1], [0, 0, 1, 1], [], []>, transpose_lhs_hint = false} : vector<80x256xf32>, vector<256x256xf32>, vector<80x256xf32> -> vector<80x256xf32>
    %reshape3A_62 = vector.shape_cast %dot_general3A_61 : vector<80x256xf32> to vector<8x10x256xf32>
    %slice3A_63 = vector.extract_strided_slice %reshape3A_62 {offsets = [0, 1, 0], sizes = [8, 8, 256], strides = [1, 1, 1]} : vector<8x10x256xf32> to vector<8x8x256xf32>
    %add3A_64 = arith.addf %add3A_54, %slice3A_63 : vector<8x8x256xf32>
    %get3A_65 = arith.constant 5 : index
    %get3A_66 = arith.constant 0 : index
    %get3A_67 = arith.constant 0 : index
    %get3A_68 = vector.load %arg3[%get3A_65, %get3A_66, %get3A_67] : memref<9x256x256xf32, #tpu.memory_space<vmem>>, vector<1x256x256xf32>
    %get3A_69 = vector.shape_cast %get3A_68 : vector<1x256x256xf32> to vector<256x256xf32>
    %dot_general3A_70 = arith.constant dense<0.000000e+00> : vector<80x256xf32>
    %dot_general3A_71 = tpu.matmul %reshape3A_44, %get3A_69, %dot_general3A_70 {dimension_numbers = #tpu.dot_dimension_numbers<[1], [0], [0], [1], [0, 0, 1, 1], [], []>, transpose_lhs_hint = false} : vector<80x256xf32>, vector<256x256xf32>, vector<80x256xf32> -> vector<80x256xf32>
    %reshape3A_72 = vector.shape_cast %dot_general3A_71 : vector<80x256xf32> to vector<8x10x256xf32>
    %slice3A_73 = vector.extract_strided_slice %reshape3A_72 {offsets = [0, 2, 0], sizes = [8, 8, 256], strides = [1, 1, 1]} : vector<8x10x256xf32> to vector<8x8x256xf32>
    %add3A_74 = arith.addf %add3A_64, %slice3A_73 : vector<8x8x256xf32>
    %mul3A_75 = arith.constant 8 : i32
    %mul3A_76 = arith.muli %arg1, %mul3A_75 : i32
    %add3A_77 = arith.constant 2 : i32
    %add3A_78 = arith.addi %mul3A_76, %add3A_77 : i32
    %get3A_79 = arith.constant 0 : index
    %get3A_80 = arith.index_cast %add3A_78 : i32 to index
    %get3A_81 = arith.constant 0 : index
    %get3A_82 = arith.constant 0 : index
    %get3A_83 = vector.load %arg2[%get3A_79, %get3A_80, %get3A_81, %get3A_82] : memref<1x10x10x256xf32, #tpu.memory_space<vmem>>, vector<1x8x10x256xf32>
    %get3A_84 = vector.shape_cast %get3A_83 : vector<1x8x10x256xf32> to vector<8x10x256xf32>
    %reshape3A_85 = vector.shape_cast %get3A_84 : vector<8x10x256xf32> to vector<80x256xf32>
    %get3A_86 = arith.constant 6 : index
    %get3A_87 = arith.constant 0 : index
    %get3A_88 = arith.constant 0 : index
    %get3A_89 = vector.load %arg3[%get3A_86, %get3A_87, %get3A_88] : memref<9x256x256xf32, #tpu.memory_space<vmem>>, vector<1x256x256xf32>
    %get3A_90 = vector.shape_cast %get3A_89 : vector<1x256x256xf32> to vector<256x256xf32>
    %dot_general3A_91 = arith.constant dense<0.000000e+00> : vector<80x256xf32>
    %dot_general3A_92 = tpu.matmul %reshape3A_85, %get3A_90, %dot_general3A_91 {dimension_numbers = #tpu.dot_dimension_numbers<[1], [0], [0], [1], [0, 0, 1, 1], [], []>, transpose_lhs_hint = false} : vector<80x256xf32>, vector<256x256xf32>, vector<80x256xf32> -> vector<80x256xf32>
    %reshape3A_93 = vector.shape_cast %dot_general3A_92 : vector<80x256xf32> to vector<8x10x256xf32>
    %slice3A_94 = vector.extract_strided_slice %reshape3A_93 {offsets = [0, 0, 0], sizes = [8, 8, 256], strides = [1, 1, 1]} : vector<8x10x256xf32> to vector<8x8x256xf32>
    %add3A_95 = arith.addf %add3A_74, %slice3A_94 : vector<8x8x256xf32>
    %get3A_96 = arith.constant 7 : index
    %get3A_97 = arith.constant 0 : index
    %get3A_98 = arith.constant 0 : index
    %get3A_99 = vector.load %arg3[%get3A_96, %get3A_97, %get3A_98] : memref<9x256x256xf32, #tpu.memory_space<vmem>>, vector<1x256x256xf32>
    %get3A_100 = vector.shape_cast %get3A_99 : vector<1x256x256xf32> to vector<256x256xf32>
    %dot_general3A_101 = arith.constant dense<0.000000e+00> : vector<80x256xf32>
    %dot_general3A_102 = tpu.matmul %reshape3A_85, %get3A_100, %dot_general3A_101 {dimension_numbers = #tpu.dot_dimension_numbers<[1], [0], [0], [1], [0, 0, 1, 1], [], []>, transpose_lhs_hint = false} : vector<80x256xf32>, vector<256x256xf32>, vector<80x256xf32> -> vector<80x256xf32>
    %reshape3A_103 = vector.shape_cast %dot_general3A_102 : vector<80x256xf32> to vector<8x10x256xf32>
    %slice3A_104 = vector.extract_strided_slice %reshape3A_103 {offsets = [0, 1, 0], sizes = [8, 8, 256], strides = [1, 1, 1]} : vector<8x10x256xf32> to vector<8x8x256xf32>
    %add3A_105 = arith.addf %add3A_95, %slice3A_104 : vector<8x8x256xf32>
    %get3A_106 = arith.constant 8 : index
    %get3A_107 = arith.constant 0 : index
    %get3A_108 = arith.constant 0 : index
    %get3A_109 = vector.load %arg3[%get3A_106, %get3A_107, %get3A_108] : memref<9x256x256xf32, #tpu.memory_space<vmem>>, vector<1x256x256xf32>
    %get3A_110 = vector.shape_cast %get3A_109 : vector<1x256x256xf32> to vector<256x256xf32>
    %dot_general3A_111 = arith.constant dense<0.000000e+00> : vector<80x256xf32>
    %dot_general3A_112 = tpu.matmul %reshape3A_85, %get3A_110, %dot_general3A_111 {dimension_numbers = #tpu.dot_dimension_numbers<[1], [0], [0], [1], [0, 0, 1, 1], [], []>, transpose_lhs_hint = false} : vector<80x256xf32>, vector<256x256xf32>, vector<80x256xf32> -> vector<80x256xf32>
    %reshape3A_113 = vector.shape_cast %dot_general3A_112 : vector<80x256xf32> to vector<8x10x256xf32>
    %slice3A_114 = vector.extract_strided_slice %reshape3A_113 {offsets = [0, 2, 0], sizes = [8, 8, 256], strides = [1, 1, 1]} : vector<8x10x256xf32> to vector<8x8x256xf32>
    %add3A_115 = arith.addf %add3A_105, %slice3A_114 : vector<8x8x256xf32>
    %get3A_116 = arith.constant 0 : index
    %get3A_117 = arith.constant 0 : index
    %get3A_118 = vector.load %arg4[%get3A_116, %get3A_117] : memref<1x256xf32, #tpu.memory_space<vmem>>, vector<1x256xf32>
    %get3A_119 = vector.shape_cast %get3A_118 : vector<1x256xf32> to vector<256xf32>
    %broadcast_in_dim3A = vector.shape_cast %get3A_119 : vector<256xf32> to vector<1x1x256xf32>
    %add3A_120 = vector.broadcast %broadcast_in_dim3A : vector<1x1x256xf32> to vector<8x8x256xf32>
    %add3A_121 = arith.addf %add3A_115, %add3A_120 : vector<8x8x256xf32>
    %max3A = arith.constant 0.000000e+00 : f32
    %max3A_122 = vector.broadcast %max3A : f32 to vector<8x8x256xf32>
    %max3A_123 = arith.maximumf %add3A_121, %max3A_122 : vector<8x8x256xf32>
    %reshape3A_124 = vector.shape_cast %max3A_123 : vector<8x8x256xf32> to vector<64x256xf32>
    %get3A_125 = arith.constant 0 : index
    %get3A_126 = arith.constant 0 : index
    %get3A_127 = vector.load %arg5[%get3A_125, %get3A_126] : memref<256x24xf32, #tpu.memory_space<vmem>>, vector<256x24xf32>
    %dot_general3A_128 = arith.constant dense<0.000000e+00> : vector<64x24xf32>
    %dot_general3A_129 = tpu.matmul %reshape3A_124, %get3A_127, %dot_general3A_128 {dimension_numbers = #tpu.dot_dimension_numbers<[1], [0], [0], [1], [0, 0, 1, 1], [], []>, transpose_lhs_hint = false} : vector<64x256xf32>, vector<256x24xf32>, vector<64x24xf32> -> vector<64x24xf32>
    %get3A_130 = arith.constant 0 : index
    %get3A_131 = arith.constant 0 : index
    %get3A_132 = vector.load %arg6[%get3A_130, %get3A_131] : memref<1x24xf32, #tpu.memory_space<vmem>>, vector<1x24xf32>
    %get3A_133 = vector.shape_cast %get3A_132 : vector<1x24xf32> to vector<24xf32>
    %broadcast_in_dim3A_134 = vector.shape_cast %get3A_133 : vector<24xf32> to vector<1x24xf32>
    %add3A_135 = vector.broadcast %broadcast_in_dim3A_134 : vector<1x24xf32> to vector<64x24xf32>
    %add3A_136 = arith.addf %dot_general3A_129, %add3A_135 : vector<64x24xf32>
    %reshape3A_137 = vector.shape_cast %add3A_136 : vector<64x24xf32> to vector<8x8x24xf32>
    %swap3A = arith.constant 0 : index
    %swap3A_138 = arith.constant 0 : index
    %swap3A_139 = arith.constant 0 : index
    %swap3A_140 = arith.constant 0 : index
    %swap3A_141 = vector.load %arg7[%swap3A, %swap3A_138, %swap3A_139, %swap3A_140] : memref<1x8x8x24xf32, #tpu.memory_space<vmem>>, vector<1x8x8x24xf32>
    %swap3A_142 = vector.shape_cast %swap3A_141 : vector<1x8x8x24xf32> to vector<8x8x24xf32>
    %swap3A_143 = vector.shape_cast %reshape3A_137 : vector<8x8x24xf32> to vector<1x8x8x24xf32>
    tpu.vector_store %arg7[%swap3A, %swap3A_138, %swap3A_139, %swap3A_140], %swap3A_143 {strides = array<i32>} : memref<1x8x8x24xf32, #tpu.memory_space<vmem>>, vector<1x8x8x24xf32>,
    return
  }
  func.func @transform_0(%arg0: i32, %arg1: i32) -> (i32, i32, i32, i32) {
    %c0_i32 = arith.constant 0 : i32
    %c0_i32_0 = arith.constant 0 : i32
    %c0_i32_1 = arith.constant 0 : i32
    %c0_i32_2 = arith.constant 0 : i32
    return %arg0, %c0_i32, %c0_i32_0, %c0_i32_1 : i32, i32, i32, i32
  }
  func.func @transform_1(%arg0: i32, %arg1: i32) -> (i32, i32, i32) {
    %c0_i32 = arith.constant 0 : i32
    %c0_i32_0 = arith.constant 0 : i32
    %c0_i32_1 = arith.constant 0 : i32
    %c0_i32_2 = arith.constant 0 : i32
    return %c0_i32, %c0_i32_0, %c0_i32_1 : i32, i32, i32
  }
  func.func @transform_2(%arg0: i32, %arg1: i32) -> (i32, i32) {
    %c0_i32 = arith.constant 0 : i32
    %c0_i32_0 = arith.constant 0 : i32
    %c0_i32_1 = arith.constant 0 : i32
    return %c0_i32, %c0_i32_0 : i32, i32
  }
  func.func @transform_3(%arg0: i32, %arg1: i32) -> (i32, i32) {
    %c0_i32 = arith.constant 0 : i32
    %c0_i32_0 = arith.constant 0 : i32
    %c0_i32_1 = arith.constant 0 : i32
    return %c0_i32, %c0_i32_0 : i32, i32
  }
  func.func @transform_4(%arg0: i32, %arg1: i32) -> (i32, i32) {
    %c0_i32 = arith.constant 0 : i32
    %c0_i32_0 = arith.constant 0 : i32
    %c0_i32_1 = arith.constant 0 : i32
    return %c0_i32, %c0_i32_0 : i32, i32
  }
  func.func @transform_5(%arg0: i32, %arg1: i32) -> (i32, i32, i32, i32) {
    %c0_i32 = arith.constant 0 : i32
    %c0_i32_0 = arith.constant 0 : i32
    %c0_i32_1 = arith.constant 0 : i32
    return %arg0, %arg1, %c0_i32, %c0_i32_0 : i32, i32, i32, i32
  }
}

module attributes {stable_mosaic.version = 14 : i64} {
  func.func @_head_kernel(%arg0: i32, %arg1: i32, %arg2: memref<1x18x18x256xf32, #tpu.memory_space<vmem>>, %arg3: memref<9x256x256xf32, #tpu.memory_space<vmem>>, %arg4: memref<1x256xf32, #tpu.memory_space<vmem>>, %arg5: memref<256x24xf32, #tpu.memory_space<vmem>>, %arg6: memref<1x24xf32, #tpu.memory_space<vmem>>, %arg7: memref<1x8x16x24xf32, #tpu.memory_space<vmem>>) attributes {dimension_semantics = [#tpu.dimension_semantics<arbitrary>, #tpu.dimension_semantics<arbitrary>], iteration_bounds = array<i64: 2, 2>, scalar_prefetch = 0 : i64, scratch_operands = 0 : i64, tpu.core_type = #tpu.core_type<tc>, window_params = [{transform_indices = @transform_0, window_bounds = array<i64: 1, 18, 18, 256>}, {pipeline_mode = #tpu.pipeline_mode<synchronous>, transform_indices = @transform_1, window_bounds = array<i64: 9, 256, 256>}, {pipeline_mode = #tpu.pipeline_mode<synchronous>, transform_indices = @transform_2, window_bounds = array<i64: 1, 256>}, {pipeline_mode = #tpu.pipeline_mode<synchronous>, transform_indices = @transform_3, window_bounds = array<i64: 256, 24>}, {pipeline_mode = #tpu.pipeline_mode<synchronous>, transform_indices = @transform_4, window_bounds = array<i64: 1, 24>}, {transform_indices = @transform_5, window_bounds = array<i64: 1, 8, 16, 24>}]} {
    %mul3A = arith.constant 8 : i32
    %mul3A_0 = arith.muli %arg1, %mul3A : i32
    %add3A = arith.constant 0 : i32
    %add3A_1 = arith.addi %mul3A_0, %add3A : i32
    %get3A = arith.constant 0 : index
    %get3A_2 = arith.index_cast %add3A_1 : i32 to index
    %get3A_3 = arith.constant 0 : index
    %get3A_4 = arith.constant 0 : index
    %get3A_5 = vector.load %arg2[%get3A, %get3A_2, %get3A_3, %get3A_4] : memref<1x18x18x256xf32, #tpu.memory_space<vmem>>, vector<1x8x18x256xf32>
    %get3A_6 = vector.shape_cast %get3A_5 : vector<1x8x18x256xf32> to vector<8x18x256xf32>
    %reshape3A = vector.shape_cast %get3A_6 : vector<8x18x256xf32> to vector<144x256xf32>
    %get3A_7 = arith.constant 0 : index
    %get3A_8 = arith.constant 0 : index
    %get3A_9 = arith.constant 0 : index
    %get3A_10 = vector.load %arg3[%get3A_7, %get3A_8, %get3A_9] : memref<9x256x256xf32, #tpu.memory_space<vmem>>, vector<1x256x256xf32>
    %get3A_11 = vector.shape_cast %get3A_10 : vector<1x256x256xf32> to vector<256x256xf32>
    %dot_general3A = arith.constant dense<0.000000e+00> : vector<144x256xf32>
    %dot_general3A_12 = tpu.matmul %reshape3A, %get3A_11, %dot_general3A {dimension_numbers = #tpu.dot_dimension_numbers<[1], [0], [0], [1], [0, 0, 1, 1], [], []>, transpose_lhs_hint = false} : vector<144x256xf32>, vector<256x256xf32>, vector<144x256xf32> -> vector<144x256xf32>
    %reshape3A_13 = vector.shape_cast %dot_general3A_12 : vector<144x256xf32> to vector<8x18x256xf32>
    %slice3A = vector.extract_strided_slice %reshape3A_13 {offsets = [0, 0, 0], sizes = [8, 16, 256], strides = [1, 1, 1]} : vector<8x18x256xf32> to vector<8x16x256xf32>
    %get3A_14 = arith.constant 1 : index
    %get3A_15 = arith.constant 0 : index
    %get3A_16 = arith.constant 0 : index
    %get3A_17 = vector.load %arg3[%get3A_14, %get3A_15, %get3A_16] : memref<9x256x256xf32, #tpu.memory_space<vmem>>, vector<1x256x256xf32>
    %get3A_18 = vector.shape_cast %get3A_17 : vector<1x256x256xf32> to vector<256x256xf32>
    %dot_general3A_19 = arith.constant dense<0.000000e+00> : vector<144x256xf32>
    %dot_general3A_20 = tpu.matmul %reshape3A, %get3A_18, %dot_general3A_19 {dimension_numbers = #tpu.dot_dimension_numbers<[1], [0], [0], [1], [0, 0, 1, 1], [], []>, transpose_lhs_hint = false} : vector<144x256xf32>, vector<256x256xf32>, vector<144x256xf32> -> vector<144x256xf32>
    %reshape3A_21 = vector.shape_cast %dot_general3A_20 : vector<144x256xf32> to vector<8x18x256xf32>
    %slice3A_22 = vector.extract_strided_slice %reshape3A_21 {offsets = [0, 1, 0], sizes = [8, 16, 256], strides = [1, 1, 1]} : vector<8x18x256xf32> to vector<8x16x256xf32>
    %add3A_23 = arith.addf %slice3A, %slice3A_22 : vector<8x16x256xf32>
    %get3A_24 = arith.constant 2 : index
    %get3A_25 = arith.constant 0 : index
    %get3A_26 = arith.constant 0 : index
    %get3A_27 = vector.load %arg3[%get3A_24, %get3A_25, %get3A_26] : memref<9x256x256xf32, #tpu.memory_space<vmem>>, vector<1x256x256xf32>
    %get3A_28 = vector.shape_cast %get3A_27 : vector<1x256x256xf32> to vector<256x256xf32>
    %dot_general3A_29 = arith.constant dense<0.000000e+00> : vector<144x256xf32>
    %dot_general3A_30 = tpu.matmul %reshape3A, %get3A_28, %dot_general3A_29 {dimension_numbers = #tpu.dot_dimension_numbers<[1], [0], [0], [1], [0, 0, 1, 1], [], []>, transpose_lhs_hint = false} : vector<144x256xf32>, vector<256x256xf32>, vector<144x256xf32> -> vector<144x256xf32>
    %reshape3A_31 = vector.shape_cast %dot_general3A_30 : vector<144x256xf32> to vector<8x18x256xf32>
    %slice3A_32 = vector.extract_strided_slice %reshape3A_31 {offsets = [0, 2, 0], sizes = [8, 16, 256], strides = [1, 1, 1]} : vector<8x18x256xf32> to vector<8x16x256xf32>
    %add3A_33 = arith.addf %add3A_23, %slice3A_32 : vector<8x16x256xf32>
    %mul3A_34 = arith.constant 8 : i32
    %mul3A_35 = arith.muli %arg1, %mul3A_34 : i32
    %add3A_36 = arith.constant 1 : i32
    %add3A_37 = arith.addi %mul3A_35, %add3A_36 : i32
    %get3A_38 = arith.constant 0 : index
    %get3A_39 = arith.index_cast %add3A_37 : i32 to index
    %get3A_40 = arith.constant 0 : index
    %get3A_41 = arith.constant 0 : index
    %get3A_42 = vector.load %arg2[%get3A_38, %get3A_39, %get3A_40, %get3A_41] : memref<1x18x18x256xf32, #tpu.memory_space<vmem>>, vector<1x8x18x256xf32>
    %get3A_43 = vector.shape_cast %get3A_42 : vector<1x8x18x256xf32> to vector<8x18x256xf32>
    %reshape3A_44 = vector.shape_cast %get3A_43 : vector<8x18x256xf32> to vector<144x256xf32>
    %get3A_45 = arith.constant 3 : index
    %get3A_46 = arith.constant 0 : index
    %get3A_47 = arith.constant 0 : index
    %get3A_48 = vector.load %arg3[%get3A_45, %get3A_46, %get3A_47] : memref<9x256x256xf32, #tpu.memory_space<vmem>>, vector<1x256x256xf32>
    %get3A_49 = vector.shape_cast %get3A_48 : vector<1x256x256xf32> to vector<256x256xf32>
    %dot_general3A_50 = arith.constant dense<0.000000e+00> : vector<144x256xf32>
    %dot_general3A_51 = tpu.matmul %reshape3A_44, %get3A_49, %dot_general3A_50 {dimension_numbers = #tpu.dot_dimension_numbers<[1], [0], [0], [1], [0, 0, 1, 1], [], []>, transpose_lhs_hint = false} : vector<144x256xf32>, vector<256x256xf32>, vector<144x256xf32> -> vector<144x256xf32>
    %reshape3A_52 = vector.shape_cast %dot_general3A_51 : vector<144x256xf32> to vector<8x18x256xf32>
    %slice3A_53 = vector.extract_strided_slice %reshape3A_52 {offsets = [0, 0, 0], sizes = [8, 16, 256], strides = [1, 1, 1]} : vector<8x18x256xf32> to vector<8x16x256xf32>
    %add3A_54 = arith.addf %add3A_33, %slice3A_53 : vector<8x16x256xf32>
    %get3A_55 = arith.constant 4 : index
    %get3A_56 = arith.constant 0 : index
    %get3A_57 = arith.constant 0 : index
    %get3A_58 = vector.load %arg3[%get3A_55, %get3A_56, %get3A_57] : memref<9x256x256xf32, #tpu.memory_space<vmem>>, vector<1x256x256xf32>
    %get3A_59 = vector.shape_cast %get3A_58 : vector<1x256x256xf32> to vector<256x256xf32>
    %dot_general3A_60 = arith.constant dense<0.000000e+00> : vector<144x256xf32>
    %dot_general3A_61 = tpu.matmul %reshape3A_44, %get3A_59, %dot_general3A_60 {dimension_numbers = #tpu.dot_dimension_numbers<[1], [0], [0], [1], [0, 0, 1, 1], [], []>, transpose_lhs_hint = false} : vector<144x256xf32>, vector<256x256xf32>, vector<144x256xf32> -> vector<144x256xf32>
    %reshape3A_62 = vector.shape_cast %dot_general3A_61 : vector<144x256xf32> to vector<8x18x256xf32>
    %slice3A_63 = vector.extract_strided_slice %reshape3A_62 {offsets = [0, 1, 0], sizes = [8, 16, 256], strides = [1, 1, 1]} : vector<8x18x256xf32> to vector<8x16x256xf32>
    %add3A_64 = arith.addf %add3A_54, %slice3A_63 : vector<8x16x256xf32>
    %get3A_65 = arith.constant 5 : index
    %get3A_66 = arith.constant 0 : index
    %get3A_67 = arith.constant 0 : index
    %get3A_68 = vector.load %arg3[%get3A_65, %get3A_66, %get3A_67] : memref<9x256x256xf32, #tpu.memory_space<vmem>>, vector<1x256x256xf32>
    %get3A_69 = vector.shape_cast %get3A_68 : vector<1x256x256xf32> to vector<256x256xf32>
    %dot_general3A_70 = arith.constant dense<0.000000e+00> : vector<144x256xf32>
    %dot_general3A_71 = tpu.matmul %reshape3A_44, %get3A_69, %dot_general3A_70 {dimension_numbers = #tpu.dot_dimension_numbers<[1], [0], [0], [1], [0, 0, 1, 1], [], []>, transpose_lhs_hint = false} : vector<144x256xf32>, vector<256x256xf32>, vector<144x256xf32> -> vector<144x256xf32>
    %reshape3A_72 = vector.shape_cast %dot_general3A_71 : vector<144x256xf32> to vector<8x18x256xf32>
    %slice3A_73 = vector.extract_strided_slice %reshape3A_72 {offsets = [0, 2, 0], sizes = [8, 16, 256], strides = [1, 1, 1]} : vector<8x18x256xf32> to vector<8x16x256xf32>
    %add3A_74 = arith.addf %add3A_64, %slice3A_73 : vector<8x16x256xf32>
    %mul3A_75 = arith.constant 8 : i32
    %mul3A_76 = arith.muli %arg1, %mul3A_75 : i32
    %add3A_77 = arith.constant 2 : i32
    %add3A_78 = arith.addi %mul3A_76, %add3A_77 : i32
    %get3A_79 = arith.constant 0 : index
    %get3A_80 = arith.index_cast %add3A_78 : i32 to index
    %get3A_81 = arith.constant 0 : index
    %get3A_82 = arith.constant 0 : index
    %get3A_83 = vector.load %arg2[%get3A_79, %get3A_80, %get3A_81, %get3A_82] : memref<1x18x18x256xf32, #tpu.memory_space<vmem>>, vector<1x8x18x256xf32>
    %get3A_84 = vector.shape_cast %get3A_83 : vector<1x8x18x256xf32> to vector<8x18x256xf32>
    %reshape3A_85 = vector.shape_cast %get3A_84 : vector<8x18x256xf32> to vector<144x256xf32>
    %get3A_86 = arith.constant 6 : index
    %get3A_87 = arith.constant 0 : index
    %get3A_88 = arith.constant 0 : index
    %get3A_89 = vector.load %arg3[%get3A_86, %get3A_87, %get3A_88] : memref<9x256x256xf32, #tpu.memory_space<vmem>>, vector<1x256x256xf32>
    %get3A_90 = vector.shape_cast %get3A_89 : vector<1x256x256xf32> to vector<256x256xf32>
    %dot_general3A_91 = arith.constant dense<0.000000e+00> : vector<144x256xf32>
    %dot_general3A_92 = tpu.matmul %reshape3A_85, %get3A_90, %dot_general3A_91 {dimension_numbers = #tpu.dot_dimension_numbers<[1], [0], [0], [1], [0, 0, 1, 1], [], []>, transpose_lhs_hint = false} : vector<144x256xf32>, vector<256x256xf32>, vector<144x256xf32> -> vector<144x256xf32>
    %reshape3A_93 = vector.shape_cast %dot_general3A_92 : vector<144x256xf32> to vector<8x18x256xf32>
    %slice3A_94 = vector.extract_strided_slice %reshape3A_93 {offsets = [0, 0, 0], sizes = [8, 16, 256], strides = [1, 1, 1]} : vector<8x18x256xf32> to vector<8x16x256xf32>
    %add3A_95 = arith.addf %add3A_74, %slice3A_94 : vector<8x16x256xf32>
    %get3A_96 = arith.constant 7 : index
    %get3A_97 = arith.constant 0 : index
    %get3A_98 = arith.constant 0 : index
    %get3A_99 = vector.load %arg3[%get3A_96, %get3A_97, %get3A_98] : memref<9x256x256xf32, #tpu.memory_space<vmem>>, vector<1x256x256xf32>
    %get3A_100 = vector.shape_cast %get3A_99 : vector<1x256x256xf32> to vector<256x256xf32>
    %dot_general3A_101 = arith.constant dense<0.000000e+00> : vector<144x256xf32>
    %dot_general3A_102 = tpu.matmul %reshape3A_85, %get3A_100, %dot_general3A_101 {dimension_numbers = #tpu.dot_dimension_numbers<[1], [0], [0], [1], [0, 0, 1, 1], [], []>, transpose_lhs_hint = false} : vector<144x256xf32>, vector<256x256xf32>, vector<144x256xf32> -> vector<144x256xf32>
    %reshape3A_103 = vector.shape_cast %dot_general3A_102 : vector<144x256xf32> to vector<8x18x256xf32>
    %slice3A_104 = vector.extract_strided_slice %reshape3A_103 {offsets = [0, 1, 0], sizes = [8, 16, 256], strides = [1, 1, 1]} : vector<8x18x256xf32> to vector<8x16x256xf32>
    %add3A_105 = arith.addf %add3A_95, %slice3A_104 : vector<8x16x256xf32>
    %get3A_106 = arith.constant 8 : index
    %get3A_107 = arith.constant 0 : index
    %get3A_108 = arith.constant 0 : index
    %get3A_109 = vector.load %arg3[%get3A_106, %get3A_107, %get3A_108] : memref<9x256x256xf32, #tpu.memory_space<vmem>>, vector<1x256x256xf32>
    %get3A_110 = vector.shape_cast %get3A_109 : vector<1x256x256xf32> to vector<256x256xf32>
    %dot_general3A_111 = arith.constant dense<0.000000e+00> : vector<144x256xf32>
    %dot_general3A_112 = tpu.matmul %reshape3A_85, %get3A_110, %dot_general3A_111 {dimension_numbers = #tpu.dot_dimension_numbers<[1], [0], [0], [1], [0, 0, 1, 1], [], []>, transpose_lhs_hint = false} : vector<144x256xf32>, vector<256x256xf32>, vector<144x256xf32> -> vector<144x256xf32>
    %reshape3A_113 = vector.shape_cast %dot_general3A_112 : vector<144x256xf32> to vector<8x18x256xf32>
    %slice3A_114 = vector.extract_strided_slice %reshape3A_113 {offsets = [0, 2, 0], sizes = [8, 16, 256], strides = [1, 1, 1]} : vector<8x18x256xf32> to vector<8x16x256xf32>
    %add3A_115 = arith.addf %add3A_105, %slice3A_114 : vector<8x16x256xf32>
    %get3A_116 = arith.constant 0 : index
    %get3A_117 = arith.constant 0 : index
    %get3A_118 = vector.load %arg4[%get3A_116, %get3A_117] : memref<1x256xf32, #tpu.memory_space<vmem>>, vector<1x256xf32>
    %get3A_119 = vector.shape_cast %get3A_118 : vector<1x256xf32> to vector<256xf32>
    %broadcast_in_dim3A = vector.shape_cast %get3A_119 : vector<256xf32> to vector<1x1x256xf32>
    %add3A_120 = vector.broadcast %broadcast_in_dim3A : vector<1x1x256xf32> to vector<8x16x256xf32>
    %add3A_121 = arith.addf %add3A_115, %add3A_120 : vector<8x16x256xf32>
    %max3A = arith.constant 0.000000e+00 : f32
    %max3A_122 = vector.broadcast %max3A : f32 to vector<8x16x256xf32>
    %max3A_123 = arith.maximumf %add3A_121, %max3A_122 : vector<8x16x256xf32>
    %reshape3A_124 = vector.shape_cast %max3A_123 : vector<8x16x256xf32> to vector<128x256xf32>
    %get3A_125 = arith.constant 0 : index
    %get3A_126 = arith.constant 0 : index
    %get3A_127 = vector.load %arg5[%get3A_125, %get3A_126] : memref<256x24xf32, #tpu.memory_space<vmem>>, vector<256x24xf32>
    %dot_general3A_128 = arith.constant dense<0.000000e+00> : vector<128x24xf32>
    %dot_general3A_129 = tpu.matmul %reshape3A_124, %get3A_127, %dot_general3A_128 {dimension_numbers = #tpu.dot_dimension_numbers<[1], [0], [0], [1], [0, 0, 1, 1], [], []>, transpose_lhs_hint = false} : vector<128x256xf32>, vector<256x24xf32>, vector<128x24xf32> -> vector<128x24xf32>
    %get3A_130 = arith.constant 0 : index
    %get3A_131 = arith.constant 0 : index
    %get3A_132 = vector.load %arg6[%get3A_130, %get3A_131] : memref<1x24xf32, #tpu.memory_space<vmem>>, vector<1x24xf32>
    %get3A_133 = vector.shape_cast %get3A_132 : vector<1x24xf32> to vector<24xf32>
    %broadcast_in_dim3A_134 = vector.shape_cast %get3A_133 : vector<24xf32> to vector<1x24xf32>
    %add3A_135 = vector.broadcast %broadcast_in_dim3A_134 : vector<1x24xf32> to vector<128x24xf32>
    %add3A_136 = arith.addf %dot_general3A_129, %add3A_135 : vector<128x24xf32>
    %reshape3A_137 = vector.shape_cast %add3A_136 : vector<128x24xf32> to vector<8x16x24xf32>
    %swap3A = arith.constant 0 : index
    %swap3A_138 = arith.constant 0 : index
    %swap3A_139 = arith.constant 0 : index
    %swap3A_140 = arith.constant 0 : index
    %swap3A_141 = vector.load %arg7[%swap3A, %swap3A_138, %swap3A_139, %swap3A_140] : memref<1x8x16x24xf32, #tpu.memory_space<vmem>>, vector<1x8x16x24xf32>
    %swap3A_142 = vector.shape_cast %swap3A_141 : vector<1x8x16x24xf32> to vector<8x16x24xf32>
    %swap3A_143 = vector.shape_cast %reshape3A_137 : vector<8x16x24xf32> to vector<1x8x16x24xf32>
    tpu.vector_store %arg7[%swap3A, %swap3A_138, %swap3A_139, %swap3A_140], %swap3A_143 {strides = array<i32>} : memref<1x8x16x24xf32, #tpu.memory_space<vmem>>, vector<1x8x16x24xf32>,
    return
  }
  func.func @transform_0(%arg0: i32, %arg1: i32) -> (i32, i32, i32, i32) {
    %c0_i32 = arith.constant 0 : i32
    %c0_i32_0 = arith.constant 0 : i32
    %c0_i32_1 = arith.constant 0 : i32
    %c0_i32_2 = arith.constant 0 : i32
    return %arg0, %c0_i32, %c0_i32_0, %c0_i32_1 : i32, i32, i32, i32
  }
  func.func @transform_1(%arg0: i32, %arg1: i32) -> (i32, i32, i32) {
    %c0_i32 = arith.constant 0 : i32
    %c0_i32_0 = arith.constant 0 : i32
    %c0_i32_1 = arith.constant 0 : i32
    %c0_i32_2 = arith.constant 0 : i32
    return %c0_i32, %c0_i32_0, %c0_i32_1 : i32, i32, i32
  }
  func.func @transform_2(%arg0: i32, %arg1: i32) -> (i32, i32) {
    %c0_i32 = arith.constant 0 : i32
    %c0_i32_0 = arith.constant 0 : i32
    %c0_i32_1 = arith.constant 0 : i32
    return %c0_i32, %c0_i32_0 : i32, i32
  }
  func.func @transform_3(%arg0: i32, %arg1: i32) -> (i32, i32) {
    %c0_i32 = arith.constant 0 : i32
    %c0_i32_0 = arith.constant 0 : i32
    %c0_i32_1 = arith.constant 0 : i32
    return %c0_i32, %c0_i32_0 : i32, i32
  }
  func.func @transform_4(%arg0: i32, %arg1: i32) -> (i32, i32) {
    %c0_i32 = arith.constant 0 : i32
    %c0_i32_0 = arith.constant 0 : i32
    %c0_i32_1 = arith.constant 0 : i32
    return %c0_i32, %c0_i32_0 : i32, i32
  }
  func.func @transform_5(%arg0: i32, %arg1: i32) -> (i32, i32, i32, i32) {
    %c0_i32 = arith.constant 0 : i32
    %c0_i32_0 = arith.constant 0 : i32
    %c0_i32_1 = arith.constant 0 : i32
    return %arg0, %arg1, %c0_i32, %c0_i32_0 : i32, i32, i32, i32
  }
}

module attributes {stable_mosaic.version = 14 : i64} {
  func.func @_head_kernel(%arg0: i32, %arg1: i32, %arg2: memref<1x34x34x256xf32, #tpu.memory_space<vmem>>, %arg3: memref<9x256x256xf32, #tpu.memory_space<vmem>>, %arg4: memref<1x256xf32, #tpu.memory_space<vmem>>, %arg5: memref<256x24xf32, #tpu.memory_space<vmem>>, %arg6: memref<1x24xf32, #tpu.memory_space<vmem>>, %arg7: memref<1x8x32x24xf32, #tpu.memory_space<vmem>>) attributes {dimension_semantics = [#tpu.dimension_semantics<arbitrary>, #tpu.dimension_semantics<arbitrary>], iteration_bounds = array<i64: 2, 4>, scalar_prefetch = 0 : i64, scratch_operands = 0 : i64, tpu.core_type = #tpu.core_type<tc>, window_params = [{transform_indices = @transform_0, window_bounds = array<i64: 1, 34, 34, 256>}, {pipeline_mode = #tpu.pipeline_mode<synchronous>, transform_indices = @transform_1, window_bounds = array<i64: 9, 256, 256>}, {pipeline_mode = #tpu.pipeline_mode<synchronous>, transform_indices = @transform_2, window_bounds = array<i64: 1, 256>}, {pipeline_mode = #tpu.pipeline_mode<synchronous>, transform_indices = @transform_3, window_bounds = array<i64: 256, 24>}, {pipeline_mode = #tpu.pipeline_mode<synchronous>, transform_indices = @transform_4, window_bounds = array<i64: 1, 24>}, {transform_indices = @transform_5, window_bounds = array<i64: 1, 8, 32, 24>}]} {
    %mul3A = arith.constant 8 : i32
    %mul3A_0 = arith.muli %arg1, %mul3A : i32
    %add3A = arith.constant 0 : i32
    %add3A_1 = arith.addi %mul3A_0, %add3A : i32
    %get3A = arith.constant 0 : index
    %get3A_2 = arith.index_cast %add3A_1 : i32 to index
    %get3A_3 = arith.constant 0 : index
    %get3A_4 = arith.constant 0 : index
    %get3A_5 = vector.load %arg2[%get3A, %get3A_2, %get3A_3, %get3A_4] : memref<1x34x34x256xf32, #tpu.memory_space<vmem>>, vector<1x8x34x256xf32>
    %get3A_6 = vector.shape_cast %get3A_5 : vector<1x8x34x256xf32> to vector<8x34x256xf32>
    %reshape3A = vector.shape_cast %get3A_6 : vector<8x34x256xf32> to vector<272x256xf32>
    %get3A_7 = arith.constant 0 : index
    %get3A_8 = arith.constant 0 : index
    %get3A_9 = arith.constant 0 : index
    %get3A_10 = vector.load %arg3[%get3A_7, %get3A_8, %get3A_9] : memref<9x256x256xf32, #tpu.memory_space<vmem>>, vector<1x256x256xf32>
    %get3A_11 = vector.shape_cast %get3A_10 : vector<1x256x256xf32> to vector<256x256xf32>
    %dot_general3A = arith.constant dense<0.000000e+00> : vector<272x256xf32>
    %dot_general3A_12 = tpu.matmul %reshape3A, %get3A_11, %dot_general3A {dimension_numbers = #tpu.dot_dimension_numbers<[1], [0], [0], [1], [0, 0, 1, 1], [], []>, transpose_lhs_hint = false} : vector<272x256xf32>, vector<256x256xf32>, vector<272x256xf32> -> vector<272x256xf32>
    %reshape3A_13 = vector.shape_cast %dot_general3A_12 : vector<272x256xf32> to vector<8x34x256xf32>
    %slice3A = vector.extract_strided_slice %reshape3A_13 {offsets = [0, 0, 0], sizes = [8, 32, 256], strides = [1, 1, 1]} : vector<8x34x256xf32> to vector<8x32x256xf32>
    %get3A_14 = arith.constant 1 : index
    %get3A_15 = arith.constant 0 : index
    %get3A_16 = arith.constant 0 : index
    %get3A_17 = vector.load %arg3[%get3A_14, %get3A_15, %get3A_16] : memref<9x256x256xf32, #tpu.memory_space<vmem>>, vector<1x256x256xf32>
    %get3A_18 = vector.shape_cast %get3A_17 : vector<1x256x256xf32> to vector<256x256xf32>
    %dot_general3A_19 = arith.constant dense<0.000000e+00> : vector<272x256xf32>
    %dot_general3A_20 = tpu.matmul %reshape3A, %get3A_18, %dot_general3A_19 {dimension_numbers = #tpu.dot_dimension_numbers<[1], [0], [0], [1], [0, 0, 1, 1], [], []>, transpose_lhs_hint = false} : vector<272x256xf32>, vector<256x256xf32>, vector<272x256xf32> -> vector<272x256xf32>
    %reshape3A_21 = vector.shape_cast %dot_general3A_20 : vector<272x256xf32> to vector<8x34x256xf32>
    %slice3A_22 = vector.extract_strided_slice %reshape3A_21 {offsets = [0, 1, 0], sizes = [8, 32, 256], strides = [1, 1, 1]} : vector<8x34x256xf32> to vector<8x32x256xf32>
    %add3A_23 = arith.addf %slice3A, %slice3A_22 : vector<8x32x256xf32>
    %get3A_24 = arith.constant 2 : index
    %get3A_25 = arith.constant 0 : index
    %get3A_26 = arith.constant 0 : index
    %get3A_27 = vector.load %arg3[%get3A_24, %get3A_25, %get3A_26] : memref<9x256x256xf32, #tpu.memory_space<vmem>>, vector<1x256x256xf32>
    %get3A_28 = vector.shape_cast %get3A_27 : vector<1x256x256xf32> to vector<256x256xf32>
    %dot_general3A_29 = arith.constant dense<0.000000e+00> : vector<272x256xf32>
    %dot_general3A_30 = tpu.matmul %reshape3A, %get3A_28, %dot_general3A_29 {dimension_numbers = #tpu.dot_dimension_numbers<[1], [0], [0], [1], [0, 0, 1, 1], [], []>, transpose_lhs_hint = false} : vector<272x256xf32>, vector<256x256xf32>, vector<272x256xf32> -> vector<272x256xf32>
    %reshape3A_31 = vector.shape_cast %dot_general3A_30 : vector<272x256xf32> to vector<8x34x256xf32>
    %slice3A_32 = vector.extract_strided_slice %reshape3A_31 {offsets = [0, 2, 0], sizes = [8, 32, 256], strides = [1, 1, 1]} : vector<8x34x256xf32> to vector<8x32x256xf32>
    %add3A_33 = arith.addf %add3A_23, %slice3A_32 : vector<8x32x256xf32>
    %mul3A_34 = arith.constant 8 : i32
    %mul3A_35 = arith.muli %arg1, %mul3A_34 : i32
    %add3A_36 = arith.constant 1 : i32
    %add3A_37 = arith.addi %mul3A_35, %add3A_36 : i32
    %get3A_38 = arith.constant 0 : index
    %get3A_39 = arith.index_cast %add3A_37 : i32 to index
    %get3A_40 = arith.constant 0 : index
    %get3A_41 = arith.constant 0 : index
    %get3A_42 = vector.load %arg2[%get3A_38, %get3A_39, %get3A_40, %get3A_41] : memref<1x34x34x256xf32, #tpu.memory_space<vmem>>, vector<1x8x34x256xf32>
    %get3A_43 = vector.shape_cast %get3A_42 : vector<1x8x34x256xf32> to vector<8x34x256xf32>
    %reshape3A_44 = vector.shape_cast %get3A_43 : vector<8x34x256xf32> to vector<272x256xf32>
    %get3A_45 = arith.constant 3 : index
    %get3A_46 = arith.constant 0 : index
    %get3A_47 = arith.constant 0 : index
    %get3A_48 = vector.load %arg3[%get3A_45, %get3A_46, %get3A_47] : memref<9x256x256xf32, #tpu.memory_space<vmem>>, vector<1x256x256xf32>
    %get3A_49 = vector.shape_cast %get3A_48 : vector<1x256x256xf32> to vector<256x256xf32>
    %dot_general3A_50 = arith.constant dense<0.000000e+00> : vector<272x256xf32>
    %dot_general3A_51 = tpu.matmul %reshape3A_44, %get3A_49, %dot_general3A_50 {dimension_numbers = #tpu.dot_dimension_numbers<[1], [0], [0], [1], [0, 0, 1, 1], [], []>, transpose_lhs_hint = false} : vector<272x256xf32>, vector<256x256xf32>, vector<272x256xf32> -> vector<272x256xf32>
    %reshape3A_52 = vector.shape_cast %dot_general3A_51 : vector<272x256xf32> to vector<8x34x256xf32>
    %slice3A_53 = vector.extract_strided_slice %reshape3A_52 {offsets = [0, 0, 0], sizes = [8, 32, 256], strides = [1, 1, 1]} : vector<8x34x256xf32> to vector<8x32x256xf32>
    %add3A_54 = arith.addf %add3A_33, %slice3A_53 : vector<8x32x256xf32>
    %get3A_55 = arith.constant 4 : index
    %get3A_56 = arith.constant 0 : index
    %get3A_57 = arith.constant 0 : index
    %get3A_58 = vector.load %arg3[%get3A_55, %get3A_56, %get3A_57] : memref<9x256x256xf32, #tpu.memory_space<vmem>>, vector<1x256x256xf32>
    %get3A_59 = vector.shape_cast %get3A_58 : vector<1x256x256xf32> to vector<256x256xf32>
    %dot_general3A_60 = arith.constant dense<0.000000e+00> : vector<272x256xf32>
    %dot_general3A_61 = tpu.matmul %reshape3A_44, %get3A_59, %dot_general3A_60 {dimension_numbers = #tpu.dot_dimension_numbers<[1], [0], [0], [1], [0, 0, 1, 1], [], []>, transpose_lhs_hint = false} : vector<272x256xf32>, vector<256x256xf32>, vector<272x256xf32> -> vector<272x256xf32>
    %reshape3A_62 = vector.shape_cast %dot_general3A_61 : vector<272x256xf32> to vector<8x34x256xf32>
    %slice3A_63 = vector.extract_strided_slice %reshape3A_62 {offsets = [0, 1, 0], sizes = [8, 32, 256], strides = [1, 1, 1]} : vector<8x34x256xf32> to vector<8x32x256xf32>
    %add3A_64 = arith.addf %add3A_54, %slice3A_63 : vector<8x32x256xf32>
    %get3A_65 = arith.constant 5 : index
    %get3A_66 = arith.constant 0 : index
    %get3A_67 = arith.constant 0 : index
    %get3A_68 = vector.load %arg3[%get3A_65, %get3A_66, %get3A_67] : memref<9x256x256xf32, #tpu.memory_space<vmem>>, vector<1x256x256xf32>
    %get3A_69 = vector.shape_cast %get3A_68 : vector<1x256x256xf32> to vector<256x256xf32>
    %dot_general3A_70 = arith.constant dense<0.000000e+00> : vector<272x256xf32>
    %dot_general3A_71 = tpu.matmul %reshape3A_44, %get3A_69, %dot_general3A_70 {dimension_numbers = #tpu.dot_dimension_numbers<[1], [0], [0], [1], [0, 0, 1, 1], [], []>, transpose_lhs_hint = false} : vector<272x256xf32>, vector<256x256xf32>, vector<272x256xf32> -> vector<272x256xf32>
    %reshape3A_72 = vector.shape_cast %dot_general3A_71 : vector<272x256xf32> to vector<8x34x256xf32>
    %slice3A_73 = vector.extract_strided_slice %reshape3A_72 {offsets = [0, 2, 0], sizes = [8, 32, 256], strides = [1, 1, 1]} : vector<8x34x256xf32> to vector<8x32x256xf32>
    %add3A_74 = arith.addf %add3A_64, %slice3A_73 : vector<8x32x256xf32>
    %mul3A_75 = arith.constant 8 : i32
    %mul3A_76 = arith.muli %arg1, %mul3A_75 : i32
    %add3A_77 = arith.constant 2 : i32
    %add3A_78 = arith.addi %mul3A_76, %add3A_77 : i32
    %get3A_79 = arith.constant 0 : index
    %get3A_80 = arith.index_cast %add3A_78 : i32 to index
    %get3A_81 = arith.constant 0 : index
    %get3A_82 = arith.constant 0 : index
    %get3A_83 = vector.load %arg2[%get3A_79, %get3A_80, %get3A_81, %get3A_82] : memref<1x34x34x256xf32, #tpu.memory_space<vmem>>, vector<1x8x34x256xf32>
    %get3A_84 = vector.shape_cast %get3A_83 : vector<1x8x34x256xf32> to vector<8x34x256xf32>
    %reshape3A_85 = vector.shape_cast %get3A_84 : vector<8x34x256xf32> to vector<272x256xf32>
    %get3A_86 = arith.constant 6 : index
    %get3A_87 = arith.constant 0 : index
    %get3A_88 = arith.constant 0 : index
    %get3A_89 = vector.load %arg3[%get3A_86, %get3A_87, %get3A_88] : memref<9x256x256xf32, #tpu.memory_space<vmem>>, vector<1x256x256xf32>
    %get3A_90 = vector.shape_cast %get3A_89 : vector<1x256x256xf32> to vector<256x256xf32>
    %dot_general3A_91 = arith.constant dense<0.000000e+00> : vector<272x256xf32>
    %dot_general3A_92 = tpu.matmul %reshape3A_85, %get3A_90, %dot_general3A_91 {dimension_numbers = #tpu.dot_dimension_numbers<[1], [0], [0], [1], [0, 0, 1, 1], [], []>, transpose_lhs_hint = false} : vector<272x256xf32>, vector<256x256xf32>, vector<272x256xf32> -> vector<272x256xf32>
    %reshape3A_93 = vector.shape_cast %dot_general3A_92 : vector<272x256xf32> to vector<8x34x256xf32>
    %slice3A_94 = vector.extract_strided_slice %reshape3A_93 {offsets = [0, 0, 0], sizes = [8, 32, 256], strides = [1, 1, 1]} : vector<8x34x256xf32> to vector<8x32x256xf32>
    %add3A_95 = arith.addf %add3A_74, %slice3A_94 : vector<8x32x256xf32>
    %get3A_96 = arith.constant 7 : index
    %get3A_97 = arith.constant 0 : index
    %get3A_98 = arith.constant 0 : index
    %get3A_99 = vector.load %arg3[%get3A_96, %get3A_97, %get3A_98] : memref<9x256x256xf32, #tpu.memory_space<vmem>>, vector<1x256x256xf32>
    %get3A_100 = vector.shape_cast %get3A_99 : vector<1x256x256xf32> to vector<256x256xf32>
    %dot_general3A_101 = arith.constant dense<0.000000e+00> : vector<272x256xf32>
    %dot_general3A_102 = tpu.matmul %reshape3A_85, %get3A_100, %dot_general3A_101 {dimension_numbers = #tpu.dot_dimension_numbers<[1], [0], [0], [1], [0, 0, 1, 1], [], []>, transpose_lhs_hint = false} : vector<272x256xf32>, vector<256x256xf32>, vector<272x256xf32> -> vector<272x256xf32>
    %reshape3A_103 = vector.shape_cast %dot_general3A_102 : vector<272x256xf32> to vector<8x34x256xf32>
    %slice3A_104 = vector.extract_strided_slice %reshape3A_103 {offsets = [0, 1, 0], sizes = [8, 32, 256], strides = [1, 1, 1]} : vector<8x34x256xf32> to vector<8x32x256xf32>
    %add3A_105 = arith.addf %add3A_95, %slice3A_104 : vector<8x32x256xf32>
    %get3A_106 = arith.constant 8 : index
    %get3A_107 = arith.constant 0 : index
    %get3A_108 = arith.constant 0 : index
    %get3A_109 = vector.load %arg3[%get3A_106, %get3A_107, %get3A_108] : memref<9x256x256xf32, #tpu.memory_space<vmem>>, vector<1x256x256xf32>
    %get3A_110 = vector.shape_cast %get3A_109 : vector<1x256x256xf32> to vector<256x256xf32>
    %dot_general3A_111 = arith.constant dense<0.000000e+00> : vector<272x256xf32>
    %dot_general3A_112 = tpu.matmul %reshape3A_85, %get3A_110, %dot_general3A_111 {dimension_numbers = #tpu.dot_dimension_numbers<[1], [0], [0], [1], [0, 0, 1, 1], [], []>, transpose_lhs_hint = false} : vector<272x256xf32>, vector<256x256xf32>, vector<272x256xf32> -> vector<272x256xf32>
    %reshape3A_113 = vector.shape_cast %dot_general3A_112 : vector<272x256xf32> to vector<8x34x256xf32>
    %slice3A_114 = vector.extract_strided_slice %reshape3A_113 {offsets = [0, 2, 0], sizes = [8, 32, 256], strides = [1, 1, 1]} : vector<8x34x256xf32> to vector<8x32x256xf32>
    %add3A_115 = arith.addf %add3A_105, %slice3A_114 : vector<8x32x256xf32>
    %get3A_116 = arith.constant 0 : index
    %get3A_117 = arith.constant 0 : index
    %get3A_118 = vector.load %arg4[%get3A_116, %get3A_117] : memref<1x256xf32, #tpu.memory_space<vmem>>, vector<1x256xf32>
    %get3A_119 = vector.shape_cast %get3A_118 : vector<1x256xf32> to vector<256xf32>
    %broadcast_in_dim3A = vector.shape_cast %get3A_119 : vector<256xf32> to vector<1x1x256xf32>
    %add3A_120 = vector.broadcast %broadcast_in_dim3A : vector<1x1x256xf32> to vector<8x32x256xf32>
    %add3A_121 = arith.addf %add3A_115, %add3A_120 : vector<8x32x256xf32>
    %max3A = arith.constant 0.000000e+00 : f32
    %max3A_122 = vector.broadcast %max3A : f32 to vector<8x32x256xf32>
    %max3A_123 = arith.maximumf %add3A_121, %max3A_122 : vector<8x32x256xf32>
    %reshape3A_124 = vector.shape_cast %max3A_123 : vector<8x32x256xf32> to vector<256x256xf32>
    %get3A_125 = arith.constant 0 : index
    %get3A_126 = arith.constant 0 : index
    %get3A_127 = vector.load %arg5[%get3A_125, %get3A_126] : memref<256x24xf32, #tpu.memory_space<vmem>>, vector<256x24xf32>
    %dot_general3A_128 = arith.constant dense<0.000000e+00> : vector<256x24xf32>
    %dot_general3A_129 = tpu.matmul %reshape3A_124, %get3A_127, %dot_general3A_128 {dimension_numbers = #tpu.dot_dimension_numbers<[1], [0], [0], [1], [0, 0, 1, 1], [], []>, transpose_lhs_hint = false} : vector<256x256xf32>, vector<256x24xf32>, vector<256x24xf32> -> vector<256x24xf32>
    %get3A_130 = arith.constant 0 : index
    %get3A_131 = arith.constant 0 : index
    %get3A_132 = vector.load %arg6[%get3A_130, %get3A_131] : memref<1x24xf32, #tpu.memory_space<vmem>>, vector<1x24xf32>
    %get3A_133 = vector.shape_cast %get3A_132 : vector<1x24xf32> to vector<24xf32>
    %broadcast_in_dim3A_134 = vector.shape_cast %get3A_133 : vector<24xf32> to vector<1x24xf32>
    %add3A_135 = vector.broadcast %broadcast_in_dim3A_134 : vector<1x24xf32> to vector<256x24xf32>
    %add3A_136 = arith.addf %dot_general3A_129, %add3A_135 : vector<256x24xf32>
    %reshape3A_137 = vector.shape_cast %add3A_136 : vector<256x24xf32> to vector<8x32x24xf32>
    %swap3A = arith.constant 0 : index
    %swap3A_138 = arith.constant 0 : index
    %swap3A_139 = arith.constant 0 : index
    %swap3A_140 = arith.constant 0 : index
    %swap3A_141 = vector.load %arg7[%swap3A, %swap3A_138, %swap3A_139, %swap3A_140] : memref<1x8x32x24xf32, #tpu.memory_space<vmem>>, vector<1x8x32x24xf32>
    %swap3A_142 = vector.shape_cast %swap3A_141 : vector<1x8x32x24xf32> to vector<8x32x24xf32>
    %swap3A_143 = vector.shape_cast %reshape3A_137 : vector<8x32x24xf32> to vector<1x8x32x24xf32>
    tpu.vector_store %arg7[%swap3A, %swap3A_138, %swap3A_139, %swap3A_140], %swap3A_143 {strides = array<i32>} : memref<1x8x32x24xf32, #tpu.memory_space<vmem>>, vector<1x8x32x24xf32>,
    return
  }
  func.func @transform_0(%arg0: i32, %arg1: i32) -> (i32, i32, i32, i32) {
    %c0_i32 = arith.constant 0 : i32
    %c0_i32_0 = arith.constant 0 : i32
    %c0_i32_1 = arith.constant 0 : i32
    %c0_i32_2 = arith.constant 0 : i32
    return %arg0, %c0_i32, %c0_i32_0, %c0_i32_1 : i32, i32, i32, i32
  }
  func.func @transform_1(%arg0: i32, %arg1: i32) -> (i32, i32, i32) {
    %c0_i32 = arith.constant 0 : i32
    %c0_i32_0 = arith.constant 0 : i32
    %c0_i32_1 = arith.constant 0 : i32
    %c0_i32_2 = arith.constant 0 : i32
    return %c0_i32, %c0_i32_0, %c0_i32_1 : i32, i32, i32
  }
  func.func @transform_2(%arg0: i32, %arg1: i32) -> (i32, i32) {
    %c0_i32 = arith.constant 0 : i32
    %c0_i32_0 = arith.constant 0 : i32
    %c0_i32_1 = arith.constant 0 : i32
    return %c0_i32, %c0_i32_0 : i32, i32
  }
  func.func @transform_3(%arg0: i32, %arg1: i32) -> (i32, i32) {
    %c0_i32 = arith.constant 0 : i32
    %c0_i32_0 = arith.constant 0 : i32
    %c0_i32_1 = arith.constant 0 : i32
    return %c0_i32, %c0_i32_0 : i32, i32
  }
  func.func @transform_4(%arg0: i32, %arg1: i32) -> (i32, i32) {
    %c0_i32 = arith.constant 0 : i32
    %c0_i32_0 = arith.constant 0 : i32
    %c0_i32_1 = arith.constant 0 : i32
    return %c0_i32, %c0_i32_0 : i32, i32
  }
  func.func @transform_5(%arg0: i32, %arg1: i32) -> (i32, i32, i32, i32) {
    %c0_i32 = arith.constant 0 : i32
    %c0_i32_0 = arith.constant 0 : i32
    %c0_i32_1 = arith.constant 0 : i32
    return %arg0, %arg1, %c0_i32, %c0_i32_0 : i32, i32, i32, i32
  }
}

module attributes {stable_mosaic.version = 14 : i64} {
  func.func @_head_kernel(%arg0: i32, %arg1: i32, %arg2: memref<1x66x66x256xf32, #tpu.memory_space<vmem>>, %arg3: memref<9x256x256xf32, #tpu.memory_space<vmem>>, %arg4: memref<1x256xf32, #tpu.memory_space<vmem>>, %arg5: memref<256x24xf32, #tpu.memory_space<vmem>>, %arg6: memref<1x24xf32, #tpu.memory_space<vmem>>, %arg7: memref<1x8x64x24xf32, #tpu.memory_space<vmem>>) attributes {dimension_semantics = [#tpu.dimension_semantics<arbitrary>, #tpu.dimension_semantics<arbitrary>], iteration_bounds = array<i64: 2, 8>, scalar_prefetch = 0 : i64, scratch_operands = 0 : i64, tpu.core_type = #tpu.core_type<tc>, window_params = [{transform_indices = @transform_0, window_bounds = array<i64: 1, 66, 66, 256>}, {pipeline_mode = #tpu.pipeline_mode<synchronous>, transform_indices = @transform_1, window_bounds = array<i64: 9, 256, 256>}, {pipeline_mode = #tpu.pipeline_mode<synchronous>, transform_indices = @transform_2, window_bounds = array<i64: 1, 256>}, {pipeline_mode = #tpu.pipeline_mode<synchronous>, transform_indices = @transform_3, window_bounds = array<i64: 256, 24>}, {pipeline_mode = #tpu.pipeline_mode<synchronous>, transform_indices = @transform_4, window_bounds = array<i64: 1, 24>}, {transform_indices = @transform_5, window_bounds = array<i64: 1, 8, 64, 24>}]} {
    %mul3A = arith.constant 8 : i32
    %mul3A_0 = arith.muli %arg1, %mul3A : i32
    %add3A = arith.constant 0 : i32
    %add3A_1 = arith.addi %mul3A_0, %add3A : i32
    %get3A = arith.constant 0 : index
    %get3A_2 = arith.index_cast %add3A_1 : i32 to index
    %get3A_3 = arith.constant 0 : index
    %get3A_4 = arith.constant 0 : index
    %get3A_5 = vector.load %arg2[%get3A, %get3A_2, %get3A_3, %get3A_4] : memref<1x66x66x256xf32, #tpu.memory_space<vmem>>, vector<1x8x66x256xf32>
    %get3A_6 = vector.shape_cast %get3A_5 : vector<1x8x66x256xf32> to vector<8x66x256xf32>
    %reshape3A = vector.shape_cast %get3A_6 : vector<8x66x256xf32> to vector<528x256xf32>
    %get3A_7 = arith.constant 0 : index
    %get3A_8 = arith.constant 0 : index
    %get3A_9 = arith.constant 0 : index
    %get3A_10 = vector.load %arg3[%get3A_7, %get3A_8, %get3A_9] : memref<9x256x256xf32, #tpu.memory_space<vmem>>, vector<1x256x256xf32>
    %get3A_11 = vector.shape_cast %get3A_10 : vector<1x256x256xf32> to vector<256x256xf32>
    %dot_general3A = arith.constant dense<0.000000e+00> : vector<528x256xf32>
    %dot_general3A_12 = tpu.matmul %reshape3A, %get3A_11, %dot_general3A {dimension_numbers = #tpu.dot_dimension_numbers<[1], [0], [0], [1], [0, 0, 1, 1], [], []>, transpose_lhs_hint = false} : vector<528x256xf32>, vector<256x256xf32>, vector<528x256xf32> -> vector<528x256xf32>
    %reshape3A_13 = vector.shape_cast %dot_general3A_12 : vector<528x256xf32> to vector<8x66x256xf32>
    %slice3A = vector.extract_strided_slice %reshape3A_13 {offsets = [0, 0, 0], sizes = [8, 64, 256], strides = [1, 1, 1]} : vector<8x66x256xf32> to vector<8x64x256xf32>
    %get3A_14 = arith.constant 1 : index
    %get3A_15 = arith.constant 0 : index
    %get3A_16 = arith.constant 0 : index
    %get3A_17 = vector.load %arg3[%get3A_14, %get3A_15, %get3A_16] : memref<9x256x256xf32, #tpu.memory_space<vmem>>, vector<1x256x256xf32>
    %get3A_18 = vector.shape_cast %get3A_17 : vector<1x256x256xf32> to vector<256x256xf32>
    %dot_general3A_19 = arith.constant dense<0.000000e+00> : vector<528x256xf32>
    %dot_general3A_20 = tpu.matmul %reshape3A, %get3A_18, %dot_general3A_19 {dimension_numbers = #tpu.dot_dimension_numbers<[1], [0], [0], [1], [0, 0, 1, 1], [], []>, transpose_lhs_hint = false} : vector<528x256xf32>, vector<256x256xf32>, vector<528x256xf32> -> vector<528x256xf32>
    %reshape3A_21 = vector.shape_cast %dot_general3A_20 : vector<528x256xf32> to vector<8x66x256xf32>
    %slice3A_22 = vector.extract_strided_slice %reshape3A_21 {offsets = [0, 1, 0], sizes = [8, 64, 256], strides = [1, 1, 1]} : vector<8x66x256xf32> to vector<8x64x256xf32>
    %add3A_23 = arith.addf %slice3A, %slice3A_22 : vector<8x64x256xf32>
    %get3A_24 = arith.constant 2 : index
    %get3A_25 = arith.constant 0 : index
    %get3A_26 = arith.constant 0 : index
    %get3A_27 = vector.load %arg3[%get3A_24, %get3A_25, %get3A_26] : memref<9x256x256xf32, #tpu.memory_space<vmem>>, vector<1x256x256xf32>
    %get3A_28 = vector.shape_cast %get3A_27 : vector<1x256x256xf32> to vector<256x256xf32>
    %dot_general3A_29 = arith.constant dense<0.000000e+00> : vector<528x256xf32>
    %dot_general3A_30 = tpu.matmul %reshape3A, %get3A_28, %dot_general3A_29 {dimension_numbers = #tpu.dot_dimension_numbers<[1], [0], [0], [1], [0, 0, 1, 1], [], []>, transpose_lhs_hint = false} : vector<528x256xf32>, vector<256x256xf32>, vector<528x256xf32> -> vector<528x256xf32>
    %reshape3A_31 = vector.shape_cast %dot_general3A_30 : vector<528x256xf32> to vector<8x66x256xf32>
    %slice3A_32 = vector.extract_strided_slice %reshape3A_31 {offsets = [0, 2, 0], sizes = [8, 64, 256], strides = [1, 1, 1]} : vector<8x66x256xf32> to vector<8x64x256xf32>
    %add3A_33 = arith.addf %add3A_23, %slice3A_32 : vector<8x64x256xf32>
    %mul3A_34 = arith.constant 8 : i32
    %mul3A_35 = arith.muli %arg1, %mul3A_34 : i32
    %add3A_36 = arith.constant 1 : i32
    %add3A_37 = arith.addi %mul3A_35, %add3A_36 : i32
    %get3A_38 = arith.constant 0 : index
    %get3A_39 = arith.index_cast %add3A_37 : i32 to index
    %get3A_40 = arith.constant 0 : index
    %get3A_41 = arith.constant 0 : index
    %get3A_42 = vector.load %arg2[%get3A_38, %get3A_39, %get3A_40, %get3A_41] : memref<1x66x66x256xf32, #tpu.memory_space<vmem>>, vector<1x8x66x256xf32>
    %get3A_43 = vector.shape_cast %get3A_42 : vector<1x8x66x256xf32> to vector<8x66x256xf32>
    %reshape3A_44 = vector.shape_cast %get3A_43 : vector<8x66x256xf32> to vector<528x256xf32>
    %get3A_45 = arith.constant 3 : index
    %get3A_46 = arith.constant 0 : index
    %get3A_47 = arith.constant 0 : index
    %get3A_48 = vector.load %arg3[%get3A_45, %get3A_46, %get3A_47] : memref<9x256x256xf32, #tpu.memory_space<vmem>>, vector<1x256x256xf32>
    %get3A_49 = vector.shape_cast %get3A_48 : vector<1x256x256xf32> to vector<256x256xf32>
    %dot_general3A_50 = arith.constant dense<0.000000e+00> : vector<528x256xf32>
    %dot_general3A_51 = tpu.matmul %reshape3A_44, %get3A_49, %dot_general3A_50 {dimension_numbers = #tpu.dot_dimension_numbers<[1], [0], [0], [1], [0, 0, 1, 1], [], []>, transpose_lhs_hint = false} : vector<528x256xf32>, vector<256x256xf32>, vector<528x256xf32> -> vector<528x256xf32>
    %reshape3A_52 = vector.shape_cast %dot_general3A_51 : vector<528x256xf32> to vector<8x66x256xf32>
    %slice3A_53 = vector.extract_strided_slice %reshape3A_52 {offsets = [0, 0, 0], sizes = [8, 64, 256], strides = [1, 1, 1]} : vector<8x66x256xf32> to vector<8x64x256xf32>
    %add3A_54 = arith.addf %add3A_33, %slice3A_53 : vector<8x64x256xf32>
    %get3A_55 = arith.constant 4 : index
    %get3A_56 = arith.constant 0 : index
    %get3A_57 = arith.constant 0 : index
    %get3A_58 = vector.load %arg3[%get3A_55, %get3A_56, %get3A_57] : memref<9x256x256xf32, #tpu.memory_space<vmem>>, vector<1x256x256xf32>
    %get3A_59 = vector.shape_cast %get3A_58 : vector<1x256x256xf32> to vector<256x256xf32>
    %dot_general3A_60 = arith.constant dense<0.000000e+00> : vector<528x256xf32>
    %dot_general3A_61 = tpu.matmul %reshape3A_44, %get3A_59, %dot_general3A_60 {dimension_numbers = #tpu.dot_dimension_numbers<[1], [0], [0], [1], [0, 0, 1, 1], [], []>, transpose_lhs_hint = false} : vector<528x256xf32>, vector<256x256xf32>, vector<528x256xf32> -> vector<528x256xf32>
    %reshape3A_62 = vector.shape_cast %dot_general3A_61 : vector<528x256xf32> to vector<8x66x256xf32>
    %slice3A_63 = vector.extract_strided_slice %reshape3A_62 {offsets = [0, 1, 0], sizes = [8, 64, 256], strides = [1, 1, 1]} : vector<8x66x256xf32> to vector<8x64x256xf32>
    %add3A_64 = arith.addf %add3A_54, %slice3A_63 : vector<8x64x256xf32>
    %get3A_65 = arith.constant 5 : index
    %get3A_66 = arith.constant 0 : index
    %get3A_67 = arith.constant 0 : index
    %get3A_68 = vector.load %arg3[%get3A_65, %get3A_66, %get3A_67] : memref<9x256x256xf32, #tpu.memory_space<vmem>>, vector<1x256x256xf32>
    %get3A_69 = vector.shape_cast %get3A_68 : vector<1x256x256xf32> to vector<256x256xf32>
    %dot_general3A_70 = arith.constant dense<0.000000e+00> : vector<528x256xf32>
    %dot_general3A_71 = tpu.matmul %reshape3A_44, %get3A_69, %dot_general3A_70 {dimension_numbers = #tpu.dot_dimension_numbers<[1], [0], [0], [1], [0, 0, 1, 1], [], []>, transpose_lhs_hint = false} : vector<528x256xf32>, vector<256x256xf32>, vector<528x256xf32> -> vector<528x256xf32>
    %reshape3A_72 = vector.shape_cast %dot_general3A_71 : vector<528x256xf32> to vector<8x66x256xf32>
    %slice3A_73 = vector.extract_strided_slice %reshape3A_72 {offsets = [0, 2, 0], sizes = [8, 64, 256], strides = [1, 1, 1]} : vector<8x66x256xf32> to vector<8x64x256xf32>
    %add3A_74 = arith.addf %add3A_64, %slice3A_73 : vector<8x64x256xf32>
    %mul3A_75 = arith.constant 8 : i32
    %mul3A_76 = arith.muli %arg1, %mul3A_75 : i32
    %add3A_77 = arith.constant 2 : i32
    %add3A_78 = arith.addi %mul3A_76, %add3A_77 : i32
    %get3A_79 = arith.constant 0 : index
    %get3A_80 = arith.index_cast %add3A_78 : i32 to index
    %get3A_81 = arith.constant 0 : index
    %get3A_82 = arith.constant 0 : index
    %get3A_83 = vector.load %arg2[%get3A_79, %get3A_80, %get3A_81, %get3A_82] : memref<1x66x66x256xf32, #tpu.memory_space<vmem>>, vector<1x8x66x256xf32>
    %get3A_84 = vector.shape_cast %get3A_83 : vector<1x8x66x256xf32> to vector<8x66x256xf32>
    %reshape3A_85 = vector.shape_cast %get3A_84 : vector<8x66x256xf32> to vector<528x256xf32>
    %get3A_86 = arith.constant 6 : index
    %get3A_87 = arith.constant 0 : index
    %get3A_88 = arith.constant 0 : index
    %get3A_89 = vector.load %arg3[%get3A_86, %get3A_87, %get3A_88] : memref<9x256x256xf32, #tpu.memory_space<vmem>>, vector<1x256x256xf32>
    %get3A_90 = vector.shape_cast %get3A_89 : vector<1x256x256xf32> to vector<256x256xf32>
    %dot_general3A_91 = arith.constant dense<0.000000e+00> : vector<528x256xf32>
    %dot_general3A_92 = tpu.matmul %reshape3A_85, %get3A_90, %dot_general3A_91 {dimension_numbers = #tpu.dot_dimension_numbers<[1], [0], [0], [1], [0, 0, 1, 1], [], []>, transpose_lhs_hint = false} : vector<528x256xf32>, vector<256x256xf32>, vector<528x256xf32> -> vector<528x256xf32>
    %reshape3A_93 = vector.shape_cast %dot_general3A_92 : vector<528x256xf32> to vector<8x66x256xf32>
    %slice3A_94 = vector.extract_strided_slice %reshape3A_93 {offsets = [0, 0, 0], sizes = [8, 64, 256], strides = [1, 1, 1]} : vector<8x66x256xf32> to vector<8x64x256xf32>
    %add3A_95 = arith.addf %add3A_74, %slice3A_94 : vector<8x64x256xf32>
    %get3A_96 = arith.constant 7 : index
    %get3A_97 = arith.constant 0 : index
    %get3A_98 = arith.constant 0 : index
    %get3A_99 = vector.load %arg3[%get3A_96, %get3A_97, %get3A_98] : memref<9x256x256xf32, #tpu.memory_space<vmem>>, vector<1x256x256xf32>
    %get3A_100 = vector.shape_cast %get3A_99 : vector<1x256x256xf32> to vector<256x256xf32>
    %dot_general3A_101 = arith.constant dense<0.000000e+00> : vector<528x256xf32>
    %dot_general3A_102 = tpu.matmul %reshape3A_85, %get3A_100, %dot_general3A_101 {dimension_numbers = #tpu.dot_dimension_numbers<[1], [0], [0], [1], [0, 0, 1, 1], [], []>, transpose_lhs_hint = false} : vector<528x256xf32>, vector<256x256xf32>, vector<528x256xf32> -> vector<528x256xf32>
    %reshape3A_103 = vector.shape_cast %dot_general3A_102 : vector<528x256xf32> to vector<8x66x256xf32>
    %slice3A_104 = vector.extract_strided_slice %reshape3A_103 {offsets = [0, 1, 0], sizes = [8, 64, 256], strides = [1, 1, 1]} : vector<8x66x256xf32> to vector<8x64x256xf32>
    %add3A_105 = arith.addf %add3A_95, %slice3A_104 : vector<8x64x256xf32>
    %get3A_106 = arith.constant 8 : index
    %get3A_107 = arith.constant 0 : index
    %get3A_108 = arith.constant 0 : index
    %get3A_109 = vector.load %arg3[%get3A_106, %get3A_107, %get3A_108] : memref<9x256x256xf32, #tpu.memory_space<vmem>>, vector<1x256x256xf32>
    %get3A_110 = vector.shape_cast %get3A_109 : vector<1x256x256xf32> to vector<256x256xf32>
    %dot_general3A_111 = arith.constant dense<0.000000e+00> : vector<528x256xf32>
    %dot_general3A_112 = tpu.matmul %reshape3A_85, %get3A_110, %dot_general3A_111 {dimension_numbers = #tpu.dot_dimension_numbers<[1], [0], [0], [1], [0, 0, 1, 1], [], []>, transpose_lhs_hint = false} : vector<528x256xf32>, vector<256x256xf32>, vector<528x256xf32> -> vector<528x256xf32>
    %reshape3A_113 = vector.shape_cast %dot_general3A_112 : vector<528x256xf32> to vector<8x66x256xf32>
    %slice3A_114 = vector.extract_strided_slice %reshape3A_113 {offsets = [0, 2, 0], sizes = [8, 64, 256], strides = [1, 1, 1]} : vector<8x66x256xf32> to vector<8x64x256xf32>
    %add3A_115 = arith.addf %add3A_105, %slice3A_114 : vector<8x64x256xf32>
    %get3A_116 = arith.constant 0 : index
    %get3A_117 = arith.constant 0 : index
    %get3A_118 = vector.load %arg4[%get3A_116, %get3A_117] : memref<1x256xf32, #tpu.memory_space<vmem>>, vector<1x256xf32>
    %get3A_119 = vector.shape_cast %get3A_118 : vector<1x256xf32> to vector<256xf32>
    %broadcast_in_dim3A = vector.shape_cast %get3A_119 : vector<256xf32> to vector<1x1x256xf32>
    %add3A_120 = vector.broadcast %broadcast_in_dim3A : vector<1x1x256xf32> to vector<8x64x256xf32>
    %add3A_121 = arith.addf %add3A_115, %add3A_120 : vector<8x64x256xf32>
    %max3A = arith.constant 0.000000e+00 : f32
    %max3A_122 = vector.broadcast %max3A : f32 to vector<8x64x256xf32>
    %max3A_123 = arith.maximumf %add3A_121, %max3A_122 : vector<8x64x256xf32>
    %reshape3A_124 = vector.shape_cast %max3A_123 : vector<8x64x256xf32> to vector<512x256xf32>
    %get3A_125 = arith.constant 0 : index
    %get3A_126 = arith.constant 0 : index
    %get3A_127 = vector.load %arg5[%get3A_125, %get3A_126] : memref<256x24xf32, #tpu.memory_space<vmem>>, vector<256x24xf32>
    %dot_general3A_128 = arith.constant dense<0.000000e+00> : vector<512x24xf32>
    %dot_general3A_129 = tpu.matmul %reshape3A_124, %get3A_127, %dot_general3A_128 {dimension_numbers = #tpu.dot_dimension_numbers<[1], [0], [0], [1], [0, 0, 1, 1], [], []>, transpose_lhs_hint = false} : vector<512x256xf32>, vector<256x24xf32>, vector<512x24xf32> -> vector<512x24xf32>
    %get3A_130 = arith.constant 0 : index
    %get3A_131 = arith.constant 0 : index
    %get3A_132 = vector.load %arg6[%get3A_130, %get3A_131] : memref<1x24xf32, #tpu.memory_space<vmem>>, vector<1x24xf32>
    %get3A_133 = vector.shape_cast %get3A_132 : vector<1x24xf32> to vector<24xf32>
    %broadcast_in_dim3A_134 = vector.shape_cast %get3A_133 : vector<24xf32> to vector<1x24xf32>
    %add3A_135 = vector.broadcast %broadcast_in_dim3A_134 : vector<1x24xf32> to vector<512x24xf32>
    %add3A_136 = arith.addf %dot_general3A_129, %add3A_135 : vector<512x24xf32>
    %reshape3A_137 = vector.shape_cast %add3A_136 : vector<512x24xf32> to vector<8x64x24xf32>
    %swap3A = arith.constant 0 : index
    %swap3A_138 = arith.constant 0 : index
    %swap3A_139 = arith.constant 0 : index
    %swap3A_140 = arith.constant 0 : index
    %swap3A_141 = vector.load %arg7[%swap3A, %swap3A_138, %swap3A_139, %swap3A_140] : memref<1x8x64x24xf32, #tpu.memory_space<vmem>>, vector<1x8x64x24xf32>
    %swap3A_142 = vector.shape_cast %swap3A_141 : vector<1x8x64x24xf32> to vector<8x64x24xf32>
    %swap3A_143 = vector.shape_cast %reshape3A_137 : vector<8x64x24xf32> to vector<1x8x64x24xf32>
    tpu.vector_store %arg7[%swap3A, %swap3A_138, %swap3A_139, %swap3A_140], %swap3A_143 {strides = array<i32>} : memref<1x8x64x24xf32, #tpu.memory_space<vmem>>, vector<1x8x64x24xf32>,
    return
  }
  func.func @transform_0(%arg0: i32, %arg1: i32) -> (i32, i32, i32, i32) {
    %c0_i32 = arith.constant 0 : i32
    %c0_i32_0 = arith.constant 0 : i32
    %c0_i32_1 = arith.constant 0 : i32
    %c0_i32_2 = arith.constant 0 : i32
    return %arg0, %c0_i32, %c0_i32_0, %c0_i32_1 : i32, i32, i32, i32
  }
  func.func @transform_1(%arg0: i32, %arg1: i32) -> (i32, i32, i32) {
    %c0_i32 = arith.constant 0 : i32
    %c0_i32_0 = arith.constant 0 : i32
    %c0_i32_1 = arith.constant 0 : i32
    %c0_i32_2 = arith.constant 0 : i32
    return %c0_i32, %c0_i32_0, %c0_i32_1 : i32, i32, i32
  }
  func.func @transform_2(%arg0: i32, %arg1: i32) -> (i32, i32) {
    %c0_i32 = arith.constant 0 : i32
    %c0_i32_0 = arith.constant 0 : i32
    %c0_i32_1 = arith.constant 0 : i32
    return %c0_i32, %c0_i32_0 : i32, i32
  }
  func.func @transform_3(%arg0: i32, %arg1: i32) -> (i32, i32) {
    %c0_i32 = arith.constant 0 : i32
    %c0_i32_0 = arith.constant 0 : i32
    %c0_i32_1 = arith.constant 0 : i32
    return %c0_i32, %c0_i32_0 : i32, i32
  }
  func.func @transform_4(%arg0: i32, %arg1: i32) -> (i32, i32) {
    %c0_i32 = arith.constant 0 : i32
    %c0_i32_0 = arith.constant 0 : i32
    %c0_i32_1 = arith.constant 0 : i32
    return %c0_i32, %c0_i32_0 : i32, i32
  }
  func.func @transform_5(%arg0: i32, %arg1: i32) -> (i32, i32, i32, i32) {
    %c0_i32 = arith.constant 0 : i32
    %c0_i32_0 = arith.constant 0 : i32
    %c0_i32_1 = arith.constant 0 : i32
    return %arg0, %arg1, %c0_i32, %c0_i32_0 : i32, i32, i32, i32
  }
}

module attributes {stable_mosaic.version = 14 : i64} {
  func.func @_head_kernel(%arg0: i32, %arg1: i32, %arg2: memref<1x130x130x256xf32, #tpu.memory_space<vmem>>, %arg3: memref<9x256x256xf32, #tpu.memory_space<vmem>>, %arg4: memref<1x256xf32, #tpu.memory_space<vmem>>, %arg5: memref<256x24xf32, #tpu.memory_space<vmem>>, %arg6: memref<1x24xf32, #tpu.memory_space<vmem>>, %arg7: memref<1x8x128x24xf32, #tpu.memory_space<vmem>>) attributes {dimension_semantics = [#tpu.dimension_semantics<arbitrary>, #tpu.dimension_semantics<arbitrary>], iteration_bounds = array<i64: 2, 16>, scalar_prefetch = 0 : i64, scratch_operands = 0 : i64, tpu.core_type = #tpu.core_type<tc>, window_params = [{transform_indices = @transform_0, window_bounds = array<i64: 1, 130, 130, 256>}, {pipeline_mode = #tpu.pipeline_mode<synchronous>, transform_indices = @transform_1, window_bounds = array<i64: 9, 256, 256>}, {pipeline_mode = #tpu.pipeline_mode<synchronous>, transform_indices = @transform_2, window_bounds = array<i64: 1, 256>}, {pipeline_mode = #tpu.pipeline_mode<synchronous>, transform_indices = @transform_3, window_bounds = array<i64: 256, 24>}, {pipeline_mode = #tpu.pipeline_mode<synchronous>, transform_indices = @transform_4, window_bounds = array<i64: 1, 24>}, {transform_indices = @transform_5, window_bounds = array<i64: 1, 8, 128, 24>}]} {
    %mul3A = arith.constant 8 : i32
    %mul3A_0 = arith.muli %arg1, %mul3A : i32
    %add3A = arith.constant 0 : i32
    %add3A_1 = arith.addi %mul3A_0, %add3A : i32
    %get3A = arith.constant 0 : index
    %get3A_2 = arith.index_cast %add3A_1 : i32 to index
    %get3A_3 = arith.constant 0 : index
    %get3A_4 = arith.constant 0 : index
    %get3A_5 = vector.load %arg2[%get3A, %get3A_2, %get3A_3, %get3A_4] : memref<1x130x130x256xf32, #tpu.memory_space<vmem>>, vector<1x8x130x256xf32>
    %get3A_6 = vector.shape_cast %get3A_5 : vector<1x8x130x256xf32> to vector<8x130x256xf32>
    %reshape3A = vector.shape_cast %get3A_6 : vector<8x130x256xf32> to vector<1040x256xf32>
    %get3A_7 = arith.constant 0 : index
    %get3A_8 = arith.constant 0 : index
    %get3A_9 = arith.constant 0 : index
    %get3A_10 = vector.load %arg3[%get3A_7, %get3A_8, %get3A_9] : memref<9x256x256xf32, #tpu.memory_space<vmem>>, vector<1x256x256xf32>
    %get3A_11 = vector.shape_cast %get3A_10 : vector<1x256x256xf32> to vector<256x256xf32>
    %dot_general3A = arith.constant dense<0.000000e+00> : vector<1040x256xf32>
    %dot_general3A_12 = tpu.matmul %reshape3A, %get3A_11, %dot_general3A {dimension_numbers = #tpu.dot_dimension_numbers<[1], [0], [0], [1], [0, 0, 1, 1], [], []>, transpose_lhs_hint = false} : vector<1040x256xf32>, vector<256x256xf32>, vector<1040x256xf32> -> vector<1040x256xf32>
    %reshape3A_13 = vector.shape_cast %dot_general3A_12 : vector<1040x256xf32> to vector<8x130x256xf32>
    %slice3A = vector.extract_strided_slice %reshape3A_13 {offsets = [0, 0, 0], sizes = [8, 128, 256], strides = [1, 1, 1]} : vector<8x130x256xf32> to vector<8x128x256xf32>
    %get3A_14 = arith.constant 1 : index
    %get3A_15 = arith.constant 0 : index
    %get3A_16 = arith.constant 0 : index
    %get3A_17 = vector.load %arg3[%get3A_14, %get3A_15, %get3A_16] : memref<9x256x256xf32, #tpu.memory_space<vmem>>, vector<1x256x256xf32>
    %get3A_18 = vector.shape_cast %get3A_17 : vector<1x256x256xf32> to vector<256x256xf32>
    %dot_general3A_19 = arith.constant dense<0.000000e+00> : vector<1040x256xf32>
    %dot_general3A_20 = tpu.matmul %reshape3A, %get3A_18, %dot_general3A_19 {dimension_numbers = #tpu.dot_dimension_numbers<[1], [0], [0], [1], [0, 0, 1, 1], [], []>, transpose_lhs_hint = false} : vector<1040x256xf32>, vector<256x256xf32>, vector<1040x256xf32> -> vector<1040x256xf32>
    %reshape3A_21 = vector.shape_cast %dot_general3A_20 : vector<1040x256xf32> to vector<8x130x256xf32>
    %slice3A_22 = vector.extract_strided_slice %reshape3A_21 {offsets = [0, 1, 0], sizes = [8, 128, 256], strides = [1, 1, 1]} : vector<8x130x256xf32> to vector<8x128x256xf32>
    %add3A_23 = arith.addf %slice3A, %slice3A_22 : vector<8x128x256xf32>
    %get3A_24 = arith.constant 2 : index
    %get3A_25 = arith.constant 0 : index
    %get3A_26 = arith.constant 0 : index
    %get3A_27 = vector.load %arg3[%get3A_24, %get3A_25, %get3A_26] : memref<9x256x256xf32, #tpu.memory_space<vmem>>, vector<1x256x256xf32>
    %get3A_28 = vector.shape_cast %get3A_27 : vector<1x256x256xf32> to vector<256x256xf32>
    %dot_general3A_29 = arith.constant dense<0.000000e+00> : vector<1040x256xf32>
    %dot_general3A_30 = tpu.matmul %reshape3A, %get3A_28, %dot_general3A_29 {dimension_numbers = #tpu.dot_dimension_numbers<[1], [0], [0], [1], [0, 0, 1, 1], [], []>, transpose_lhs_hint = false} : vector<1040x256xf32>, vector<256x256xf32>, vector<1040x256xf32> -> vector<1040x256xf32>
    %reshape3A_31 = vector.shape_cast %dot_general3A_30 : vector<1040x256xf32> to vector<8x130x256xf32>
    %slice3A_32 = vector.extract_strided_slice %reshape3A_31 {offsets = [0, 2, 0], sizes = [8, 128, 256], strides = [1, 1, 1]} : vector<8x130x256xf32> to vector<8x128x256xf32>
    %add3A_33 = arith.addf %add3A_23, %slice3A_32 : vector<8x128x256xf32>
    %mul3A_34 = arith.constant 8 : i32
    %mul3A_35 = arith.muli %arg1, %mul3A_34 : i32
    %add3A_36 = arith.constant 1 : i32
    %add3A_37 = arith.addi %mul3A_35, %add3A_36 : i32
    %get3A_38 = arith.constant 0 : index
    %get3A_39 = arith.index_cast %add3A_37 : i32 to index
    %get3A_40 = arith.constant 0 : index
    %get3A_41 = arith.constant 0 : index
    %get3A_42 = vector.load %arg2[%get3A_38, %get3A_39, %get3A_40, %get3A_41] : memref<1x130x130x256xf32, #tpu.memory_space<vmem>>, vector<1x8x130x256xf32>
    %get3A_43 = vector.shape_cast %get3A_42 : vector<1x8x130x256xf32> to vector<8x130x256xf32>
    %reshape3A_44 = vector.shape_cast %get3A_43 : vector<8x130x256xf32> to vector<1040x256xf32>
    %get3A_45 = arith.constant 3 : index
    %get3A_46 = arith.constant 0 : index
    %get3A_47 = arith.constant 0 : index
    %get3A_48 = vector.load %arg3[%get3A_45, %get3A_46, %get3A_47] : memref<9x256x256xf32, #tpu.memory_space<vmem>>, vector<1x256x256xf32>
    %get3A_49 = vector.shape_cast %get3A_48 : vector<1x256x256xf32> to vector<256x256xf32>
    %dot_general3A_50 = arith.constant dense<0.000000e+00> : vector<1040x256xf32>
    %dot_general3A_51 = tpu.matmul %reshape3A_44, %get3A_49, %dot_general3A_50 {dimension_numbers = #tpu.dot_dimension_numbers<[1], [0], [0], [1], [0, 0, 1, 1], [], []>, transpose_lhs_hint = false} : vector<1040x256xf32>, vector<256x256xf32>, vector<1040x256xf32> -> vector<1040x256xf32>
    %reshape3A_52 = vector.shape_cast %dot_general3A_51 : vector<1040x256xf32> to vector<8x130x256xf32>
    %slice3A_53 = vector.extract_strided_slice %reshape3A_52 {offsets = [0, 0, 0], sizes = [8, 128, 256], strides = [1, 1, 1]} : vector<8x130x256xf32> to vector<8x128x256xf32>
    %add3A_54 = arith.addf %add3A_33, %slice3A_53 : vector<8x128x256xf32>
    %get3A_55 = arith.constant 4 : index
    %get3A_56 = arith.constant 0 : index
    %get3A_57 = arith.constant 0 : index
    %get3A_58 = vector.load %arg3[%get3A_55, %get3A_56, %get3A_57] : memref<9x256x256xf32, #tpu.memory_space<vmem>>, vector<1x256x256xf32>
    %get3A_59 = vector.shape_cast %get3A_58 : vector<1x256x256xf32> to vector<256x256xf32>
    %dot_general3A_60 = arith.constant dense<0.000000e+00> : vector<1040x256xf32>
    %dot_general3A_61 = tpu.matmul %reshape3A_44, %get3A_59, %dot_general3A_60 {dimension_numbers = #tpu.dot_dimension_numbers<[1], [0], [0], [1], [0, 0, 1, 1], [], []>, transpose_lhs_hint = false} : vector<1040x256xf32>, vector<256x256xf32>, vector<1040x256xf32> -> vector<1040x256xf32>
    %reshape3A_62 = vector.shape_cast %dot_general3A_61 : vector<1040x256xf32> to vector<8x130x256xf32>
    %slice3A_63 = vector.extract_strided_slice %reshape3A_62 {offsets = [0, 1, 0], sizes = [8, 128, 256], strides = [1, 1, 1]} : vector<8x130x256xf32> to vector<8x128x256xf32>
    %add3A_64 = arith.addf %add3A_54, %slice3A_63 : vector<8x128x256xf32>
    %get3A_65 = arith.constant 5 : index
    %get3A_66 = arith.constant 0 : index
    %get3A_67 = arith.constant 0 : index
    %get3A_68 = vector.load %arg3[%get3A_65, %get3A_66, %get3A_67] : memref<9x256x256xf32, #tpu.memory_space<vmem>>, vector<1x256x256xf32>
    %get3A_69 = vector.shape_cast %get3A_68 : vector<1x256x256xf32> to vector<256x256xf32>
    %dot_general3A_70 = arith.constant dense<0.000000e+00> : vector<1040x256xf32>
    %dot_general3A_71 = tpu.matmul %reshape3A_44, %get3A_69, %dot_general3A_70 {dimension_numbers = #tpu.dot_dimension_numbers<[1], [0], [0], [1], [0, 0, 1, 1], [], []>, transpose_lhs_hint = false} : vector<1040x256xf32>, vector<256x256xf32>, vector<1040x256xf32> -> vector<1040x256xf32>
    %reshape3A_72 = vector.shape_cast %dot_general3A_71 : vector<1040x256xf32> to vector<8x130x256xf32>
    %slice3A_73 = vector.extract_strided_slice %reshape3A_72 {offsets = [0, 2, 0], sizes = [8, 128, 256], strides = [1, 1, 1]} : vector<8x130x256xf32> to vector<8x128x256xf32>
    %add3A_74 = arith.addf %add3A_64, %slice3A_73 : vector<8x128x256xf32>
    %mul3A_75 = arith.constant 8 : i32
    %mul3A_76 = arith.muli %arg1, %mul3A_75 : i32
    %add3A_77 = arith.constant 2 : i32
    %add3A_78 = arith.addi %mul3A_76, %add3A_77 : i32
    %get3A_79 = arith.constant 0 : index
    %get3A_80 = arith.index_cast %add3A_78 : i32 to index
    %get3A_81 = arith.constant 0 : index
    %get3A_82 = arith.constant 0 : index
    %get3A_83 = vector.load %arg2[%get3A_79, %get3A_80, %get3A_81, %get3A_82] : memref<1x130x130x256xf32, #tpu.memory_space<vmem>>, vector<1x8x130x256xf32>
    %get3A_84 = vector.shape_cast %get3A_83 : vector<1x8x130x256xf32> to vector<8x130x256xf32>
    %reshape3A_85 = vector.shape_cast %get3A_84 : vector<8x130x256xf32> to vector<1040x256xf32>
    %get3A_86 = arith.constant 6 : index
    %get3A_87 = arith.constant 0 : index
    %get3A_88 = arith.constant 0 : index
    %get3A_89 = vector.load %arg3[%get3A_86, %get3A_87, %get3A_88] : memref<9x256x256xf32, #tpu.memory_space<vmem>>, vector<1x256x256xf32>
    %get3A_90 = vector.shape_cast %get3A_89 : vector<1x256x256xf32> to vector<256x256xf32>
    %dot_general3A_91 = arith.constant dense<0.000000e+00> : vector<1040x256xf32>
    %dot_general3A_92 = tpu.matmul %reshape3A_85, %get3A_90, %dot_general3A_91 {dimension_numbers = #tpu.dot_dimension_numbers<[1], [0], [0], [1], [0, 0, 1, 1], [], []>, transpose_lhs_hint = false} : vector<1040x256xf32>, vector<256x256xf32>, vector<1040x256xf32> -> vector<1040x256xf32>
    %reshape3A_93 = vector.shape_cast %dot_general3A_92 : vector<1040x256xf32> to vector<8x130x256xf32>
    %slice3A_94 = vector.extract_strided_slice %reshape3A_93 {offsets = [0, 0, 0], sizes = [8, 128, 256], strides = [1, 1, 1]} : vector<8x130x256xf32> to vector<8x128x256xf32>
    %add3A_95 = arith.addf %add3A_74, %slice3A_94 : vector<8x128x256xf32>
    %get3A_96 = arith.constant 7 : index
    %get3A_97 = arith.constant 0 : index
    %get3A_98 = arith.constant 0 : index
    %get3A_99 = vector.load %arg3[%get3A_96, %get3A_97, %get3A_98] : memref<9x256x256xf32, #tpu.memory_space<vmem>>, vector<1x256x256xf32>
    %get3A_100 = vector.shape_cast %get3A_99 : vector<1x256x256xf32> to vector<256x256xf32>
    %dot_general3A_101 = arith.constant dense<0.000000e+00> : vector<1040x256xf32>
    %dot_general3A_102 = tpu.matmul %reshape3A_85, %get3A_100, %dot_general3A_101 {dimension_numbers = #tpu.dot_dimension_numbers<[1], [0], [0], [1], [0, 0, 1, 1], [], []>, transpose_lhs_hint = false} : vector<1040x256xf32>, vector<256x256xf32>, vector<1040x256xf32> -> vector<1040x256xf32>
    %reshape3A_103 = vector.shape_cast %dot_general3A_102 : vector<1040x256xf32> to vector<8x130x256xf32>
    %slice3A_104 = vector.extract_strided_slice %reshape3A_103 {offsets = [0, 1, 0], sizes = [8, 128, 256], strides = [1, 1, 1]} : vector<8x130x256xf32> to vector<8x128x256xf32>
    %add3A_105 = arith.addf %add3A_95, %slice3A_104 : vector<8x128x256xf32>
    %get3A_106 = arith.constant 8 : index
    %get3A_107 = arith.constant 0 : index
    %get3A_108 = arith.constant 0 : index
    %get3A_109 = vector.load %arg3[%get3A_106, %get3A_107, %get3A_108] : memref<9x256x256xf32, #tpu.memory_space<vmem>>, vector<1x256x256xf32>
    %get3A_110 = vector.shape_cast %get3A_109 : vector<1x256x256xf32> to vector<256x256xf32>
    %dot_general3A_111 = arith.constant dense<0.000000e+00> : vector<1040x256xf32>
    %dot_general3A_112 = tpu.matmul %reshape3A_85, %get3A_110, %dot_general3A_111 {dimension_numbers = #tpu.dot_dimension_numbers<[1], [0], [0], [1], [0, 0, 1, 1], [], []>, transpose_lhs_hint = false} : vector<1040x256xf32>, vector<256x256xf32>, vector<1040x256xf32> -> vector<1040x256xf32>
    %reshape3A_113 = vector.shape_cast %dot_general3A_112 : vector<1040x256xf32> to vector<8x130x256xf32>
    %slice3A_114 = vector.extract_strided_slice %reshape3A_113 {offsets = [0, 2, 0], sizes = [8, 128, 256], strides = [1, 1, 1]} : vector<8x130x256xf32> to vector<8x128x256xf32>
    %add3A_115 = arith.addf %add3A_105, %slice3A_114 : vector<8x128x256xf32>
    %get3A_116 = arith.constant 0 : index
    %get3A_117 = arith.constant 0 : index
    %get3A_118 = vector.load %arg4[%get3A_116, %get3A_117] : memref<1x256xf32, #tpu.memory_space<vmem>>, vector<1x256xf32>
    %get3A_119 = vector.shape_cast %get3A_118 : vector<1x256xf32> to vector<256xf32>
    %broadcast_in_dim3A = vector.shape_cast %get3A_119 : vector<256xf32> to vector<1x1x256xf32>
    %add3A_120 = vector.broadcast %broadcast_in_dim3A : vector<1x1x256xf32> to vector<8x128x256xf32>
    %add3A_121 = arith.addf %add3A_115, %add3A_120 : vector<8x128x256xf32>
    %max3A = arith.constant 0.000000e+00 : f32
    %max3A_122 = vector.broadcast %max3A : f32 to vector<8x128x256xf32>
    %max3A_123 = arith.maximumf %add3A_121, %max3A_122 : vector<8x128x256xf32>
    %reshape3A_124 = vector.shape_cast %max3A_123 : vector<8x128x256xf32> to vector<1024x256xf32>
    %get3A_125 = arith.constant 0 : index
    %get3A_126 = arith.constant 0 : index
    %get3A_127 = vector.load %arg5[%get3A_125, %get3A_126] : memref<256x24xf32, #tpu.memory_space<vmem>>, vector<256x24xf32>
    %dot_general3A_128 = arith.constant dense<0.000000e+00> : vector<1024x24xf32>
    %dot_general3A_129 = tpu.matmul %reshape3A_124, %get3A_127, %dot_general3A_128 {dimension_numbers = #tpu.dot_dimension_numbers<[1], [0], [0], [1], [0, 0, 1, 1], [], []>, transpose_lhs_hint = false} : vector<1024x256xf32>, vector<256x24xf32>, vector<1024x24xf32> -> vector<1024x24xf32>
    %get3A_130 = arith.constant 0 : index
    %get3A_131 = arith.constant 0 : index
    %get3A_132 = vector.load %arg6[%get3A_130, %get3A_131] : memref<1x24xf32, #tpu.memory_space<vmem>>, vector<1x24xf32>
    %get3A_133 = vector.shape_cast %get3A_132 : vector<1x24xf32> to vector<24xf32>
    %broadcast_in_dim3A_134 = vector.shape_cast %get3A_133 : vector<24xf32> to vector<1x24xf32>
    %add3A_135 = vector.broadcast %broadcast_in_dim3A_134 : vector<1x24xf32> to vector<1024x24xf32>
    %add3A_136 = arith.addf %dot_general3A_129, %add3A_135 : vector<1024x24xf32>
    %reshape3A_137 = vector.shape_cast %add3A_136 : vector<1024x24xf32> to vector<8x128x24xf32>
    %swap3A = arith.constant 0 : index
    %swap3A_138 = arith.constant 0 : index
    %swap3A_139 = arith.constant 0 : index
    %swap3A_140 = arith.constant 0 : index
    %swap3A_141 = vector.load %arg7[%swap3A, %swap3A_138, %swap3A_139, %swap3A_140] : memref<1x8x128x24xf32, #tpu.memory_space<vmem>>, vector<1x8x128x24xf32>
    %swap3A_142 = vector.shape_cast %swap3A_141 : vector<1x8x128x24xf32> to vector<8x128x24xf32>
    %swap3A_143 = vector.shape_cast %reshape3A_137 : vector<8x128x24xf32> to vector<1x8x128x24xf32>
    tpu.vector_store %arg7[%swap3A, %swap3A_138, %swap3A_139, %swap3A_140], %swap3A_143 {strides = array<i32>} : memref<1x8x128x24xf32, #tpu.memory_space<vmem>>, vector<1x8x128x24xf32>,
    return
  }
  func.func @transform_0(%arg0: i32, %arg1: i32) -> (i32, i32, i32, i32) {
    %c0_i32 = arith.constant 0 : i32
    %c0_i32_0 = arith.constant 0 : i32
    %c0_i32_1 = arith.constant 0 : i32
    %c0_i32_2 = arith.constant 0 : i32
    return %arg0, %c0_i32, %c0_i32_0, %c0_i32_1 : i32, i32, i32, i32
  }
  func.func @transform_1(%arg0: i32, %arg1: i32) -> (i32, i32, i32) {
    %c0_i32 = arith.constant 0 : i32
    %c0_i32_0 = arith.constant 0 : i32
    %c0_i32_1 = arith.constant 0 : i32
    %c0_i32_2 = arith.constant 0 : i32
    return %c0_i32, %c0_i32_0, %c0_i32_1 : i32, i32, i32
  }
  func.func @transform_2(%arg0: i32, %arg1: i32) -> (i32, i32) {
    %c0_i32 = arith.constant 0 : i32
    %c0_i32_0 = arith.constant 0 : i32
    %c0_i32_1 = arith.constant 0 : i32
    return %c0_i32, %c0_i32_0 : i32, i32
  }
  func.func @transform_3(%arg0: i32, %arg1: i32) -> (i32, i32) {
    %c0_i32 = arith.constant 0 : i32
    %c0_i32_0 = arith.constant 0 : i32
    %c0_i32_1 = arith.constant 0 : i32
    return %c0_i32, %c0_i32_0 : i32, i32
  }
  func.func @transform_4(%arg0: i32, %arg1: i32) -> (i32, i32) {
    %c0_i32 = arith.constant 0 : i32
    %c0_i32_0 = arith.constant 0 : i32
    %c0_i32_1 = arith.constant 0 : i32
    return %c0_i32, %c0_i32_0 : i32, i32
  }
  func.func @transform_5(%arg0: i32, %arg1: i32) -> (i32, i32, i32, i32) {
    %c0_i32 = arith.constant 0 : i32
    %c0_i32_0 = arith.constant 0 : i32
    %c0_i32_1 = arith.constant 0 : i32
    return %arg0, %arg1, %c0_i32, %c0_i32_0 : i32, i32, i32, i32
  }
}

module attributes {stable_mosaic.version = 14 : i64} {
  func.func @_nms_kernel(%arg0: i32, %arg1: memref<1x4x2048xf32, #tpu.memory_space<vmem>>, %arg2: memref<1x2048x4xf32, #tpu.memory_space<vmem>>, %arg3: memref<1x1x2048xf32, #tpu.memory_space<vmem>>, %arg4: memref<2048x2048xf32, #tpu.memory_space<vmem>>) attributes {dimension_semantics = [#tpu.dimension_semantics<arbitrary>], iteration_bounds = array<i64: 10>, scalar_prefetch = 0 : i64, scratch_operands = 1 : i64, tpu.core_type = #tpu.core_type<tc>, window_params = [{transform_indices = @transform_0, window_bounds = array<i64: 1, 4, 2048>}, {transform_indices = @transform_1, window_bounds = array<i64: 1, 2048, 4>}, {transform_indices = @transform_2, window_bounds = array<i64: 1, 1, 2048>}]} {
    %get3A = arith.constant 0 : index
    %get3A_0 = arith.constant 0 : index
    %get3A_1 = arith.constant 0 : index
    %get3A_2 = vector.load %arg1[%get3A, %get3A_0, %get3A_1] : memref<1x4x2048xf32, #tpu.memory_space<vmem>>, vector<1x1x2048xf32>
    %get3A_3 = vector.shape_cast %get3A_2 : vector<1x1x2048xf32> to vector<1x2048xf32>
    %get3A_4 = arith.constant 0 : index
    %get3A_5 = arith.constant 1 : index
    %get3A_6 = arith.constant 0 : index
    %get3A_7 = vector.load %arg1[%get3A_4, %get3A_5, %get3A_6] : memref<1x4x2048xf32, #tpu.memory_space<vmem>>, vector<1x1x2048xf32>
    %get3A_8 = vector.shape_cast %get3A_7 : vector<1x1x2048xf32> to vector<1x2048xf32>
    %get3A_9 = arith.constant 0 : index
    %get3A_10 = arith.constant 2 : index
    %get3A_11 = arith.constant 0 : index
    %get3A_12 = vector.load %arg1[%get3A_9, %get3A_10, %get3A_11] : memref<1x4x2048xf32, #tpu.memory_space<vmem>>, vector<1x1x2048xf32>
    %get3A_13 = vector.shape_cast %get3A_12 : vector<1x1x2048xf32> to vector<1x2048xf32>
    %get3A_14 = arith.constant 0 : index
    %get3A_15 = arith.constant 3 : index
    %get3A_16 = arith.constant 0 : index
    %get3A_17 = vector.load %arg1[%get3A_14, %get3A_15, %get3A_16] : memref<1x4x2048xf32, #tpu.memory_space<vmem>>, vector<1x1x2048xf32>
    %get3A_18 = vector.shape_cast %get3A_17 : vector<1x1x2048xf32> to vector<1x2048xf32>
    %sub3A = arith.subf %get3A_13, %get3A_3 : vector<1x2048xf32>
    %max3A = arith.constant 0.000000e+00 : f32
    %max3A_19 = vector.broadcast %max3A : f32 to vector<1x2048xf32>
    %max3A_20 = arith.maximumf %sub3A, %max3A_19 : vector<1x2048xf32>
    %sub3A_21 = arith.subf %get3A_18, %get3A_8 : vector<1x2048xf32>
    %max3A_22 = arith.constant 0.000000e+00 : f32
    %max3A_23 = vector.broadcast %max3A_22 : f32 to vector<1x2048xf32>
    %max3A_24 = arith.maximumf %sub3A_21, %max3A_23 : vector<1x2048xf32>
    %mul3A = arith.mulf %max3A_20, %max3A_24 : vector<1x2048xf32>
    %iota3A = tpu.iota {dimensions = array<i32: 1>} : vector<1x2048xi32>
    %get3A_25 = arith.constant 0 : index
    %get3A_26 = arith.constant 0 : index
    %get3A_27 = arith.constant 0 : index
    %get3A_28 = vector.load %arg2[%get3A_25, %get3A_26, %get3A_27] : memref<1x2048x4xf32, #tpu.memory_space<vmem>>, vector<1x256x1xf32>
    %get3A_29 = vector.shape_cast %get3A_28 : vector<1x256x1xf32> to vector<256x1xf32>
    %get3A_30 = arith.constant 0 : index
    %get3A_31 = arith.constant 0 : index
    %get3A_32 = arith.constant 1 : index
    %get3A_33 = vector.load %arg2[%get3A_30, %get3A_31, %get3A_32] : memref<1x2048x4xf32, #tpu.memory_space<vmem>>, vector<1x256x1xf32>
    %get3A_34 = vector.shape_cast %get3A_33 : vector<1x256x1xf32> to vector<256x1xf32>
    %get3A_35 = arith.constant 0 : index
    %get3A_36 = arith.constant 0 : index
    %get3A_37 = arith.constant 2 : index
    %get3A_38 = vector.load %arg2[%get3A_35, %get3A_36, %get3A_37] : memref<1x2048x4xf32, #tpu.memory_space<vmem>>, vector<1x256x1xf32>
    %get3A_39 = vector.shape_cast %get3A_38 : vector<1x256x1xf32> to vector<256x1xf32>
    %get3A_40 = arith.constant 0 : index
    %get3A_41 = arith.constant 0 : index
    %get3A_42 = arith.constant 3 : index
    %get3A_43 = vector.load %arg2[%get3A_40, %get3A_41, %get3A_42] : memref<1x2048x4xf32, #tpu.memory_space<vmem>>, vector<1x256x1xf32>
    %get3A_44 = vector.shape_cast %get3A_43 : vector<1x256x1xf32> to vector<256x1xf32>
    %sub3A_45 = arith.subf %get3A_39, %get3A_29 : vector<256x1xf32>
    %max3A_46 = arith.constant 0.000000e+00 : f32
    %max3A_47 = vector.broadcast %max3A_46 : f32 to vector<256x1xf32>
    %max3A_48 = arith.maximumf %sub3A_45, %max3A_47 : vector<256x1xf32>
    %sub3A_49 = arith.subf %get3A_44, %get3A_34 : vector<256x1xf32>
    %max3A_50 = arith.constant 0.000000e+00 : f32
    %max3A_51 = vector.broadcast %max3A_50 : f32 to vector<256x1xf32>
    %max3A_52 = arith.maximumf %sub3A_49, %max3A_51 : vector<256x1xf32>
    %mul3A_53 = arith.mulf %max3A_48, %max3A_52 : vector<256x1xf32>
    %max3A_54 = vector.broadcast %get3A_29 : vector<256x1xf32> to vector<256x2048xf32>
    %max3A_55 = vector.broadcast %get3A_3 : vector<1x2048xf32> to vector<256x2048xf32>
    %max3A_56 = arith.maximumf %max3A_54, %max3A_55 : vector<256x2048xf32>
    %max3A_57 = vector.broadcast %get3A_34 : vector<256x1xf32> to vector<256x2048xf32>
    %max3A_58 = vector.broadcast %get3A_8 : vector<1x2048xf32> to vector<256x2048xf32>
    %max3A_59 = arith.maximumf %max3A_57, %max3A_58 : vector<256x2048xf32>
    %min3A = vector.broadcast %get3A_39 : vector<256x1xf32> to vector<256x2048xf32>
    %min3A_60 = vector.broadcast %get3A_13 : vector<1x2048xf32> to vector<256x2048xf32>
    %min3A_61 = arith.minimumf %min3A, %min3A_60 : vector<256x2048xf32>
    %min3A_62 = vector.broadcast %get3A_44 : vector<256x1xf32> to vector<256x2048xf32>
    %min3A_63 = vector.broadcast %get3A_18 : vector<1x2048xf32> to vector<256x2048xf32>
    %min3A_64 = arith.minimumf %min3A_62, %min3A_63 : vector<256x2048xf32>
    %sub3A_65 = arith.subf %min3A_61, %max3A_56 : vector<256x2048xf32>
    %max3A_66 = arith.constant 0.000000e+00 : f32
    %max3A_67 = vector.broadcast %max3A_66 : f32 to vector<256x2048xf32>
    %max3A_68 = arith.maximumf %sub3A_65, %max3A_67 : vector<256x2048xf32>
    %sub3A_69 = arith.subf %min3A_64, %max3A_59 : vector<256x2048xf32>
    %max3A_70 = arith.constant 0.000000e+00 : f32
    %max3A_71 = vector.broadcast %max3A_70 : f32 to vector<256x2048xf32>
    %max3A_72 = arith.maximumf %sub3A_69, %max3A_71 : vector<256x2048xf32>
    %mul3A_73 = arith.mulf %max3A_68, %max3A_72 : vector<256x2048xf32>
    %add3A = vector.broadcast %mul3A_53 : vector<256x1xf32> to vector<256x2048xf32>
    %add3A_74 = vector.broadcast %mul3A : vector<1x2048xf32> to vector<256x2048xf32>
    %add3A_75 = arith.addf %add3A, %add3A_74 : vector<256x2048xf32>
    %sub3A_76 = arith.subf %add3A_75, %mul3A_73 : vector<256x2048xf32>
    %add3A_77 = arith.constant 9.99999971E-10 : f32
    %add3A_78 = vector.broadcast %add3A_77 : f32 to vector<256x2048xf32>
    %add3A_79 = arith.addf %sub3A_76, %add3A_78 : vector<256x2048xf32>
    %div3A = arith.divf %mul3A_73, %add3A_79 : vector<256x2048xf32>
    %iota3A_80 = tpu.iota {dimensions = array<i32: 0>} : vector<256x1xi32>
    %add3A_81 = arith.constant 0 : i32
    %add3A_82 = vector.broadcast %add3A_81 : i32 to vector<256x1xi32>
    %add3A_83 = arith.addi %add3A_82, %iota3A_80 : vector<256x1xi32>
    %gt3A = arith.constant 8.000000e-01 : f32
    %gt3A_84 = vector.broadcast %gt3A : f32 to vector<256x2048xf32>
    %gt3A_85 = arith.cmpf ogt, %div3A, %gt3A_84 : vector<256x2048xf32>
    %gt3A_86 = vector.broadcast %iota3A : vector<1x2048xi32> to vector<256x2048xi32>
    %gt3A_87 = vector.broadcast %add3A_83 : vector<256x1xi32> to vector<256x2048xi32>
    %gt3A_88 = arith.cmpi sgt, %gt3A_86, %gt3A_87 : vector<256x2048xi32>
    %and3A = arith.andi %gt3A_85, %gt3A_88 : vector<256x2048xi1>
    %jit3A = arith.constant 1.000000e+00 : f32
    %jit3A_89 = arith.constant 0.000000e+00 : f32
    %broadcast_in_dim3A = vector.broadcast %jit3A : f32 to vector<256x2048xf32>
    %broadcast_in_dim3A_90 = vector.broadcast %jit3A_89 : f32 to vector<256x2048xf32>
    %select_n3A = arith.select %and3A, %broadcast_in_dim3A, %broadcast_in_dim3A_90 : vector<256x2048xi1>, vector<256x2048xf32>
    %swap3A = arith.constant 0 : index
    %swap3A_91 = arith.constant 0 : index
    %swap3A_92 = vector.load %arg4[%swap3A, %swap3A_91] : memref<2048x2048xf32, #tpu.memory_space<vmem>>, vector<256x2048xf32>
    tpu.vector_store %arg4[%swap3A, %swap3A_91], %select_n3A {strides = array<i32>} : memref<2048x2048xf32, #tpu.memory_space<vmem>>, vector<256x2048xf32>,
    %get3A_93 = arith.constant 0 : index
    %get3A_94 = arith.constant 256 : index
    %get3A_95 = arith.constant 0 : index
    %get3A_96 = vector.load %arg2[%get3A_93, %get3A_94, %get3A_95] : memref<1x2048x4xf32, #tpu.memory_space<vmem>>, vector<1x256x1xf32>
    %get3A_97 = vector.shape_cast %get3A_96 : vector<1x256x1xf32> to vector<256x1xf32>
    %get3A_98 = arith.constant 0 : index
    %get3A_99 = arith.constant 256 : index
    %get3A_100 = arith.constant 1 : index
    %get3A_101 = vector.load %arg2[%get3A_98, %get3A_99, %get3A_100] : memref<1x2048x4xf32, #tpu.memory_space<vmem>>, vector<1x256x1xf32>
    %get3A_102 = vector.shape_cast %get3A_101 : vector<1x256x1xf32> to vector<256x1xf32>
    %get3A_103 = arith.constant 0 : index
    %get3A_104 = arith.constant 256 : index
    %get3A_105 = arith.constant 2 : index
    %get3A_106 = vector.load %arg2[%get3A_103, %get3A_104, %get3A_105] : memref<1x2048x4xf32, #tpu.memory_space<vmem>>, vector<1x256x1xf32>
    %get3A_107 = vector.shape_cast %get3A_106 : vector<1x256x1xf32> to vector<256x1xf32>
    %get3A_108 = arith.constant 0 : index
    %get3A_109 = arith.constant 256 : index
    %get3A_110 = arith.constant 3 : index
    %get3A_111 = vector.load %arg2[%get3A_108, %get3A_109, %get3A_110] : memref<1x2048x4xf32, #tpu.memory_space<vmem>>, vector<1x256x1xf32>
    %get3A_112 = vector.shape_cast %get3A_111 : vector<1x256x1xf32> to vector<256x1xf32>
    %sub3A_113 = arith.subf %get3A_107, %get3A_97 : vector<256x1xf32>
    %max3A_114 = arith.constant 0.000000e+00 : f32
    %max3A_115 = vector.broadcast %max3A_114 : f32 to vector<256x1xf32>
    %max3A_116 = arith.maximumf %sub3A_113, %max3A_115 : vector<256x1xf32>
    %sub3A_117 = arith.subf %get3A_112, %get3A_102 : vector<256x1xf32>
    %max3A_118 = arith.constant 0.000000e+00 : f32
    %max3A_119 = vector.broadcast %max3A_118 : f32 to vector<256x1xf32>
    %max3A_120 = arith.maximumf %sub3A_117, %max3A_119 : vector<256x1xf32>
    %mul3A_121 = arith.mulf %max3A_116, %max3A_120 : vector<256x1xf32>
    %max3A_122 = vector.broadcast %get3A_97 : vector<256x1xf32> to vector<256x2048xf32>
    %max3A_123 = vector.broadcast %get3A_3 : vector<1x2048xf32> to vector<256x2048xf32>
    %max3A_124 = arith.maximumf %max3A_122, %max3A_123 : vector<256x2048xf32>
    %max3A_125 = vector.broadcast %get3A_102 : vector<256x1xf32> to vector<256x2048xf32>
    %max3A_126 = vector.broadcast %get3A_8 : vector<1x2048xf32> to vector<256x2048xf32>
    %max3A_127 = arith.maximumf %max3A_125, %max3A_126 : vector<256x2048xf32>
    %min3A_128 = vector.broadcast %get3A_107 : vector<256x1xf32> to vector<256x2048xf32>
    %min3A_129 = vector.broadcast %get3A_13 : vector<1x2048xf32> to vector<256x2048xf32>
    %min3A_130 = arith.minimumf %min3A_128, %min3A_129 : vector<256x2048xf32>
    %min3A_131 = vector.broadcast %get3A_112 : vector<256x1xf32> to vector<256x2048xf32>
    %min3A_132 = vector.broadcast %get3A_18 : vector<1x2048xf32> to vector<256x2048xf32>
    %min3A_133 = arith.minimumf %min3A_131, %min3A_132 : vector<256x2048xf32>
    %sub3A_134 = arith.subf %min3A_130, %max3A_124 : vector<256x2048xf32>
    %max3A_135 = arith.constant 0.000000e+00 : f32
    %max3A_136 = vector.broadcast %max3A_135 : f32 to vector<256x2048xf32>
    %max3A_137 = arith.maximumf %sub3A_134, %max3A_136 : vector<256x2048xf32>
    %sub3A_138 = arith.subf %min3A_133, %max3A_127 : vector<256x2048xf32>
    %max3A_139 = arith.constant 0.000000e+00 : f32
    %max3A_140 = vector.broadcast %max3A_139 : f32 to vector<256x2048xf32>
    %max3A_141 = arith.maximumf %sub3A_138, %max3A_140 : vector<256x2048xf32>
    %mul3A_142 = arith.mulf %max3A_137, %max3A_141 : vector<256x2048xf32>
    %add3A_143 = vector.broadcast %mul3A_121 : vector<256x1xf32> to vector<256x2048xf32>
    %add3A_144 = vector.broadcast %mul3A : vector<1x2048xf32> to vector<256x2048xf32>
    %add3A_145 = arith.addf %add3A_143, %add3A_144 : vector<256x2048xf32>
    %sub3A_146 = arith.subf %add3A_145, %mul3A_142 : vector<256x2048xf32>
    %add3A_147 = arith.constant 9.99999971E-10 : f32
    %add3A_148 = vector.broadcast %add3A_147 : f32 to vector<256x2048xf32>
    %add3A_149 = arith.addf %sub3A_146, %add3A_148 : vector<256x2048xf32>
    %div3A_150 = arith.divf %mul3A_142, %add3A_149 : vector<256x2048xf32>
    %iota3A_151 = tpu.iota {dimensions = array<i32: 0>} : vector<256x1xi32>
    %add3A_152 = arith.constant 256 : i32
    %add3A_153 = vector.broadcast %add3A_152 : i32 to vector<256x1xi32>
    %add3A_154 = arith.addi %add3A_153, %iota3A_151 : vector<256x1xi32>
    %gt3A_155 = arith.constant 8.000000e-01 : f32
    %gt3A_156 = vector.broadcast %gt3A_155 : f32 to vector<256x2048xf32>
    %gt3A_157 = arith.cmpf ogt, %div3A_150, %gt3A_156 : vector<256x2048xf32>
    %gt3A_158 = vector.broadcast %iota3A : vector<1x2048xi32> to vector<256x2048xi32>
    %gt3A_159 = vector.broadcast %add3A_154 : vector<256x1xi32> to vector<256x2048xi32>
    %gt3A_160 = arith.cmpi sgt, %gt3A_158, %gt3A_159 : vector<256x2048xi32>
    %and3A_161 = arith.andi %gt3A_157, %gt3A_160 : vector<256x2048xi1>
    %jit3A_162 = arith.constant 1.000000e+00 : f32
    %jit3A_163 = arith.constant 0.000000e+00 : f32
    %broadcast_in_dim3A_164 = vector.broadcast %jit3A_162 : f32 to vector<256x2048xf32>
    %broadcast_in_dim3A_165 = vector.broadcast %jit3A_163 : f32 to vector<256x2048xf32>
    %select_n3A_166 = arith.select %and3A_161, %broadcast_in_dim3A_164, %broadcast_in_dim3A_165 : vector<256x2048xi1>, vector<256x2048xf32>
    %swap3A_167 = arith.constant 256 : index
    %swap3A_168 = arith.constant 0 : index
    %swap3A_169 = vector.load %arg4[%swap3A_167, %swap3A_168] : memref<2048x2048xf32, #tpu.memory_space<vmem>>, vector<256x2048xf32>
    tpu.vector_store %arg4[%swap3A_167, %swap3A_168], %select_n3A_166 {strides = array<i32>} : memref<2048x2048xf32, #tpu.memory_space<vmem>>, vector<256x2048xf32>,
    %get3A_170 = arith.constant 0 : index
    %get3A_171 = arith.constant 512 : index
    %get3A_172 = arith.constant 0 : index
    %get3A_173 = vector.load %arg2[%get3A_170, %get3A_171, %get3A_172] : memref<1x2048x4xf32, #tpu.memory_space<vmem>>, vector<1x256x1xf32>
    %get3A_174 = vector.shape_cast %get3A_173 : vector<1x256x1xf32> to vector<256x1xf32>
    %get3A_175 = arith.constant 0 : index
    %get3A_176 = arith.constant 512 : index
    %get3A_177 = arith.constant 1 : index
    %get3A_178 = vector.load %arg2[%get3A_175, %get3A_176, %get3A_177] : memref<1x2048x4xf32, #tpu.memory_space<vmem>>, vector<1x256x1xf32>
    %get3A_179 = vector.shape_cast %get3A_178 : vector<1x256x1xf32> to vector<256x1xf32>
    %get3A_180 = arith.constant 0 : index
    %get3A_181 = arith.constant 512 : index
    %get3A_182 = arith.constant 2 : index
    %get3A_183 = vector.load %arg2[%get3A_180, %get3A_181, %get3A_182] : memref<1x2048x4xf32, #tpu.memory_space<vmem>>, vector<1x256x1xf32>
    %get3A_184 = vector.shape_cast %get3A_183 : vector<1x256x1xf32> to vector<256x1xf32>
    %get3A_185 = arith.constant 0 : index
    %get3A_186 = arith.constant 512 : index
    %get3A_187 = arith.constant 3 : index
    %get3A_188 = vector.load %arg2[%get3A_185, %get3A_186, %get3A_187] : memref<1x2048x4xf32, #tpu.memory_space<vmem>>, vector<1x256x1xf32>
    %get3A_189 = vector.shape_cast %get3A_188 : vector<1x256x1xf32> to vector<256x1xf32>
    %sub3A_190 = arith.subf %get3A_184, %get3A_174 : vector<256x1xf32>
    %max3A_191 = arith.constant 0.000000e+00 : f32
    %max3A_192 = vector.broadcast %max3A_191 : f32 to vector<256x1xf32>
    %max3A_193 = arith.maximumf %sub3A_190, %max3A_192 : vector<256x1xf32>
    %sub3A_194 = arith.subf %get3A_189, %get3A_179 : vector<256x1xf32>
    %max3A_195 = arith.constant 0.000000e+00 : f32
    %max3A_196 = vector.broadcast %max3A_195 : f32 to vector<256x1xf32>
    %max3A_197 = arith.maximumf %sub3A_194, %max3A_196 : vector<256x1xf32>
    %mul3A_198 = arith.mulf %max3A_193, %max3A_197 : vector<256x1xf32>
    %max3A_199 = vector.broadcast %get3A_174 : vector<256x1xf32> to vector<256x2048xf32>
    %max3A_200 = vector.broadcast %get3A_3 : vector<1x2048xf32> to vector<256x2048xf32>
    %max3A_201 = arith.maximumf %max3A_199, %max3A_200 : vector<256x2048xf32>
    %max3A_202 = vector.broadcast %get3A_179 : vector<256x1xf32> to vector<256x2048xf32>
    %max3A_203 = vector.broadcast %get3A_8 : vector<1x2048xf32> to vector<256x2048xf32>
    %max3A_204 = arith.maximumf %max3A_202, %max3A_203 : vector<256x2048xf32>
    %min3A_205 = vector.broadcast %get3A_184 : vector<256x1xf32> to vector<256x2048xf32>
    %min3A_206 = vector.broadcast %get3A_13 : vector<1x2048xf32> to vector<256x2048xf32>
    %min3A_207 = arith.minimumf %min3A_205, %min3A_206 : vector<256x2048xf32>
    %min3A_208 = vector.broadcast %get3A_189 : vector<256x1xf32> to vector<256x2048xf32>
    %min3A_209 = vector.broadcast %get3A_18 : vector<1x2048xf32> to vector<256x2048xf32>
    %min3A_210 = arith.minimumf %min3A_208, %min3A_209 : vector<256x2048xf32>
    %sub3A_211 = arith.subf %min3A_207, %max3A_201 : vector<256x2048xf32>
    %max3A_212 = arith.constant 0.000000e+00 : f32
    %max3A_213 = vector.broadcast %max3A_212 : f32 to vector<256x2048xf32>
    %max3A_214 = arith.maximumf %sub3A_211, %max3A_213 : vector<256x2048xf32>
    %sub3A_215 = arith.subf %min3A_210, %max3A_204 : vector<256x2048xf32>
    %max3A_216 = arith.constant 0.000000e+00 : f32
    %max3A_217 = vector.broadcast %max3A_216 : f32 to vector<256x2048xf32>
    %max3A_218 = arith.maximumf %sub3A_215, %max3A_217 : vector<256x2048xf32>
    %mul3A_219 = arith.mulf %max3A_214, %max3A_218 : vector<256x2048xf32>
    %add3A_220 = vector.broadcast %mul3A_198 : vector<256x1xf32> to vector<256x2048xf32>
    %add3A_221 = vector.broadcast %mul3A : vector<1x2048xf32> to vector<256x2048xf32>
    %add3A_222 = arith.addf %add3A_220, %add3A_221 : vector<256x2048xf32>
    %sub3A_223 = arith.subf %add3A_222, %mul3A_219 : vector<256x2048xf32>
    %add3A_224 = arith.constant 9.99999971E-10 : f32
    %add3A_225 = vector.broadcast %add3A_224 : f32 to vector<256x2048xf32>
    %add3A_226 = arith.addf %sub3A_223, %add3A_225 : vector<256x2048xf32>
    %div3A_227 = arith.divf %mul3A_219, %add3A_226 : vector<256x2048xf32>
    %iota3A_228 = tpu.iota {dimensions = array<i32: 0>} : vector<256x1xi32>
    %add3A_229 = arith.constant 512 : i32
    %add3A_230 = vector.broadcast %add3A_229 : i32 to vector<256x1xi32>
    %add3A_231 = arith.addi %add3A_230, %iota3A_228 : vector<256x1xi32>
    %gt3A_232 = arith.constant 8.000000e-01 : f32
    %gt3A_233 = vector.broadcast %gt3A_232 : f32 to vector<256x2048xf32>
    %gt3A_234 = arith.cmpf ogt, %div3A_227, %gt3A_233 : vector<256x2048xf32>
    %gt3A_235 = vector.broadcast %iota3A : vector<1x2048xi32> to vector<256x2048xi32>
    %gt3A_236 = vector.broadcast %add3A_231 : vector<256x1xi32> to vector<256x2048xi32>
    %gt3A_237 = arith.cmpi sgt, %gt3A_235, %gt3A_236 : vector<256x2048xi32>
    %and3A_238 = arith.andi %gt3A_234, %gt3A_237 : vector<256x2048xi1>
    %jit3A_239 = arith.constant 1.000000e+00 : f32
    %jit3A_240 = arith.constant 0.000000e+00 : f32
    %broadcast_in_dim3A_241 = vector.broadcast %jit3A_239 : f32 to vector<256x2048xf32>
    %broadcast_in_dim3A_242 = vector.broadcast %jit3A_240 : f32 to vector<256x2048xf32>
    %select_n3A_243 = arith.select %and3A_238, %broadcast_in_dim3A_241, %broadcast_in_dim3A_242 : vector<256x2048xi1>, vector<256x2048xf32>
    %swap3A_244 = arith.constant 512 : index
    %swap3A_245 = arith.constant 0 : index
    %swap3A_246 = vector.load %arg4[%swap3A_244, %swap3A_245] : memref<2048x2048xf32, #tpu.memory_space<vmem>>, vector<256x2048xf32>
    tpu.vector_store %arg4[%swap3A_244, %swap3A_245], %select_n3A_243 {strides = array<i32>} : memref<2048x2048xf32, #tpu.memory_space<vmem>>, vector<256x2048xf32>,
    %get3A_247 = arith.constant 0 : index
    %get3A_248 = arith.constant 768 : index
    %get3A_249 = arith.constant 0 : index
    %get3A_250 = vector.load %arg2[%get3A_247, %get3A_248, %get3A_249] : memref<1x2048x4xf32, #tpu.memory_space<vmem>>, vector<1x256x1xf32>
    %get3A_251 = vector.shape_cast %get3A_250 : vector<1x256x1xf32> to vector<256x1xf32>
    %get3A_252 = arith.constant 0 : index
    %get3A_253 = arith.constant 768 : index
    %get3A_254 = arith.constant 1 : index
    %get3A_255 = vector.load %arg2[%get3A_252, %get3A_253, %get3A_254] : memref<1x2048x4xf32, #tpu.memory_space<vmem>>, vector<1x256x1xf32>
    %get3A_256 = vector.shape_cast %get3A_255 : vector<1x256x1xf32> to vector<256x1xf32>
    %get3A_257 = arith.constant 0 : index
    %get3A_258 = arith.constant 768 : index
    %get3A_259 = arith.constant 2 : index
    %get3A_260 = vector.load %arg2[%get3A_257, %get3A_258, %get3A_259] : memref<1x2048x4xf32, #tpu.memory_space<vmem>>, vector<1x256x1xf32>
    %get3A_261 = vector.shape_cast %get3A_260 : vector<1x256x1xf32> to vector<256x1xf32>
    %get3A_262 = arith.constant 0 : index
    %get3A_263 = arith.constant 768 : index
    %get3A_264 = arith.constant 3 : index
    %get3A_265 = vector.load %arg2[%get3A_262, %get3A_263, %get3A_264] : memref<1x2048x4xf32, #tpu.memory_space<vmem>>, vector<1x256x1xf32>
    %get3A_266 = vector.shape_cast %get3A_265 : vector<1x256x1xf32> to vector<256x1xf32>
    %sub3A_267 = arith.subf %get3A_261, %get3A_251 : vector<256x1xf32>
    %max3A_268 = arith.constant 0.000000e+00 : f32
    %max3A_269 = vector.broadcast %max3A_268 : f32 to vector<256x1xf32>
    %max3A_270 = arith.maximumf %sub3A_267, %max3A_269 : vector<256x1xf32>
    %sub3A_271 = arith.subf %get3A_266, %get3A_256 : vector<256x1xf32>
    %max3A_272 = arith.constant 0.000000e+00 : f32
    %max3A_273 = vector.broadcast %max3A_272 : f32 to vector<256x1xf32>
    %max3A_274 = arith.maximumf %sub3A_271, %max3A_273 : vector<256x1xf32>
    %mul3A_275 = arith.mulf %max3A_270, %max3A_274 : vector<256x1xf32>
    %max3A_276 = vector.broadcast %get3A_251 : vector<256x1xf32> to vector<256x2048xf32>
    %max3A_277 = vector.broadcast %get3A_3 : vector<1x2048xf32> to vector<256x2048xf32>
    %max3A_278 = arith.maximumf %max3A_276, %max3A_277 : vector<256x2048xf32>
    %max3A_279 = vector.broadcast %get3A_256 : vector<256x1xf32> to vector<256x2048xf32>
    %max3A_280 = vector.broadcast %get3A_8 : vector<1x2048xf32> to vector<256x2048xf32>
    %max3A_281 = arith.maximumf %max3A_279, %max3A_280 : vector<256x2048xf32>
    %min3A_282 = vector.broadcast %get3A_261 : vector<256x1xf32> to vector<256x2048xf32>
    %min3A_283 = vector.broadcast %get3A_13 : vector<1x2048xf32> to vector<256x2048xf32>
    %min3A_284 = arith.minimumf %min3A_282, %min3A_283 : vector<256x2048xf32>
    %min3A_285 = vector.broadcast %get3A_266 : vector<256x1xf32> to vector<256x2048xf32>
    %min3A_286 = vector.broadcast %get3A_18 : vector<1x2048xf32> to vector<256x2048xf32>
    %min3A_287 = arith.minimumf %min3A_285, %min3A_286 : vector<256x2048xf32>
    %sub3A_288 = arith.subf %min3A_284, %max3A_278 : vector<256x2048xf32>
    %max3A_289 = arith.constant 0.000000e+00 : f32
    %max3A_290 = vector.broadcast %max3A_289 : f32 to vector<256x2048xf32>
    %max3A_291 = arith.maximumf %sub3A_288, %max3A_290 : vector<256x2048xf32>
    %sub3A_292 = arith.subf %min3A_287, %max3A_281 : vector<256x2048xf32>
    %max3A_293 = arith.constant 0.000000e+00 : f32
    %max3A_294 = vector.broadcast %max3A_293 : f32 to vector<256x2048xf32>
    %max3A_295 = arith.maximumf %sub3A_292, %max3A_294 : vector<256x2048xf32>
    %mul3A_296 = arith.mulf %max3A_291, %max3A_295 : vector<256x2048xf32>
    %add3A_297 = vector.broadcast %mul3A_275 : vector<256x1xf32> to vector<256x2048xf32>
    %add3A_298 = vector.broadcast %mul3A : vector<1x2048xf32> to vector<256x2048xf32>
    %add3A_299 = arith.addf %add3A_297, %add3A_298 : vector<256x2048xf32>
    %sub3A_300 = arith.subf %add3A_299, %mul3A_296 : vector<256x2048xf32>
    %add3A_301 = arith.constant 9.99999971E-10 : f32
    %add3A_302 = vector.broadcast %add3A_301 : f32 to vector<256x2048xf32>
    %add3A_303 = arith.addf %sub3A_300, %add3A_302 : vector<256x2048xf32>
    %div3A_304 = arith.divf %mul3A_296, %add3A_303 : vector<256x2048xf32>
    %iota3A_305 = tpu.iota {dimensions = array<i32: 0>} : vector<256x1xi32>
    %add3A_306 = arith.constant 768 : i32
    %add3A_307 = vector.broadcast %add3A_306 : i32 to vector<256x1xi32>
    %add3A_308 = arith.addi %add3A_307, %iota3A_305 : vector<256x1xi32>
    %gt3A_309 = arith.constant 8.000000e-01 : f32
    %gt3A_310 = vector.broadcast %gt3A_309 : f32 to vector<256x2048xf32>
    %gt3A_311 = arith.cmpf ogt, %div3A_304, %gt3A_310 : vector<256x2048xf32>
    %gt3A_312 = vector.broadcast %iota3A : vector<1x2048xi32> to vector<256x2048xi32>
    %gt3A_313 = vector.broadcast %add3A_308 : vector<256x1xi32> to vector<256x2048xi32>
    %gt3A_314 = arith.cmpi sgt, %gt3A_312, %gt3A_313 : vector<256x2048xi32>
    %and3A_315 = arith.andi %gt3A_311, %gt3A_314 : vector<256x2048xi1>
    %jit3A_316 = arith.constant 1.000000e+00 : f32
    %jit3A_317 = arith.constant 0.000000e+00 : f32
    %broadcast_in_dim3A_318 = vector.broadcast %jit3A_316 : f32 to vector<256x2048xf32>
    %broadcast_in_dim3A_319 = vector.broadcast %jit3A_317 : f32 to vector<256x2048xf32>
    %select_n3A_320 = arith.select %and3A_315, %broadcast_in_dim3A_318, %broadcast_in_dim3A_319 : vector<256x2048xi1>, vector<256x2048xf32>
    %swap3A_321 = arith.constant 768 : index
    %swap3A_322 = arith.constant 0 : index
    %swap3A_323 = vector.load %arg4[%swap3A_321, %swap3A_322] : memref<2048x2048xf32, #tpu.memory_space<vmem>>, vector<256x2048xf32>
    tpu.vector_store %arg4[%swap3A_321, %swap3A_322], %select_n3A_320 {strides = array<i32>} : memref<2048x2048xf32, #tpu.memory_space<vmem>>, vector<256x2048xf32>,
    %get3A_324 = arith.constant 0 : index
    %get3A_325 = arith.constant 1024 : index
    %get3A_326 = arith.constant 0 : index
    %get3A_327 = vector.load %arg2[%get3A_324, %get3A_325, %get3A_326] : memref<1x2048x4xf32, #tpu.memory_space<vmem>>, vector<1x256x1xf32>
    %get3A_328 = vector.shape_cast %get3A_327 : vector<1x256x1xf32> to vector<256x1xf32>
    %get3A_329 = arith.constant 0 : index
    %get3A_330 = arith.constant 1024 : index
    %get3A_331 = arith.constant 1 : index
    %get3A_332 = vector.load %arg2[%get3A_329, %get3A_330, %get3A_331] : memref<1x2048x4xf32, #tpu.memory_space<vmem>>, vector<1x256x1xf32>
    %get3A_333 = vector.shape_cast %get3A_332 : vector<1x256x1xf32> to vector<256x1xf32>
    %get3A_334 = arith.constant 0 : index
    %get3A_335 = arith.constant 1024 : index
    %get3A_336 = arith.constant 2 : index
    %get3A_337 = vector.load %arg2[%get3A_334, %get3A_335, %get3A_336] : memref<1x2048x4xf32, #tpu.memory_space<vmem>>, vector<1x256x1xf32>
    %get3A_338 = vector.shape_cast %get3A_337 : vector<1x256x1xf32> to vector<256x1xf32>
    %get3A_339 = arith.constant 0 : index
    %get3A_340 = arith.constant 1024 : index
    %get3A_341 = arith.constant 3 : index
    %get3A_342 = vector.load %arg2[%get3A_339, %get3A_340, %get3A_341] : memref<1x2048x4xf32, #tpu.memory_space<vmem>>, vector<1x256x1xf32>
    %get3A_343 = vector.shape_cast %get3A_342 : vector<1x256x1xf32> to vector<256x1xf32>
    %sub3A_344 = arith.subf %get3A_338, %get3A_328 : vector<256x1xf32>
    %max3A_345 = arith.constant 0.000000e+00 : f32
    %max3A_346 = vector.broadcast %max3A_345 : f32 to vector<256x1xf32>
    %max3A_347 = arith.maximumf %sub3A_344, %max3A_346 : vector<256x1xf32>
    %sub3A_348 = arith.subf %get3A_343, %get3A_333 : vector<256x1xf32>
    %max3A_349 = arith.constant 0.000000e+00 : f32
    %max3A_350 = vector.broadcast %max3A_349 : f32 to vector<256x1xf32>
    %max3A_351 = arith.maximumf %sub3A_348, %max3A_350 : vector<256x1xf32>
    %mul3A_352 = arith.mulf %max3A_347, %max3A_351 : vector<256x1xf32>
    %max3A_353 = vector.broadcast %get3A_328 : vector<256x1xf32> to vector<256x2048xf32>
    %max3A_354 = vector.broadcast %get3A_3 : vector<1x2048xf32> to vector<256x2048xf32>
    %max3A_355 = arith.maximumf %max3A_353, %max3A_354 : vector<256x2048xf32>
    %max3A_356 = vector.broadcast %get3A_333 : vector<256x1xf32> to vector<256x2048xf32>
    %max3A_357 = vector.broadcast %get3A_8 : vector<1x2048xf32> to vector<256x2048xf32>
    %max3A_358 = arith.maximumf %max3A_356, %max3A_357 : vector<256x2048xf32>
    %min3A_359 = vector.broadcast %get3A_338 : vector<256x1xf32> to vector<256x2048xf32>
    %min3A_360 = vector.broadcast %get3A_13 : vector<1x2048xf32> to vector<256x2048xf32>
    %min3A_361 = arith.minimumf %min3A_359, %min3A_360 : vector<256x2048xf32>
    %min3A_362 = vector.broadcast %get3A_343 : vector<256x1xf32> to vector<256x2048xf32>
    %min3A_363 = vector.broadcast %get3A_18 : vector<1x2048xf32> to vector<256x2048xf32>
    %min3A_364 = arith.minimumf %min3A_362, %min3A_363 : vector<256x2048xf32>
    %sub3A_365 = arith.subf %min3A_361, %max3A_355 : vector<256x2048xf32>
    %max3A_366 = arith.constant 0.000000e+00 : f32
    %max3A_367 = vector.broadcast %max3A_366 : f32 to vector<256x2048xf32>
    %max3A_368 = arith.maximumf %sub3A_365, %max3A_367 : vector<256x2048xf32>
    %sub3A_369 = arith.subf %min3A_364, %max3A_358 : vector<256x2048xf32>
    %max3A_370 = arith.constant 0.000000e+00 : f32
    %max3A_371 = vector.broadcast %max3A_370 : f32 to vector<256x2048xf32>
    %max3A_372 = arith.maximumf %sub3A_369, %max3A_371 : vector<256x2048xf32>
    %mul3A_373 = arith.mulf %max3A_368, %max3A_372 : vector<256x2048xf32>
    %add3A_374 = vector.broadcast %mul3A_352 : vector<256x1xf32> to vector<256x2048xf32>
    %add3A_375 = vector.broadcast %mul3A : vector<1x2048xf32> to vector<256x2048xf32>
    %add3A_376 = arith.addf %add3A_374, %add3A_375 : vector<256x2048xf32>
    %sub3A_377 = arith.subf %add3A_376, %mul3A_373 : vector<256x2048xf32>
    %add3A_378 = arith.constant 9.99999971E-10 : f32
    %add3A_379 = vector.broadcast %add3A_378 : f32 to vector<256x2048xf32>
    %add3A_380 = arith.addf %sub3A_377, %add3A_379 : vector<256x2048xf32>
    %div3A_381 = arith.divf %mul3A_373, %add3A_380 : vector<256x2048xf32>
    %iota3A_382 = tpu.iota {dimensions = array<i32: 0>} : vector<256x1xi32>
    %add3A_383 = arith.constant 1024 : i32
    %add3A_384 = vector.broadcast %add3A_383 : i32 to vector<256x1xi32>
    %add3A_385 = arith.addi %add3A_384, %iota3A_382 : vector<256x1xi32>
    %gt3A_386 = arith.constant 8.000000e-01 : f32
    %gt3A_387 = vector.broadcast %gt3A_386 : f32 to vector<256x2048xf32>
    %gt3A_388 = arith.cmpf ogt, %div3A_381, %gt3A_387 : vector<256x2048xf32>
    %gt3A_389 = vector.broadcast %iota3A : vector<1x2048xi32> to vector<256x2048xi32>
    %gt3A_390 = vector.broadcast %add3A_385 : vector<256x1xi32> to vector<256x2048xi32>
    %gt3A_391 = arith.cmpi sgt, %gt3A_389, %gt3A_390 : vector<256x2048xi32>
    %and3A_392 = arith.andi %gt3A_388, %gt3A_391 : vector<256x2048xi1>
    %jit3A_393 = arith.constant 1.000000e+00 : f32
    %jit3A_394 = arith.constant 0.000000e+00 : f32
    %broadcast_in_dim3A_395 = vector.broadcast %jit3A_393 : f32 to vector<256x2048xf32>
    %broadcast_in_dim3A_396 = vector.broadcast %jit3A_394 : f32 to vector<256x2048xf32>
    %select_n3A_397 = arith.select %and3A_392, %broadcast_in_dim3A_395, %broadcast_in_dim3A_396 : vector<256x2048xi1>, vector<256x2048xf32>
    %swap3A_398 = arith.constant 1024 : index
    %swap3A_399 = arith.constant 0 : index
    %swap3A_400 = vector.load %arg4[%swap3A_398, %swap3A_399] : memref<2048x2048xf32, #tpu.memory_space<vmem>>, vector<256x2048xf32>
    tpu.vector_store %arg4[%swap3A_398, %swap3A_399], %select_n3A_397 {strides = array<i32>} : memref<2048x2048xf32, #tpu.memory_space<vmem>>, vector<256x2048xf32>,
    %get3A_401 = arith.constant 0 : index
    %get3A_402 = arith.constant 1280 : index
    %get3A_403 = arith.constant 0 : index
    %get3A_404 = vector.load %arg2[%get3A_401, %get3A_402, %get3A_403] : memref<1x2048x4xf32, #tpu.memory_space<vmem>>, vector<1x256x1xf32>
    %get3A_405 = vector.shape_cast %get3A_404 : vector<1x256x1xf32> to vector<256x1xf32>
    %get3A_406 = arith.constant 0 : index
    %get3A_407 = arith.constant 1280 : index
    %get3A_408 = arith.constant 1 : index
    %get3A_409 = vector.load %arg2[%get3A_406, %get3A_407, %get3A_408] : memref<1x2048x4xf32, #tpu.memory_space<vmem>>, vector<1x256x1xf32>
    %get3A_410 = vector.shape_cast %get3A_409 : vector<1x256x1xf32> to vector<256x1xf32>
    %get3A_411 = arith.constant 0 : index
    %get3A_412 = arith.constant 1280 : index
    %get3A_413 = arith.constant 2 : index
    %get3A_414 = vector.load %arg2[%get3A_411, %get3A_412, %get3A_413] : memref<1x2048x4xf32, #tpu.memory_space<vmem>>, vector<1x256x1xf32>
    %get3A_415 = vector.shape_cast %get3A_414 : vector<1x256x1xf32> to vector<256x1xf32>
    %get3A_416 = arith.constant 0 : index
    %get3A_417 = arith.constant 1280 : index
    %get3A_418 = arith.constant 3 : index
    %get3A_419 = vector.load %arg2[%get3A_416, %get3A_417, %get3A_418] : memref<1x2048x4xf32, #tpu.memory_space<vmem>>, vector<1x256x1xf32>
    %get3A_420 = vector.shape_cast %get3A_419 : vector<1x256x1xf32> to vector<256x1xf32>
    %sub3A_421 = arith.subf %get3A_415, %get3A_405 : vector<256x1xf32>
    %max3A_422 = arith.constant 0.000000e+00 : f32
    %max3A_423 = vector.broadcast %max3A_422 : f32 to vector<256x1xf32>
    %max3A_424 = arith.maximumf %sub3A_421, %max3A_423 : vector<256x1xf32>
    %sub3A_425 = arith.subf %get3A_420, %get3A_410 : vector<256x1xf32>
    %max3A_426 = arith.constant 0.000000e+00 : f32
    %max3A_427 = vector.broadcast %max3A_426 : f32 to vector<256x1xf32>
    %max3A_428 = arith.maximumf %sub3A_425, %max3A_427 : vector<256x1xf32>
    %mul3A_429 = arith.mulf %max3A_424, %max3A_428 : vector<256x1xf32>
    %max3A_430 = vector.broadcast %get3A_405 : vector<256x1xf32> to vector<256x2048xf32>
    %max3A_431 = vector.broadcast %get3A_3 : vector<1x2048xf32> to vector<256x2048xf32>
    %max3A_432 = arith.maximumf %max3A_430, %max3A_431 : vector<256x2048xf32>
    %max3A_433 = vector.broadcast %get3A_410 : vector<256x1xf32> to vector<256x2048xf32>
    %max3A_434 = vector.broadcast %get3A_8 : vector<1x2048xf32> to vector<256x2048xf32>
    %max3A_435 = arith.maximumf %max3A_433, %max3A_434 : vector<256x2048xf32>
    %min3A_436 = vector.broadcast %get3A_415 : vector<256x1xf32> to vector<256x2048xf32>
    %min3A_437 = vector.broadcast %get3A_13 : vector<1x2048xf32> to vector<256x2048xf32>
    %min3A_438 = arith.minimumf %min3A_436, %min3A_437 : vector<256x2048xf32>
    %min3A_439 = vector.broadcast %get3A_420 : vector<256x1xf32> to vector<256x2048xf32>
    %min3A_440 = vector.broadcast %get3A_18 : vector<1x2048xf32> to vector<256x2048xf32>
    %min3A_441 = arith.minimumf %min3A_439, %min3A_440 : vector<256x2048xf32>
    %sub3A_442 = arith.subf %min3A_438, %max3A_432 : vector<256x2048xf32>
    %max3A_443 = arith.constant 0.000000e+00 : f32
    %max3A_444 = vector.broadcast %max3A_443 : f32 to vector<256x2048xf32>
    %max3A_445 = arith.maximumf %sub3A_442, %max3A_444 : vector<256x2048xf32>
    %sub3A_446 = arith.subf %min3A_441, %max3A_435 : vector<256x2048xf32>
    %max3A_447 = arith.constant 0.000000e+00 : f32
    %max3A_448 = vector.broadcast %max3A_447 : f32 to vector<256x2048xf32>
    %max3A_449 = arith.maximumf %sub3A_446, %max3A_448 : vector<256x2048xf32>
    %mul3A_450 = arith.mulf %max3A_445, %max3A_449 : vector<256x2048xf32>
    %add3A_451 = vector.broadcast %mul3A_429 : vector<256x1xf32> to vector<256x2048xf32>
    %add3A_452 = vector.broadcast %mul3A : vector<1x2048xf32> to vector<256x2048xf32>
    %add3A_453 = arith.addf %add3A_451, %add3A_452 : vector<256x2048xf32>
    %sub3A_454 = arith.subf %add3A_453, %mul3A_450 : vector<256x2048xf32>
    %add3A_455 = arith.constant 9.99999971E-10 : f32
    %add3A_456 = vector.broadcast %add3A_455 : f32 to vector<256x2048xf32>
    %add3A_457 = arith.addf %sub3A_454, %add3A_456 : vector<256x2048xf32>
    %div3A_458 = arith.divf %mul3A_450, %add3A_457 : vector<256x2048xf32>
    %iota3A_459 = tpu.iota {dimensions = array<i32: 0>} : vector<256x1xi32>
    %add3A_460 = arith.constant 1280 : i32
    %add3A_461 = vector.broadcast %add3A_460 : i32 to vector<256x1xi32>
    %add3A_462 = arith.addi %add3A_461, %iota3A_459 : vector<256x1xi32>
    %gt3A_463 = arith.constant 8.000000e-01 : f32
    %gt3A_464 = vector.broadcast %gt3A_463 : f32 to vector<256x2048xf32>
    %gt3A_465 = arith.cmpf ogt, %div3A_458, %gt3A_464 : vector<256x2048xf32>
    %gt3A_466 = vector.broadcast %iota3A : vector<1x2048xi32> to vector<256x2048xi32>
    %gt3A_467 = vector.broadcast %add3A_462 : vector<256x1xi32> to vector<256x2048xi32>
    %gt3A_468 = arith.cmpi sgt, %gt3A_466, %gt3A_467 : vector<256x2048xi32>
    %and3A_469 = arith.andi %gt3A_465, %gt3A_468 : vector<256x2048xi1>
    %jit3A_470 = arith.constant 1.000000e+00 : f32
    %jit3A_471 = arith.constant 0.000000e+00 : f32
    %broadcast_in_dim3A_472 = vector.broadcast %jit3A_470 : f32 to vector<256x2048xf32>
    %broadcast_in_dim3A_473 = vector.broadcast %jit3A_471 : f32 to vector<256x2048xf32>
    %select_n3A_474 = arith.select %and3A_469, %broadcast_in_dim3A_472, %broadcast_in_dim3A_473 : vector<256x2048xi1>, vector<256x2048xf32>
    %swap3A_475 = arith.constant 1280 : index
    %swap3A_476 = arith.constant 0 : index
    %swap3A_477 = vector.load %arg4[%swap3A_475, %swap3A_476] : memref<2048x2048xf32, #tpu.memory_space<vmem>>, vector<256x2048xf32>
    tpu.vector_store %arg4[%swap3A_475, %swap3A_476], %select_n3A_474 {strides = array<i32>} : memref<2048x2048xf32, #tpu.memory_space<vmem>>, vector<256x2048xf32>,
    %get3A_478 = arith.constant 0 : index
    %get3A_479 = arith.constant 1536 : index
    %get3A_480 = arith.constant 0 : index
    %get3A_481 = vector.load %arg2[%get3A_478, %get3A_479, %get3A_480] : memref<1x2048x4xf32, #tpu.memory_space<vmem>>, vector<1x256x1xf32>
    %get3A_482 = vector.shape_cast %get3A_481 : vector<1x256x1xf32> to vector<256x1xf32>
    %get3A_483 = arith.constant 0 : index
    %get3A_484 = arith.constant 1536 : index
    %get3A_485 = arith.constant 1 : index
    %get3A_486 = vector.load %arg2[%get3A_483, %get3A_484, %get3A_485] : memref<1x2048x4xf32, #tpu.memory_space<vmem>>, vector<1x256x1xf32>
    %get3A_487 = vector.shape_cast %get3A_486 : vector<1x256x1xf32> to vector<256x1xf32>
    %get3A_488 = arith.constant 0 : index
    %get3A_489 = arith.constant 1536 : index
    %get3A_490 = arith.constant 2 : index
    %get3A_491 = vector.load %arg2[%get3A_488, %get3A_489, %get3A_490] : memref<1x2048x4xf32, #tpu.memory_space<vmem>>, vector<1x256x1xf32>
    %get3A_492 = vector.shape_cast %get3A_491 : vector<1x256x1xf32> to vector<256x1xf32>
    %get3A_493 = arith.constant 0 : index
    %get3A_494 = arith.constant 1536 : index
    %get3A_495 = arith.constant 3 : index
    %get3A_496 = vector.load %arg2[%get3A_493, %get3A_494, %get3A_495] : memref<1x2048x4xf32, #tpu.memory_space<vmem>>, vector<1x256x1xf32>
    %get3A_497 = vector.shape_cast %get3A_496 : vector<1x256x1xf32> to vector<256x1xf32>
    %sub3A_498 = arith.subf %get3A_492, %get3A_482 : vector<256x1xf32>
    %max3A_499 = arith.constant 0.000000e+00 : f32
    %max3A_500 = vector.broadcast %max3A_499 : f32 to vector<256x1xf32>
    %max3A_501 = arith.maximumf %sub3A_498, %max3A_500 : vector<256x1xf32>
    %sub3A_502 = arith.subf %get3A_497, %get3A_487 : vector<256x1xf32>
    %max3A_503 = arith.constant 0.000000e+00 : f32
    %max3A_504 = vector.broadcast %max3A_503 : f32 to vector<256x1xf32>
    %max3A_505 = arith.maximumf %sub3A_502, %max3A_504 : vector<256x1xf32>
    %mul3A_506 = arith.mulf %max3A_501, %max3A_505 : vector<256x1xf32>
    %max3A_507 = vector.broadcast %get3A_482 : vector<256x1xf32> to vector<256x2048xf32>
    %max3A_508 = vector.broadcast %get3A_3 : vector<1x2048xf32> to vector<256x2048xf32>
    %max3A_509 = arith.maximumf %max3A_507, %max3A_508 : vector<256x2048xf32>
    %max3A_510 = vector.broadcast %get3A_487 : vector<256x1xf32> to vector<256x2048xf32>
    %max3A_511 = vector.broadcast %get3A_8 : vector<1x2048xf32> to vector<256x2048xf32>
    %max3A_512 = arith.maximumf %max3A_510, %max3A_511 : vector<256x2048xf32>
    %min3A_513 = vector.broadcast %get3A_492 : vector<256x1xf32> to vector<256x2048xf32>
    %min3A_514 = vector.broadcast %get3A_13 : vector<1x2048xf32> to vector<256x2048xf32>
    %min3A_515 = arith.minimumf %min3A_513, %min3A_514 : vector<256x2048xf32>
    %min3A_516 = vector.broadcast %get3A_497 : vector<256x1xf32> to vector<256x2048xf32>
    %min3A_517 = vector.broadcast %get3A_18 : vector<1x2048xf32> to vector<256x2048xf32>
    %min3A_518 = arith.minimumf %min3A_516, %min3A_517 : vector<256x2048xf32>
    %sub3A_519 = arith.subf %min3A_515, %max3A_509 : vector<256x2048xf32>
    %max3A_520 = arith.constant 0.000000e+00 : f32
    %max3A_521 = vector.broadcast %max3A_520 : f32 to vector<256x2048xf32>
    %max3A_522 = arith.maximumf %sub3A_519, %max3A_521 : vector<256x2048xf32>
    %sub3A_523 = arith.subf %min3A_518, %max3A_512 : vector<256x2048xf32>
    %max3A_524 = arith.constant 0.000000e+00 : f32
    %max3A_525 = vector.broadcast %max3A_524 : f32 to vector<256x2048xf32>
    %max3A_526 = arith.maximumf %sub3A_523, %max3A_525 : vector<256x2048xf32>
    %mul3A_527 = arith.mulf %max3A_522, %max3A_526 : vector<256x2048xf32>
    %add3A_528 = vector.broadcast %mul3A_506 : vector<256x1xf32> to vector<256x2048xf32>
    %add3A_529 = vector.broadcast %mul3A : vector<1x2048xf32> to vector<256x2048xf32>
    %add3A_530 = arith.addf %add3A_528, %add3A_529 : vector<256x2048xf32>
    %sub3A_531 = arith.subf %add3A_530, %mul3A_527 : vector<256x2048xf32>
    %add3A_532 = arith.constant 9.99999971E-10 : f32
    %add3A_533 = vector.broadcast %add3A_532 : f32 to vector<256x2048xf32>
    %add3A_534 = arith.addf %sub3A_531, %add3A_533 : vector<256x2048xf32>
    %div3A_535 = arith.divf %mul3A_527, %add3A_534 : vector<256x2048xf32>
    %iota3A_536 = tpu.iota {dimensions = array<i32: 0>} : vector<256x1xi32>
    %add3A_537 = arith.constant 1536 : i32
    %add3A_538 = vector.broadcast %add3A_537 : i32 to vector<256x1xi32>
    %add3A_539 = arith.addi %add3A_538, %iota3A_536 : vector<256x1xi32>
    %gt3A_540 = arith.constant 8.000000e-01 : f32
    %gt3A_541 = vector.broadcast %gt3A_540 : f32 to vector<256x2048xf32>
    %gt3A_542 = arith.cmpf ogt, %div3A_535, %gt3A_541 : vector<256x2048xf32>
    %gt3A_543 = vector.broadcast %iota3A : vector<1x2048xi32> to vector<256x2048xi32>
    %gt3A_544 = vector.broadcast %add3A_539 : vector<256x1xi32> to vector<256x2048xi32>
    %gt3A_545 = arith.cmpi sgt, %gt3A_543, %gt3A_544 : vector<256x2048xi32>
    %and3A_546 = arith.andi %gt3A_542, %gt3A_545 : vector<256x2048xi1>
    %jit3A_547 = arith.constant 1.000000e+00 : f32
    %jit3A_548 = arith.constant 0.000000e+00 : f32
    %broadcast_in_dim3A_549 = vector.broadcast %jit3A_547 : f32 to vector<256x2048xf32>
    %broadcast_in_dim3A_550 = vector.broadcast %jit3A_548 : f32 to vector<256x2048xf32>
    %select_n3A_551 = arith.select %and3A_546, %broadcast_in_dim3A_549, %broadcast_in_dim3A_550 : vector<256x2048xi1>, vector<256x2048xf32>
    %swap3A_552 = arith.constant 1536 : index
    %swap3A_553 = arith.constant 0 : index
    %swap3A_554 = vector.load %arg4[%swap3A_552, %swap3A_553] : memref<2048x2048xf32, #tpu.memory_space<vmem>>, vector<256x2048xf32>
    tpu.vector_store %arg4[%swap3A_552, %swap3A_553], %select_n3A_551 {strides = array<i32>} : memref<2048x2048xf32, #tpu.memory_space<vmem>>, vector<256x2048xf32>,
    %get3A_555 = arith.constant 0 : index
    %get3A_556 = arith.constant 1792 : index
    %get3A_557 = arith.constant 0 : index
    %get3A_558 = vector.load %arg2[%get3A_555, %get3A_556, %get3A_557] : memref<1x2048x4xf32, #tpu.memory_space<vmem>>, vector<1x256x1xf32>
    %get3A_559 = vector.shape_cast %get3A_558 : vector<1x256x1xf32> to vector<256x1xf32>
    %get3A_560 = arith.constant 0 : index
    %get3A_561 = arith.constant 1792 : index
    %get3A_562 = arith.constant 1 : index
    %get3A_563 = vector.load %arg2[%get3A_560, %get3A_561, %get3A_562] : memref<1x2048x4xf32, #tpu.memory_space<vmem>>, vector<1x256x1xf32>
    %get3A_564 = vector.shape_cast %get3A_563 : vector<1x256x1xf32> to vector<256x1xf32>
    %get3A_565 = arith.constant 0 : index
    %get3A_566 = arith.constant 1792 : index
    %get3A_567 = arith.constant 2 : index
    %get3A_568 = vector.load %arg2[%get3A_565, %get3A_566, %get3A_567] : memref<1x2048x4xf32, #tpu.memory_space<vmem>>, vector<1x256x1xf32>
    %get3A_569 = vector.shape_cast %get3A_568 : vector<1x256x1xf32> to vector<256x1xf32>
    %get3A_570 = arith.constant 0 : index
    %get3A_571 = arith.constant 1792 : index
    %get3A_572 = arith.constant 3 : index
    %get3A_573 = vector.load %arg2[%get3A_570, %get3A_571, %get3A_572] : memref<1x2048x4xf32, #tpu.memory_space<vmem>>, vector<1x256x1xf32>
    %get3A_574 = vector.shape_cast %get3A_573 : vector<1x256x1xf32> to vector<256x1xf32>
    %sub3A_575 = arith.subf %get3A_569, %get3A_559 : vector<256x1xf32>
    %max3A_576 = arith.constant 0.000000e+00 : f32
    %max3A_577 = vector.broadcast %max3A_576 : f32 to vector<256x1xf32>
    %max3A_578 = arith.maximumf %sub3A_575, %max3A_577 : vector<256x1xf32>
    %sub3A_579 = arith.subf %get3A_574, %get3A_564 : vector<256x1xf32>
    %max3A_580 = arith.constant 0.000000e+00 : f32
    %max3A_581 = vector.broadcast %max3A_580 : f32 to vector<256x1xf32>
    %max3A_582 = arith.maximumf %sub3A_579, %max3A_581 : vector<256x1xf32>
    %mul3A_583 = arith.mulf %max3A_578, %max3A_582 : vector<256x1xf32>
    %max3A_584 = vector.broadcast %get3A_559 : vector<256x1xf32> to vector<256x2048xf32>
    %max3A_585 = vector.broadcast %get3A_3 : vector<1x2048xf32> to vector<256x2048xf32>
    %max3A_586 = arith.maximumf %max3A_584, %max3A_585 : vector<256x2048xf32>
    %max3A_587 = vector.broadcast %get3A_564 : vector<256x1xf32> to vector<256x2048xf32>
    %max3A_588 = vector.broadcast %get3A_8 : vector<1x2048xf32> to vector<256x2048xf32>
    %max3A_589 = arith.maximumf %max3A_587, %max3A_588 : vector<256x2048xf32>
    %min3A_590 = vector.broadcast %get3A_569 : vector<256x1xf32> to vector<256x2048xf32>
    %min3A_591 = vector.broadcast %get3A_13 : vector<1x2048xf32> to vector<256x2048xf32>
    %min3A_592 = arith.minimumf %min3A_590, %min3A_591 : vector<256x2048xf32>
    %min3A_593 = vector.broadcast %get3A_574 : vector<256x1xf32> to vector<256x2048xf32>
    %min3A_594 = vector.broadcast %get3A_18 : vector<1x2048xf32> to vector<256x2048xf32>
    %min3A_595 = arith.minimumf %min3A_593, %min3A_594 : vector<256x2048xf32>
    %sub3A_596 = arith.subf %min3A_592, %max3A_586 : vector<256x2048xf32>
    %max3A_597 = arith.constant 0.000000e+00 : f32
    %max3A_598 = vector.broadcast %max3A_597 : f32 to vector<256x2048xf32>
    %max3A_599 = arith.maximumf %sub3A_596, %max3A_598 : vector<256x2048xf32>
    %sub3A_600 = arith.subf %min3A_595, %max3A_589 : vector<256x2048xf32>
    %max3A_601 = arith.constant 0.000000e+00 : f32
    %max3A_602 = vector.broadcast %max3A_601 : f32 to vector<256x2048xf32>
    %max3A_603 = arith.maximumf %sub3A_600, %max3A_602 : vector<256x2048xf32>
    %mul3A_604 = arith.mulf %max3A_599, %max3A_603 : vector<256x2048xf32>
    %add3A_605 = vector.broadcast %mul3A_583 : vector<256x1xf32> to vector<256x2048xf32>
    %add3A_606 = vector.broadcast %mul3A : vector<1x2048xf32> to vector<256x2048xf32>
    %add3A_607 = arith.addf %add3A_605, %add3A_606 : vector<256x2048xf32>
    %sub3A_608 = arith.subf %add3A_607, %mul3A_604 : vector<256x2048xf32>
    %add3A_609 = arith.constant 9.99999971E-10 : f32
    %add3A_610 = vector.broadcast %add3A_609 : f32 to vector<256x2048xf32>
    %add3A_611 = arith.addf %sub3A_608, %add3A_610 : vector<256x2048xf32>
    %div3A_612 = arith.divf %mul3A_604, %add3A_611 : vector<256x2048xf32>
    %iota3A_613 = tpu.iota {dimensions = array<i32: 0>} : vector<256x1xi32>
    %add3A_614 = arith.constant 1792 : i32
    %add3A_615 = vector.broadcast %add3A_614 : i32 to vector<256x1xi32>
    %add3A_616 = arith.addi %add3A_615, %iota3A_613 : vector<256x1xi32>
    %gt3A_617 = arith.constant 8.000000e-01 : f32
    %gt3A_618 = vector.broadcast %gt3A_617 : f32 to vector<256x2048xf32>
    %gt3A_619 = arith.cmpf ogt, %div3A_612, %gt3A_618 : vector<256x2048xf32>
    %gt3A_620 = vector.broadcast %iota3A : vector<1x2048xi32> to vector<256x2048xi32>
    %gt3A_621 = vector.broadcast %add3A_616 : vector<256x1xi32> to vector<256x2048xi32>
    %gt3A_622 = arith.cmpi sgt, %gt3A_620, %gt3A_621 : vector<256x2048xi32>
    %and3A_623 = arith.andi %gt3A_619, %gt3A_622 : vector<256x2048xi1>
    %jit3A_624 = arith.constant 1.000000e+00 : f32
    %jit3A_625 = arith.constant 0.000000e+00 : f32
    %broadcast_in_dim3A_626 = vector.broadcast %jit3A_624 : f32 to vector<256x2048xf32>
    %broadcast_in_dim3A_627 = vector.broadcast %jit3A_625 : f32 to vector<256x2048xf32>
    %select_n3A_628 = arith.select %and3A_623, %broadcast_in_dim3A_626, %broadcast_in_dim3A_627 : vector<256x2048xi1>, vector<256x2048xf32>
    %swap3A_629 = arith.constant 1792 : index
    %swap3A_630 = arith.constant 0 : index
    %swap3A_631 = vector.load %arg4[%swap3A_629, %swap3A_630] : memref<2048x2048xf32, #tpu.memory_space<vmem>>, vector<256x2048xf32>
    tpu.vector_store %arg4[%swap3A_629, %swap3A_630], %select_n3A_628 {strides = array<i32>} : memref<2048x2048xf32, #tpu.memory_space<vmem>>, vector<256x2048xf32>,
    %broadcast_in_dim3A_632 = arith.constant 1.000000e+00 : f32
    %broadcast_in_dim3A_633 = vector.broadcast %broadcast_in_dim3A_632 : f32 to vector<8x2048xf32>
    %while3A = arith.constant true
    %while3A_634:2 = scf.while (%while3A_639 = %broadcast_in_dim3A_633, %while3A_640 = %while3A) : (vector<8x2048xf32>, i1) -> (vector<8x2048xf32>, i1) {
      scf.condition(%while3A_640) %while3A_639, %while3A_640 : vector<8x2048xf32>, i1
    } do {
    ^bb0(%while3A_639: vector<8x2048xf32>, %while3A_640: i1):
      %get3A_641 = arith.constant 0 : index
      %get3A_642 = arith.constant 0 : index
      %get3A_643 = vector.load %arg4[%get3A_641, %get3A_642] : memref<2048x2048xf32, #tpu.memory_space<vmem>>, vector<2048x2048xf32>
      %dot_general3A = arith.constant dense<0.000000e+00> : vector<8x2048xf32>
      %dot_general3A_644 = tpu.matmul %while3A_639, %get3A_643, %dot_general3A {dimension_numbers = #tpu.dot_dimension_numbers<[1], [0], [0], [1], [0, 0, 1, 1], [], []>, transpose_lhs_hint = false} : vector<8x2048xf32>, vector<2048x2048xf32>, vector<8x2048xf32> -> vector<8x2048xf32>
      %gt3A_645 = arith.constant 5.000000e-01 : f32
      %gt3A_646 = vector.broadcast %gt3A_645 : f32 to vector<8x2048xf32>
      %gt3A_647 = arith.cmpf ogt, %dot_general3A_644, %gt3A_646 : vector<8x2048xf32>
      %jit3A_648 = arith.constant 0.000000e+00 : f32
      %jit3A_649 = arith.constant 1.000000e+00 : f32
      %broadcast_in_dim3A_650 = vector.broadcast %jit3A_648 : f32 to vector<8x2048xf32>
      %broadcast_in_dim3A_651 = vector.broadcast %jit3A_649 : f32 to vector<8x2048xf32>
      %select_n3A_652 = arith.select %gt3A_647, %broadcast_in_dim3A_650, %broadcast_in_dim3A_651 : vector<8x2048xi1>, vector<8x2048xf32>
      %sub3A_653 = arith.subf %select_n3A_652, %while3A_639 : vector<8x2048xf32>
      %abs3A = math.absf %sub3A_653 : vector<8x2048xf32>
      %reduce_sum3A = vector.shape_cast %abs3A : vector<8x2048xf32> to vector<1x8x2048xf32>
      %reduce_sum3A_654 = arith.constant dense<0.000000e+00> : vector<1xf32>
      %reduce_sum3A_655 = vector.multi_reduction <add>, %reduce_sum3A, %reduce_sum3A_654 [1, 2] : vector<1x8x2048xf32> to vector<1xf32>
      %reduce_sum3A_656 = vector.shape_cast %reduce_sum3A_655 : vector<1xf32> to vector<1x1x1xf32>
      %reduce_sum3A_657 = vector.extract %reduce_sum3A_656[0, 0, 0] : f32 from vector<1x1x1xf32>
      %gt3A_658 = arith.constant 0.000000e+00 : f32
      %gt3A_659 = arith.cmpf ogt, %reduce_sum3A_657, %gt3A_658 : f32
      scf.yield %select_n3A_652, %gt3A_659 : vector<8x2048xf32>, i1
    }
    %slice3A = vector.extract_strided_slice %while3A_634#0 {offsets = [0, 0], sizes = [1, 2048], strides = [1, 1]} : vector<8x2048xf32> to vector<1x2048xf32>
    %reshape3A = vector.shape_cast %slice3A : vector<1x2048xf32> to vector<1x1x2048xf32>
    %swap3A_635 = arith.constant 0 : index
    %swap3A_636 = arith.constant 0 : index
    %swap3A_637 = arith.constant 0 : index
    %swap3A_638 = vector.load %arg3[%swap3A_635, %swap3A_636, %swap3A_637] : memref<1x1x2048xf32, #tpu.memory_space<vmem>>, vector<1x1x2048xf32>
    tpu.vector_store %arg3[%swap3A_635, %swap3A_636, %swap3A_637], %reshape3A {strides = array<i32>} : memref<1x1x2048xf32, #tpu.memory_space<vmem>>, vector<1x1x2048xf32>,
    return
  }
  func.func @transform_0(%arg0: i32) -> (i32, i32, i32) {
    %c0_i32 = arith.constant 0 : i32
    %c0_i32_0 = arith.constant 0 : i32
    %c0_i32_1 = arith.constant 0 : i32
    return %arg0, %c0_i32, %c0_i32_0 : i32, i32, i32
  }
  func.func @transform_1(%arg0: i32) -> (i32, i32, i32) {
    %c0_i32 = arith.constant 0 : i32
    %c0_i32_0 = arith.constant 0 : i32
    %c0_i32_1 = arith.constant 0 : i32
    return %arg0, %c0_i32, %c0_i32_0 : i32, i32, i32
  }
  func.func @transform_2(%arg0: i32) -> (i32, i32, i32) {
    %c0_i32 = arith.constant 0 : i32
    %c0_i32_0 = arith.constant 0 : i32
    %c0_i32_1 = arith.constant 0 : i32
    return %arg0, %c0_i32, %c0_i32_0 : i32, i32, i32
  }
}

</mosaic_0001>

<sc_bundles>
// kernel: gather_offload_async_start.10
scs
__scs_entry_jumppad:
0x0: {  	(pc) =	sbr.rel $0x88, $3  }
0x1: {  	(tag) =	ssettag $0x0;
	lr =	simm.s32 $0x1  }
0x2: {  	[smem:$0x3F96] =	sst lr;
	_ =	strace $0xD0000000  }
0x3: {  	_ = 	snop  }
0x4: {  	_ = 	snop  }
0x5: {  	_ = 	snop  }
0x6: {  	_ = 	snop  }
0x7: {  	_ = 	snop  }
__scs_overlays_trampoline_lowered:
0x8: {  	[smem:$0x3FA5] =	sst s0  }
0x9: {  	[smem:$0x3FA6] =	sst s1  }
0xa: {  	[smem:$0x3FA7] =	sst s2  }
0xb: {  	[smem:$0x3FA8] =	sst s3  }
0xc: {  	[smem:$0x3FA9] =	sst s4  }
0xd: {  	[smem:$0x3FAA] =	sst s5  }
0xe: {  	[smem:$0x3FAB] =	sst s6  }
0xf: {  	[smem:$0x3FAC] =	sst s7  }
0x10: {  	[smem:$0x3FAD] =	sst s8  }
0x11: {  	[smem:$0x3FAE] =	sst s9;
	s0 =	simm.s32 @!p0 $0x0  }
0x12: {  	s1 =	sld [smem:$0x3F94];
	s0 =	simm.s32 @p0 $0x1  }
0x13: {  	[smem:$0x3FAF] =	sst s0;
	s0 =	simm.s32 @!p1 $0x0  }
0x14: {  	s2 =	sld [smem:$0x3F93];
	s0 =	simm.s32 @p1 $0x1  }
0x15: {  	[smem:$0x3FB0] =	sst s0;
	s0 =	simm.s32 @!p2 $0x0  }
0x16: {  	s3 =	sld [smem:$0x3FDB];
	s0 =	simm.s32 @p2 $0x1  }
0x17: {  	s4 =	simm.s32 $0x1BF5;
	[smem:$0x3FB2] =	sst s0  }
0x18: {  	s0 =	sld [smem:$0x3F95];
	_ =	swait.ge [sflag:s4], $0x0  }
0x19: {  	s7 =	sld [smem:$0x3F96]  }
0x1a: {  	s8 =	sadd.s32 $0xFFFFE003, lr  }
0x1b: {  	s9 =	sadd.s32 $0xFFFFFEF7, lr;
	s5 =	simm.s32 $0xFFFFFFFF;
	p2 =	slt.u32 s8, $0xFFFFF086  }
0x1c: {  	p1 =	slt.u32 s9, $0xF7A;
	s5 =	simm.s32 @!p2 $0x0  }
0x1d: {  	s5 =	simm.s32 @p1 $0x1;
	p0 =	seq.s32 s7, s2  }
0x1e: {  	s7 =	smul.u32 @!p0 $0xF7A, s2;
	p2 =	seq.s32 @!p0 s5, $0x0  }
0x1f: {  	s9 =	smul.u32 $0xF7A, s1;
	s8 =	simm.s32 @!p0 $0x1BF5;
	p2 =	por !p2, p0  }
0x20: {  	[sflag:s8] =	ssyncset.s32 @!p0 $0xFFFFF086;
	s6 =	sadd.s32 @!p0 s3, s7;
	s7 =	simm.s32 @!p0 $0x108  }
0x21: {  	s3 =	sadd.s32 s3, s9;
	s6 =	sadd.s32 @!p0 $0x88, s6;
	s7 =	simm.s32 @p2 $0x1082  }
0x22: {  	[simem:s7], [sflag:s8] =	dma.local @!p0 [hbm:s6], $0xF7A  }
0x23: {  	s9 =	sor.u32 $0xD0000000, s2;
	s6 =	simm.s32 $0x108;
	_ =	swait.ge @!p0 [sflag:s8], $0x0  }
0x24: {  	s3 =	sadd.s32 $0x88, s3;
	s6 =	simm.s32 @!p1 $0x1082;
	[sflag:s4] =	ssyncset.s32 $0xFFFFF086  }
0x25: {  	[simem:s6], [sflag:s4] =	dma.local [hbm:s3], $0xF7A  }
0x26: {  	[smem:$0x3F96] =	sst s1;
	(tag) =	ssettag s2;
	_ =	strace s9  }
0x27: {  	s1 =	sld [smem:$0x3FA6]  }
0x28: {  	s2 =	sld [smem:$0x3FA7]  }
0x29: {  	s4 =	sld [smem:$0x3FA9]  }
0x2a: {  	p0 =	seq.s32 s5, $0x0;
	s5 =	sld [smem:$0x3FAA]  }
0x2b: {  	s6 =	sld [smem:$0x3FAB]  }
0x2c: {  	s7 =	sld [smem:$0x3FAC]  }
0x2d: {  	s3 =	simm.s32 $0x108;
	s8 =	sld [smem:$0x3FAD]  }
0x2e: {  	s3 =	simm.s32 @!p0 $0x1082;
	s9 =	sld [smem:$0x3FAE]  }
0x2f: {  	lr =	sadd.s32 s0, s3;
	s0 =	sld [smem:$0x3FA5]  }
0x30: {  	s3 =	sld [smem:$0x3FA8]  }
0x31: {  	[smem:$0x3FB1] =	sst s10  }
0x32: {  	s10 =	sld [smem:$0x3FAF];
	_ =	sdelay $0x3  }
0x33: {  	p0 =	seq.s32 s10, $0x1;
	s10 =	sld [smem:$0x3FB1];
	_ =	sdelay $0x3  }
0x34: {  	[smem:$0x3FB1] =	sst s10  }
0x35: {  	s10 =	sld [smem:$0x3FB0];
	_ =	sdelay $0x3  }
0x36: {  	p1 =	seq.s32 s10, $0x1;
	s10 =	sld [smem:$0x3FB1];
	_ =	sdelay $0x3  }
0x37: {  	[smem:$0x3FB1] =	sst s10  }
0x38: {  	s10 =	sld [smem:$0x3FB2]  }
0x39: {  	_ = 	snop;
	(pc) =	sbr.ind lr, $3  }
0x3a: {  	_ = 	snop  }
0x3b: {  	_ = 	snop  }
0x3c: {  	p2 =	seq.s32 s10, $0x1;
	s10 =	sld [smem:$0x3FB1]  }
0x3d: {  	_ =	shalt  }
0x3e: {  	_ =	shalt  }
0x3f: {  	_ =	shalt  }
0x40: {  	_ =	shalt  }
0x41: {  	_ =	shalt  }
0x42: {  	_ =	shalt  }
0x43: {  	_ =	shalt  }
0x44: {  	_ =	shalt  }
0x45: {  	_ =	shalt  }
0x46: {  	_ =	shalt  }
0x47: {  	_ =	shalt  }
0x48: {  	_ =	shalt  }
0x49: {  	_ =	shalt  }
0x4a: {  	_ =	shalt  }
0x4b: {  	_ =	shalt  }
0x4c: {  	_ =	shalt  }
0x4d: {  	_ =	shalt  }
0x4e: {  	_ =	shalt  }
0x4f: {  	_ =	shalt  }
0x50: {  	_ =	shalt  }
0x51: {  	_ =	shalt  }
0x52: {  	_ =	shalt  }
0x53: {  	_ =	shalt  }
0x54: {  	_ =	shalt  }
0x55: {  	_ =	shalt  }
0x56: {  	_ =	shalt  }
0x57: {  	_ =	shalt  }
0x58: {  	_ =	shalt  }
0x59: {  	_ =	shalt  }
0x5a: {  	_ =	shalt  }
0x5b: {  	_ =	shalt  }
0x5c: {  	_ =	shalt  }
0x5d: {  	_ =	shalt  }
0x5e: {  	_ =	shalt  }
0x5f: {  	_ =	shalt  }
0x60: {  	_ =	shalt  }
0x61: {  	_ =	shalt  }
0x62: {  	_ =	shalt  }
0x63: {  	_ =	shalt  }
0x64: {  	_ =	shalt  }
0x65: {  	_ =	shalt  }
0x66: {  	_ =	shalt  }
0x67: {  	_ =	shalt  }
0x68: {  	_ =	shalt  }
0x69: {  	_ =	shalt  }
0x6a: {  	_ =	shalt  }
0x6b: {  	_ =	shalt  }
0x6c: {  	_ =	shalt  }
0x6d: {  	_ =	shalt  }
0x6e: {  	_ =	shalt  }
0x6f: {  	_ =	shalt  }
0x70: {  	_ =	shalt  }
0x71: {  	_ =	shalt  }
0x72: {  	_ =	shalt  }
0x73: {  	_ =	shalt  }
0x74: {  	_ =	shalt  }
0x75: {  	_ =	shalt  }
0x76: {  	_ =	shalt  }
0x77: {  	_ =	shalt  }
0x78: {  	_ =	shalt  }
0x79: {  	_ =	shalt  }
0x7a: {  	_ =	shalt  }
0x7b: {  	_ =	shalt  }
0x7c: {  	_ =	shalt  }
0x7d: {  	_ =	shalt  }
0x7e: {  	_ =	shalt  }
0x7f: {  	_ =	shalt  }
0x80: {  	_ =	shalt  }
0x81: {  	_ =	shalt  }
0x82: {  	_ =	shalt  }
0x83: {  	_ =	shalt  }
0x84: {  	_ =	shalt  }
0x85: {  	_ =	shalt  }
0x86: {  	_ =	shalt  }
0x87: {  	_ =	shalt  }
.Lfunc_end0:
.L_simem_size_0:
called_computation.10_lowered:
.L_overlay_start_0:
0x88: {  	s0 =	sld [smem:$0x3FD9]  }
0x89: {  	s1 =	sld [smem:$0x3FFE];
	_ =	sdelay $0x3  }
0x8a: {  	s0 =	sadd.s32 s1, s0  }
0x8b: {  	[smem:$0x3FBD] =	sst s0  }
0x8c: {  	_ = 	snop  }
0x8d: {  	(tm) =	ssettm $0x1  }
0x8e: {  	s15 =	sld [smem:$0x3FFB];
	_ =	sdelay $0x3  }
0x8f: {  	_ =	strace s15  }
0x90: {  	s0 =	sld [smem:$0x3FFC];
	_ =	sdelay $0x3  }
0x91: {  	_ =	strace s0  }
0x92: {  	s0 =	sld [smem:$0x3FFD];
	_ =	sdelay $0x3  }
0x93: {  	_ =	strace s0  }
0x94: {  	_ =	strace $0x8FFFFFFF  }
0x95: {  	s16 =	sld [smem:$0x3FDB];
	_ =	sdelay $0x1  }
0x96: {  	s17 =	simm.s32 $_scs_section_size  }
0x97: {  	s2 =	simm.s32 $_size__tile_overlayer_lowered;
	s3 =	simm.s32 $_tile_overlayer_lowered  }
0x98: {  	s20 =	simm.s32 $0x1BFF;
	s19 =	sshll.u32 s3, $0x1;
	s0 =	sadd.s32 s17, s16  }
0x99: {  	s4 =	simm.s32 $0x0;
	s18 =	sshll.u32 s2, $0x1;
	s2 =	sadd.s32 s19, s0  }
0x9a: {  	[timem:s4], [sflag:s20] =	dma.local [hbm:s2], s18  }
0x9b: {  	_ =	swait.ge [sflag:s20], s18  }
0x9c: {  	s1 =	ssub.s32 $0x0, s18;
	[sflag:s20] =	ssyncset.done $0x0  }
0x9d: {  	[sflag:s20] =	ssyncadd.s32 s1;
	_ =	sdelay $0x1  }
0x9e: {  	s21 =	simm.s32 $0x1B8B  }
0x9f: {  	_ =	swait.ge [sflag:s21], $0x1  }
0xa0: {  	[sflag:s21] =	ssyncset.done $0x0  }
0xa1: {  	s23 =	simm.s32 $0x1B8E;
	s22 =	sld [smem:$0x3FFE];
	[sflag:s21] =	ssyncadd.s32 $0xFFFFFFFF  }
0xa2: {  	s24 =	simm.s32 $execute0_lowered;
	[smem:$0x3FD2] =	sst s23  }
0xa3: {  	s2 =	sshll.u32 s24, $0x1;
	_ =	strace $0x80000058;
	[dreg:$0x1] =	wrdreg $0xFFFFFFFF  }
0xa4: {  	s25 =	simm.s32 $_size_execute0_lowered;
	s0 =	sadd.s32 s0, s2;
	[dreg:$0x0] =	wrdreg $0x0  }
0xa5: {  	s2 =	sshll.u32 s25, $0x1;
	[dreg:$0x2] =	wrdreg s0  }
0xa6: {  	[dreg:$0x3] =	wrdreg s2  }
0xa7: {  	[dreg:$0x4] =	wrdreg $0xC0  }
0xa8: {  	_ =	task [dreg:s4], $0x5FFFF  }
0xa9: {  	[dreg:$0x1] =	wrdreg $0xFFFFFFFF  }
0xaa: {  	[dreg:$0x0] =	wrdreg $0x60  }
0xab: {  	[dreg:$0x2] =	wrdreg s22  }
0xac: {  	[dreg:$0x3] =	wrdreg $0xB  }
0xad: {  	_ =	task.clear_ibuf [dreg:s4], $0x4FFFF;
	_ =	strace $0x90000058  }
0xae: {  	s26 =	simm.s32 $0xB;
	_ =	strace $0x8000005A  }
0xaf: {  	_ =	swait.ge [sflag:s26], $0x1  }
0xb0: {  	[sflag:s26] =	ssyncadd.s32 $0xFFFFFFFF  }
0xb1: {  	_ =	strace $0x9000005A  }
0xb2: {  	_ =	sfence  }
0xb3: {  	s28 =	sld [smem:$0x0];
	_ =	sdelay $0x1  }
0xb4: {  	s29 =	srdreg.scid  }
0xb5: {  	s30 =	sshll.u32 s29, $0xD;
	s31 =	sshrl.u32 s29, $0x2  }
0xb6: {  	s1 =	sand.u32 $0x1, s29;
	s2 =	sand.u32 $0x4000, s30;
	s0 =	sadd.s32 s31, s28  }
0xb7: {  	s1 =	sor.u32 s2, s1;
	s0 =	sshll.u32 s0, $0x11  }
0xb8: {  	s0 =	sor.u32 s0, s1  }
0xb9: {  	s0 =	sadd.s32 $0x8F2B, s0  }
0xba: {  	[sflag:s0] =	ssyncadd.remote.s32 $0x1  }
0xbb: {  	_ =	sfence.sel $0xFFFF  }
0xbc: {  	[dreg:$0x0] =	wrdreg $0xFFFFFFFF;
	(pc) =	sbr.abs _section_cstart, $3  }
0xbd: {  	[dreg:$0x1] =	wrdreg $0xFFFFFFFF  }
0xbe: {  	_ =	task.clear_ibuf [dreg:s4], $0x2FFFF;
	_ =	strace $0x9FFFFFFF  }
0xbf: {  	(tm) =	ssettm $0x7FFFFFFF  }
tec
execute0_lowered:
.L_overlay_start_1:
0x0: {  	(tag) =	ssettag $0x1  }
0x1: {  	s0 =	stileid.u32  }
0x2: {  	s1 =	smin.u32 s0, $0x9  }
0x3: {  	s1 =	sadd.s32 s0, s1  }
0x4: {  	p0 =	slt.u32 s0, $0x9;
	s2 =	smul.u32 $0x50, s1;
	s1 =	simm.s32 $0xA0  }
0x5: {  	s1 =	simm.s32 @!p0 $0x50  }
0x6: {  	s1 =	sadd.s32 s1, s2  }
0x7: {  	s3 =	smin.u32 s1, $0x7D0  }
0x8: {  	s7 =	ssub.s32 s3, s2  }
0x9: {  	p0 =	sgt.s32 s7, $0x0  }
0xa: {  	s7 =	simm.s32 @!p0 $0x0  }
0xb: {  	s31 =	smul.u32 $0xCCCD, s7  }
0xc: {  	s9 =	rddreg [dreg:$0x0];
	s6 =	simm.s32 $0x1;
	s11 =	simm.s32 $0x3  }
0xd: {  	s13 =	simm.s32 $0x0;
	s12 =	simm.s32 $0x0;
	s8 =	sshrl.u32 s31, $0x16  }
0xe: {  	s4 =	sadd.s32 $0x29C00, s9;
	s5 =	sadd.s32 $0xD000, s9;
	s10 =	smul.u32 $0x50, s8  }
.Ltmp0:
0xf: {  	s9 =	sadd.s32 $0xE400, s9;
	s1 =	rddreg [dreg:$0x1];
	(pc) =	sbr.rel .LBB2_1-.Ltmp0, $4  }
0x10: {  	_ =	strace $0x80000059;
	p0 =	sne.s32 s7, s10;
	s10 =	simm.s32 $0x1  }
0x11: {  	[sflag:s6] =	ssyncpa.u1 $0x0;
	s7 =	simm.s32 $0x2;
	s10 =	simm.s32 @!p0 $0x0  }
0x12: {  	[sflag:s7] =	ssyncpa.u1 $0x0;
	p0 =	por $0x0, $0x0;
	s8 =	sadd.s32 s8, s10  }
0x13: {  	vm0 =	vmmov $0xff;
	vm1 =	vcmask $0x3F20;
	[sflag:s11] =	ssyncpa.u1 $0x0;
	s11 =	smov.u32 s2;
	s10 =	sadd.s32 $0x1, s8  }
.LBB2_6:
0x14: {  	[hbm:s17] =	stream.linear.scatter [tilespmem:s14], [sflag:$0x3], $0x400, $0x38;
	[tilespmem:$0x50A0] =	vst v63  }
.LBB2_7:
0x15: {  	s13 =	sadd.s32 $0x50, s11  }
0x16: {  	s15 =	smov.u32 s2;
	p2 =	slt.s32 s13, s3  }
0x17: {  	s15 =	smov.u32 @p2 s13;
	p2 =	sne.s32 s12, s10  }
.Ltmp1:
0x18: {  	p1 =	slt.u32 s12, $0x2;
	(pc) =	sbr.rel @!p2 .LBB2_8-.Ltmp1, $4  }
0x19: {  	s14 =	simm.s32 @!p1 $0x3  }
0x1a: {  	s16 =	sadd.s32 $0x1, s12;
	_ =	swait.ge @!p1 [sflag:s14], $0x2800  }
0x1b: {  	p0 =	por !p0, !p0;
	s13 =	smov.u32 s11;
	[sflag:s14] =	ssyncset.done @!p1 $0x0  }
0x1c: {  	s12 =	smov.u32 s16;
	s11 =	smov.u32 s15;
	[sflag:s14] =	ssyncadd.s32 @!p1 $0xFFFFD800  }
.LBB2_1:
0x1d: {  	p1 =	sge.u32 s12, s8  }
0x1e: {  	s14 =	sxor.u32 @!p1 $0xFFFFFFFF, s12  }
0x1f: {  	s14 =	sand.u32 @!p1 $0x1, s14  }
0x20: {  	s14 =	smul.u32 @!p1 $0x140, s14  }
0x21: {  	s31 =	sadd.s32 $0xFFFFFFFF, s12;
	s15 =	sshrl.u32 @!p1 s11, $0x3  }
0x22: {  	s16 =	sand.u32 @!p1 $0x7, s11;
	s15 =	sadd.s32 @!p1 s5, s15;
	s14 =	sshrl.u32 @!p1 s14, $0x2  }
0x23: {  	[tilespmem:s14], [sflag:$0x2] =	stream.linear.gather @!p1 [hbm4b:s15+s16], $0x50, $0x38;
	[tilespmem:$0x50A0] =	vst v63  }
0x24: {  	p1 =	sge.u32 s31, s8  }
.Ltmp2:
0x25: {  	_ = 	snop;
	(pc) =	sbr.rel @p1 .LBB2_7-.Ltmp2, $1  }
0x26: {  	_ =	sdelay $0x3  }
0x27: {  	s14 =	simm.s32 $0x1  }
0x28: {  	s14 =	simm.s32 @!p0 $0x0  }
0x29: {  	s15 =	smul.u32 $0x140, s14  }
0x2a: {  	_ =	swait.ge [sflag:s7], $0x50  }
0x2b: {  	[sflag:s7] =	ssyncset.done $0x0;
	s16 =	sshrl.u32 s15, $0x2  }
0x2c: {  	[sflag:s7] =	ssyncadd.s32 $0xFFFFFFB0;
	s15 =	sadd.s32 $0x0, s16  }
0x2d: {  	v0 =	vld.msk [tilespmem:s15+$0x0 ss:$0x1], $0xffff;
	_ =	sdelay $0x4  }
0x2e: {  	vm2 =	vgt.s32 v0, $0x0  }
0x2f: {  	v0 =	vnsel vm2, $0x0, v0  }
0x30: {  	v0 =	vmin.u32 v0, $0xBFF  }
0x31: {  	v0 =	vshll.u32 v0, $0x4  }
0x32: {  	s14 =	smul.u32 $0xA000, s14;
	_ =	sdelay $0x1  }
0x33: {  	s14 =	sshrl.u32 s14, $0x2  }
0x34: {  	s14 =	sor.u32 $0xA0, s14  }
0x35: {  	[tilespmem:s14], [sflag:$0x1] =	stream.indirect_vreg.gather [hbm:s4], $0x80, v0, vm0, $0x38;
	[tilespmem:$0x50A0] =	vst v63  }
0x36: {  	s17 =	sadd.s32 $0x10, s16;
	s15 =	sadd.s32 $0x400, s14  }
0x37: {  	[tilespmem:s15], [sflag:$0x1] =	stream.indirect_vreg.gather [hbm:s4], $0x80, v0, vm1, $0x38;
	[tilespmem:$0x50A0] =	vst v63  }
0x38: {  	s18 =	simm.s32 $0x80;
	v0 =	vld.msk [tilespmem:s17+$0x0 ss:$0x1], $0xffff;
	s17 =	smov.u32 s14  }
.LBB2_3:
0x39: {  	p1 =	sne.s32 s18, $0x100;
	_ =	sdelay $0x4  }
0x3a: {  	vm2 =	vgt.s32 v0, $0x0  }
0x3b: {  	v0 =	vnsel vm2, $0x0, v0  }
0x3c: {  	v0 =	vmin.u32 v0, $0xBFF  }
0x3d: {  	v0 =	vshll.u32 v0, $0x4;
	_ =	sdelay $0x3  }
.Ltmp3:
0x3e: {  	s19 =	sshra.s32 s18, $0x2;
	s17 =	sadd.s32 $0x800, s17;
	(pc) =	sbr.rel @p1 .LBB2_3-.Ltmp3, $4  }
0x3f: {  	[tilespmem:s17], [sflag:$0x1] =	stream.indirect_vreg.gather [hbm:s4], $0x80, v0, vm0, $0x38;
	[tilespmem:$0x50A0] =	vst v63  }
0x40: {  	s19 =	sadd.s32 s19, s16;
	s20 =	sadd.s32 $0x400, s17  }
0x41: {  	[tilespmem:s20], [sflag:$0x1] =	stream.indirect_vreg.gather [hbm:s4], $0x80, v0, vm1, $0x38;
	[tilespmem:$0x50A0] =	vst v63  }
0x42: {  	s18 =	sadd.s32 $0x40, s18;
	v0 =	vld.msk [tilespmem:s19+$0x0 ss:$0x1], $0xffff  }
0x43: {  	_ =	sdelay $0x3  }
0x44: {  	vm2 =	vgt.s32 v0, $0x0  }
0x45: {  	v0 =	vnsel vm2, $0x0, v0  }
0x46: {  	v0 =	vmin.u32 v0, $0xBFF  }
0x47: {  	v0 =	vshll.u32 v0, $0x4;
	_ =	sdelay $0x3  }
0x48: {  	s16 =	sadd.s32 $0x800, s17  }
0x49: {  	[tilespmem:s16], [sflag:$0x1] =	stream.indirect_vreg.gather [hbm:s4], $0x80, v0, vm0, $0x38;
	[tilespmem:$0x50A0] =	vst v63  }
0x4a: {  	s16 =	sadd.s32 $0x400, s16  }
0x4b: {  	[tilespmem:s16], [sflag:$0x1] =	stream.indirect_vreg.gather [hbm:s4], $0x80, v0, vm1, $0x38;
	[tilespmem:$0x50A0] =	vst v63  }
0x4c: {  	s13 =	sshll.u32 s13, $0x4;
	_ =	swait.ge [sflag:s6], $0x2800  }
0x4d: {  	s13 =	sadd.s32 s13, s9;
	[sflag:s6] =	ssyncset.done $0x0  }
0x4e: {  	s17 =	sadd.s32 $0x0, s13;
	s16 =	simm.s32 $0x80;
	[sflag:s6] =	ssyncadd.s32 $0xFFFFD800  }
.LBB2_5:
0x4f: {  	[hbm:s17] =	stream.linear.scatter [tilespmem:s14], [sflag:$0x3], $0x400, $0x38;
	[tilespmem:$0x50A0] =	vst v63  }
0x50: {  	s17 =	smov.u32 s16;
	s14 =	smov.u32 s15;
	p1 =	sne.s32 s16, $0x480  }
.Ltmp4:
0x51: {  	s16 =	sadd.s32 $0x80, s16;
	(pc) =	sbr.rel @p1 .LBB2_5-.Ltmp4, $2  }
0x52: {  	_ =	sdelay $0x2  }
0x53: {  	s15 =	sadd.s32 $0x400, s15;
	s17 =	sadd.s32 s17, s13  }
.Ltmp5:
0x54: {  	_ = 	snop;
	(pc) =	sbr.rel .LBB2_6-.Ltmp5, $1  }
0x55: {  	_ =	sdelay $0x3  }
.LBB2_8:
0x56: {  	_ =	sfence.sel $0x180000  }
0x57: {  	s2 =	simm.s32 $0x2;
	[bflag:$0x0] =	sbarrier.arrive $0xFFFF  }
0x58: {  	s30 =	simm.s32 $0x3;
	[sflag:s2] =	ssyncpa.u1 $0x1  }
0x59: {  	s31 =	simm.s32 $0x1;
	[sflag:s30] =	ssyncpa.u1 $0x1  }
0x5a: {  	[sflag:s31] =	ssyncpa.u1 $0x1  }
0x5b: {  	p0 =	sne.s32 s0, $0x0;
	_ =	strace $0x90000059  }
0x5c: {  	s0 =	sadd.s32 @!p0 $0x100000, s1;
	[bflag:$0x2] =	sbarrier.arrive $0xFFFF  }
0x5d: {  	[sflag:s0] =	ssyncadd.tile.s32 @!p0 $0x1;
	_ =	shalt  }
.Lfunc_end2:
_tile_overlayer_lowered:
.L_overlay_start_2:
0x5e: {  	(tag) =	ssettag $0x2  }
0x5f: {  	s0 =	rddreg [dreg:$0x0];
	s2 =	stileid.u32  }
0x60: {  	s1 =	rddreg [dreg:$0x1];
	p0 =	sne.s32 s2, $0x0  }
0x61: {  	s3 =	rddreg [dreg:$0x2];
	[bflag:$0x3] =	sbarrier.arrive $0xFFFF;
	s2 =	simm.s32 @!p0 $0x1C01  }
0x62: {  	[timem:s3], [sflag:s2] =	dma.local @!p0 [hbm:s0], s1  }
0x63: {  	s0 =	simm.s32 @!p0 $0x1  }
0x64: {  	_ =	swait.ge @!p0 [sflag:s0], s1  }
0x65: {  	s1 =	ssub.s32 @!p0 $0x0, s1;
	[sflag:s0] =	ssyncset.done @!p0 $0x0  }
0x66: {  	[sflag:s0] =	ssyncadd.s32 @!p0 s1  }
0x67: {  	[bflag:$0x3] =	sbarrier.arrive $0xFFFF  }
0x68: {  	_ =	shalt  }

// kernel: gather_offload_async_start.11
scs
__scs_entry_jumppad:
0x0: {  	(pc) =	sbr.rel $0x88, $3  }
0x1: {  	(tag) =	ssettag $0x0;
	lr =	simm.s32 $0x1  }
0x2: {  	[smem:$0x3F96] =	sst lr;
	_ =	strace $0xD0000000  }
0x3: {  	_ = 	snop  }
0x4: {  	_ = 	snop  }
0x5: {  	_ = 	snop  }
0x6: {  	_ = 	snop  }
0x7: {  	_ = 	snop  }
__scs_overlays_trampoline_lowered:
0x8: {  	[smem:$0x3FA5] =	sst s0  }
0x9: {  	[smem:$0x3FA6] =	sst s1  }
0xa: {  	[smem:$0x3FA7] =	sst s2  }
0xb: {  	[smem:$0x3FA8] =	sst s3  }
0xc: {  	[smem:$0x3FA9] =	sst s4  }
0xd: {  	[smem:$0x3FAA] =	sst s5  }
0xe: {  	[smem:$0x3FAB] =	sst s6  }
0xf: {  	[smem:$0x3FAC] =	sst s7  }
0x10: {  	[smem:$0x3FAD] =	sst s8  }
0x11: {  	[smem:$0x3FAE] =	sst s9;
	s0 =	simm.s32 @!p0 $0x0  }
0x12: {  	s1 =	sld [smem:$0x3F94];
	s0 =	simm.s32 @p0 $0x1  }
0x13: {  	[smem:$0x3FAF] =	sst s0;
	s0 =	simm.s32 @!p1 $0x0  }
0x14: {  	s2 =	sld [smem:$0x3F93];
	s0 =	simm.s32 @p1 $0x1  }
0x15: {  	[smem:$0x3FB0] =	sst s0;
	s0 =	simm.s32 @!p2 $0x0  }
0x16: {  	s3 =	sld [smem:$0x3FDB];
	s0 =	simm.s32 @p2 $0x1  }
0x17: {  	s4 =	simm.s32 $0x1BF5;
	[smem:$0x3FB2] =	sst s0  }
0x18: {  	s0 =	sld [smem:$0x3F95];
	_ =	swait.ge [sflag:s4], $0x0  }
0x19: {  	s7 =	sld [smem:$0x3F96]  }
0x1a: {  	s8 =	sadd.s32 $0xFFFFE003, lr  }
0x1b: {  	s9 =	sadd.s32 $0xFFFFFEF7, lr;
	s5 =	simm.s32 $0xFFFFFFFF;
	p2 =	slt.u32 s8, $0xFFFFF086  }
0x1c: {  	p1 =	slt.u32 s9, $0xF7A;
	s5 =	simm.s32 @!p2 $0x0  }
0x1d: {  	s5 =	simm.s32 @p1 $0x1;
	p0 =	seq.s32 s7, s2  }
0x1e: {  	s7 =	smul.u32 @!p0 $0xF7A, s2;
	p2 =	seq.s32 @!p0 s5, $0x0  }
0x1f: {  	s9 =	smul.u32 $0xF7A, s1;
	s8 =	simm.s32 @!p0 $0x1BF5;
	p2 =	por !p2, p0  }
0x20: {  	[sflag:s8] =	ssyncset.s32 @!p0 $0xFFFFF086;
	s6 =	sadd.s32 @!p0 s3, s7;
	s7 =	simm.s32 @!p0 $0x108  }
0x21: {  	s3 =	sadd.s32 s3, s9;
	s6 =	sadd.s32 @!p0 $0x88, s6;
	s7 =	simm.s32 @p2 $0x1082  }
0x22: {  	[simem:s7], [sflag:s8] =	dma.local @!p0 [hbm:s6], $0xF7A  }
0x23: {  	s9 =	sor.u32 $0xD0000000, s2;
	s6 =	simm.s32 $0x108;
	_ =	swait.ge @!p0 [sflag:s8], $0x0  }
0x24: {  	s3 =	sadd.s32 $0x88, s3;
	s6 =	simm.s32 @!p1 $0x1082;
	[sflag:s4] =	ssyncset.s32 $0xFFFFF086  }
0x25: {  	[simem:s6], [sflag:s4] =	dma.local [hbm:s3], $0xF7A  }
0x26: {  	[smem:$0x3F96] =	sst s1;
	(tag) =	ssettag s2;
	_ =	strace s9  }
0x27: {  	s1 =	sld [smem:$0x3FA6]  }
0x28: {  	s2 =	sld [smem:$0x3FA7]  }
0x29: {  	s4 =	sld [smem:$0x3FA9]  }
0x2a: {  	p0 =	seq.s32 s5, $0x0;
	s5 =	sld [smem:$0x3FAA]  }
0x2b: {  	s6 =	sld [smem:$0x3FAB]  }
0x2c: {  	s7 =	sld [smem:$0x3FAC]  }
0x2d: {  	s3 =	simm.s32 $0x108;
	s8 =	sld [smem:$0x3FAD]  }
0x2e: {  	s3 =	simm.s32 @!p0 $0x1082;
	s9 =	sld [smem:$0x3FAE]  }
0x2f: {  	lr =	sadd.s32 s0, s3;
	s0 =	sld [smem:$0x3FA5]  }
0x30: {  	s3 =	sld [smem:$0x3FA8]  }
0x31: {  	[smem:$0x3FB1] =	sst s10  }
0x32: {  	s10 =	sld [smem:$0x3FAF];
	_ =	sdelay $0x3  }
0x33: {  	p0 =	seq.s32 s10, $0x1;
	s10 =	sld [smem:$0x3FB1];
	_ =	sdelay $0x3  }
0x34: {  	[smem:$0x3FB1] =	sst s10  }
0x35: {  	s10 =	sld [smem:$0x3FB0];
	_ =	sdelay $0x3  }
0x36: {  	p1 =	seq.s32 s10, $0x1;
	s10 =	sld [smem:$0x3FB1];
	_ =	sdelay $0x3  }
0x37: {  	[smem:$0x3FB1] =	sst s10  }
0x38: {  	s10 =	sld [smem:$0x3FB2]  }
0x39: {  	_ = 	snop;
	(pc) =	sbr.ind lr, $3  }
0x3a: {  	_ = 	snop  }
0x3b: {  	_ = 	snop  }
0x3c: {  	p2 =	seq.s32 s10, $0x1;
	s10 =	sld [smem:$0x3FB1]  }
0x3d: {  	_ =	shalt  }
0x3e: {  	_ =	shalt  }
0x3f: {  	_ =	shalt  }
0x40: {  	_ =	shalt  }
0x41: {  	_ =	shalt  }
0x42: {  	_ =	shalt  }
0x43: {  	_ =	shalt  }
0x44: {  	_ =	shalt  }
0x45: {  	_ =	shalt  }
0x46: {  	_ =	shalt  }
0x47: {  	_ =	shalt  }
0x48: {  	_ =	shalt  }
0x49: {  	_ =	shalt  }
0x4a: {  	_ =	shalt  }
0x4b: {  	_ =	shalt  }
0x4c: {  	_ =	shalt  }
0x4d: {  	_ =	shalt  }
0x4e: {  	_ =	shalt  }
0x4f: {  	_ =	shalt  }
0x50: {  	_ =	shalt  }
0x51: {  	_ =	shalt  }
0x52: {  	_ =	shalt  }
0x53: {  	_ =	shalt  }
0x54: {  	_ =	shalt  }
0x55: {  	_ =	shalt  }
0x56: {  	_ =	shalt  }
0x57: {  	_ =	shalt  }
0x58: {  	_ =	shalt  }
0x59: {  	_ =	shalt  }
0x5a: {  	_ =	shalt  }
0x5b: {  	_ =	shalt  }
0x5c: {  	_ =	shalt  }
0x5d: {  	_ =	shalt  }
0x5e: {  	_ =	shalt  }
0x5f: {  	_ =	shalt  }
0x60: {  	_ =	shalt  }
0x61: {  	_ =	shalt  }
0x62: {  	_ =	shalt  }
0x63: {  	_ =	shalt  }
0x64: {  	_ =	shalt  }
0x65: {  	_ =	shalt  }
0x66: {  	_ =	shalt  }
0x67: {  	_ =	shalt  }
0x68: {  	_ =	shalt  }
0x69: {  	_ =	shalt  }
0x6a: {  	_ =	shalt  }
0x6b: {  	_ =	shalt  }
0x6c: {  	_ =	shalt  }
0x6d: {  	_ =	shalt  }
0x6e: {  	_ =	shalt  }
0x6f: {  	_ =	shalt  }
0x70: {  	_ =	shalt  }
0x71: {  	_ =	shalt  }
0x72: {  	_ =	shalt  }
0x73: {  	_ =	shalt  }
0x74: {  	_ =	shalt  }
0x75: {  	_ =	shalt  }
0x76: {  	_ =	shalt  }
0x77: {  	_ =	shalt  }
0x78: {  	_ =	shalt  }
0x79: {  	_ =	shalt  }
0x7a: {  	_ =	shalt  }
0x7b: {  	_ =	shalt  }
0x7c: {  	_ =	shalt  }
0x7d: {  	_ =	shalt  }
0x7e: {  	_ =	shalt  }
0x7f: {  	_ =	shalt  }
0x80: {  	_ =	shalt  }
0x81: {  	_ =	shalt  }
0x82: {  	_ =	shalt  }
0x83: {  	_ =	shalt  }
0x84: {  	_ =	shalt  }
0x85: {  	_ =	shalt  }
0x86: {  	_ =	shalt  }
0x87: {  	_ =	shalt  }
.Lfunc_end0:
.L_simem_size_0:
called_computation.11_lowered:
.L_overlay_start_0:
0x88: {  	s0 =	sld [smem:$0x3FD9]  }
0x89: {  	s1 =	sld [smem:$0x3FFE];
	_ =	sdelay $0x3  }
0x8a: {  	s0 =	sadd.s32 s1, s0  }
0x8b: {  	[smem:$0x3FBD] =	sst s0  }
0x8c: {  	_ = 	snop  }
0x8d: {  	(tm) =	ssettm $0x1  }
0x8e: {  	s15 =	sld [smem:$0x3FFB];
	_ =	sdelay $0x3  }
0x8f: {  	_ =	strace s15  }
0x90: {  	s0 =	sld [smem:$0x3FFC];
	_ =	sdelay $0x3  }
0x91: {  	_ =	strace s0  }
0x92: {  	s0 =	sld [smem:$0x3FFD];
	_ =	sdelay $0x3  }
0x93: {  	_ =	strace s0  }
0x94: {  	_ =	strace $0x8FFFFFFF  }
0x95: {  	s16 =	sld [smem:$0x3FDB];
	_ =	sdelay $0x1  }
0x96: {  	s17 =	simm.s32 $_scs_section_size  }
0x97: {  	s2 =	simm.s32 $_size__tile_overlayer_lowered;
	s3 =	simm.s32 $_tile_overlayer_lowered  }
0x98: {  	s20 =	simm.s32 $0x1BFF;
	s19 =	sshll.u32 s3, $0x1;
	s0 =	sadd.s32 s17, s16  }
0x99: {  	s4 =	simm.s32 $0x0;
	s18 =	sshll.u32 s2, $0x1;
	s2 =	sadd.s32 s19, s0  }
0x9a: {  	[timem:s4], [sflag:s20] =	dma.local [hbm:s2], s18  }
0x9b: {  	_ =	swait.ge [sflag:s20], s18  }
0x9c: {  	s1 =	ssub.s32 $0x0, s18;
	[sflag:s20] =	ssyncset.done $0x0  }
0x9d: {  	[sflag:s20] =	ssyncadd.s32 s1;
	_ =	sdelay $0x1  }
0x9e: {  	s21 =	simm.s32 $0x1B8B  }
0x9f: {  	_ =	swait.ge [sflag:s21], $0x1  }
0xa0: {  	[sflag:s21] =	ssyncset.done $0x0  }
0xa1: {  	s23 =	simm.s32 $0x1B8E;
	s22 =	sld [smem:$0x3FFE];
	[sflag:s21] =	ssyncadd.s32 $0xFFFFFFFF  }
0xa2: {  	s24 =	simm.s32 $execute0_lowered;
	[smem:$0x3FD2] =	sst s23  }
0xa3: {  	s2 =	sshll.u32 s24, $0x1;
	_ =	strace $0x80000046;
	[dreg:$0x1] =	wrdreg $0xFFFFFFFF  }
0xa4: {  	s25 =	simm.s32 $_size_execute0_lowered;
	s0 =	sadd.s32 s0, s2;
	[dreg:$0x0] =	wrdreg $0x0  }
0xa5: {  	s2 =	sshll.u32 s25, $0x1;
	[dreg:$0x2] =	wrdreg s0  }
0xa6: {  	[dreg:$0x3] =	wrdreg s2  }
0xa7: {  	[dreg:$0x4] =	wrdreg $0xC0  }
0xa8: {  	_ =	task [dreg:s4], $0x5FFFF  }
0xa9: {  	[dreg:$0x1] =	wrdreg $0xFFFFFFFF  }
0xaa: {  	[dreg:$0x0] =	wrdreg $0x60  }
0xab: {  	[dreg:$0x2] =	wrdreg s22  }
0xac: {  	[dreg:$0x3] =	wrdreg $0xA  }
0xad: {  	_ =	task.clear_ibuf [dreg:s4], $0x4FFFF;
	_ =	strace $0x90000046  }
0xae: {  	s26 =	simm.s32 $0xA;
	_ =	strace $0x80000048  }
0xaf: {  	_ =	swait.ge [sflag:s26], $0x1  }
0xb0: {  	[sflag:s26] =	ssyncadd.s32 $0xFFFFFFFF  }
0xb1: {  	_ =	strace $0x90000048  }
0xb2: {  	_ =	sfence  }
0xb3: {  	s28 =	sld [smem:$0x0];
	_ =	sdelay $0x1  }
0xb4: {  	s29 =	srdreg.scid  }
0xb5: {  	s30 =	sshll.u32 s29, $0xD;
	s31 =	sshrl.u32 s29, $0x2  }
0xb6: {  	s1 =	sand.u32 $0x1, s29;
	s2 =	sand.u32 $0x4000, s30;
	s0 =	sadd.s32 s31, s28  }
0xb7: {  	s1 =	sor.u32 s2, s1;
	s0 =	sshll.u32 s0, $0x11  }
0xb8: {  	s0 =	sor.u32 s0, s1  }
0xb9: {  	s0 =	sadd.s32 $0x8F2B, s0  }
0xba: {  	[sflag:s0] =	ssyncadd.remote.s32 $0x1  }
0xbb: {  	_ =	sfence.sel $0xFFFF  }
0xbc: {  	[dreg:$0x0] =	wrdreg $0xFFFFFFFF;
	(pc) =	sbr.abs _section_cstart, $3  }
0xbd: {  	[dreg:$0x1] =	wrdreg $0xFFFFFFFF  }
0xbe: {  	_ =	task.clear_ibuf [dreg:s4], $0x2FFFF;
	_ =	strace $0x9FFFFFFF  }
0xbf: {  	(tm) =	ssettm $0x7FFFFFFF  }
tec
execute0_lowered:
.L_overlay_start_1:
0x0: {  	(tag) =	ssettag $0x1  }
0x1: {  	s0 =	stileid.u32  }
0x2: {  	s1 =	smin.u32 s0, $0x9  }
0x3: {  	s1 =	sadd.s32 s0, s1  }
0x4: {  	p0 =	slt.u32 s0, $0x9;
	s2 =	smul.u32 $0x50, s1;
	s1 =	simm.s32 $0xA0  }
0x5: {  	s1 =	simm.s32 @!p0 $0x50  }
0x6: {  	s1 =	sadd.s32 s1, s2  }
0x7: {  	s3 =	smin.u32 s1, $0x7D0  }
0x8: {  	s7 =	ssub.s32 s3, s2  }
0x9: {  	p0 =	sgt.s32 s7, $0x0  }
0xa: {  	s7 =	simm.s32 @!p0 $0x0  }
0xb: {  	s31 =	smul.u32 $0xCCCD, s7  }
0xc: {  	s4 =	rddreg [dreg:$0x0];
	s6 =	simm.s32 $0x1  }
0xd: {  	s10 =	simm.s32 $0x3;
	s13 =	simm.s32 $0x0;
	s8 =	sshrl.u32 s31, $0x16  }
0xe: {  	s12 =	simm.s32 $0x0;
	s5 =	sadd.s32 $0xD000, s4;
	s9 =	smul.u32 $0x50, s8  }
.Ltmp0:
0xf: {  	s11 =	smov.u32 s2;
	s1 =	rddreg [dreg:$0x1];
	(pc) =	sbr.rel .LBB2_1-.Ltmp0, $4  }
0x10: {  	_ =	strace $0x80000047;
	p0 =	sne.s32 s7, s9;
	s9 =	simm.s32 $0x1  }
0x11: {  	[sflag:s6] =	ssyncpa.u1 $0x0;
	s7 =	simm.s32 $0x2;
	s9 =	simm.s32 @!p0 $0x0  }
0x12: {  	[sflag:s7] =	ssyncpa.u1 $0x0;
	p0 =	por $0x0, $0x0;
	s8 =	sadd.s32 s8, s9  }
0x13: {  	vm0 =	vmmov $0xff;
	vm1 =	vcmask $0x3F20;
	s9 =	sadd.s32 $0xE400, s4;
	[sflag:s10] =	ssyncpa.u1 $0x0;
	s10 =	sadd.s32 $0x1, s8  }
.LBB2_6:
0x14: {  	[hbm:s17] =	stream.linear.scatter [tilespmem:s14], [sflag:$0x3], $0x400, $0x38;
	[tilespmem:$0x50A0] =	vst v63  }
.LBB2_7:
0x15: {  	s13 =	sadd.s32 $0x50, s11  }
0x16: {  	s15 =	smov.u32 s2;
	p2 =	slt.s32 s13, s3  }
0x17: {  	s15 =	smov.u32 @p2 s13;
	p2 =	sne.s32 s12, s10  }
.Ltmp1:
0x18: {  	p1 =	slt.u32 s12, $0x2;
	(pc) =	sbr.rel @!p2 .LBB2_8-.Ltmp1, $4  }
0x19: {  	s14 =	simm.s32 @!p1 $0x3  }
0x1a: {  	s16 =	sadd.s32 $0x1, s12;
	_ =	swait.ge @!p1 [sflag:s14], $0x2800  }
0x1b: {  	p0 =	por !p0, !p0;
	s13 =	smov.u32 s11;
	[sflag:s14] =	ssyncset.done @!p1 $0x0  }
0x1c: {  	s12 =	smov.u32 s16;
	s11 =	smov.u32 s15;
	[sflag:s14] =	ssyncadd.s32 @!p1 $0xFFFFD800  }
.LBB2_1:
0x1d: {  	p1 =	sge.u32 s12, s8  }
0x1e: {  	s14 =	sxor.u32 @!p1 $0xFFFFFFFF, s12  }
0x1f: {  	s14 =	sand.u32 @!p1 $0x1, s14  }
0x20: {  	s14 =	smul.u32 @!p1 $0x140, s14  }
0x21: {  	s31 =	sadd.s32 $0xFFFFFFFF, s12;
	s15 =	sshrl.u32 @!p1 s11, $0x3  }
0x22: {  	s16 =	sand.u32 @!p1 $0x7, s11;
	s15 =	sadd.s32 @!p1 s5, s15;
	s14 =	sshrl.u32 @!p1 s14, $0x2  }
0x23: {  	[tilespmem:s14], [sflag:$0x2] =	stream.linear.gather @!p1 [hbm4b:s15+s16], $0x50, $0x38;
	[tilespmem:$0x50A0] =	vst v63  }
0x24: {  	p1 =	sge.u32 s31, s8  }
.Ltmp2:
0x25: {  	_ = 	snop;
	(pc) =	sbr.rel @p1 .LBB2_7-.Ltmp2, $1  }
0x26: {  	_ =	sdelay $0x3  }
0x27: {  	s14 =	simm.s32 $0x1  }
0x28: {  	s14 =	simm.s32 @!p0 $0x0  }
0x29: {  	s15 =	smul.u32 $0x140, s14  }
0x2a: {  	_ =	swait.ge [sflag:s7], $0x50  }
0x2b: {  	[sflag:s7] =	ssyncset.done $0x0;
	s16 =	sshrl.u32 s15, $0x2  }
0x2c: {  	[sflag:s7] =	ssyncadd.s32 $0xFFFFFFB0;
	s15 =	sadd.s32 $0x0, s16  }
0x2d: {  	v0 =	vld.msk [tilespmem:s15+$0x0 ss:$0x1], $0xffff;
	_ =	sdelay $0x4  }
0x2e: {  	vm2 =	vgt.s32 v0, $0x0  }
0x2f: {  	v0 =	vnsel vm2, $0x0, v0  }
0x30: {  	v0 =	vmin.u32 v0, $0xBFF  }
0x31: {  	v0 =	vshll.u32 v0, $0x4  }
0x32: {  	s14 =	smul.u32 $0xA000, s14;
	_ =	sdelay $0x1  }
0x33: {  	s14 =	sshrl.u32 s14, $0x2  }
0x34: {  	s14 =	sor.u32 $0xA0, s14  }
0x35: {  	[tilespmem:s14], [sflag:$0x1] =	stream.indirect_vreg.gather [hbm:s4], $0x80, v0, vm0, $0x38;
	[tilespmem:$0x50A0] =	vst v63  }
0x36: {  	s17 =	sadd.s32 $0x10, s16;
	s15 =	sadd.s32 $0x400, s14  }
0x37: {  	[tilespmem:s15], [sflag:$0x1] =	stream.indirect_vreg.gather [hbm:s4], $0x80, v0, vm1, $0x38;
	[tilespmem:$0x50A0] =	vst v63  }
0x38: {  	s18 =	simm.s32 $0x80;
	v0 =	vld.msk [tilespmem:s17+$0x0 ss:$0x1], $0xffff;
	s17 =	smov.u32 s14  }
.LBB2_3:
0x39: {  	p1 =	sne.s32 s18, $0x100;
	_ =	sdelay $0x4  }
0x3a: {  	vm2 =	vgt.s32 v0, $0x0  }
0x3b: {  	v0 =	vnsel vm2, $0x0, v0  }
0x3c: {  	v0 =	vmin.u32 v0, $0xBFF  }
0x3d: {  	v0 =	vshll.u32 v0, $0x4;
	_ =	sdelay $0x3  }
.Ltmp3:
0x3e: {  	s19 =	sshra.s32 s18, $0x2;
	s17 =	sadd.s32 $0x800, s17;
	(pc) =	sbr.rel @p1 .LBB2_3-.Ltmp3, $4  }
0x3f: {  	[tilespmem:s17], [sflag:$0x1] =	stream.indirect_vreg.gather [hbm:s4], $0x80, v0, vm0, $0x38;
	[tilespmem:$0x50A0] =	vst v63  }
0x40: {  	s19 =	sadd.s32 s19, s16;
	s20 =	sadd.s32 $0x400, s17  }
0x41: {  	[tilespmem:s20], [sflag:$0x1] =	stream.indirect_vreg.gather [hbm:s4], $0x80, v0, vm1, $0x38;
	[tilespmem:$0x50A0] =	vst v63  }
0x42: {  	s18 =	sadd.s32 $0x40, s18;
	v0 =	vld.msk [tilespmem:s19+$0x0 ss:$0x1], $0xffff  }
0x43: {  	_ =	sdelay $0x3  }
0x44: {  	vm2 =	vgt.s32 v0, $0x0  }
0x45: {  	v0 =	vnsel vm2, $0x0, v0  }
0x46: {  	v0 =	vmin.u32 v0, $0xBFF  }
0x47: {  	v0 =	vshll.u32 v0, $0x4;
	_ =	sdelay $0x3  }
0x48: {  	s16 =	sadd.s32 $0x800, s17  }
0x49: {  	[tilespmem:s16], [sflag:$0x1] =	stream.indirect_vreg.gather [hbm:s4], $0x80, v0, vm0, $0x38;
	[tilespmem:$0x50A0] =	vst v63  }
0x4a: {  	s16 =	sadd.s32 $0x400, s16  }
0x4b: {  	[tilespmem:s16], [sflag:$0x1] =	stream.indirect_vreg.gather [hbm:s4], $0x80, v0, vm1, $0x38;
	[tilespmem:$0x50A0] =	vst v63  }
0x4c: {  	s13 =	sshll.u32 s13, $0x4;
	_ =	swait.ge [sflag:s6], $0x2800  }
0x4d: {  	s13 =	sadd.s32 s13, s9;
	[sflag:s6] =	ssyncset.done $0x0  }
0x4e: {  	s17 =	sadd.s32 $0x0, s13;
	s16 =	simm.s32 $0x80;
	[sflag:s6] =	ssyncadd.s32 $0xFFFFD800  }
.LBB2_5:
0x4f: {  	[hbm:s17] =	stream.linear.scatter [tilespmem:s14], [sflag:$0x3], $0x400, $0x38;
	[tilespmem:$0x50A0] =	vst v63  }
0x50: {  	s17 =	smov.u32 s16;
	s14 =	smov.u32 s15;
	p1 =	sne.s32 s16, $0x480  }
.Ltmp4:
0x51: {  	s16 =	sadd.s32 $0x80, s16;
	(pc) =	sbr.rel @p1 .LBB2_5-.Ltmp4, $2  }
0x52: {  	_ =	sdelay $0x2  }
0x53: {  	s15 =	sadd.s32 $0x400, s15;
	s17 =	sadd.s32 s17, s13  }
.Ltmp5:
0x54: {  	_ = 	snop;
	(pc) =	sbr.rel .LBB2_6-.Ltmp5, $1  }
0x55: {  	_ =	sdelay $0x3  }
.LBB2_8:
0x56: {  	_ =	sfence.sel $0x180000  }
0x57: {  	s2 =	simm.s32 $0x2;
	[bflag:$0x0] =	sbarrier.arrive $0xFFFF  }
0x58: {  	s30 =	simm.s32 $0x3;
	[sflag:s2] =	ssyncpa.u1 $0x1  }
0x59: {  	s31 =	simm.s32 $0x1;
	[sflag:s30] =	ssyncpa.u1 $0x1  }
0x5a: {  	[sflag:s31] =	ssyncpa.u1 $0x1  }
0x5b: {  	p0 =	sne.s32 s0, $0x0;
	_ =	strace $0x90000047  }
0x5c: {  	s0 =	sadd.s32 @!p0 $0x100000, s1;
	[bflag:$0x2] =	sbarrier.arrive $0xFFFF  }
0x5d: {  	[sflag:s0] =	ssyncadd.tile.s32 @!p0 $0x1;
	_ =	shalt  }
.Lfunc_end2:
_tile_overlayer_lowered:
.L_overlay_start_2:
0x5e: {  	(tag) =	ssettag $0x2  }
0x5f: {  	s0 =	rddreg [dreg:$0x0];
	s2 =	stileid.u32  }
0x60: {  	s1 =	rddreg [dreg:$0x1];
	p0 =	sne.s32 s2, $0x0  }
0x61: {  	s3 =	rddreg [dreg:$0x2];
	[bflag:$0x3] =	sbarrier.arrive $0xFFFF;
	s2 =	simm.s32 @!p0 $0x1C01  }
0x62: {  	[timem:s3], [sflag:s2] =	dma.local @!p0 [hbm:s0], s1  }
0x63: {  	s0 =	simm.s32 @!p0 $0x1  }
0x64: {  	_ =	swait.ge @!p0 [sflag:s0], s1  }
0x65: {  	s1 =	ssub.s32 @!p0 $0x0, s1;
	[sflag:s0] =	ssyncset.done @!p0 $0x0  }
0x66: {  	[sflag:s0] =	ssyncadd.s32 @!p0 s1  }
0x67: {  	[bflag:$0x3] =	sbarrier.arrive $0xFFFF  }
0x68: {  	_ =	shalt  }

// kernel: gather_offload_async_start.1
scs
__scs_entry_jumppad:
0x0: {  	(pc) =	sbr.rel $0x88, $3  }
0x1: {  	(tag) =	ssettag $0x0;
	lr =	simm.s32 $0x1  }
0x2: {  	[smem:$0x3F96] =	sst lr;
	_ =	strace $0xD0000000  }
0x3: {  	_ = 	snop  }
0x4: {  	_ = 	snop  }
0x5: {  	_ = 	snop  }
0x6: {  	_ = 	snop  }
0x7: {  	_ = 	snop  }
__scs_overlays_trampoline_lowered:
0x8: {  	[smem:$0x3FA5] =	sst s0  }
0x9: {  	[smem:$0x3FA6] =	sst s1  }
0xa: {  	[smem:$0x3FA7] =	sst s2  }
0xb: {  	[smem:$0x3FA8] =	sst s3  }
0xc: {  	[smem:$0x3FA9] =	sst s4  }
0xd: {  	[smem:$0x3FAA] =	sst s5  }
0xe: {  	[smem:$0x3FAB] =	sst s6  }
0xf: {  	[smem:$0x3FAC] =	sst s7  }
0x10: {  	[smem:$0x3FAD] =	sst s8  }
0x11: {  	[smem:$0x3FAE] =	sst s9;
	s0 =	simm.s32 @!p0 $0x0  }
0x12: {  	s1 =	sld [smem:$0x3F94];
	s0 =	simm.s32 @p0 $0x1  }
0x13: {  	[smem:$0x3FAF] =	sst s0;
	s0 =	simm.s32 @!p1 $0x0  }
0x14: {  	s2 =	sld [smem:$0x3F93];
	s0 =	simm.s32 @p1 $0x1  }
0x15: {  	[smem:$0x3FB0] =	sst s0;
	s0 =	simm.s32 @!p2 $0x0  }
0x16: {  	s3 =	sld [smem:$0x3FDB];
	s0 =	simm.s32 @p2 $0x1  }
0x17: {  	s4 =	simm.s32 $0x1BF5;
	[smem:$0x3FB2] =	sst s0  }
0x18: {  	s0 =	sld [smem:$0x3F95];
	_ =	swait.ge [sflag:s4], $0x0  }
0x19: {  	s7 =	sld [smem:$0x3F96]  }
0x1a: {  	s8 =	sadd.s32 $0xFFFFE003, lr  }
0x1b: {  	s9 =	sadd.s32 $0xFFFFFEF7, lr;
	s5 =	simm.s32 $0xFFFFFFFF;
	p2 =	slt.u32 s8, $0xFFFFF086  }
0x1c: {  	p1 =	slt.u32 s9, $0xF7A;
	s5 =	simm.s32 @!p2 $0x0  }
0x1d: {  	s5 =	simm.s32 @p1 $0x1;
	p0 =	seq.s32 s7, s2  }
0x1e: {  	s7 =	smul.u32 @!p0 $0xF7A, s2;
	p2 =	seq.s32 @!p0 s5, $0x0  }
0x1f: {  	s9 =	smul.u32 $0xF7A, s1;
	s8 =	simm.s32 @!p0 $0x1BF5;
	p2 =	por !p2, p0  }
0x20: {  	[sflag:s8] =	ssyncset.s32 @!p0 $0xFFFFF086;
	s6 =	sadd.s32 @!p0 s3, s7;
	s7 =	simm.s32 @!p0 $0x108  }
0x21: {  	s3 =	sadd.s32 s3, s9;
	s6 =	sadd.s32 @!p0 $0x88, s6;
	s7 =	simm.s32 @p2 $0x1082  }
0x22: {  	[simem:s7], [sflag:s8] =	dma.local @!p0 [hbm:s6], $0xF7A  }
0x23: {  	s9 =	sor.u32 $0xD0000000, s2;
	s6 =	simm.s32 $0x108;
	_ =	swait.ge @!p0 [sflag:s8], $0x0  }
0x24: {  	s3 =	sadd.s32 $0x88, s3;
	s6 =	simm.s32 @!p1 $0x1082;
	[sflag:s4] =	ssyncset.s32 $0xFFFFF086  }
0x25: {  	[simem:s6], [sflag:s4] =	dma.local [hbm:s3], $0xF7A  }
0x26: {  	[smem:$0x3F96] =	sst s1;
	(tag) =	ssettag s2;
	_ =	strace s9  }
0x27: {  	s1 =	sld [smem:$0x3FA6]  }
0x28: {  	s2 =	sld [smem:$0x3FA7]  }
0x29: {  	s4 =	sld [smem:$0x3FA9]  }
0x2a: {  	p0 =	seq.s32 s5, $0x0;
	s5 =	sld [smem:$0x3FAA]  }
0x2b: {  	s6 =	sld [smem:$0x3FAB]  }
0x2c: {  	s7 =	sld [smem:$0x3FAC]  }
0x2d: {  	s3 =	simm.s32 $0x108;
	s8 =	sld [smem:$0x3FAD]  }
0x2e: {  	s3 =	simm.s32 @!p0 $0x1082;
	s9 =	sld [smem:$0x3FAE]  }
0x2f: {  	lr =	sadd.s32 s0, s3;
	s0 =	sld [smem:$0x3FA5]  }
0x30: {  	s3 =	sld [smem:$0x3FA8]  }
0x31: {  	[smem:$0x3FB1] =	sst s10  }
0x32: {  	s10 =	sld [smem:$0x3FAF];
	_ =	sdelay $0x3  }
0x33: {  	p0 =	seq.s32 s10, $0x1;
	s10 =	sld [smem:$0x3FB1];
	_ =	sdelay $0x3  }
0x34: {  	[smem:$0x3FB1] =	sst s10  }
0x35: {  	s10 =	sld [smem:$0x3FB0];
	_ =	sdelay $0x3  }
0x36: {  	p1 =	seq.s32 s10, $0x1;
	s10 =	sld [smem:$0x3FB1];
	_ =	sdelay $0x3  }
0x37: {  	[smem:$0x3FB1] =	sst s10  }
0x38: {  	s10 =	sld [smem:$0x3FB2]  }
0x39: {  	_ = 	snop;
	(pc) =	sbr.ind lr, $3  }
0x3a: {  	_ = 	snop  }
0x3b: {  	_ = 	snop  }
0x3c: {  	p2 =	seq.s32 s10, $0x1;
	s10 =	sld [smem:$0x3FB1]  }
0x3d: {  	_ =	shalt  }
0x3e: {  	_ =	shalt  }
0x3f: {  	_ =	shalt  }
0x40: {  	_ =	shalt  }
0x41: {  	_ =	shalt  }
0x42: {  	_ =	shalt  }
0x43: {  	_ =	shalt  }
0x44: {  	_ =	shalt  }
0x45: {  	_ =	shalt  }
0x46: {  	_ =	shalt  }
0x47: {  	_ =	shalt  }
0x48: {  	_ =	shalt  }
0x49: {  	_ =	shalt  }
0x4a: {  	_ =	shalt  }
0x4b: {  	_ =	shalt  }
0x4c: {  	_ =	shalt  }
0x4d: {  	_ =	shalt  }
0x4e: {  	_ =	shalt  }
0x4f: {  	_ =	shalt  }
0x50: {  	_ =	shalt  }
0x51: {  	_ =	shalt  }
0x52: {  	_ =	shalt  }
0x53: {  	_ =	shalt  }
0x54: {  	_ =	shalt  }
0x55: {  	_ =	shalt  }
0x56: {  	_ =	shalt  }
0x57: {  	_ =	shalt  }
0x58: {  	_ =	shalt  }
0x59: {  	_ =	shalt  }
0x5a: {  	_ =	shalt  }
0x5b: {  	_ =	shalt  }
0x5c: {  	_ =	shalt  }
0x5d: {  	_ =	shalt  }
0x5e: {  	_ =	shalt  }
0x5f: {  	_ =	shalt  }
0x60: {  	_ =	shalt  }
0x61: {  	_ =	shalt  }
0x62: {  	_ =	shalt  }
0x63: {  	_ =	shalt  }
0x64: {  	_ =	shalt  }
0x65: {  	_ =	shalt  }
0x66: {  	_ =	shalt  }
0x67: {  	_ =	shalt  }
0x68: {  	_ =	shalt  }
0x69: {  	_ =	shalt  }
0x6a: {  	_ =	shalt  }
0x6b: {  	_ =	shalt  }
0x6c: {  	_ =	shalt  }
0x6d: {  	_ =	shalt  }
0x6e: {  	_ =	shalt  }
0x6f: {  	_ =	shalt  }
0x70: {  	_ =	shalt  }
0x71: {  	_ =	shalt  }
0x72: {  	_ =	shalt  }
0x73: {  	_ =	shalt  }
0x74: {  	_ =	shalt  }
0x75: {  	_ =	shalt  }
0x76: {  	_ =	shalt  }
0x77: {  	_ =	shalt  }
0x78: {  	_ =	shalt  }
0x79: {  	_ =	shalt  }
0x7a: {  	_ =	shalt  }
0x7b: {  	_ =	shalt  }
0x7c: {  	_ =	shalt  }
0x7d: {  	_ =	shalt  }
0x7e: {  	_ =	shalt  }
0x7f: {  	_ =	shalt  }
0x80: {  	_ =	shalt  }
0x81: {  	_ =	shalt  }
0x82: {  	_ =	shalt  }
0x83: {  	_ =	shalt  }
0x84: {  	_ =	shalt  }
0x85: {  	_ =	shalt  }
0x86: {  	_ =	shalt  }
0x87: {  	_ =	shalt  }
.Lfunc_end0:
.L_simem_size_0:
called_computation.1_lowered:
.L_overlay_start_0:
0x88: {  	s0 =	sld [smem:$0x3FD9]  }
0x89: {  	s1 =	sld [smem:$0x3FFE];
	_ =	sdelay $0x3  }
0x8a: {  	s0 =	sadd.s32 s1, s0  }
0x8b: {  	[smem:$0x3FBD] =	sst s0  }
0x8c: {  	_ = 	snop  }
0x8d: {  	(tm) =	ssettm $0x1  }
0x8e: {  	s15 =	sld [smem:$0x3FFB];
	_ =	sdelay $0x3  }
0x8f: {  	_ =	strace s15  }
0x90: {  	s0 =	sld [smem:$0x3FFC];
	_ =	sdelay $0x3  }
0x91: {  	_ =	strace s0  }
0x92: {  	s0 =	sld [smem:$0x3FFD];
	_ =	sdelay $0x3  }
0x93: {  	_ =	strace s0  }
0x94: {  	_ =	strace $0x8FFFFFFF  }
0x95: {  	s16 =	sld [smem:$0x3FDB];
	_ =	sdelay $0x1  }
0x96: {  	s17 =	simm.s32 $_scs_section_size  }
0x97: {  	s2 =	simm.s32 $_size__tile_overlayer_lowered;
	s3 =	simm.s32 $_tile_overlayer_lowered  }
0x98: {  	s20 =	simm.s32 $0x1BFF;
	s19 =	sshll.u32 s3, $0x1;
	s0 =	sadd.s32 s17, s16  }
0x99: {  	s4 =	simm.s32 $0x0;
	s18 =	sshll.u32 s2, $0x1;
	s2 =	sadd.s32 s19, s0  }
0x9a: {  	[timem:s4], [sflag:s20] =	dma.local [hbm:s2], s18  }
0x9b: {  	_ =	swait.ge [sflag:s20], s18  }
0x9c: {  	s1 =	ssub.s32 $0x0, s18;
	[sflag:s20] =	ssyncset.done $0x0  }
0x9d: {  	[sflag:s20] =	ssyncadd.s32 s1;
	_ =	sdelay $0x1  }
0x9e: {  	s21 =	simm.s32 $0x1B8B  }
0x9f: {  	_ =	swait.ge [sflag:s21], $0x1  }
0xa0: {  	[sflag:s21] =	ssyncset.done $0x0  }
0xa1: {  	s23 =	simm.s32 $0x1B8E;
	s22 =	sld [smem:$0x3FFE];
	[sflag:s21] =	ssyncadd.s32 $0xFFFFFFFF  }
0xa2: {  	s24 =	simm.s32 $execute0_lowered;
	[smem:$0x3FD2] =	sst s23  }
0xa3: {  	s2 =	sshll.u32 s24, $0x1;
	_ =	strace $0x80000055;
	[dreg:$0x1] =	wrdreg $0xFFFFFFFF  }
0xa4: {  	s25 =	simm.s32 $_size_execute0_lowered;
	s0 =	sadd.s32 s0, s2;
	[dreg:$0x0] =	wrdreg $0x0  }
0xa5: {  	s2 =	sshll.u32 s25, $0x1;
	[dreg:$0x2] =	wrdreg s0  }
0xa6: {  	[dreg:$0x3] =	wrdreg s2  }
0xa7: {  	[dreg:$0x4] =	wrdreg $0xC0  }
0xa8: {  	_ =	task [dreg:s4], $0x5FFFF  }
0xa9: {  	[dreg:$0x1] =	wrdreg $0xFFFFFFFF  }
0xaa: {  	[dreg:$0x0] =	wrdreg $0x60  }
0xab: {  	[dreg:$0x2] =	wrdreg s22  }
0xac: {  	[dreg:$0x3] =	wrdreg $0x9  }
0xad: {  	_ =	task.clear_ibuf [dreg:s4], $0x4FFFF;
	_ =	strace $0x90000055  }
0xae: {  	s26 =	simm.s32 $0x9;
	_ =	strace $0x80000057  }
0xaf: {  	_ =	swait.ge [sflag:s26], $0x1  }
0xb0: {  	[sflag:s26] =	ssyncadd.s32 $0xFFFFFFFF  }
0xb1: {  	_ =	strace $0x90000057  }
0xb2: {  	_ =	sfence  }
0xb3: {  	s28 =	sld [smem:$0x0];
	_ =	sdelay $0x1  }
0xb4: {  	s29 =	srdreg.scid  }
0xb5: {  	s30 =	sshll.u32 s29, $0xD;
	s31 =	sshrl.u32 s29, $0x2  }
0xb6: {  	s1 =	sand.u32 $0x1, s29;
	s2 =	sand.u32 $0x4000, s30;
	s0 =	sadd.s32 s31, s28  }
0xb7: {  	s1 =	sor.u32 s2, s1;
	s0 =	sshll.u32 s0, $0x11  }
0xb8: {  	s0 =	sor.u32 s0, s1  }
0xb9: {  	s0 =	sadd.s32 $0x8F2B, s0  }
0xba: {  	[sflag:s0] =	ssyncadd.remote.s32 $0x1  }
0xbb: {  	_ =	sfence.sel $0xFFFF  }
0xbc: {  	[dreg:$0x0] =	wrdreg $0xFFFFFFFF;
	(pc) =	sbr.abs _section_cstart, $3  }
0xbd: {  	[dreg:$0x1] =	wrdreg $0xFFFFFFFF  }
0xbe: {  	_ =	task.clear_ibuf [dreg:s4], $0x2FFFF;
	_ =	strace $0x9FFFFFFF  }
0xbf: {  	(tm) =	ssettm $0x7FFFFFFF  }
tec
execute0_lowered:
.L_overlay_start_1:
0x0: {  	(tag) =	ssettag $0x1  }
0x1: {  	s0 =	stileid.u32  }
0x2: {  	s1 =	smin.u32 s0, $0x9  }
0x3: {  	s1 =	sadd.s32 s0, s1  }
0x4: {  	p0 =	slt.u32 s0, $0x9;
	s2 =	smul.u32 $0x50, s1;
	s1 =	simm.s32 $0xA0  }
0x5: {  	s1 =	simm.s32 @!p0 $0x50  }
0x6: {  	s1 =	sadd.s32 s1, s2  }
0x7: {  	s3 =	smin.u32 s1, $0x7D0  }
0x8: {  	s7 =	ssub.s32 s3, s2  }
0x9: {  	p0 =	sgt.s32 s7, $0x0  }
0xa: {  	s7 =	simm.s32 @!p0 $0x0  }
0xb: {  	s31 =	smul.u32 $0xCCCD, s7  }
0xc: {  	s4 =	rddreg [dreg:$0x0];
	s6 =	simm.s32 $0x1  }
0xd: {  	s10 =	simm.s32 $0x3;
	s13 =	simm.s32 $0x0;
	s8 =	sshrl.u32 s31, $0x16  }
0xe: {  	s12 =	simm.s32 $0x0;
	s5 =	sadd.s32 $0x1D6C00, s4;
	s9 =	smul.u32 $0x50, s8  }
.Ltmp0:
0xf: {  	s11 =	smov.u32 s2;
	s1 =	rddreg [dreg:$0x1];
	(pc) =	sbr.rel .LBB2_1-.Ltmp0, $4  }
0x10: {  	_ =	strace $0x80000056;
	p0 =	sne.s32 s7, s9;
	s9 =	simm.s32 $0x1  }
0x11: {  	[sflag:s6] =	ssyncpa.u1 $0x0;
	s7 =	simm.s32 $0x2;
	s9 =	simm.s32 @!p0 $0x0  }
0x12: {  	[sflag:s7] =	ssyncpa.u1 $0x0;
	p0 =	por $0x0, $0x0;
	s8 =	sadd.s32 s8, s9  }
0x13: {  	vm0 =	vmmov $0xff;
	vm1 =	vcmask $0x3F20;
	s9 =	sadd.s32 $0xD800, s4;
	[sflag:s10] =	ssyncpa.u1 $0x0;
	s10 =	sadd.s32 $0x1, s8  }
.LBB2_6:
0x14: {  	[hbm:s17] =	stream.linear.scatter [tilespmem:s14], [sflag:$0x3], $0x400, $0x38;
	[tilespmem:$0x50A0] =	vst v63  }
.LBB2_7:
0x15: {  	s13 =	sadd.s32 $0x50, s11  }
0x16: {  	s15 =	smov.u32 s2;
	p2 =	slt.s32 s13, s3  }
0x17: {  	s15 =	smov.u32 @p2 s13;
	p2 =	sne.s32 s12, s10  }
.Ltmp1:
0x18: {  	p1 =	slt.u32 s12, $0x2;
	(pc) =	sbr.rel @!p2 .LBB2_8-.Ltmp1, $4  }
0x19: {  	s14 =	simm.s32 @!p1 $0x3  }
0x1a: {  	s16 =	sadd.s32 $0x1, s12;
	_ =	swait.ge @!p1 [sflag:s14], $0x2800  }
0x1b: {  	p0 =	por !p0, !p0;
	s13 =	smov.u32 s11;
	[sflag:s14] =	ssyncset.done @!p1 $0x0  }
0x1c: {  	s12 =	smov.u32 s16;
	s11 =	smov.u32 s15;
	[sflag:s14] =	ssyncadd.s32 @!p1 $0xFFFFD800  }
.LBB2_1:
0x1d: {  	p1 =	sge.u32 s12, s8  }
0x1e: {  	s14 =	sxor.u32 @!p1 $0xFFFFFFFF, s12  }
0x1f: {  	s14 =	sand.u32 @!p1 $0x1, s14  }
0x20: {  	s14 =	smul.u32 @!p1 $0x140, s14  }
0x21: {  	s31 =	sadd.s32 $0xFFFFFFFF, s12;
	s15 =	sshrl.u32 @!p1 s11, $0x3  }
0x22: {  	s16 =	sand.u32 @!p1 $0x7, s11;
	s15 =	sadd.s32 @!p1 s9, s15;
	s14 =	sshrl.u32 @!p1 s14, $0x2  }
0x23: {  	[tilespmem:s14], [sflag:$0x2] =	stream.linear.gather @!p1 [hbm4b:s15+s16], $0x50, $0x38;
	[tilespmem:$0x50A0] =	vst v63  }
0x24: {  	p1 =	sge.u32 s31, s8  }
.Ltmp2:
0x25: {  	_ = 	snop;
	(pc) =	sbr.rel @p1 .LBB2_7-.Ltmp2, $1  }
0x26: {  	_ =	sdelay $0x3  }
0x27: {  	s14 =	simm.s32 $0x1  }
0x28: {  	s14 =	simm.s32 @!p0 $0x0  }
0x29: {  	s15 =	smul.u32 $0x140, s14  }
0x2a: {  	_ =	swait.ge [sflag:s7], $0x50  }
0x2b: {  	[sflag:s7] =	ssyncset.done $0x0;
	s16 =	sshrl.u32 s15, $0x2  }
0x2c: {  	[sflag:s7] =	ssyncadd.s32 $0xFFFFFFB0;
	s15 =	sadd.s32 $0x0, s16  }
0x2d: {  	v0 =	vld.msk [tilespmem:s15+$0x0 ss:$0x1], $0xffff;
	_ =	sdelay $0x4  }
0x2e: {  	vm2 =	vgt.s32 v0, $0x0  }
0x2f: {  	v0 =	vnsel vm2, $0x0, v0  }
0x30: {  	v0 =	vmin.u32 v0, $0xBFFF  }
0x31: {  	v0 =	vshll.u32 v0, $0x4  }
0x32: {  	s14 =	smul.u32 $0xA000, s14;
	_ =	sdelay $0x1  }
0x33: {  	s14 =	sshrl.u32 s14, $0x2  }
0x34: {  	s14 =	sor.u32 $0xA0, s14  }
0x35: {  	[tilespmem:s14], [sflag:$0x1] =	stream.indirect_vreg.gather [hbm:s5], $0x80, v0, vm0, $0x38;
	[tilespmem:$0x50A0] =	vst v63  }
0x36: {  	s17 =	sadd.s32 $0x10, s16;
	s15 =	sadd.s32 $0x400, s14  }
0x37: {  	[tilespmem:s15], [sflag:$0x1] =	stream.indirect_vreg.gather [hbm:s5], $0x80, v0, vm1, $0x38;
	[tilespmem:$0x50A0] =	vst v63  }
0x38: {  	s18 =	simm.s32 $0x80;
	v0 =	vld.msk [tilespmem:s17+$0x0 ss:$0x1], $0xffff;
	s17 =	smov.u32 s14  }
.LBB2_3:
0x39: {  	p1 =	sne.s32 s18, $0x100;
	_ =	sdelay $0x4  }
0x3a: {  	vm2 =	vgt.s32 v0, $0x0  }
0x3b: {  	v0 =	vnsel vm2, $0x0, v0  }
0x3c: {  	v0 =	vmin.u32 v0, $0xBFFF  }
0x3d: {  	v0 =	vshll.u32 v0, $0x4;
	_ =	sdelay $0x3  }
.Ltmp3:
0x3e: {  	s19 =	sshra.s32 s18, $0x2;
	s17 =	sadd.s32 $0x800, s17;
	(pc) =	sbr.rel @p1 .LBB2_3-.Ltmp3, $4  }
0x3f: {  	[tilespmem:s17], [sflag:$0x1] =	stream.indirect_vreg.gather [hbm:s5], $0x80, v0, vm0, $0x38;
	[tilespmem:$0x50A0] =	vst v63  }
0x40: {  	s19 =	sadd.s32 s19, s16;
	s20 =	sadd.s32 $0x400, s17  }
0x41: {  	[tilespmem:s20], [sflag:$0x1] =	stream.indirect_vreg.gather [hbm:s5], $0x80, v0, vm1, $0x38;
	[tilespmem:$0x50A0] =	vst v63  }
0x42: {  	s18 =	sadd.s32 $0x40, s18;
	v0 =	vld.msk [tilespmem:s19+$0x0 ss:$0x1], $0xffff  }
0x43: {  	_ =	sdelay $0x3  }
0x44: {  	vm2 =	vgt.s32 v0, $0x0  }
0x45: {  	v0 =	vnsel vm2, $0x0, v0  }
0x46: {  	v0 =	vmin.u32 v0, $0xBFFF  }
0x47: {  	v0 =	vshll.u32 v0, $0x4;
	_ =	sdelay $0x3  }
0x48: {  	s16 =	sadd.s32 $0x800, s17  }
0x49: {  	[tilespmem:s16], [sflag:$0x1] =	stream.indirect_vreg.gather [hbm:s5], $0x80, v0, vm0, $0x38;
	[tilespmem:$0x50A0] =	vst v63  }
0x4a: {  	s16 =	sadd.s32 $0x400, s16  }
0x4b: {  	[tilespmem:s16], [sflag:$0x1] =	stream.indirect_vreg.gather [hbm:s5], $0x80, v0, vm1, $0x38;
	[tilespmem:$0x50A0] =	vst v63  }
0x4c: {  	s13 =	sshll.u32 s13, $0x4;
	_ =	swait.ge [sflag:s6], $0x2800  }
0x4d: {  	s13 =	sadd.s32 s13, s4;
	[sflag:s6] =	ssyncset.done $0x0  }
0x4e: {  	s17 =	sadd.s32 $0x0, s13;
	s16 =	simm.s32 $0x80;
	[sflag:s6] =	ssyncadd.s32 $0xFFFFD800  }
.LBB2_5:
0x4f: {  	[hbm:s17] =	stream.linear.scatter [tilespmem:s14], [sflag:$0x3], $0x400, $0x38;
	[tilespmem:$0x50A0] =	vst v63  }
0x50: {  	s17 =	smov.u32 s16;
	s14 =	smov.u32 s15;
	p1 =	sne.s32 s16, $0x480  }
.Ltmp4:
0x51: {  	s16 =	sadd.s32 $0x80, s16;
	(pc) =	sbr.rel @p1 .LBB2_5-.Ltmp4, $2  }
0x52: {  	_ =	sdelay $0x2  }
0x53: {  	s15 =	sadd.s32 $0x400, s15;
	s17 =	sadd.s32 s17, s13  }
.Ltmp5:
0x54: {  	_ = 	snop;
	(pc) =	sbr.rel .LBB2_6-.Ltmp5, $1  }
0x55: {  	_ =	sdelay $0x3  }
.LBB2_8:
0x56: {  	_ =	sfence.sel $0x180000  }
0x57: {  	s2 =	simm.s32 $0x2;
	[bflag:$0x0] =	sbarrier.arrive $0xFFFF  }
0x58: {  	s30 =	simm.s32 $0x3;
	[sflag:s2] =	ssyncpa.u1 $0x1  }
0x59: {  	s31 =	simm.s32 $0x1;
	[sflag:s30] =	ssyncpa.u1 $0x1  }
0x5a: {  	[sflag:s31] =	ssyncpa.u1 $0x1  }
0x5b: {  	p0 =	sne.s32 s0, $0x0;
	_ =	strace $0x90000056  }
0x5c: {  	s0 =	sadd.s32 @!p0 $0x100000, s1;
	[bflag:$0x2] =	sbarrier.arrive $0xFFFF  }
0x5d: {  	[sflag:s0] =	ssyncadd.tile.s32 @!p0 $0x1;
	_ =	shalt  }
.Lfunc_end2:
_tile_overlayer_lowered:
.L_overlay_start_2:
0x5e: {  	(tag) =	ssettag $0x2  }
0x5f: {  	s0 =	rddreg [dreg:$0x0];
	s2 =	stileid.u32  }
0x60: {  	s1 =	rddreg [dreg:$0x1];
	p0 =	sne.s32 s2, $0x0  }
0x61: {  	s3 =	rddreg [dreg:$0x2];
	[bflag:$0x3] =	sbarrier.arrive $0xFFFF;
	s2 =	simm.s32 @!p0 $0x1C01  }
0x62: {  	[timem:s3], [sflag:s2] =	dma.local @!p0 [hbm:s0], s1  }
0x63: {  	s0 =	simm.s32 @!p0 $0x1  }
0x64: {  	_ =	swait.ge @!p0 [sflag:s0], s1  }
0x65: {  	s1 =	ssub.s32 @!p0 $0x0, s1;
	[sflag:s0] =	ssyncset.done @!p0 $0x0  }
0x66: {  	[sflag:s0] =	ssyncadd.s32 @!p0 s1  }
0x67: {  	[bflag:$0x3] =	sbarrier.arrive $0xFFFF  }
0x68: {  	_ =	shalt  }

// kernel: gather_offload_async_start.2
scs
__scs_entry_jumppad:
0x0: {  	(pc) =	sbr.rel $0x88, $3  }
0x1: {  	(tag) =	ssettag $0x0;
	lr =	simm.s32 $0x1  }
0x2: {  	[smem:$0x3F96] =	sst lr;
	_ =	strace $0xD0000000  }
0x3: {  	_ = 	snop  }
0x4: {  	_ = 	snop  }
0x5: {  	_ = 	snop  }
0x6: {  	_ = 	snop  }
0x7: {  	_ = 	snop  }
__scs_overlays_trampoline_lowered:
0x8: {  	[smem:$0x3FA5] =	sst s0  }
0x9: {  	[smem:$0x3FA6] =	sst s1  }
0xa: {  	[smem:$0x3FA7] =	sst s2  }
0xb: {  	[smem:$0x3FA8] =	sst s3  }
0xc: {  	[smem:$0x3FA9] =	sst s4  }
0xd: {  	[smem:$0x3FAA] =	sst s5  }
0xe: {  	[smem:$0x3FAB] =	sst s6  }
0xf: {  	[smem:$0x3FAC] =	sst s7  }
0x10: {  	[smem:$0x3FAD] =	sst s8  }
0x11: {  	[smem:$0x3FAE] =	sst s9;
	s0 =	simm.s32 @!p0 $0x0  }
0x12: {  	s1 =	sld [smem:$0x3F94];
	s0 =	simm.s32 @p0 $0x1  }
0x13: {  	[smem:$0x3FAF] =	sst s0;
	s0 =	simm.s32 @!p1 $0x0  }
0x14: {  	s2 =	sld [smem:$0x3F93];
	s0 =	simm.s32 @p1 $0x1  }
0x15: {  	[smem:$0x3FB0] =	sst s0;
	s0 =	simm.s32 @!p2 $0x0  }
0x16: {  	s3 =	sld [smem:$0x3FDB];
	s0 =	simm.s32 @p2 $0x1  }
0x17: {  	s4 =	simm.s32 $0x1BF5;
	[smem:$0x3FB2] =	sst s0  }
0x18: {  	s0 =	sld [smem:$0x3F95];
	_ =	swait.ge [sflag:s4], $0x0  }
0x19: {  	s7 =	sld [smem:$0x3F96]  }
0x1a: {  	s8 =	sadd.s32 $0xFFFFE003, lr  }
0x1b: {  	s9 =	sadd.s32 $0xFFFFFEF7, lr;
	s5 =	simm.s32 $0xFFFFFFFF;
	p2 =	slt.u32 s8, $0xFFFFF086  }
0x1c: {  	p1 =	slt.u32 s9, $0xF7A;
	s5 =	simm.s32 @!p2 $0x0  }
0x1d: {  	s5 =	simm.s32 @p1 $0x1;
	p0 =	seq.s32 s7, s2  }
0x1e: {  	s7 =	smul.u32 @!p0 $0xF7A, s2;
	p2 =	seq.s32 @!p0 s5, $0x0  }
0x1f: {  	s9 =	smul.u32 $0xF7A, s1;
	s8 =	simm.s32 @!p0 $0x1BF5;
	p2 =	por !p2, p0  }
0x20: {  	[sflag:s8] =	ssyncset.s32 @!p0 $0xFFFFF086;
	s6 =	sadd.s32 @!p0 s3, s7;
	s7 =	simm.s32 @!p0 $0x108  }
0x21: {  	s3 =	sadd.s32 s3, s9;
	s6 =	sadd.s32 @!p0 $0x88, s6;
	s7 =	simm.s32 @p2 $0x1082  }
0x22: {  	[simem:s7], [sflag:s8] =	dma.local @!p0 [hbm:s6], $0xF7A  }
0x23: {  	s9 =	sor.u32 $0xD0000000, s2;
	s6 =	simm.s32 $0x108;
	_ =	swait.ge @!p0 [sflag:s8], $0x0  }
0x24: {  	s3 =	sadd.s32 $0x88, s3;
	s6 =	simm.s32 @!p1 $0x1082;
	[sflag:s4] =	ssyncset.s32 $0xFFFFF086  }
0x25: {  	[simem:s6], [sflag:s4] =	dma.local [hbm:s3], $0xF7A  }
0x26: {  	[smem:$0x3F96] =	sst s1;
	(tag) =	ssettag s2;
	_ =	strace s9  }
0x27: {  	s1 =	sld [smem:$0x3FA6]  }
0x28: {  	s2 =	sld [smem:$0x3FA7]  }
0x29: {  	s4 =	sld [smem:$0x3FA9]  }
0x2a: {  	p0 =	seq.s32 s5, $0x0;
	s5 =	sld [smem:$0x3FAA]  }
0x2b: {  	s6 =	sld [smem:$0x3FAB]  }
0x2c: {  	s7 =	sld [smem:$0x3FAC]  }
0x2d: {  	s3 =	simm.s32 $0x108;
	s8 =	sld [smem:$0x3FAD]  }
0x2e: {  	s3 =	simm.s32 @!p0 $0x1082;
	s9 =	sld [smem:$0x3FAE]  }
0x2f: {  	lr =	sadd.s32 s0, s3;
	s0 =	sld [smem:$0x3FA5]  }
0x30: {  	s3 =	sld [smem:$0x3FA8]  }
0x31: {  	[smem:$0x3FB1] =	sst s10  }
0x32: {  	s10 =	sld [smem:$0x3FAF];
	_ =	sdelay $0x3  }
0x33: {  	p0 =	seq.s32 s10, $0x1;
	s10 =	sld [smem:$0x3FB1];
	_ =	sdelay $0x3  }
0x34: {  	[smem:$0x3FB1] =	sst s10  }
0x35: {  	s10 =	sld [smem:$0x3FB0];
	_ =	sdelay $0x3  }
0x36: {  	p1 =	seq.s32 s10, $0x1;
	s10 =	sld [smem:$0x3FB1];
	_ =	sdelay $0x3  }
0x37: {  	[smem:$0x3FB1] =	sst s10  }
0x38: {  	s10 =	sld [smem:$0x3FB2]  }
0x39: {  	_ = 	snop;
	(pc) =	sbr.ind lr, $3  }
0x3a: {  	_ = 	snop  }
0x3b: {  	_ = 	snop  }
0x3c: {  	p2 =	seq.s32 s10, $0x1;
	s10 =	sld [smem:$0x3FB1]  }
0x3d: {  	_ =	shalt  }
0x3e: {  	_ =	shalt  }
0x3f: {  	_ =	shalt  }
0x40: {  	_ =	shalt  }
0x41: {  	_ =	shalt  }
0x42: {  	_ =	shalt  }
0x43: {  	_ =	shalt  }
0x44: {  	_ =	shalt  }
0x45: {  	_ =	shalt  }
0x46: {  	_ =	shalt  }
0x47: {  	_ =	shalt  }
0x48: {  	_ =	shalt  }
0x49: {  	_ =	shalt  }
0x4a: {  	_ =	shalt  }
0x4b: {  	_ =	shalt  }
0x4c: {  	_ =	shalt  }
0x4d: {  	_ =	shalt  }
0x4e: {  	_ =	shalt  }
0x4f: {  	_ =	shalt  }
0x50: {  	_ =	shalt  }
0x51: {  	_ =	shalt  }
0x52: {  	_ =	shalt  }
0x53: {  	_ =	shalt  }
0x54: {  	_ =	shalt  }
0x55: {  	_ =	shalt  }
0x56: {  	_ =	shalt  }
0x57: {  	_ =	shalt  }
0x58: {  	_ =	shalt  }
0x59: {  	_ =	shalt  }
0x5a: {  	_ =	shalt  }
0x5b: {  	_ =	shalt  }
0x5c: {  	_ =	shalt  }
0x5d: {  	_ =	shalt  }
0x5e: {  	_ =	shalt  }
0x5f: {  	_ =	shalt  }
0x60: {  	_ =	shalt  }
0x61: {  	_ =	shalt  }
0x62: {  	_ =	shalt  }
0x63: {  	_ =	shalt  }
0x64: {  	_ =	shalt  }
0x65: {  	_ =	shalt  }
0x66: {  	_ =	shalt  }
0x67: {  	_ =	shalt  }
0x68: {  	_ =	shalt  }
0x69: {  	_ =	shalt  }
0x6a: {  	_ =	shalt  }
0x6b: {  	_ =	shalt  }
0x6c: {  	_ =	shalt  }
0x6d: {  	_ =	shalt  }
0x6e: {  	_ =	shalt  }
0x6f: {  	_ =	shalt  }
0x70: {  	_ =	shalt  }
0x71: {  	_ =	shalt  }
0x72: {  	_ =	shalt  }
0x73: {  	_ =	shalt  }
0x74: {  	_ =	shalt  }
0x75: {  	_ =	shalt  }
0x76: {  	_ =	shalt  }
0x77: {  	_ =	shalt  }
0x78: {  	_ =	shalt  }
0x79: {  	_ =	shalt  }
0x7a: {  	_ =	shalt  }
0x7b: {  	_ =	shalt  }
0x7c: {  	_ =	shalt  }
0x7d: {  	_ =	shalt  }
0x7e: {  	_ =	shalt  }
0x7f: {  	_ =	shalt  }
0x80: {  	_ =	shalt  }
0x81: {  	_ =	shalt  }
0x82: {  	_ =	shalt  }
0x83: {  	_ =	shalt  }
0x84: {  	_ =	shalt  }
0x85: {  	_ =	shalt  }
0x86: {  	_ =	shalt  }
0x87: {  	_ =	shalt  }
.Lfunc_end0:
.L_simem_size_0:
called_computation.2_lowered:
.L_overlay_start_0:
0x88: {  	s0 =	sld [smem:$0x3FD9]  }
0x89: {  	s1 =	sld [smem:$0x3FFE];
	_ =	sdelay $0x3  }
0x8a: {  	s0 =	sadd.s32 s1, s0  }
0x8b: {  	[smem:$0x3FBD] =	sst s0  }
0x8c: {  	_ = 	snop  }
0x8d: {  	s0 =	sld [smem:$0x3FD0];
	_ =	sdelay $0x2  }
0x8e: {  	s13 =	simm.s32 $0xC;
	s2 =	simm.s32 $0x10  }
0x8f: {  	[smem:s2], [sflag:s13] =	dma.local [hbm:s0], $0x1  }
0x90: {  	_ =	swait.eq [sflag:s13], $0x1  }
0x91: {  	[sflag:s13] =	ssyncset.done $0x0  }
0x92: {  	[sflag:s13] =	ssyncadd.s32 $0xFFFFFFFF  }
0x93: {  	s14 =	sld [smem:$0x11];
	(tm) =	ssettm $0x1  }
0x94: {  	s15 =	sld [smem:$0x3FFB];
	_ =	sdelay $0x3  }
0x95: {  	_ =	strace s15  }
0x96: {  	s1 =	sld [smem:$0x3FFC];
	_ =	sdelay $0x3  }
0x97: {  	_ =	strace s1  }
0x98: {  	s1 =	sld [smem:$0x3FFD];
	_ =	sdelay $0x3  }
0x99: {  	_ =	strace s1  }
0x9a: {  	_ =	strace $0x8FFFFFFF  }
0x9b: {  	s16 =	sld [smem:$0x3FDB];
	_ =	sdelay $0x1  }
0x9c: {  	s17 =	simm.s32 $_scs_section_size  }
0x9d: {  	s3 =	simm.s32 $_size__tile_overlayer_lowered;
	s4 =	simm.s32 $_tile_overlayer_lowered  }
0x9e: {  	s20 =	simm.s32 $0x1BFF;
	s19 =	sshll.u32 s4, $0x1;
	s1 =	sadd.s32 s17, s16  }
0x9f: {  	s5 =	simm.s32 $0x0;
	s18 =	sshll.u32 s3, $0x1;
	s3 =	sadd.s32 s19, s1  }
0xa0: {  	[timem:s5], [sflag:s20] =	dma.local [hbm:s3], s18  }
0xa1: {  	_ =	swait.ge [sflag:s20], s18  }
0xa2: {  	s2 =	ssub.s32 $0x0, s18;
	[sflag:s20] =	ssyncset.done $0x0  }
0xa3: {  	[sflag:s20] =	ssyncadd.s32 s2;
	_ =	sdelay $0x1  }
0xa4: {  	s21 =	simm.s32 $0x1B8B  }
0xa5: {  	_ =	swait.ge [sflag:s21], $0x1  }
0xa6: {  	[sflag:s21] =	ssyncset.done $0x0  }
0xa7: {  	s23 =	simm.s32 $0x1B8E;
	s22 =	sld [smem:$0x3FFE];
	[sflag:s21] =	ssyncadd.s32 $0xFFFFFFFF  }
0xa8: {  	s24 =	simm.s32 $execute0_lowered;
	[smem:$0x3FD2] =	sst s23  }
0xa9: {  	s3 =	sshll.u32 s24, $0x1;
	_ =	strace $0x80000064;
	[dreg:$0x1] =	wrdreg $0xFFFFFFFF  }
0xaa: {  	s25 =	simm.s32 $_size_execute0_lowered;
	s1 =	sadd.s32 s1, s3;
	[dreg:$0x0] =	wrdreg $0x0  }
0xab: {  	s3 =	sshll.u32 s25, $0x1;
	[dreg:$0x2] =	wrdreg s1  }
0xac: {  	[dreg:$0x3] =	wrdreg s3  }
0xad: {  	[dreg:$0x4] =	wrdreg $0xC0  }
0xae: {  	_ =	task [dreg:s5], $0x5FFFF  }
0xaf: {  	[dreg:$0x1] =	wrdreg $0xFFFFFFFF  }
0xb0: {  	[dreg:$0x0] =	wrdreg $0x60  }
0xb1: {  	[dreg:$0x2] =	wrdreg s22  }
0xb2: {  	[dreg:$0x3] =	wrdreg s14  }
0xb3: {  	[dreg:$0x4] =	wrdreg $0x9  }
0xb4: {  	_ =	task.clear_ibuf [dreg:s5], $0x5FFFF;
	_ =	strace $0x90000064  }
0xb5: {  	s26 =	simm.s32 $0x9;
	_ =	strace $0x80000066  }
0xb6: {  	_ =	swait.ge [sflag:s26], $0x1  }
0xb7: {  	[sflag:s26] =	ssyncadd.s32 $0xFFFFFFFF  }
0xb8: {  	_ =	strace $0x90000066  }
0xb9: {  	_ =	sfence  }
0xba: {  	s28 =	sld [smem:$0x0];
	_ =	sdelay $0x1  }
0xbb: {  	s29 =	srdreg.scid  }
0xbc: {  	s30 =	sshll.u32 s29, $0xD;
	s31 =	sshrl.u32 s29, $0x2  }
0xbd: {  	s2 =	sand.u32 $0x4000, s30;
	s1 =	sand.u32 $0x1, s29;
	s0 =	sadd.s32 s31, s28  }
0xbe: {  	s1 =	sor.u32 s2, s1;
	s0 =	sshll.u32 s0, $0x11  }
0xbf: {  	s0 =	sor.u32 s0, s1  }
0xc0: {  	s0 =	sadd.s32 $0x8F2B, s0  }
0xc1: {  	[sflag:s0] =	ssyncadd.remote.s32 $0x1  }
0xc2: {  	_ =	sfence.sel $0xFFFF  }
0xc3: {  	[dreg:$0x0] =	wrdreg $0xFFFFFFFF;
	(pc) =	sbr.abs _section_cstart, $3  }
0xc4: {  	[dreg:$0x1] =	wrdreg $0xFFFFFFFF  }
0xc5: {  	_ =	task.clear_ibuf [dreg:s5], $0x2FFFF;
	_ =	strace $0x9FFFFFFF  }
0xc6: {  	(tm) =	ssettm $0x7FFFFFFF  }
0xc7: {  	_ =	shalt  }
tec
execute0_lowered:
.L_overlay_start_1:
0x0: {  	(tag) =	ssettag $0x1  }
0x1: {  	s0 =	stileid.u32  }
0x2: {  	s1 =	smin.u32 s0, $0x9  }
0x3: {  	s1 =	sadd.s32 s0, s1  }
0x4: {  	s2 =	simm.s32 $0xA0;
	p0 =	slt.u32 s0, $0x9;
	s1 =	smul.u32 $0x50, s1  }
0x5: {  	s2 =	simm.s32 @!p0 $0x50  }
0x6: {  	s2 =	sadd.s32 s2, s1  }
0x7: {  	s3 =	smin.u32 s2, $0x7D0  }
0x8: {  	s7 =	ssub.s32 s3, s1  }
0x9: {  	p0 =	sgt.s32 s7, $0x0  }
0xa: {  	s7 =	simm.s32 @!p0 $0x0  }
0xb: {  	s9 =	rddreg [dreg:$0x0];
	s31 =	smul.u32 $0xCCCD, s7  }
0xc: {  	s4 =	rddreg [dreg:$0x1];
	s6 =	simm.s32 $0x1  }
0xd: {  	s11 =	simm.s32 $0x3;
	s13 =	simm.s32 $0x0;
	s8 =	sshrl.u32 s31, $0x16  }
0xe: {  	s12 =	simm.s32 $0x0;
	s5 =	sadd.s32 $0x35C00, s9;
	s10 =	smul.u32 $0x50, s8  }
.Ltmp0:
0xf: {  	s9 =	sadd.s32 $0xE400, s9;
	s2 =	rddreg [dreg:$0x2];
	(pc) =	sbr.rel .LBB2_1-.Ltmp0, $4  }
0x10: {  	_ =	strace $0x80000065;
	p0 =	sne.s32 s7, s10;
	s10 =	simm.s32 $0x1  }
0x11: {  	[sflag:s6] =	ssyncpa.u1 $0x0;
	s7 =	simm.s32 $0x2;
	s10 =	simm.s32 @!p0 $0x0  }
0x12: {  	[sflag:s7] =	ssyncpa.u1 $0x0;
	p0 =	por $0x0, $0x0;
	s8 =	sadd.s32 s8, s10  }
0x13: {  	vm0 =	vmmov $0xff;
	vm1 =	vcmask $0x3F20;
	[sflag:s11] =	ssyncpa.u1 $0x0;
	s11 =	smov.u32 s1;
	s10 =	sadd.s32 $0x1, s8  }
.LBB2_6:
0x14: {  	[hbm:s17] =	stream.linear.scatter [tilespmem:s14], [sflag:$0x3], $0x400, $0x38;
	[tilespmem:$0x50A0] =	vst v63  }
.LBB2_7:
0x15: {  	s13 =	sadd.s32 $0x50, s11  }
0x16: {  	s15 =	smov.u32 s1;
	p2 =	slt.s32 s13, s3  }
0x17: {  	s15 =	smov.u32 @p2 s13;
	p2 =	sne.s32 s12, s10  }
.Ltmp1:
0x18: {  	p1 =	slt.u32 s12, $0x2;
	(pc) =	sbr.rel @!p2 .LBB2_8-.Ltmp1, $4  }
0x19: {  	s14 =	simm.s32 @!p1 $0x3  }
0x1a: {  	s16 =	sadd.s32 $0x1, s12;
	_ =	swait.ge @!p1 [sflag:s14], $0x2800  }
0x1b: {  	p0 =	por !p0, !p0;
	s13 =	smov.u32 s11;
	[sflag:s14] =	ssyncset.done @!p1 $0x0  }
0x1c: {  	s12 =	smov.u32 s16;
	s11 =	smov.u32 s15;
	[sflag:s14] =	ssyncadd.s32 @!p1 $0xFFFFD800  }
.LBB2_1:
0x1d: {  	p1 =	sge.u32 s12, s8  }
0x1e: {  	s14 =	sxor.u32 @!p1 $0xFFFFFFFF, s12  }
0x1f: {  	s14 =	sand.u32 @!p1 $0x1, s14  }
0x20: {  	s14 =	smul.u32 @!p1 $0x140, s14  }
0x21: {  	s31 =	sadd.s32 $0xFFFFFFFF, s12;
	s15 =	sshrl.u32 @!p1 s11, $0x3  }
0x22: {  	s16 =	sand.u32 @!p1 $0x7, s11;
	s15 =	sadd.s32 @!p1 s4, s15;
	s14 =	sshrl.u32 @!p1 s14, $0x2  }
0x23: {  	[tilespmem:s14], [sflag:$0x2] =	stream.linear.gather @!p1 [hbm4b:s15+s16], $0x50, $0x38;
	[tilespmem:$0x50A0] =	vst v63  }
0x24: {  	p1 =	sge.u32 s31, s8  }
.Ltmp2:
0x25: {  	_ = 	snop;
	(pc) =	sbr.rel @p1 .LBB2_7-.Ltmp2, $1  }
0x26: {  	_ =	sdelay $0x3  }
0x27: {  	s14 =	simm.s32 $0x1  }
0x28: {  	s14 =	simm.s32 @!p0 $0x0  }
0x29: {  	s15 =	smul.u32 $0x140, s14  }
0x2a: {  	_ =	swait.ge [sflag:s7], $0x50  }
0x2b: {  	[sflag:s7] =	ssyncset.done $0x0;
	s16 =	sshrl.u32 s15, $0x2  }
0x2c: {  	[sflag:s7] =	ssyncadd.s32 $0xFFFFFFB0;
	s15 =	sadd.s32 $0x0, s16  }
0x2d: {  	v0 =	vld.msk [tilespmem:s15+$0x0 ss:$0x1], $0xffff;
	_ =	sdelay $0x4  }
0x2e: {  	vm2 =	vgt.s32 v0, $0x0  }
0x2f: {  	v0 =	vnsel vm2, $0x0, v0  }
0x30: {  	v0 =	vmin.u32 v0, $0xBFFF  }
0x31: {  	v0 =	vshll.u32 v0, $0x4  }
0x32: {  	s14 =	smul.u32 $0xA000, s14;
	_ =	sdelay $0x1  }
0x33: {  	s14 =	sshrl.u32 s14, $0x2  }
0x34: {  	s14 =	sor.u32 $0xA0, s14  }
0x35: {  	[tilespmem:s14], [sflag:$0x1] =	stream.indirect_vreg.gather [hbm:s5], $0x80, v0, vm0, $0x38;
	[tilespmem:$0x50A0] =	vst v63  }
0x36: {  	s17 =	sadd.s32 $0x10, s16;
	s15 =	sadd.s32 $0x400, s14  }
0x37: {  	[tilespmem:s15], [sflag:$0x1] =	stream.indirect_vreg.gather [hbm:s5], $0x80, v0, vm1, $0x38;
	[tilespmem:$0x50A0] =	vst v63  }
0x38: {  	s18 =	simm.s32 $0x80;
	v0 =	vld.msk [tilespmem:s17+$0x0 ss:$0x1], $0xffff;
	s17 =	smov.u32 s14  }
.LBB2_3:
0x39: {  	p1 =	sne.s32 s18, $0x100;
	_ =	sdelay $0x4  }
0x3a: {  	vm2 =	vgt.s32 v0, $0x0  }
0x3b: {  	v0 =	vnsel vm2, $0x0, v0  }
0x3c: {  	v0 =	vmin.u32 v0, $0xBFFF  }
0x3d: {  	v0 =	vshll.u32 v0, $0x4;
	_ =	sdelay $0x3  }
.Ltmp3:
0x3e: {  	s19 =	sshra.s32 s18, $0x2;
	s17 =	sadd.s32 $0x800, s17;
	(pc) =	sbr.rel @p1 .LBB2_3-.Ltmp3, $4  }
0x3f: {  	[tilespmem:s17], [sflag:$0x1] =	stream.indirect_vreg.gather [hbm:s5], $0x80, v0, vm0, $0x38;
	[tilespmem:$0x50A0] =	vst v63  }
0x40: {  	s19 =	sadd.s32 s19, s16;
	s20 =	sadd.s32 $0x400, s17  }
0x41: {  	[tilespmem:s20], [sflag:$0x1] =	stream.indirect_vreg.gather [hbm:s5], $0x80, v0, vm1, $0x38;
	[tilespmem:$0x50A0] =	vst v63  }
0x42: {  	s18 =	sadd.s32 $0x40, s18;
	v0 =	vld.msk [tilespmem:s19+$0x0 ss:$0x1], $0xffff  }
0x43: {  	_ =	sdelay $0x3  }
0x44: {  	vm2 =	vgt.s32 v0, $0x0  }
0x45: {  	v0 =	vnsel vm2, $0x0, v0  }
0x46: {  	v0 =	vmin.u32 v0, $0xBFFF  }
0x47: {  	v0 =	vshll.u32 v0, $0x4;
	_ =	sdelay $0x3  }
0x48: {  	s16 =	sadd.s32 $0x800, s17  }
0x49: {  	[tilespmem:s16], [sflag:$0x1] =	stream.indirect_vreg.gather [hbm:s5], $0x80, v0, vm0, $0x38;
	[tilespmem:$0x50A0] =	vst v63  }
0x4a: {  	s16 =	sadd.s32 $0x400, s16  }
0x4b: {  	[tilespmem:s16], [sflag:$0x1] =	stream.indirect_vreg.gather [hbm:s5], $0x80, v0, vm1, $0x38;
	[tilespmem:$0x50A0] =	vst v63  }
0x4c: {  	s13 =	sshll.u32 s13, $0x4;
	_ =	swait.ge [sflag:s6], $0x2800  }
0x4d: {  	s13 =	sadd.s32 s13, s9;
	[sflag:s6] =	ssyncset.done $0x0  }
0x4e: {  	s17 =	sadd.s32 $0x0, s13;
	s16 =	simm.s32 $0x80;
	[sflag:s6] =	ssyncadd.s32 $0xFFFFD800  }
.LBB2_5:
0x4f: {  	[hbm:s17] =	stream.linear.scatter [tilespmem:s14], [sflag:$0x3], $0x400, $0x38;
	[tilespmem:$0x50A0] =	vst v63  }
0x50: {  	s17 =	smov.u32 s16;
	s14 =	smov.u32 s15;
	p1 =	sne.s32 s16, $0x480  }
.Ltmp4:
0x51: {  	s16 =	sadd.s32 $0x80, s16;
	(pc) =	sbr.rel @p1 .LBB2_5-.Ltmp4, $2  }
0x52: {  	_ =	sdelay $0x2  }
0x53: {  	s15 =	sadd.s32 $0x400, s15;
	s17 =	sadd.s32 s17, s13  }
.Ltmp5:
0x54: {  	_ = 	snop;
	(pc) =	sbr.rel .LBB2_6-.Ltmp5, $1  }
0x55: {  	_ =	sdelay $0x3  }
.LBB2_8:
0x56: {  	_ =	sfence.sel $0x180000  }
0x57: {  	s1 =	simm.s32 $0x2;
	[bflag:$0x0] =	sbarrier.arrive $0xFFFF  }
0x58: {  	s30 =	simm.s32 $0x3;
	[sflag:s1] =	ssyncpa.u1 $0x1  }
0x59: {  	s31 =	simm.s32 $0x1;
	[sflag:s30] =	ssyncpa.u1 $0x1  }
0x5a: {  	[sflag:s31] =	ssyncpa.u1 $0x1  }
0x5b: {  	p0 =	sne.s32 s0, $0x0;
	_ =	strace $0x90000065  }
0x5c: {  	s0 =	sadd.s32 @!p0 $0x100000, s2;
	[bflag:$0x2] =	sbarrier.arrive $0xFFFF  }
0x5d: {  	[sflag:s0] =	ssyncadd.tile.s32 @!p0 $0x1;
	_ =	shalt  }
.Lfunc_end2:
_tile_overlayer_lowered:
.L_overlay_start_2:
0x5e: {  	(tag) =	ssettag $0x2  }
0x5f: {  	s0 =	rddreg [dreg:$0x0];
	s2 =	stileid.u32  }
0x60: {  	s1 =	rddreg [dreg:$0x1];
	p0 =	sne.s32 s2, $0x0  }
0x61: {  	s3 =	rddreg [dreg:$0x2];
	[bflag:$0x3] =	sbarrier.arrive $0xFFFF;
	s2 =	simm.s32 @!p0 $0x1C01  }
0x62: {  	[timem:s3], [sflag:s2] =	dma.local @!p0 [hbm:s0], s1  }
0x63: {  	s0 =	simm.s32 @!p0 $0x1  }
0x64: {  	_ =	swait.ge @!p0 [sflag:s0], s1  }
0x65: {  	s1 =	ssub.s32 @!p0 $0x0, s1;
	[sflag:s0] =	ssyncset.done @!p0 $0x0  }
0x66: {  	[sflag:s0] =	ssyncadd.s32 @!p0 s1  }
0x67: {  	[bflag:$0x3] =	sbarrier.arrive $0xFFFF  }
0x68: {  	_ =	shalt  }

// kernel: gather_offload_async_start.3
scs
__scs_entry_jumppad:
0x0: {  	(pc) =	sbr.rel $0x88, $3  }
0x1: {  	(tag) =	ssettag $0x0;
	lr =	simm.s32 $0x1  }
0x2: {  	[smem:$0x3F96] =	sst lr;
	_ =	strace $0xD0000000  }
0x3: {  	_ = 	snop  }
0x4: {  	_ = 	snop  }
0x5: {  	_ = 	snop  }
0x6: {  	_ = 	snop  }
0x7: {  	_ = 	snop  }
__scs_overlays_trampoline_lowered:
0x8: {  	[smem:$0x3FA5] =	sst s0  }
0x9: {  	[smem:$0x3FA6] =	sst s1  }
0xa: {  	[smem:$0x3FA7] =	sst s2  }
0xb: {  	[smem:$0x3FA8] =	sst s3  }
0xc: {  	[smem:$0x3FA9] =	sst s4  }
0xd: {  	[smem:$0x3FAA] =	sst s5  }
0xe: {  	[smem:$0x3FAB] =	sst s6  }
0xf: {  	[smem:$0x3FAC] =	sst s7  }
0x10: {  	[smem:$0x3FAD] =	sst s8  }
0x11: {  	[smem:$0x3FAE] =	sst s9;
	s0 =	simm.s32 @!p0 $0x0  }
0x12: {  	s1 =	sld [smem:$0x3F94];
	s0 =	simm.s32 @p0 $0x1  }
0x13: {  	[smem:$0x3FAF] =	sst s0;
	s0 =	simm.s32 @!p1 $0x0  }
0x14: {  	s2 =	sld [smem:$0x3F93];
	s0 =	simm.s32 @p1 $0x1  }
0x15: {  	[smem:$0x3FB0] =	sst s0;
	s0 =	simm.s32 @!p2 $0x0  }
0x16: {  	s3 =	sld [smem:$0x3FDB];
	s0 =	simm.s32 @p2 $0x1  }
0x17: {  	s4 =	simm.s32 $0x1BF5;
	[smem:$0x3FB2] =	sst s0  }
0x18: {  	s0 =	sld [smem:$0x3F95];
	_ =	swait.ge [sflag:s4], $0x0  }
0x19: {  	s7 =	sld [smem:$0x3F96]  }
0x1a: {  	s8 =	sadd.s32 $0xFFFFE003, lr  }
0x1b: {  	s9 =	sadd.s32 $0xFFFFFEF7, lr;
	s5 =	simm.s32 $0xFFFFFFFF;
	p2 =	slt.u32 s8, $0xFFFFF086  }
0x1c: {  	p1 =	slt.u32 s9, $0xF7A;
	s5 =	simm.s32 @!p2 $0x0  }
0x1d: {  	s5 =	simm.s32 @p1 $0x1;
	p0 =	seq.s32 s7, s2  }
0x1e: {  	s7 =	smul.u32 @!p0 $0xF7A, s2;
	p2 =	seq.s32 @!p0 s5, $0x0  }
0x1f: {  	s9 =	smul.u32 $0xF7A, s1;
	s8 =	simm.s32 @!p0 $0x1BF5;
	p2 =	por !p2, p0  }
0x20: {  	[sflag:s8] =	ssyncset.s32 @!p0 $0xFFFFF086;
	s6 =	sadd.s32 @!p0 s3, s7;
	s7 =	simm.s32 @!p0 $0x108  }
0x21: {  	s3 =	sadd.s32 s3, s9;
	s6 =	sadd.s32 @!p0 $0x88, s6;
	s7 =	simm.s32 @p2 $0x1082  }
0x22: {  	[simem:s7], [sflag:s8] =	dma.local @!p0 [hbm:s6], $0xF7A  }
0x23: {  	s9 =	sor.u32 $0xD0000000, s2;
	s6 =	simm.s32 $0x108;
	_ =	swait.ge @!p0 [sflag:s8], $0x0  }
0x24: {  	s3 =	sadd.s32 $0x88, s3;
	s6 =	simm.s32 @!p1 $0x1082;
	[sflag:s4] =	ssyncset.s32 $0xFFFFF086  }
0x25: {  	[simem:s6], [sflag:s4] =	dma.local [hbm:s3], $0xF7A  }
0x26: {  	[smem:$0x3F96] =	sst s1;
	(tag) =	ssettag s2;
	_ =	strace s9  }
0x27: {  	s1 =	sld [smem:$0x3FA6]  }
0x28: {  	s2 =	sld [smem:$0x3FA7]  }
0x29: {  	s4 =	sld [smem:$0x3FA9]  }
0x2a: {  	p0 =	seq.s32 s5, $0x0;
	s5 =	sld [smem:$0x3FAA]  }
0x2b: {  	s6 =	sld [smem:$0x3FAB]  }
0x2c: {  	s7 =	sld [smem:$0x3FAC]  }
0x2d: {  	s3 =	simm.s32 $0x108;
	s8 =	sld [smem:$0x3FAD]  }
0x2e: {  	s3 =	simm.s32 @!p0 $0x1082;
	s9 =	sld [smem:$0x3FAE]  }
0x2f: {  	lr =	sadd.s32 s0, s3;
	s0 =	sld [smem:$0x3FA5]  }
0x30: {  	s3 =	sld [smem:$0x3FA8]  }
0x31: {  	[smem:$0x3FB1] =	sst s10  }
0x32: {  	s10 =	sld [smem:$0x3FAF];
	_ =	sdelay $0x3  }
0x33: {  	p0 =	seq.s32 s10, $0x1;
	s10 =	sld [smem:$0x3FB1];
	_ =	sdelay $0x3  }
0x34: {  	[smem:$0x3FB1] =	sst s10  }
0x35: {  	s10 =	sld [smem:$0x3FB0];
	_ =	sdelay $0x3  }
0x36: {  	p1 =	seq.s32 s10, $0x1;
	s10 =	sld [smem:$0x3FB1];
	_ =	sdelay $0x3  }
0x37: {  	[smem:$0x3FB1] =	sst s10  }
0x38: {  	s10 =	sld [smem:$0x3FB2]  }
0x39: {  	_ = 	snop;
	(pc) =	sbr.ind lr, $3  }
0x3a: {  	_ = 	snop  }
0x3b: {  	_ = 	snop  }
0x3c: {  	p2 =	seq.s32 s10, $0x1;
	s10 =	sld [smem:$0x3FB1]  }
0x3d: {  	_ =	shalt  }
0x3e: {  	_ =	shalt  }
0x3f: {  	_ =	shalt  }
0x40: {  	_ =	shalt  }
0x41: {  	_ =	shalt  }
0x42: {  	_ =	shalt  }
0x43: {  	_ =	shalt  }
0x44: {  	_ =	shalt  }
0x45: {  	_ =	shalt  }
0x46: {  	_ =	shalt  }
0x47: {  	_ =	shalt  }
0x48: {  	_ =	shalt  }
0x49: {  	_ =	shalt  }
0x4a: {  	_ =	shalt  }
0x4b: {  	_ =	shalt  }
0x4c: {  	_ =	shalt  }
0x4d: {  	_ =	shalt  }
0x4e: {  	_ =	shalt  }
0x4f: {  	_ =	shalt  }
0x50: {  	_ =	shalt  }
0x51: {  	_ =	shalt  }
0x52: {  	_ =	shalt  }
0x53: {  	_ =	shalt  }
0x54: {  	_ =	shalt  }
0x55: {  	_ =	shalt  }
0x56: {  	_ =	shalt  }
0x57: {  	_ =	shalt  }
0x58: {  	_ =	shalt  }
0x59: {  	_ =	shalt  }
0x5a: {  	_ =	shalt  }
0x5b: {  	_ =	shalt  }
0x5c: {  	_ =	shalt  }
0x5d: {  	_ =	shalt  }
0x5e: {  	_ =	shalt  }
0x5f: {  	_ =	shalt  }
0x60: {  	_ =	shalt  }
0x61: {  	_ =	shalt  }
0x62: {  	_ =	shalt  }
0x63: {  	_ =	shalt  }
0x64: {  	_ =	shalt  }
0x65: {  	_ =	shalt  }
0x66: {  	_ =	shalt  }
0x67: {  	_ =	shalt  }
0x68: {  	_ =	shalt  }
0x69: {  	_ =	shalt  }
0x6a: {  	_ =	shalt  }
0x6b: {  	_ =	shalt  }
0x6c: {  	_ =	shalt  }
0x6d: {  	_ =	shalt  }
0x6e: {  	_ =	shalt  }
0x6f: {  	_ =	shalt  }
0x70: {  	_ =	shalt  }
0x71: {  	_ =	shalt  }
0x72: {  	_ =	shalt  }
0x73: {  	_ =	shalt  }
0x74: {  	_ =	shalt  }
0x75: {  	_ =	shalt  }
0x76: {  	_ =	shalt  }
0x77: {  	_ =	shalt  }
0x78: {  	_ =	shalt  }
0x79: {  	_ =	shalt  }
0x7a: {  	_ =	shalt  }
0x7b: {  	_ =	shalt  }
0x7c: {  	_ =	shalt  }
0x7d: {  	_ =	shalt  }
0x7e: {  	_ =	shalt  }
0x7f: {  	_ =	shalt  }
0x80: {  	_ =	shalt  }
0x81: {  	_ =	shalt  }
0x82: {  	_ =	shalt  }
0x83: {  	_ =	shalt  }
0x84: {  	_ =	shalt  }
0x85: {  	_ =	shalt  }
0x86: {  	_ =	shalt  }
0x87: {  	_ =	shalt  }
.Lfunc_end0:
.L_simem_size_0:
called_computation.3_lowered:
.L_overlay_start_0:
0x88: {  	s0 =	sld [smem:$0x3FD9]  }
0x89: {  	s1 =	sld [smem:$0x3FFE];
	_ =	sdelay $0x3  }
0x8a: {  	s0 =	sadd.s32 s1, s0  }
0x8b: {  	[smem:$0x3FBD] =	sst s0  }
0x8c: {  	_ = 	snop  }
0x8d: {  	s0 =	sld [smem:$0x3FD0];
	_ =	sdelay $0x2  }
0x8e: {  	s13 =	simm.s32 $0xC;
	s2 =	simm.s32 $0x10  }
0x8f: {  	[smem:s2], [sflag:s13] =	dma.local [hbm:s0], $0x1  }
0x90: {  	_ =	swait.eq [sflag:s13], $0x1  }
0x91: {  	[sflag:s13] =	ssyncset.done $0x0  }
0x92: {  	[sflag:s13] =	ssyncadd.s32 $0xFFFFFFFF  }
0x93: {  	s14 =	sld [smem:$0x11];
	(tm) =	ssettm $0x1  }
0x94: {  	s15 =	sld [smem:$0x3FFB];
	_ =	sdelay $0x3  }
0x95: {  	_ =	strace s15  }
0x96: {  	s1 =	sld [smem:$0x3FFC];
	_ =	sdelay $0x3  }
0x97: {  	_ =	strace s1  }
0x98: {  	s1 =	sld [smem:$0x3FFD];
	_ =	sdelay $0x3  }
0x99: {  	_ =	strace s1  }
0x9a: {  	_ =	strace $0x8FFFFFFF  }
0x9b: {  	s16 =	sld [smem:$0x3FDB];
	_ =	sdelay $0x1  }
0x9c: {  	s17 =	simm.s32 $_scs_section_size  }
0x9d: {  	s3 =	simm.s32 $_size__tile_overlayer_lowered;
	s4 =	simm.s32 $_tile_overlayer_lowered  }
0x9e: {  	s20 =	simm.s32 $0x1BFF;
	s19 =	sshll.u32 s4, $0x1;
	s1 =	sadd.s32 s17, s16  }
0x9f: {  	s5 =	simm.s32 $0x0;
	s18 =	sshll.u32 s3, $0x1;
	s3 =	sadd.s32 s19, s1  }
0xa0: {  	[timem:s5], [sflag:s20] =	dma.local [hbm:s3], s18  }
0xa1: {  	_ =	swait.ge [sflag:s20], s18  }
0xa2: {  	s2 =	ssub.s32 $0x0, s18;
	[sflag:s20] =	ssyncset.done $0x0  }
0xa3: {  	[sflag:s20] =	ssyncadd.s32 s2;
	_ =	sdelay $0x1  }
0xa4: {  	s21 =	simm.s32 $0x1B8B  }
0xa5: {  	_ =	swait.ge [sflag:s21], $0x1  }
0xa6: {  	[sflag:s21] =	ssyncset.done $0x0  }
0xa7: {  	s23 =	simm.s32 $0x1B8E;
	s22 =	sld [smem:$0x3FFE];
	[sflag:s21] =	ssyncadd.s32 $0xFFFFFFFF  }
0xa8: {  	s24 =	simm.s32 $execute0_lowered;
	[smem:$0x3FD2] =	sst s23  }
0xa9: {  	s3 =	sshll.u32 s24, $0x1;
	_ =	strace $0x80000052;
	[dreg:$0x1] =	wrdreg $0xFFFFFFFF  }
0xaa: {  	s25 =	simm.s32 $_size_execute0_lowered;
	s1 =	sadd.s32 s1, s3;
	[dreg:$0x0] =	wrdreg $0x0  }
0xab: {  	s3 =	sshll.u32 s25, $0x1;
	[dreg:$0x2] =	wrdreg s1  }
0xac: {  	[dreg:$0x3] =	wrdreg s3  }
0xad: {  	[dreg:$0x4] =	wrdreg $0xC0  }
0xae: {  	_ =	task [dreg:s5], $0x5FFFF  }
0xaf: {  	[dreg:$0x1] =	wrdreg $0xFFFFFFFF  }
0xb0: {  	[dreg:$0x0] =	wrdreg $0x60  }
0xb1: {  	[dreg:$0x2] =	wrdreg s22  }
0xb2: {  	[dreg:$0x3] =	wrdreg s14  }
0xb3: {  	[dreg:$0x4] =	wrdreg $0xA  }
0xb4: {  	_ =	task.clear_ibuf [dreg:s5], $0x5FFFF;
	_ =	strace $0x90000052  }
0xb5: {  	s26 =	simm.s32 $0xA;
	_ =	strace $0x80000054  }
0xb6: {  	_ =	swait.ge [sflag:s26], $0x1  }
0xb7: {  	[sflag:s26] =	ssyncadd.s32 $0xFFFFFFFF  }
0xb8: {  	_ =	strace $0x90000054  }
0xb9: {  	_ =	sfence  }
0xba: {  	s28 =	sld [smem:$0x0];
	_ =	sdelay $0x1  }
0xbb: {  	s29 =	srdreg.scid  }
0xbc: {  	s30 =	sshll.u32 s29, $0xD;
	s31 =	sshrl.u32 s29, $0x2  }
0xbd: {  	s2 =	sand.u32 $0x4000, s30;
	s1 =	sand.u32 $0x1, s29;
	s0 =	sadd.s32 s31, s28  }
0xbe: {  	s1 =	sor.u32 s2, s1;
	s0 =	sshll.u32 s0, $0x11  }
0xbf: {  	s0 =	sor.u32 s0, s1  }
0xc0: {  	s0 =	sadd.s32 $0x8F2B, s0  }
0xc1: {  	[sflag:s0] =	ssyncadd.remote.s32 $0x1  }
0xc2: {  	_ =	sfence.sel $0xFFFF  }
0xc3: {  	[dreg:$0x0] =	wrdreg $0xFFFFFFFF;
	(pc) =	sbr.abs _section_cstart, $3  }
0xc4: {  	[dreg:$0x1] =	wrdreg $0xFFFFFFFF  }
0xc5: {  	_ =	task.clear_ibuf [dreg:s5], $0x2FFFF;
	_ =	strace $0x9FFFFFFF  }
0xc6: {  	(tm) =	ssettm $0x7FFFFFFF  }
0xc7: {  	_ =	shalt  }
tec
execute0_lowered:
.L_overlay_start_1:
0x0: {  	(tag) =	ssettag $0x1  }
0x1: {  	s0 =	stileid.u32  }
0x2: {  	s1 =	smin.u32 s0, $0x9  }
0x3: {  	s1 =	sadd.s32 s0, s1  }
0x4: {  	s2 =	simm.s32 $0xA0;
	p0 =	slt.u32 s0, $0x9;
	s1 =	smul.u32 $0x50, s1  }
0x5: {  	s2 =	simm.s32 @!p0 $0x50  }
0x6: {  	s2 =	sadd.s32 s2, s1  }
0x7: {  	s3 =	smin.u32 s2, $0x7D0  }
0x8: {  	s7 =	ssub.s32 s3, s1  }
0x9: {  	p0 =	sgt.s32 s7, $0x0  }
0xa: {  	s7 =	simm.s32 @!p0 $0x0  }
0xb: {  	s9 =	rddreg [dreg:$0x0];
	s31 =	smul.u32 $0xCCCD, s7  }
0xc: {  	s4 =	rddreg [dreg:$0x1];
	s6 =	simm.s32 $0x1  }
0xd: {  	s11 =	simm.s32 $0x3;
	s13 =	simm.s32 $0x0;
	s8 =	sshrl.u32 s31, $0x16  }
0xe: {  	s12 =	simm.s32 $0x0;
	s5 =	sadd.s32 $0x1D6C00, s9;
	s10 =	smul.u32 $0x50, s8  }
.Ltmp0:
0xf: {  	s9 =	sadd.s32 $0xE400, s9;
	s2 =	rddreg [dreg:$0x2];
	(pc) =	sbr.rel .LBB2_1-.Ltmp0, $4  }
0x10: {  	_ =	strace $0x80000053;
	p0 =	sne.s32 s7, s10;
	s10 =	simm.s32 $0x1  }
0x11: {  	[sflag:s6] =	ssyncpa.u1 $0x0;
	s7 =	simm.s32 $0x2;
	s10 =	simm.s32 @!p0 $0x0  }
0x12: {  	[sflag:s7] =	ssyncpa.u1 $0x0;
	p0 =	por $0x0, $0x0;
	s8 =	sadd.s32 s8, s10  }
0x13: {  	vm0 =	vmmov $0xff;
	vm1 =	vcmask $0x3F20;
	[sflag:s11] =	ssyncpa.u1 $0x0;
	s11 =	smov.u32 s1;
	s10 =	sadd.s32 $0x1, s8  }
.LBB2_6:
0x14: {  	[hbm:s17] =	stream.linear.scatter [tilespmem:s14], [sflag:$0x3], $0x400, $0x38;
	[tilespmem:$0x50A0] =	vst v63  }
.LBB2_7:
0x15: {  	s13 =	sadd.s32 $0x50, s11  }
0x16: {  	s15 =	smov.u32 s1;
	p2 =	slt.s32 s13, s3  }
0x17: {  	s15 =	smov.u32 @p2 s13;
	p2 =	sne.s32 s12, s10  }
.Ltmp1:
0x18: {  	p1 =	slt.u32 s12, $0x2;
	(pc) =	sbr.rel @!p2 .LBB2_8-.Ltmp1, $4  }
0x19: {  	s14 =	simm.s32 @!p1 $0x3  }
0x1a: {  	s16 =	sadd.s32 $0x1, s12;
	_ =	swait.ge @!p1 [sflag:s14], $0x2800  }
0x1b: {  	p0 =	por !p0, !p0;
	s13 =	smov.u32 s11;
	[sflag:s14] =	ssyncset.done @!p1 $0x0  }
0x1c: {  	s12 =	smov.u32 s16;
	s11 =	smov.u32 s15;
	[sflag:s14] =	ssyncadd.s32 @!p1 $0xFFFFD800  }
.LBB2_1:
0x1d: {  	p1 =	sge.u32 s12, s8  }
0x1e: {  	s14 =	sxor.u32 @!p1 $0xFFFFFFFF, s12  }
0x1f: {  	s14 =	sand.u32 @!p1 $0x1, s14  }
0x20: {  	s14 =	smul.u32 @!p1 $0x140, s14  }
0x21: {  	s31 =	sadd.s32 $0xFFFFFFFF, s12;
	s15 =	sshrl.u32 @!p1 s11, $0x3  }
0x22: {  	s16 =	sand.u32 @!p1 $0x7, s11;
	s15 =	sadd.s32 @!p1 s4, s15;
	s14 =	sshrl.u32 @!p1 s14, $0x2  }
0x23: {  	[tilespmem:s14], [sflag:$0x2] =	stream.linear.gather @!p1 [hbm4b:s15+s16], $0x50, $0x38;
	[tilespmem:$0x50A0] =	vst v63  }
0x24: {  	p1 =	sge.u32 s31, s8  }
.Ltmp2:
0x25: {  	_ = 	snop;
	(pc) =	sbr.rel @p1 .LBB2_7-.Ltmp2, $1  }
0x26: {  	_ =	sdelay $0x3  }
0x27: {  	s14 =	simm.s32 $0x1  }
0x28: {  	s14 =	simm.s32 @!p0 $0x0  }
0x29: {  	s15 =	smul.u32 $0x140, s14  }
0x2a: {  	_ =	swait.ge [sflag:s7], $0x50  }
0x2b: {  	[sflag:s7] =	ssyncset.done $0x0;
	s16 =	sshrl.u32 s15, $0x2  }
0x2c: {  	[sflag:s7] =	ssyncadd.s32 $0xFFFFFFB0;
	s15 =	sadd.s32 $0x0, s16  }
0x2d: {  	v0 =	vld.msk [tilespmem:s15+$0x0 ss:$0x1], $0xffff;
	_ =	sdelay $0x4  }
0x2e: {  	vm2 =	vgt.s32 v0, $0x0  }
0x2f: {  	v0 =	vnsel vm2, $0x0, v0  }
0x30: {  	v0 =	vmin.u32 v0, $0xBFFF  }
0x31: {  	v0 =	vshll.u32 v0, $0x4  }
0x32: {  	s14 =	smul.u32 $0xA000, s14;
	_ =	sdelay $0x1  }
0x33: {  	s14 =	sshrl.u32 s14, $0x2  }
0x34: {  	s14 =	sor.u32 $0xA0, s14  }
0x35: {  	[tilespmem:s14], [sflag:$0x1] =	stream.indirect_vreg.gather [hbm:s5], $0x80, v0, vm0, $0x38;
	[tilespmem:$0x50A0] =	vst v63  }
0x36: {  	s17 =	sadd.s32 $0x10, s16;
	s15 =	sadd.s32 $0x400, s14  }
0x37: {  	[tilespmem:s15], [sflag:$0x1] =	stream.indirect_vreg.gather [hbm:s5], $0x80, v0, vm1, $0x38;
	[tilespmem:$0x50A0] =	vst v63  }
0x38: {  	s18 =	simm.s32 $0x80;
	v0 =	vld.msk [tilespmem:s17+$0x0 ss:$0x1], $0xffff;
	s17 =	smov.u32 s14  }
.LBB2_3:
0x39: {  	p1 =	sne.s32 s18, $0x100;
	_ =	sdelay $0x4  }
0x3a: {  	vm2 =	vgt.s32 v0, $0x0  }
0x3b: {  	v0 =	vnsel vm2, $0x0, v0  }
0x3c: {  	v0 =	vmin.u32 v0, $0xBFFF  }
0x3d: {  	v0 =	vshll.u32 v0, $0x4;
	_ =	sdelay $0x3  }
.Ltmp3:
0x3e: {  	s19 =	sshra.s32 s18, $0x2;
	s17 =	sadd.s32 $0x800, s17;
	(pc) =	sbr.rel @p1 .LBB2_3-.Ltmp3, $4  }
0x3f: {  	[tilespmem:s17], [sflag:$0x1] =	stream.indirect_vreg.gather [hbm:s5], $0x80, v0, vm0, $0x38;
	[tilespmem:$0x50A0] =	vst v63  }
0x40: {  	s19 =	sadd.s32 s19, s16;
	s20 =	sadd.s32 $0x400, s17  }
0x41: {  	[tilespmem:s20], [sflag:$0x1] =	stream.indirect_vreg.gather [hbm:s5], $0x80, v0, vm1, $0x38;
	[tilespmem:$0x50A0] =	vst v63  }
0x42: {  	s18 =	sadd.s32 $0x40, s18;
	v0 =	vld.msk [tilespmem:s19+$0x0 ss:$0x1], $0xffff  }
0x43: {  	_ =	sdelay $0x3  }
0x44: {  	vm2 =	vgt.s32 v0, $0x0  }
0x45: {  	v0 =	vnsel vm2, $0x0, v0  }
0x46: {  	v0 =	vmin.u32 v0, $0xBFFF  }
0x47: {  	v0 =	vshll.u32 v0, $0x4;
	_ =	sdelay $0x3  }
0x48: {  	s16 =	sadd.s32 $0x800, s17  }
0x49: {  	[tilespmem:s16], [sflag:$0x1] =	stream.indirect_vreg.gather [hbm:s5], $0x80, v0, vm0, $0x38;
	[tilespmem:$0x50A0] =	vst v63  }
0x4a: {  	s16 =	sadd.s32 $0x400, s16  }
0x4b: {  	[tilespmem:s16], [sflag:$0x1] =	stream.indirect_vreg.gather [hbm:s5], $0x80, v0, vm1, $0x38;
	[tilespmem:$0x50A0] =	vst v63  }
0x4c: {  	s13 =	sshll.u32 s13, $0x4;
	_ =	swait.ge [sflag:s6], $0x2800  }
0x4d: {  	s13 =	sadd.s32 s13, s9;
	[sflag:s6] =	ssyncset.done $0x0  }
0x4e: {  	s17 =	sadd.s32 $0x0, s13;
	s16 =	simm.s32 $0x80;
	[sflag:s6] =	ssyncadd.s32 $0xFFFFD800  }
.LBB2_5:
0x4f: {  	[hbm:s17] =	stream.linear.scatter [tilespmem:s14], [sflag:$0x3], $0x400, $0x38;
	[tilespmem:$0x50A0] =	vst v63  }
0x50: {  	s17 =	smov.u32 s16;
	s14 =	smov.u32 s15;
	p1 =	sne.s32 s16, $0x480  }
.Ltmp4:
0x51: {  	s16 =	sadd.s32 $0x80, s16;
	(pc) =	sbr.rel @p1 .LBB2_5-.Ltmp4, $2  }
0x52: {  	_ =	sdelay $0x2  }
0x53: {  	s15 =	sadd.s32 $0x400, s15;
	s17 =	sadd.s32 s17, s13  }
.Ltmp5:
0x54: {  	_ = 	snop;
	(pc) =	sbr.rel .LBB2_6-.Ltmp5, $1  }
0x55: {  	_ =	sdelay $0x3  }
.LBB2_8:
0x56: {  	_ =	sfence.sel $0x180000  }
0x57: {  	s1 =	simm.s32 $0x2;
	[bflag:$0x0] =	sbarrier.arrive $0xFFFF  }
0x58: {  	s30 =	simm.s32 $0x3;
	[sflag:s1] =	ssyncpa.u1 $0x1  }
0x59: {  	s31 =	simm.s32 $0x1;
	[sflag:s30] =	ssyncpa.u1 $0x1  }
0x5a: {  	[sflag:s31] =	ssyncpa.u1 $0x1  }
0x5b: {  	p0 =	sne.s32 s0, $0x0;
	_ =	strace $0x90000053  }
0x5c: {  	s0 =	sadd.s32 @!p0 $0x100000, s2;
	[bflag:$0x2] =	sbarrier.arrive $0xFFFF  }
0x5d: {  	[sflag:s0] =	ssyncadd.tile.s32 @!p0 $0x1;
	_ =	shalt  }
.Lfunc_end2:
_tile_overlayer_lowered:
.L_overlay_start_2:
0x5e: {  	(tag) =	ssettag $0x2  }
0x5f: {  	s0 =	rddreg [dreg:$0x0];
	s2 =	stileid.u32  }
0x60: {  	s1 =	rddreg [dreg:$0x1];
	p0 =	sne.s32 s2, $0x0  }
0x61: {  	s3 =	rddreg [dreg:$0x2];
	[bflag:$0x3] =	sbarrier.arrive $0xFFFF;
	s2 =	simm.s32 @!p0 $0x1C01  }
0x62: {  	[timem:s3], [sflag:s2] =	dma.local @!p0 [hbm:s0], s1  }
0x63: {  	s0 =	simm.s32 @!p0 $0x1  }
0x64: {  	_ =	swait.ge @!p0 [sflag:s0], s1  }
0x65: {  	s1 =	ssub.s32 @!p0 $0x0, s1;
	[sflag:s0] =	ssyncset.done @!p0 $0x0  }
0x66: {  	[sflag:s0] =	ssyncadd.s32 @!p0 s1  }
0x67: {  	[bflag:$0x3] =	sbarrier.arrive $0xFFFF  }
0x68: {  	_ =	shalt  }

// kernel: gather_offload_async_start.4
scs
__scs_entry_jumppad:
0x0: {  	(pc) =	sbr.rel $0x88, $3  }
0x1: {  	(tag) =	ssettag $0x0;
	lr =	simm.s32 $0x1  }
0x2: {  	[smem:$0x3F96] =	sst lr;
	_ =	strace $0xD0000000  }
0x3: {  	_ = 	snop  }
0x4: {  	_ = 	snop  }
0x5: {  	_ = 	snop  }
0x6: {  	_ = 	snop  }
0x7: {  	_ = 	snop  }
__scs_overlays_trampoline_lowered:
0x8: {  	[smem:$0x3FA5] =	sst s0  }
0x9: {  	[smem:$0x3FA6] =	sst s1  }
0xa: {  	[smem:$0x3FA7] =	sst s2  }
0xb: {  	[smem:$0x3FA8] =	sst s3  }
0xc: {  	[smem:$0x3FA9] =	sst s4  }
0xd: {  	[smem:$0x3FAA] =	sst s5  }
0xe: {  	[smem:$0x3FAB] =	sst s6  }
0xf: {  	[smem:$0x3FAC] =	sst s7  }
0x10: {  	[smem:$0x3FAD] =	sst s8  }
0x11: {  	[smem:$0x3FAE] =	sst s9;
	s0 =	simm.s32 @!p0 $0x0  }
0x12: {  	s1 =	sld [smem:$0x3F94];
	s0 =	simm.s32 @p0 $0x1  }
0x13: {  	[smem:$0x3FAF] =	sst s0;
	s0 =	simm.s32 @!p1 $0x0  }
0x14: {  	s2 =	sld [smem:$0x3F93];
	s0 =	simm.s32 @p1 $0x1  }
0x15: {  	[smem:$0x3FB0] =	sst s0;
	s0 =	simm.s32 @!p2 $0x0  }
0x16: {  	s3 =	sld [smem:$0x3FDB];
	s0 =	simm.s32 @p2 $0x1  }
0x17: {  	s4 =	simm.s32 $0x1BF5;
	[smem:$0x3FB2] =	sst s0  }
0x18: {  	s0 =	sld [smem:$0x3F95];
	_ =	swait.ge [sflag:s4], $0x0  }
0x19: {  	s7 =	sld [smem:$0x3F96]  }
0x1a: {  	s8 =	sadd.s32 $0xFFFFE003, lr  }
0x1b: {  	s9 =	sadd.s32 $0xFFFFFEF7, lr;
	s5 =	simm.s32 $0xFFFFFFFF;
	p2 =	slt.u32 s8, $0xFFFFF086  }
0x1c: {  	p1 =	slt.u32 s9, $0xF7A;
	s5 =	simm.s32 @!p2 $0x0  }
0x1d: {  	s5 =	simm.s32 @p1 $0x1;
	p0 =	seq.s32 s7, s2  }
0x1e: {  	s7 =	smul.u32 @!p0 $0xF7A, s2;
	p2 =	seq.s32 @!p0 s5, $0x0  }
0x1f: {  	s9 =	smul.u32 $0xF7A, s1;
	s8 =	simm.s32 @!p0 $0x1BF5;
	p2 =	por !p2, p0  }
0x20: {  	[sflag:s8] =	ssyncset.s32 @!p0 $0xFFFFF086;
	s6 =	sadd.s32 @!p0 s3, s7;
	s7 =	simm.s32 @!p0 $0x108  }
0x21: {  	s3 =	sadd.s32 s3, s9;
	s6 =	sadd.s32 @!p0 $0x88, s6;
	s7 =	simm.s32 @p2 $0x1082  }
0x22: {  	[simem:s7], [sflag:s8] =	dma.local @!p0 [hbm:s6], $0xF7A  }
0x23: {  	s9 =	sor.u32 $0xD0000000, s2;
	s6 =	simm.s32 $0x108;
	_ =	swait.ge @!p0 [sflag:s8], $0x0  }
0x24: {  	s3 =	sadd.s32 $0x88, s3;
	s6 =	simm.s32 @!p1 $0x1082;
	[sflag:s4] =	ssyncset.s32 $0xFFFFF086  }
0x25: {  	[simem:s6], [sflag:s4] =	dma.local [hbm:s3], $0xF7A  }
0x26: {  	[smem:$0x3F96] =	sst s1;
	(tag) =	ssettag s2;
	_ =	strace s9  }
0x27: {  	s1 =	sld [smem:$0x3FA6]  }
0x28: {  	s2 =	sld [smem:$0x3FA7]  }
0x29: {  	s4 =	sld [smem:$0x3FA9]  }
0x2a: {  	p0 =	seq.s32 s5, $0x0;
	s5 =	sld [smem:$0x3FAA]  }
0x2b: {  	s6 =	sld [smem:$0x3FAB]  }
0x2c: {  	s7 =	sld [smem:$0x3FAC]  }
0x2d: {  	s3 =	simm.s32 $0x108;
	s8 =	sld [smem:$0x3FAD]  }
0x2e: {  	s3 =	simm.s32 @!p0 $0x1082;
	s9 =	sld [smem:$0x3FAE]  }
0x2f: {  	lr =	sadd.s32 s0, s3;
	s0 =	sld [smem:$0x3FA5]  }
0x30: {  	s3 =	sld [smem:$0x3FA8]  }
0x31: {  	[smem:$0x3FB1] =	sst s10  }
0x32: {  	s10 =	sld [smem:$0x3FAF];
	_ =	sdelay $0x3  }
0x33: {  	p0 =	seq.s32 s10, $0x1;
	s10 =	sld [smem:$0x3FB1];
	_ =	sdelay $0x3  }
0x34: {  	[smem:$0x3FB1] =	sst s10  }
0x35: {  	s10 =	sld [smem:$0x3FB0];
	_ =	sdelay $0x3  }
0x36: {  	p1 =	seq.s32 s10, $0x1;
	s10 =	sld [smem:$0x3FB1];
	_ =	sdelay $0x3  }
0x37: {  	[smem:$0x3FB1] =	sst s10  }
0x38: {  	s10 =	sld [smem:$0x3FB2]  }
0x39: {  	_ = 	snop;
	(pc) =	sbr.ind lr, $3  }
0x3a: {  	_ = 	snop  }
0x3b: {  	_ = 	snop  }
0x3c: {  	p2 =	seq.s32 s10, $0x1;
	s10 =	sld [smem:$0x3FB1]  }
0x3d: {  	_ =	shalt  }
0x3e: {  	_ =	shalt  }
0x3f: {  	_ =	shalt  }
0x40: {  	_ =	shalt  }
0x41: {  	_ =	shalt  }
0x42: {  	_ =	shalt  }
0x43: {  	_ =	shalt  }
0x44: {  	_ =	shalt  }
0x45: {  	_ =	shalt  }
0x46: {  	_ =	shalt  }
0x47: {  	_ =	shalt  }
0x48: {  	_ =	shalt  }
0x49: {  	_ =	shalt  }
0x4a: {  	_ =	shalt  }
0x4b: {  	_ =	shalt  }
0x4c: {  	_ =	shalt  }
0x4d: {  	_ =	shalt  }
0x4e: {  	_ =	shalt  }
0x4f: {  	_ =	shalt  }
0x50: {  	_ =	shalt  }
0x51: {  	_ =	shalt  }
0x52: {  	_ =	shalt  }
0x53: {  	_ =	shalt  }
0x54: {  	_ =	shalt  }
0x55: {  	_ =	shalt  }
0x56: {  	_ =	shalt  }
0x57: {  	_ =	shalt  }
0x58: {  	_ =	shalt  }
0x59: {  	_ =	shalt  }
0x5a: {  	_ =	shalt  }
0x5b: {  	_ =	shalt  }
0x5c: {  	_ =	shalt  }
0x5d: {  	_ =	shalt  }
0x5e: {  	_ =	shalt  }
0x5f: {  	_ =	shalt  }
0x60: {  	_ =	shalt  }
0x61: {  	_ =	shalt  }
0x62: {  	_ =	shalt  }
0x63: {  	_ =	shalt  }
0x64: {  	_ =	shalt  }
0x65: {  	_ =	shalt  }
0x66: {  	_ =	shalt  }
0x67: {  	_ =	shalt  }
0x68: {  	_ =	shalt  }
0x69: {  	_ =	shalt  }
0x6a: {  	_ =	shalt  }
0x6b: {  	_ =	shalt  }
0x6c: {  	_ =	shalt  }
0x6d: {  	_ =	shalt  }
0x6e: {  	_ =	shalt  }
0x6f: {  	_ =	shalt  }
0x70: {  	_ =	shalt  }
0x71: {  	_ =	shalt  }
0x72: {  	_ =	shalt  }
0x73: {  	_ =	shalt  }
0x74: {  	_ =	shalt  }
0x75: {  	_ =	shalt  }
0x76: {  	_ =	shalt  }
0x77: {  	_ =	shalt  }
0x78: {  	_ =	shalt  }
0x79: {  	_ =	shalt  }
0x7a: {  	_ =	shalt  }
0x7b: {  	_ =	shalt  }
0x7c: {  	_ =	shalt  }
0x7d: {  	_ =	shalt  }
0x7e: {  	_ =	shalt  }
0x7f: {  	_ =	shalt  }
0x80: {  	_ =	shalt  }
0x81: {  	_ =	shalt  }
0x82: {  	_ =	shalt  }
0x83: {  	_ =	shalt  }
0x84: {  	_ =	shalt  }
0x85: {  	_ =	shalt  }
0x86: {  	_ =	shalt  }
0x87: {  	_ =	shalt  }
.Lfunc_end0:
.L_simem_size_0:
called_computation.4_lowered:
.L_overlay_start_0:
0x88: {  	s0 =	sld [smem:$0x3FD9]  }
0x89: {  	s1 =	sld [smem:$0x3FFE];
	_ =	sdelay $0x3  }
0x8a: {  	s0 =	sadd.s32 s1, s0  }
0x8b: {  	[smem:$0x3FBD] =	sst s0  }
0x8c: {  	_ = 	snop  }
0x8d: {  	(tm) =	ssettm $0x1  }
0x8e: {  	s15 =	sld [smem:$0x3FFB];
	_ =	sdelay $0x3  }
0x8f: {  	_ =	strace s15  }
0x90: {  	s0 =	sld [smem:$0x3FFC];
	_ =	sdelay $0x3  }
0x91: {  	_ =	strace s0  }
0x92: {  	s0 =	sld [smem:$0x3FFD];
	_ =	sdelay $0x3  }
0x93: {  	_ =	strace s0  }
0x94: {  	_ =	strace $0x8FFFFFFF  }
0x95: {  	s16 =	sld [smem:$0x3FDB];
	_ =	sdelay $0x1  }
0x96: {  	s17 =	simm.s32 $_scs_section_size  }
0x97: {  	s2 =	simm.s32 $_size__tile_overlayer_lowered;
	s3 =	simm.s32 $_tile_overlayer_lowered  }
0x98: {  	s20 =	simm.s32 $0x1BFF;
	s19 =	sshll.u32 s3, $0x1;
	s0 =	sadd.s32 s17, s16  }
0x99: {  	s4 =	simm.s32 $0x0;
	s18 =	sshll.u32 s2, $0x1;
	s2 =	sadd.s32 s19, s0  }
0x9a: {  	[timem:s4], [sflag:s20] =	dma.local [hbm:s2], s18  }
0x9b: {  	_ =	swait.ge [sflag:s20], s18  }
0x9c: {  	s1 =	ssub.s32 $0x0, s18;
	[sflag:s20] =	ssyncset.done $0x0  }
0x9d: {  	[sflag:s20] =	ssyncadd.s32 s1;
	_ =	sdelay $0x1  }
0x9e: {  	s21 =	simm.s32 $0x1B8B  }
0x9f: {  	_ =	swait.ge [sflag:s21], $0x1  }
0xa0: {  	[sflag:s21] =	ssyncset.done $0x0  }
0xa1: {  	s23 =	simm.s32 $0x1B8E;
	s22 =	sld [smem:$0x3FFE];
	[sflag:s21] =	ssyncadd.s32 $0xFFFFFFFF  }
0xa2: {  	s24 =	simm.s32 $execute0_lowered;
	[smem:$0x3FD2] =	sst s23  }
0xa3: {  	s2 =	sshll.u32 s24, $0x1;
	_ =	strace $0x80000061;
	[dreg:$0x1] =	wrdreg $0xFFFFFFFF  }
0xa4: {  	s25 =	simm.s32 $_size_execute0_lowered;
	s0 =	sadd.s32 s0, s2;
	[dreg:$0x0] =	wrdreg $0x0  }
0xa5: {  	s2 =	sshll.u32 s25, $0x1;
	[dreg:$0x2] =	wrdreg s0  }
0xa6: {  	[dreg:$0x3] =	wrdreg s2  }
0xa7: {  	[dreg:$0x4] =	wrdreg $0xC0  }
0xa8: {  	_ =	task [dreg:s4], $0x5FFFF  }
0xa9: {  	[dreg:$0x1] =	wrdreg $0xFFFFFFFF  }
0xaa: {  	[dreg:$0x0] =	wrdreg $0x60  }
0xab: {  	[dreg:$0x2] =	wrdreg s22  }
0xac: {  	[dreg:$0x3] =	wrdreg $0xA  }
0xad: {  	_ =	task.clear_ibuf [dreg:s4], $0x4FFFF;
	_ =	strace $0x90000061  }
0xae: {  	s26 =	simm.s32 $0xA;
	_ =	strace $0x80000063  }
0xaf: {  	_ =	swait.ge [sflag:s26], $0x1  }
0xb0: {  	[sflag:s26] =	ssyncadd.s32 $0xFFFFFFFF  }
0xb1: {  	_ =	strace $0x90000063  }
0xb2: {  	_ =	sfence  }
0xb3: {  	s28 =	sld [smem:$0x0];
	_ =	sdelay $0x1  }
0xb4: {  	s29 =	srdreg.scid  }
0xb5: {  	s30 =	sshll.u32 s29, $0xD;
	s31 =	sshrl.u32 s29, $0x2  }
0xb6: {  	s1 =	sand.u32 $0x1, s29;
	s2 =	sand.u32 $0x4000, s30;
	s0 =	sadd.s32 s31, s28  }
0xb7: {  	s1 =	sor.u32 s2, s1;
	s0 =	sshll.u32 s0, $0x11  }
0xb8: {  	s0 =	sor.u32 s0, s1  }
0xb9: {  	s0 =	sadd.s32 $0x8F2B, s0  }
0xba: {  	[sflag:s0] =	ssyncadd.remote.s32 $0x1  }
0xbb: {  	_ =	sfence.sel $0xFFFF  }
0xbc: {  	[dreg:$0x0] =	wrdreg $0xFFFFFFFF;
	(pc) =	sbr.abs _section_cstart, $3  }
0xbd: {  	[dreg:$0x1] =	wrdreg $0xFFFFFFFF  }
0xbe: {  	_ =	task.clear_ibuf [dreg:s4], $0x2FFFF;
	_ =	strace $0x9FFFFFFF  }
0xbf: {  	(tm) =	ssettm $0x7FFFFFFF  }
tec
execute0_lowered:
.L_overlay_start_1:
0x0: {  	(tag) =	ssettag $0x1  }
0x1: {  	s0 =	stileid.u32  }
0x2: {  	s1 =	smin.u32 s0, $0x9  }
0x3: {  	s1 =	sadd.s32 s0, s1  }
0x4: {  	p0 =	slt.u32 s0, $0x9;
	s2 =	smul.u32 $0x50, s1;
	s1 =	simm.s32 $0xA0  }
0x5: {  	s1 =	simm.s32 @!p0 $0x50  }
0x6: {  	s1 =	sadd.s32 s1, s2  }
0x7: {  	s3 =	smin.u32 s1, $0x7D0  }
0x8: {  	s7 =	ssub.s32 s3, s2  }
0x9: {  	p0 =	sgt.s32 s7, $0x0  }
0xa: {  	s7 =	simm.s32 @!p0 $0x0  }
0xb: {  	s31 =	smul.u32 $0xCCCD, s7  }
0xc: {  	s4 =	rddreg [dreg:$0x0];
	s6 =	simm.s32 $0x1  }
0xd: {  	s10 =	simm.s32 $0x3;
	s13 =	simm.s32 $0x0;
	s8 =	sshrl.u32 s31, $0x16  }
0xe: {  	s12 =	simm.s32 $0x0;
	s5 =	sadd.s32 $0x125C00, s4;
	s9 =	smul.u32 $0x50, s8  }
.Ltmp0:
0xf: {  	s11 =	smov.u32 s2;
	s1 =	rddreg [dreg:$0x1];
	(pc) =	sbr.rel .LBB2_1-.Ltmp0, $4  }
0x10: {  	_ =	strace $0x80000062;
	p0 =	sne.s32 s7, s9;
	s9 =	simm.s32 $0x1  }
0x11: {  	[sflag:s6] =	ssyncpa.u1 $0x0;
	s7 =	simm.s32 $0x2;
	s9 =	simm.s32 @!p0 $0x0  }
0x12: {  	[sflag:s7] =	ssyncpa.u1 $0x0;
	p0 =	por $0x0, $0x0;
	s8 =	sadd.s32 s8, s9  }
0x13: {  	vm0 =	vmmov $0xff;
	vm1 =	vcmask $0x3F20;
	s9 =	sadd.s32 $0xD600, s4;
	[sflag:s10] =	ssyncpa.u1 $0x0;
	s10 =	sadd.s32 $0x1, s8  }
.LBB2_6:
0x14: {  	[hbm:s17] =	stream.linear.scatter [tilespmem:s14], [sflag:$0x3], $0x400, $0x38;
	[tilespmem:$0x50A0] =	vst v63  }
.LBB2_7:
0x15: {  	s13 =	sadd.s32 $0x50, s11  }
0x16: {  	s15 =	smov.u32 s2;
	p2 =	slt.s32 s13, s3  }
0x17: {  	s15 =	smov.u32 @p2 s13;
	p2 =	sne.s32 s12, s10  }
.Ltmp1:
0x18: {  	p1 =	slt.u32 s12, $0x2;
	(pc) =	sbr.rel @!p2 .LBB2_8-.Ltmp1, $4  }
0x19: {  	s14 =	simm.s32 @!p1 $0x3  }
0x1a: {  	s16 =	sadd.s32 $0x1, s12;
	_ =	swait.ge @!p1 [sflag:s14], $0x2800  }
0x1b: {  	p0 =	por !p0, !p0;
	s13 =	smov.u32 s11;
	[sflag:s14] =	ssyncset.done @!p1 $0x0  }
0x1c: {  	s12 =	smov.u32 s16;
	s11 =	smov.u32 s15;
	[sflag:s14] =	ssyncadd.s32 @!p1 $0xFFFFD800  }
.LBB2_1:
0x1d: {  	p1 =	sge.u32 s12, s8  }
0x1e: {  	s14 =	sxor.u32 @!p1 $0xFFFFFFFF, s12  }
0x1f: {  	s14 =	sand.u32 @!p1 $0x1, s14  }
0x20: {  	s14 =	smul.u32 @!p1 $0x140, s14  }
0x21: {  	s31 =	sadd.s32 $0xFFFFFFFF, s12;
	s15 =	sshrl.u32 @!p1 s11, $0x3  }
0x22: {  	s16 =	sand.u32 @!p1 $0x7, s11;
	s15 =	sadd.s32 @!p1 s9, s15;
	s14 =	sshrl.u32 @!p1 s14, $0x2  }
0x23: {  	[tilespmem:s14], [sflag:$0x2] =	stream.linear.gather @!p1 [hbm4b:s15+s16], $0x50, $0x38;
	[tilespmem:$0x50A0] =	vst v63  }
0x24: {  	p1 =	sge.u32 s31, s8  }
.Ltmp2:
0x25: {  	_ = 	snop;
	(pc) =	sbr.rel @p1 .LBB2_7-.Ltmp2, $1  }
0x26: {  	_ =	sdelay $0x3  }
0x27: {  	s14 =	simm.s32 $0x1  }
0x28: {  	s14 =	simm.s32 @!p0 $0x0  }
0x29: {  	s15 =	smul.u32 $0x140, s14  }
0x2a: {  	_ =	swait.ge [sflag:s7], $0x50  }
0x2b: {  	[sflag:s7] =	ssyncset.done $0x0;
	s16 =	sshrl.u32 s15, $0x2  }
0x2c: {  	[sflag:s7] =	ssyncadd.s32 $0xFFFFFFB0;
	s15 =	sadd.s32 $0x0, s16  }
0x2d: {  	v0 =	vld.msk [tilespmem:s15+$0x0 ss:$0x1], $0xffff;
	_ =	sdelay $0x4  }
0x2e: {  	vm2 =	vgt.s32 v0, $0x0  }
0x2f: {  	v0 =	vnsel vm2, $0x0, v0  }
0x30: {  	v0 =	vmin.u32 v0, $0x2FFF  }
0x31: {  	v0 =	vshll.u32 v0, $0x4  }
0x32: {  	s14 =	smul.u32 $0xA000, s14;
	_ =	sdelay $0x1  }
0x33: {  	s14 =	sshrl.u32 s14, $0x2  }
0x34: {  	s14 =	sor.u32 $0xA0, s14  }
0x35: {  	[tilespmem:s14], [sflag:$0x1] =	stream.indirect_vreg.gather [hbm:s5], $0x80, v0, vm0, $0x38;
	[tilespmem:$0x50A0] =	vst v63  }
0x36: {  	s17 =	sadd.s32 $0x10, s16;
	s15 =	sadd.s32 $0x400, s14  }
0x37: {  	[tilespmem:s15], [sflag:$0x1] =	stream.indirect_vreg.gather [hbm:s5], $0x80, v0, vm1, $0x38;
	[tilespmem:$0x50A0] =	vst v63  }
0x38: {  	s18 =	simm.s32 $0x80;
	v0 =	vld.msk [tilespmem:s17+$0x0 ss:$0x1], $0xffff;
	s17 =	smov.u32 s14  }
.LBB2_3:
0x39: {  	p1 =	sne.s32 s18, $0x100;
	_ =	sdelay $0x4  }
0x3a: {  	vm2 =	vgt.s32 v0, $0x0  }
0x3b: {  	v0 =	vnsel vm2, $0x0, v0  }
0x3c: {  	v0 =	vmin.u32 v0, $0x2FFF  }
0x3d: {  	v0 =	vshll.u32 v0, $0x4;
	_ =	sdelay $0x3  }
.Ltmp3:
0x3e: {  	s19 =	sshra.s32 s18, $0x2;
	s17 =	sadd.s32 $0x800, s17;
	(pc) =	sbr.rel @p1 .LBB2_3-.Ltmp3, $4  }
0x3f: {  	[tilespmem:s17], [sflag:$0x1] =	stream.indirect_vreg.gather [hbm:s5], $0x80, v0, vm0, $0x38;
	[tilespmem:$0x50A0] =	vst v63  }
0x40: {  	s19 =	sadd.s32 s19, s16;
	s20 =	sadd.s32 $0x400, s17  }
0x41: {  	[tilespmem:s20], [sflag:$0x1] =	stream.indirect_vreg.gather [hbm:s5], $0x80, v0, vm1, $0x38;
	[tilespmem:$0x50A0] =	vst v63  }
0x42: {  	s18 =	sadd.s32 $0x40, s18;
	v0 =	vld.msk [tilespmem:s19+$0x0 ss:$0x1], $0xffff  }
0x43: {  	_ =	sdelay $0x3  }
0x44: {  	vm2 =	vgt.s32 v0, $0x0  }
0x45: {  	v0 =	vnsel vm2, $0x0, v0  }
0x46: {  	v0 =	vmin.u32 v0, $0x2FFF  }
0x47: {  	v0 =	vshll.u32 v0, $0x4;
	_ =	sdelay $0x3  }
0x48: {  	s16 =	sadd.s32 $0x800, s17  }
0x49: {  	[tilespmem:s16], [sflag:$0x1] =	stream.indirect_vreg.gather [hbm:s5], $0x80, v0, vm0, $0x38;
	[tilespmem:$0x50A0] =	vst v63  }
0x4a: {  	s16 =	sadd.s32 $0x400, s16  }
0x4b: {  	[tilespmem:s16], [sflag:$0x1] =	stream.indirect_vreg.gather [hbm:s5], $0x80, v0, vm1, $0x38;
	[tilespmem:$0x50A0] =	vst v63  }
0x4c: {  	s13 =	sshll.u32 s13, $0x4;
	_ =	swait.ge [sflag:s6], $0x2800  }
0x4d: {  	s13 =	sadd.s32 s13, s4;
	[sflag:s6] =	ssyncset.done $0x0  }
0x4e: {  	s17 =	sadd.s32 $0x0, s13;
	s16 =	simm.s32 $0x80;
	[sflag:s6] =	ssyncadd.s32 $0xFFFFD800  }
.LBB2_5:
0x4f: {  	[hbm:s17] =	stream.linear.scatter [tilespmem:s14], [sflag:$0x3], $0x400, $0x38;
	[tilespmem:$0x50A0] =	vst v63  }
0x50: {  	s17 =	smov.u32 s16;
	s14 =	smov.u32 s15;
	p1 =	sne.s32 s16, $0x480  }
.Ltmp4:
0x51: {  	s16 =	sadd.s32 $0x80, s16;
	(pc) =	sbr.rel @p1 .LBB2_5-.Ltmp4, $2  }
0x52: {  	_ =	sdelay $0x2  }
0x53: {  	s15 =	sadd.s32 $0x400, s15;
	s17 =	sadd.s32 s17, s13  }
.Ltmp5:
0x54: {  	_ = 	snop;
	(pc) =	sbr.rel .LBB2_6-.Ltmp5, $1  }
0x55: {  	_ =	sdelay $0x3  }
.LBB2_8:
0x56: {  	_ =	sfence.sel $0x180000  }
0x57: {  	s2 =	simm.s32 $0x2;
	[bflag:$0x0] =	sbarrier.arrive $0xFFFF  }
0x58: {  	s30 =	simm.s32 $0x3;
	[sflag:s2] =	ssyncpa.u1 $0x1  }
0x59: {  	s31 =	simm.s32 $0x1;
	[sflag:s30] =	ssyncpa.u1 $0x1  }
0x5a: {  	[sflag:s31] =	ssyncpa.u1 $0x1  }
0x5b: {  	p0 =	sne.s32 s0, $0x0;
	_ =	strace $0x90000062  }
0x5c: {  	s0 =	sadd.s32 @!p0 $0x100000, s1;
	[bflag:$0x2] =	sbarrier.arrive $0xFFFF  }
0x5d: {  	[sflag:s0] =	ssyncadd.tile.s32 @!p0 $0x1;
	_ =	shalt  }
.Lfunc_end2:
_tile_overlayer_lowered:
.L_overlay_start_2:
0x5e: {  	(tag) =	ssettag $0x2  }
0x5f: {  	s0 =	rddreg [dreg:$0x0];
	s2 =	stileid.u32  }
0x60: {  	s1 =	rddreg [dreg:$0x1];
	p0 =	sne.s32 s2, $0x0  }
0x61: {  	s3 =	rddreg [dreg:$0x2];
	[bflag:$0x3] =	sbarrier.arrive $0xFFFF;
	s2 =	simm.s32 @!p0 $0x1C01  }
0x62: {  	[timem:s3], [sflag:s2] =	dma.local @!p0 [hbm:s0], s1  }
0x63: {  	s0 =	simm.s32 @!p0 $0x1  }
0x64: {  	_ =	swait.ge @!p0 [sflag:s0], s1  }
0x65: {  	s1 =	ssub.s32 @!p0 $0x0, s1;
	[sflag:s0] =	ssyncset.done @!p0 $0x0  }
0x66: {  	[sflag:s0] =	ssyncadd.s32 @!p0 s1  }
0x67: {  	[bflag:$0x3] =	sbarrier.arrive $0xFFFF  }
0x68: {  	_ =	shalt  }

// kernel: gather_offload_async_start.5
scs
__scs_entry_jumppad:
0x0: {  	(pc) =	sbr.rel $0x88, $3  }
0x1: {  	(tag) =	ssettag $0x0;
	lr =	simm.s32 $0x1  }
0x2: {  	[smem:$0x3F96] =	sst lr;
	_ =	strace $0xD0000000  }
0x3: {  	_ = 	snop  }
0x4: {  	_ = 	snop  }
0x5: {  	_ = 	snop  }
0x6: {  	_ = 	snop  }
0x7: {  	_ = 	snop  }
__scs_overlays_trampoline_lowered:
0x8: {  	[smem:$0x3FA5] =	sst s0  }
0x9: {  	[smem:$0x3FA6] =	sst s1  }
0xa: {  	[smem:$0x3FA7] =	sst s2  }
0xb: {  	[smem:$0x3FA8] =	sst s3  }
0xc: {  	[smem:$0x3FA9] =	sst s4  }
0xd: {  	[smem:$0x3FAA] =	sst s5  }
0xe: {  	[smem:$0x3FAB] =	sst s6  }
0xf: {  	[smem:$0x3FAC] =	sst s7  }
0x10: {  	[smem:$0x3FAD] =	sst s8  }
0x11: {  	[smem:$0x3FAE] =	sst s9;
	s0 =	simm.s32 @!p0 $0x0  }
0x12: {  	s1 =	sld [smem:$0x3F94];
	s0 =	simm.s32 @p0 $0x1  }
0x13: {  	[smem:$0x3FAF] =	sst s0;
	s0 =	simm.s32 @!p1 $0x0  }
0x14: {  	s2 =	sld [smem:$0x3F93];
	s0 =	simm.s32 @p1 $0x1  }
0x15: {  	[smem:$0x3FB0] =	sst s0;
	s0 =	simm.s32 @!p2 $0x0  }
0x16: {  	s3 =	sld [smem:$0x3FDB];
	s0 =	simm.s32 @p2 $0x1  }
0x17: {  	s4 =	simm.s32 $0x1BF5;
	[smem:$0x3FB2] =	sst s0  }
0x18: {  	s0 =	sld [smem:$0x3F95];
	_ =	swait.ge [sflag:s4], $0x0  }
0x19: {  	s7 =	sld [smem:$0x3F96]  }
0x1a: {  	s8 =	sadd.s32 $0xFFFFE003, lr  }
0x1b: {  	s9 =	sadd.s32 $0xFFFFFEF7, lr;
	s5 =	simm.s32 $0xFFFFFFFF;
	p2 =	slt.u32 s8, $0xFFFFF086  }
0x1c: {  	p1 =	slt.u32 s9, $0xF7A;
	s5 =	simm.s32 @!p2 $0x0  }
0x1d: {  	s5 =	simm.s32 @p1 $0x1;
	p0 =	seq.s32 s7, s2  }
0x1e: {  	s7 =	smul.u32 @!p0 $0xF7A, s2;
	p2 =	seq.s32 @!p0 s5, $0x0  }
0x1f: {  	s9 =	smul.u32 $0xF7A, s1;
	s8 =	simm.s32 @!p0 $0x1BF5;
	p2 =	por !p2, p0  }
0x20: {  	[sflag:s8] =	ssyncset.s32 @!p0 $0xFFFFF086;
	s6 =	sadd.s32 @!p0 s3, s7;
	s7 =	simm.s32 @!p0 $0x108  }
0x21: {  	s3 =	sadd.s32 s3, s9;
	s6 =	sadd.s32 @!p0 $0x88, s6;
	s7 =	simm.s32 @p2 $0x1082  }
0x22: {  	[simem:s7], [sflag:s8] =	dma.local @!p0 [hbm:s6], $0xF7A  }
0x23: {  	s9 =	sor.u32 $0xD0000000, s2;
	s6 =	simm.s32 $0x108;
	_ =	swait.ge @!p0 [sflag:s8], $0x0  }
0x24: {  	s3 =	sadd.s32 $0x88, s3;
	s6 =	simm.s32 @!p1 $0x1082;
	[sflag:s4] =	ssyncset.s32 $0xFFFFF086  }
0x25: {  	[simem:s6], [sflag:s4] =	dma.local [hbm:s3], $0xF7A  }
0x26: {  	[smem:$0x3F96] =	sst s1;
	(tag) =	ssettag s2;
	_ =	strace s9  }
0x27: {  	s1 =	sld [smem:$0x3FA6]  }
0x28: {  	s2 =	sld [smem:$0x3FA7]  }
0x29: {  	s4 =	sld [smem:$0x3FA9]  }
0x2a: {  	p0 =	seq.s32 s5, $0x0;
	s5 =	sld [smem:$0x3FAA]  }
0x2b: {  	s6 =	sld [smem:$0x3FAB]  }
0x2c: {  	s7 =	sld [smem:$0x3FAC]  }
0x2d: {  	s3 =	simm.s32 $0x108;
	s8 =	sld [smem:$0x3FAD]  }
0x2e: {  	s3 =	simm.s32 @!p0 $0x1082;
	s9 =	sld [smem:$0x3FAE]  }
0x2f: {  	lr =	sadd.s32 s0, s3;
	s0 =	sld [smem:$0x3FA5]  }
0x30: {  	s3 =	sld [smem:$0x3FA8]  }
0x31: {  	[smem:$0x3FB1] =	sst s10  }
0x32: {  	s10 =	sld [smem:$0x3FAF];
	_ =	sdelay $0x3  }
0x33: {  	p0 =	seq.s32 s10, $0x1;
	s10 =	sld [smem:$0x3FB1];
	_ =	sdelay $0x3  }
0x34: {  	[smem:$0x3FB1] =	sst s10  }
0x35: {  	s10 =	sld [smem:$0x3FB0];
	_ =	sdelay $0x3  }
0x36: {  	p1 =	seq.s32 s10, $0x1;
	s10 =	sld [smem:$0x3FB1];
	_ =	sdelay $0x3  }
0x37: {  	[smem:$0x3FB1] =	sst s10  }
0x38: {  	s10 =	sld [smem:$0x3FB2]  }
0x39: {  	_ = 	snop;
	(pc) =	sbr.ind lr, $3  }
0x3a: {  	_ = 	snop  }
0x3b: {  	_ = 	snop  }
0x3c: {  	p2 =	seq.s32 s10, $0x1;
	s10 =	sld [smem:$0x3FB1]  }
0x3d: {  	_ =	shalt  }
0x3e: {  	_ =	shalt  }
0x3f: {  	_ =	shalt  }
0x40: {  	_ =	shalt  }
0x41: {  	_ =	shalt  }
0x42: {  	_ =	shalt  }
0x43: {  	_ =	shalt  }
0x44: {  	_ =	shalt  }
0x45: {  	_ =	shalt  }
0x46: {  	_ =	shalt  }
0x47: {  	_ =	shalt  }
0x48: {  	_ =	shalt  }
0x49: {  	_ =	shalt  }
0x4a: {  	_ =	shalt  }
0x4b: {  	_ =	shalt  }
0x4c: {  	_ =	shalt  }
0x4d: {  	_ =	shalt  }
0x4e: {  	_ =	shalt  }
0x4f: {  	_ =	shalt  }
0x50: {  	_ =	shalt  }
0x51: {  	_ =	shalt  }
0x52: {  	_ =	shalt  }
0x53: {  	_ =	shalt  }
0x54: {  	_ =	shalt  }
0x55: {  	_ =	shalt  }
0x56: {  	_ =	shalt  }
0x57: {  	_ =	shalt  }
0x58: {  	_ =	shalt  }
0x59: {  	_ =	shalt  }
0x5a: {  	_ =	shalt  }
0x5b: {  	_ =	shalt  }
0x5c: {  	_ =	shalt  }
0x5d: {  	_ =	shalt  }
0x5e: {  	_ =	shalt  }
0x5f: {  	_ =	shalt  }
0x60: {  	_ =	shalt  }
0x61: {  	_ =	shalt  }
0x62: {  	_ =	shalt  }
0x63: {  	_ =	shalt  }
0x64: {  	_ =	shalt  }
0x65: {  	_ =	shalt  }
0x66: {  	_ =	shalt  }
0x67: {  	_ =	shalt  }
0x68: {  	_ =	shalt  }
0x69: {  	_ =	shalt  }
0x6a: {  	_ =	shalt  }
0x6b: {  	_ =	shalt  }
0x6c: {  	_ =	shalt  }
0x6d: {  	_ =	shalt  }
0x6e: {  	_ =	shalt  }
0x6f: {  	_ =	shalt  }
0x70: {  	_ =	shalt  }
0x71: {  	_ =	shalt  }
0x72: {  	_ =	shalt  }
0x73: {  	_ =	shalt  }
0x74: {  	_ =	shalt  }
0x75: {  	_ =	shalt  }
0x76: {  	_ =	shalt  }
0x77: {  	_ =	shalt  }
0x78: {  	_ =	shalt  }
0x79: {  	_ =	shalt  }
0x7a: {  	_ =	shalt  }
0x7b: {  	_ =	shalt  }
0x7c: {  	_ =	shalt  }
0x7d: {  	_ =	shalt  }
0x7e: {  	_ =	shalt  }
0x7f: {  	_ =	shalt  }
0x80: {  	_ =	shalt  }
0x81: {  	_ =	shalt  }
0x82: {  	_ =	shalt  }
0x83: {  	_ =	shalt  }
0x84: {  	_ =	shalt  }
0x85: {  	_ =	shalt  }
0x86: {  	_ =	shalt  }
0x87: {  	_ =	shalt  }
.Lfunc_end0:
.L_simem_size_0:
called_computation.5_lowered:
.L_overlay_start_0:
0x88: {  	s0 =	sld [smem:$0x3FD9]  }
0x89: {  	s1 =	sld [smem:$0x3FFE];
	_ =	sdelay $0x3  }
0x8a: {  	s0 =	sadd.s32 s1, s0  }
0x8b: {  	[smem:$0x3FBD] =	sst s0  }
0x8c: {  	_ = 	snop  }
0x8d: {  	(tm) =	ssettm $0x1  }
0x8e: {  	s15 =	sld [smem:$0x3FFB];
	_ =	sdelay $0x3  }
0x8f: {  	_ =	strace s15  }
0x90: {  	s0 =	sld [smem:$0x3FFC];
	_ =	sdelay $0x3  }
0x91: {  	_ =	strace s0  }
0x92: {  	s0 =	sld [smem:$0x3FFD];
	_ =	sdelay $0x3  }
0x93: {  	_ =	strace s0  }
0x94: {  	_ =	strace $0x8FFFFFFF  }
0x95: {  	s16 =	sld [smem:$0x3FDB];
	_ =	sdelay $0x1  }
0x96: {  	s17 =	simm.s32 $_scs_section_size  }
0x97: {  	s2 =	simm.s32 $_size__tile_overlayer_lowered;
	s3 =	simm.s32 $_tile_overlayer_lowered  }
0x98: {  	s20 =	simm.s32 $0x1BFF;
	s19 =	sshll.u32 s3, $0x1;
	s0 =	sadd.s32 s17, s16  }
0x99: {  	s4 =	simm.s32 $0x0;
	s18 =	sshll.u32 s2, $0x1;
	s2 =	sadd.s32 s19, s0  }
0x9a: {  	[timem:s4], [sflag:s20] =	dma.local [hbm:s2], s18  }
0x9b: {  	_ =	swait.ge [sflag:s20], s18  }
0x9c: {  	s1 =	ssub.s32 $0x0, s18;
	[sflag:s20] =	ssyncset.done $0x0  }
0x9d: {  	[sflag:s20] =	ssyncadd.s32 s1;
	_ =	sdelay $0x1  }
0x9e: {  	s21 =	simm.s32 $0x1B8B  }
0x9f: {  	_ =	swait.ge [sflag:s21], $0x1  }
0xa0: {  	[sflag:s21] =	ssyncset.done $0x0  }
0xa1: {  	s23 =	simm.s32 $0x1B8E;
	s22 =	sld [smem:$0x3FFE];
	[sflag:s21] =	ssyncadd.s32 $0xFFFFFFFF  }
0xa2: {  	s24 =	simm.s32 $execute0_lowered;
	[smem:$0x3FD2] =	sst s23  }
0xa3: {  	s2 =	sshll.u32 s24, $0x1;
	_ =	strace $0x8000004F;
	[dreg:$0x1] =	wrdreg $0xFFFFFFFF  }
0xa4: {  	s25 =	simm.s32 $_size_execute0_lowered;
	s0 =	sadd.s32 s0, s2;
	[dreg:$0x0] =	wrdreg $0x0  }
0xa5: {  	s2 =	sshll.u32 s25, $0x1;
	[dreg:$0x2] =	wrdreg s0  }
0xa6: {  	[dreg:$0x3] =	wrdreg s2  }
0xa7: {  	[dreg:$0x4] =	wrdreg $0xC0  }
0xa8: {  	_ =	task [dreg:s4], $0x5FFFF  }
0xa9: {  	[dreg:$0x1] =	wrdreg $0xFFFFFFFF  }
0xaa: {  	[dreg:$0x0] =	wrdreg $0x60  }
0xab: {  	[dreg:$0x2] =	wrdreg s22  }
0xac: {  	[dreg:$0x3] =	wrdreg $0x9  }
0xad: {  	_ =	task.clear_ibuf [dreg:s4], $0x4FFFF;
	_ =	strace $0x9000004F  }
0xae: {  	s26 =	simm.s32 $0x9;
	_ =	strace $0x80000051  }
0xaf: {  	_ =	swait.ge [sflag:s26], $0x1  }
0xb0: {  	[sflag:s26] =	ssyncadd.s32 $0xFFFFFFFF  }
0xb1: {  	_ =	strace $0x90000051  }
0xb2: {  	_ =	sfence  }
0xb3: {  	s28 =	sld [smem:$0x0];
	_ =	sdelay $0x1  }
0xb4: {  	s29 =	srdreg.scid  }
0xb5: {  	s30 =	sshll.u32 s29, $0xD;
	s31 =	sshrl.u32 s29, $0x2  }
0xb6: {  	s1 =	sand.u32 $0x1, s29;
	s2 =	sand.u32 $0x4000, s30;
	s0 =	sadd.s32 s31, s28  }
0xb7: {  	s1 =	sor.u32 s2, s1;
	s0 =	sshll.u32 s0, $0x11  }
0xb8: {  	s0 =	sor.u32 s0, s1  }
0xb9: {  	s0 =	sadd.s32 $0x8F2B, s0  }
0xba: {  	[sflag:s0] =	ssyncadd.remote.s32 $0x1  }
0xbb: {  	_ =	sfence.sel $0xFFFF  }
0xbc: {  	[dreg:$0x0] =	wrdreg $0xFFFFFFFF;
	(pc) =	sbr.abs _section_cstart, $3  }
0xbd: {  	[dreg:$0x1] =	wrdreg $0xFFFFFFFF  }
0xbe: {  	_ =	task.clear_ibuf [dreg:s4], $0x2FFFF;
	_ =	strace $0x9FFFFFFF  }
0xbf: {  	(tm) =	ssettm $0x7FFFFFFF  }
tec
execute0_lowered:
.L_overlay_start_1:
0x0: {  	(tag) =	ssettag $0x1  }
0x1: {  	s0 =	stileid.u32  }
0x2: {  	s1 =	smin.u32 s0, $0x9  }
0x3: {  	s1 =	sadd.s32 s0, s1  }
0x4: {  	p0 =	slt.u32 s0, $0x9;
	s2 =	smul.u32 $0x50, s1;
	s1 =	simm.s32 $0xA0  }
0x5: {  	s1 =	simm.s32 @!p0 $0x50  }
0x6: {  	s1 =	sadd.s32 s1, s2  }
0x7: {  	s3 =	smin.u32 s1, $0x7D0  }
0x8: {  	s7 =	ssub.s32 s3, s2  }
0x9: {  	p0 =	sgt.s32 s7, $0x0  }
0xa: {  	s7 =	simm.s32 @!p0 $0x0  }
0xb: {  	s31 =	smul.u32 $0xCCCD, s7  }
0xc: {  	s4 =	rddreg [dreg:$0x0];
	s6 =	simm.s32 $0x1  }
0xd: {  	s10 =	simm.s32 $0x3;
	s13 =	simm.s32 $0x0;
	s8 =	sshrl.u32 s31, $0x16  }
0xe: {  	s12 =	simm.s32 $0x0;
	s5 =	sadd.s32 $0xF5C00, s4;
	s9 =	smul.u32 $0x50, s8  }
.Ltmp0:
0xf: {  	s11 =	smov.u32 s2;
	s1 =	rddreg [dreg:$0x1];
	(pc) =	sbr.rel .LBB2_1-.Ltmp0, $4  }
0x10: {  	_ =	strace $0x80000050;
	p0 =	sne.s32 s7, s9;
	s9 =	simm.s32 $0x1  }
0x11: {  	[sflag:s6] =	ssyncpa.u1 $0x0;
	s7 =	simm.s32 $0x2;
	s9 =	simm.s32 @!p0 $0x0  }
0x12: {  	[sflag:s7] =	ssyncpa.u1 $0x0;
	p0 =	por $0x0, $0x0;
	s8 =	sadd.s32 s8, s9  }
0x13: {  	vm0 =	vmmov $0xff;
	vm1 =	vcmask $0x3F20;
	s9 =	sadd.s32 $0xD600, s4;
	[sflag:s10] =	ssyncpa.u1 $0x0;
	s10 =	sadd.s32 $0x1, s8  }
.LBB2_6:
0x14: {  	[hbm:s17] =	stream.linear.scatter [tilespmem:s14], [sflag:$0x3], $0x400, $0x38;
	[tilespmem:$0x50A0] =	vst v63  }
.LBB2_7:
0x15: {  	s13 =	sadd.s32 $0x50, s11  }
0x16: {  	s15 =	smov.u32 s2;
	p2 =	slt.s32 s13, s3  }
0x17: {  	s15 =	smov.u32 @p2 s13;
	p2 =	sne.s32 s12, s10  }
.Ltmp1:
0x18: {  	p1 =	slt.u32 s12, $0x2;
	(pc) =	sbr.rel @!p2 .LBB2_8-.Ltmp1, $4  }
0x19: {  	s14 =	simm.s32 @!p1 $0x3  }
0x1a: {  	s16 =	sadd.s32 $0x1, s12;
	_ =	swait.ge @!p1 [sflag:s14], $0x2800  }
0x1b: {  	p0 =	por !p0, !p0;
	s13 =	smov.u32 s11;
	[sflag:s14] =	ssyncset.done @!p1 $0x0  }
0x1c: {  	s12 =	smov.u32 s16;
	s11 =	smov.u32 s15;
	[sflag:s14] =	ssyncadd.s32 @!p1 $0xFFFFD800  }
.LBB2_1:
0x1d: {  	p1 =	sge.u32 s12, s8  }
0x1e: {  	s14 =	sxor.u32 @!p1 $0xFFFFFFFF, s12  }
0x1f: {  	s14 =	sand.u32 @!p1 $0x1, s14  }
0x20: {  	s14 =	smul.u32 @!p1 $0x140, s14  }
0x21: {  	s31 =	sadd.s32 $0xFFFFFFFF, s12;
	s15 =	sshrl.u32 @!p1 s11, $0x3  }
0x22: {  	s16 =	sand.u32 @!p1 $0x7, s11;
	s15 =	sadd.s32 @!p1 s9, s15;
	s14 =	sshrl.u32 @!p1 s14, $0x2  }
0x23: {  	[tilespmem:s14], [sflag:$0x2] =	stream.linear.gather @!p1 [hbm4b:s15+s16], $0x50, $0x38;
	[tilespmem:$0x50A0] =	vst v63  }
0x24: {  	p1 =	sge.u32 s31, s8  }
.Ltmp2:
0x25: {  	_ = 	snop;
	(pc) =	sbr.rel @p1 .LBB2_7-.Ltmp2, $1  }
0x26: {  	_ =	sdelay $0x3  }
0x27: {  	s14 =	simm.s32 $0x1  }
0x28: {  	s14 =	simm.s32 @!p0 $0x0  }
0x29: {  	s15 =	smul.u32 $0x140, s14  }
0x2a: {  	_ =	swait.ge [sflag:s7], $0x50  }
0x2b: {  	[sflag:s7] =	ssyncset.done $0x0;
	s16 =	sshrl.u32 s15, $0x2  }
0x2c: {  	[sflag:s7] =	ssyncadd.s32 $0xFFFFFFB0;
	s15 =	sadd.s32 $0x0, s16  }
0x2d: {  	v0 =	vld.msk [tilespmem:s15+$0x0 ss:$0x1], $0xffff;
	_ =	sdelay $0x4  }
0x2e: {  	vm2 =	vgt.s32 v0, $0x0  }
0x2f: {  	v0 =	vnsel vm2, $0x0, v0  }
0x30: {  	v0 =	vmin.u32 v0, $0x2FFF  }
0x31: {  	v0 =	vshll.u32 v0, $0x4  }
0x32: {  	s14 =	smul.u32 $0xA000, s14;
	_ =	sdelay $0x1  }
0x33: {  	s14 =	sshrl.u32 s14, $0x2  }
0x34: {  	s14 =	sor.u32 $0xA0, s14  }
0x35: {  	[tilespmem:s14], [sflag:$0x1] =	stream.indirect_vreg.gather [hbm:s5], $0x80, v0, vm0, $0x38;
	[tilespmem:$0x50A0] =	vst v63  }
0x36: {  	s17 =	sadd.s32 $0x10, s16;
	s15 =	sadd.s32 $0x400, s14  }
0x37: {  	[tilespmem:s15], [sflag:$0x1] =	stream.indirect_vreg.gather [hbm:s5], $0x80, v0, vm1, $0x38;
	[tilespmem:$0x50A0] =	vst v63  }
0x38: {  	s18 =	simm.s32 $0x80;
	v0 =	vld.msk [tilespmem:s17+$0x0 ss:$0x1], $0xffff;
	s17 =	smov.u32 s14  }
.LBB2_3:
0x39: {  	p1 =	sne.s32 s18, $0x100;
	_ =	sdelay $0x4  }
0x3a: {  	vm2 =	vgt.s32 v0, $0x0  }
0x3b: {  	v0 =	vnsel vm2, $0x0, v0  }
0x3c: {  	v0 =	vmin.u32 v0, $0x2FFF  }
0x3d: {  	v0 =	vshll.u32 v0, $0x4;
	_ =	sdelay $0x3  }
.Ltmp3:
0x3e: {  	s19 =	sshra.s32 s18, $0x2;
	s17 =	sadd.s32 $0x800, s17;
	(pc) =	sbr.rel @p1 .LBB2_3-.Ltmp3, $4  }
0x3f: {  	[tilespmem:s17], [sflag:$0x1] =	stream.indirect_vreg.gather [hbm:s5], $0x80, v0, vm0, $0x38;
	[tilespmem:$0x50A0] =	vst v63  }
0x40: {  	s19 =	sadd.s32 s19, s16;
	s20 =	sadd.s32 $0x400, s17  }
0x41: {  	[tilespmem:s20], [sflag:$0x1] =	stream.indirect_vreg.gather [hbm:s5], $0x80, v0, vm1, $0x38;
	[tilespmem:$0x50A0] =	vst v63  }
0x42: {  	s18 =	sadd.s32 $0x40, s18;
	v0 =	vld.msk [tilespmem:s19+$0x0 ss:$0x1], $0xffff  }
0x43: {  	_ =	sdelay $0x3  }
0x44: {  	vm2 =	vgt.s32 v0, $0x0  }
0x45: {  	v0 =	vnsel vm2, $0x0, v0  }
0x46: {  	v0 =	vmin.u32 v0, $0x2FFF  }
0x47: {  	v0 =	vshll.u32 v0, $0x4;
	_ =	sdelay $0x3  }
0x48: {  	s16 =	sadd.s32 $0x800, s17  }
0x49: {  	[tilespmem:s16], [sflag:$0x1] =	stream.indirect_vreg.gather [hbm:s5], $0x80, v0, vm0, $0x38;
	[tilespmem:$0x50A0] =	vst v63  }
0x4a: {  	s16 =	sadd.s32 $0x400, s16  }
0x4b: {  	[tilespmem:s16], [sflag:$0x1] =	stream.indirect_vreg.gather [hbm:s5], $0x80, v0, vm1, $0x38;
	[tilespmem:$0x50A0] =	vst v63  }
0x4c: {  	s13 =	sshll.u32 s13, $0x4;
	_ =	swait.ge [sflag:s6], $0x2800  }
0x4d: {  	s13 =	sadd.s32 s13, s4;
	[sflag:s6] =	ssyncset.done $0x0  }
0x4e: {  	s17 =	sadd.s32 $0x0, s13;
	s16 =	simm.s32 $0x80;
	[sflag:s6] =	ssyncadd.s32 $0xFFFFD800  }
.LBB2_5:
0x4f: {  	[hbm:s17] =	stream.linear.scatter [tilespmem:s14], [sflag:$0x3], $0x400, $0x38;
	[tilespmem:$0x50A0] =	vst v63  }
0x50: {  	s17 =	smov.u32 s16;
	s14 =	smov.u32 s15;
	p1 =	sne.s32 s16, $0x480  }
.Ltmp4:
0x51: {  	s16 =	sadd.s32 $0x80, s16;
	(pc) =	sbr.rel @p1 .LBB2_5-.Ltmp4, $2  }
0x52: {  	_ =	sdelay $0x2  }
0x53: {  	s15 =	sadd.s32 $0x400, s15;
	s17 =	sadd.s32 s17, s13  }
.Ltmp5:
0x54: {  	_ = 	snop;
	(pc) =	sbr.rel .LBB2_6-.Ltmp5, $1  }
0x55: {  	_ =	sdelay $0x3  }
.LBB2_8:
0x56: {  	_ =	sfence.sel $0x180000  }
0x57: {  	s2 =	simm.s32 $0x2;
	[bflag:$0x0] =	sbarrier.arrive $0xFFFF  }
0x58: {  	s30 =	simm.s32 $0x3;
	[sflag:s2] =	ssyncpa.u1 $0x1  }
0x59: {  	s31 =	simm.s32 $0x1;
	[sflag:s30] =	ssyncpa.u1 $0x1  }
0x5a: {  	[sflag:s31] =	ssyncpa.u1 $0x1  }
0x5b: {  	p0 =	sne.s32 s0, $0x0;
	_ =	strace $0x90000050  }
0x5c: {  	s0 =	sadd.s32 @!p0 $0x100000, s1;
	[bflag:$0x2] =	sbarrier.arrive $0xFFFF  }
0x5d: {  	[sflag:s0] =	ssyncadd.tile.s32 @!p0 $0x1;
	_ =	shalt  }
.Lfunc_end2:
_tile_overlayer_lowered:
.L_overlay_start_2:
0x5e: {  	(tag) =	ssettag $0x2  }
0x5f: {  	s0 =	rddreg [dreg:$0x0];
	s2 =	stileid.u32  }
0x60: {  	s1 =	rddreg [dreg:$0x1];
	p0 =	sne.s32 s2, $0x0  }
0x61: {  	s3 =	rddreg [dreg:$0x2];
	[bflag:$0x3] =	sbarrier.arrive $0xFFFF;
	s2 =	simm.s32 @!p0 $0x1C01  }
0x62: {  	[timem:s3], [sflag:s2] =	dma.local @!p0 [hbm:s0], s1  }
0x63: {  	s0 =	simm.s32 @!p0 $0x1  }
0x64: {  	_ =	swait.ge @!p0 [sflag:s0], s1  }
0x65: {  	s1 =	ssub.s32 @!p0 $0x0, s1;
	[sflag:s0] =	ssyncset.done @!p0 $0x0  }
0x66: {  	[sflag:s0] =	ssyncadd.s32 @!p0 s1  }
0x67: {  	[bflag:$0x3] =	sbarrier.arrive $0xFFFF  }
0x68: {  	_ =	shalt  }

// kernel: gather_offload_async_start.6
scs
__scs_entry_jumppad:
0x0: {  	(pc) =	sbr.rel $0x88, $3  }
0x1: {  	(tag) =	ssettag $0x0;
	lr =	simm.s32 $0x1  }
0x2: {  	[smem:$0x3F96] =	sst lr;
	_ =	strace $0xD0000000  }
0x3: {  	_ = 	snop  }
0x4: {  	_ = 	snop  }
0x5: {  	_ = 	snop  }
0x6: {  	_ = 	snop  }
0x7: {  	_ = 	snop  }
__scs_overlays_trampoline_lowered:
0x8: {  	[smem:$0x3FA5] =	sst s0  }
0x9: {  	[smem:$0x3FA6] =	sst s1  }
0xa: {  	[smem:$0x3FA7] =	sst s2  }
0xb: {  	[smem:$0x3FA8] =	sst s3  }
0xc: {  	[smem:$0x3FA9] =	sst s4  }
0xd: {  	[smem:$0x3FAA] =	sst s5  }
0xe: {  	[smem:$0x3FAB] =	sst s6  }
0xf: {  	[smem:$0x3FAC] =	sst s7  }
0x10: {  	[smem:$0x3FAD] =	sst s8  }
0x11: {  	[smem:$0x3FAE] =	sst s9;
	s0 =	simm.s32 @!p0 $0x0  }
0x12: {  	s1 =	sld [smem:$0x3F94];
	s0 =	simm.s32 @p0 $0x1  }
0x13: {  	[smem:$0x3FAF] =	sst s0;
	s0 =	simm.s32 @!p1 $0x0  }
0x14: {  	s2 =	sld [smem:$0x3F93];
	s0 =	simm.s32 @p1 $0x1  }
0x15: {  	[smem:$0x3FB0] =	sst s0;
	s0 =	simm.s32 @!p2 $0x0  }
0x16: {  	s3 =	sld [smem:$0x3FDB];
	s0 =	simm.s32 @p2 $0x1  }
0x17: {  	s4 =	simm.s32 $0x1BF5;
	[smem:$0x3FB2] =	sst s0  }
0x18: {  	s0 =	sld [smem:$0x3F95];
	_ =	swait.ge [sflag:s4], $0x0  }
0x19: {  	s7 =	sld [smem:$0x3F96]  }
0x1a: {  	s8 =	sadd.s32 $0xFFFFE003, lr  }
0x1b: {  	s9 =	sadd.s32 $0xFFFFFEF7, lr;
	s5 =	simm.s32 $0xFFFFFFFF;
	p2 =	slt.u32 s8, $0xFFFFF086  }
0x1c: {  	p1 =	slt.u32 s9, $0xF7A;
	s5 =	simm.s32 @!p2 $0x0  }
0x1d: {  	s5 =	simm.s32 @p1 $0x1;
	p0 =	seq.s32 s7, s2  }
0x1e: {  	s7 =	smul.u32 @!p0 $0xF7A, s2;
	p2 =	seq.s32 @!p0 s5, $0x0  }
0x1f: {  	s9 =	smul.u32 $0xF7A, s1;
	s8 =	simm.s32 @!p0 $0x1BF5;
	p2 =	por !p2, p0  }
0x20: {  	[sflag:s8] =	ssyncset.s32 @!p0 $0xFFFFF086;
	s6 =	sadd.s32 @!p0 s3, s7;
	s7 =	simm.s32 @!p0 $0x108  }
0x21: {  	s3 =	sadd.s32 s3, s9;
	s6 =	sadd.s32 @!p0 $0x88, s6;
	s7 =	simm.s32 @p2 $0x1082  }
0x22: {  	[simem:s7], [sflag:s8] =	dma.local @!p0 [hbm:s6], $0xF7A  }
0x23: {  	s9 =	sor.u32 $0xD0000000, s2;
	s6 =	simm.s32 $0x108;
	_ =	swait.ge @!p0 [sflag:s8], $0x0  }
0x24: {  	s3 =	sadd.s32 $0x88, s3;
	s6 =	simm.s32 @!p1 $0x1082;
	[sflag:s4] =	ssyncset.s32 $0xFFFFF086  }
0x25: {  	[simem:s6], [sflag:s4] =	dma.local [hbm:s3], $0xF7A  }
0x26: {  	[smem:$0x3F96] =	sst s1;
	(tag) =	ssettag s2;
	_ =	strace s9  }
0x27: {  	s1 =	sld [smem:$0x3FA6]  }
0x28: {  	s2 =	sld [smem:$0x3FA7]  }
0x29: {  	s4 =	sld [smem:$0x3FA9]  }
0x2a: {  	p0 =	seq.s32 s5, $0x0;
	s5 =	sld [smem:$0x3FAA]  }
0x2b: {  	s6 =	sld [smem:$0x3FAB]  }
0x2c: {  	s7 =	sld [smem:$0x3FAC]  }
0x2d: {  	s3 =	simm.s32 $0x108;
	s8 =	sld [smem:$0x3FAD]  }
0x2e: {  	s3 =	simm.s32 @!p0 $0x1082;
	s9 =	sld [smem:$0x3FAE]  }
0x2f: {  	lr =	sadd.s32 s0, s3;
	s0 =	sld [smem:$0x3FA5]  }
0x30: {  	s3 =	sld [smem:$0x3FA8]  }
0x31: {  	[smem:$0x3FB1] =	sst s10  }
0x32: {  	s10 =	sld [smem:$0x3FAF];
	_ =	sdelay $0x3  }
0x33: {  	p0 =	seq.s32 s10, $0x1;
	s10 =	sld [smem:$0x3FB1];
	_ =	sdelay $0x3  }
0x34: {  	[smem:$0x3FB1] =	sst s10  }
0x35: {  	s10 =	sld [smem:$0x3FB0];
	_ =	sdelay $0x3  }
0x36: {  	p1 =	seq.s32 s10, $0x1;
	s10 =	sld [smem:$0x3FB1];
	_ =	sdelay $0x3  }
0x37: {  	[smem:$0x3FB1] =	sst s10  }
0x38: {  	s10 =	sld [smem:$0x3FB2]  }
0x39: {  	_ = 	snop;
	(pc) =	sbr.ind lr, $3  }
0x3a: {  	_ = 	snop  }
0x3b: {  	_ = 	snop  }
0x3c: {  	p2 =	seq.s32 s10, $0x1;
	s10 =	sld [smem:$0x3FB1]  }
0x3d: {  	_ =	shalt  }
0x3e: {  	_ =	shalt  }
0x3f: {  	_ =	shalt  }
0x40: {  	_ =	shalt  }
0x41: {  	_ =	shalt  }
0x42: {  	_ =	shalt  }
0x43: {  	_ =	shalt  }
0x44: {  	_ =	shalt  }
0x45: {  	_ =	shalt  }
0x46: {  	_ =	shalt  }
0x47: {  	_ =	shalt  }
0x48: {  	_ =	shalt  }
0x49: {  	_ =	shalt  }
0x4a: {  	_ =	shalt  }
0x4b: {  	_ =	shalt  }
0x4c: {  	_ =	shalt  }
0x4d: {  	_ =	shalt  }
0x4e: {  	_ =	shalt  }
0x4f: {  	_ =	shalt  }
0x50: {  	_ =	shalt  }
0x51: {  	_ =	shalt  }
0x52: {  	_ =	shalt  }
0x53: {  	_ =	shalt  }
0x54: {  	_ =	shalt  }
0x55: {  	_ =	shalt  }
0x56: {  	_ =	shalt  }
0x57: {  	_ =	shalt  }
0x58: {  	_ =	shalt  }
0x59: {  	_ =	shalt  }
0x5a: {  	_ =	shalt  }
0x5b: {  	_ =	shalt  }
0x5c: {  	_ =	shalt  }
0x5d: {  	_ =	shalt  }
0x5e: {  	_ =	shalt  }
0x5f: {  	_ =	shalt  }
0x60: {  	_ =	shalt  }
0x61: {  	_ =	shalt  }
0x62: {  	_ =	shalt  }
0x63: {  	_ =	shalt  }
0x64: {  	_ =	shalt  }
0x65: {  	_ =	shalt  }
0x66: {  	_ =	shalt  }
0x67: {  	_ =	shalt  }
0x68: {  	_ =	shalt  }
0x69: {  	_ =	shalt  }
0x6a: {  	_ =	shalt  }
0x6b: {  	_ =	shalt  }
0x6c: {  	_ =	shalt  }
0x6d: {  	_ =	shalt  }
0x6e: {  	_ =	shalt  }
0x6f: {  	_ =	shalt  }
0x70: {  	_ =	shalt  }
0x71: {  	_ =	shalt  }
0x72: {  	_ =	shalt  }
0x73: {  	_ =	shalt  }
0x74: {  	_ =	shalt  }
0x75: {  	_ =	shalt  }
0x76: {  	_ =	shalt  }
0x77: {  	_ =	shalt  }
0x78: {  	_ =	shalt  }
0x79: {  	_ =	shalt  }
0x7a: {  	_ =	shalt  }
0x7b: {  	_ =	shalt  }
0x7c: {  	_ =	shalt  }
0x7d: {  	_ =	shalt  }
0x7e: {  	_ =	shalt  }
0x7f: {  	_ =	shalt  }
0x80: {  	_ =	shalt  }
0x81: {  	_ =	shalt  }
0x82: {  	_ =	shalt  }
0x83: {  	_ =	shalt  }
0x84: {  	_ =	shalt  }
0x85: {  	_ =	shalt  }
0x86: {  	_ =	shalt  }
0x87: {  	_ =	shalt  }
.Lfunc_end0:
.L_simem_size_0:
called_computation.6_lowered:
.L_overlay_start_0:
0x88: {  	s0 =	sld [smem:$0x3FD9]  }
0x89: {  	s1 =	sld [smem:$0x3FFE];
	_ =	sdelay $0x3  }
0x8a: {  	s0 =	sadd.s32 s1, s0  }
0x8b: {  	[smem:$0x3FBD] =	sst s0  }
0x8c: {  	_ = 	snop  }
0x8d: {  	(tm) =	ssettm $0x1  }
0x8e: {  	s15 =	sld [smem:$0x3FFB];
	_ =	sdelay $0x3  }
0x8f: {  	_ =	strace s15  }
0x90: {  	s0 =	sld [smem:$0x3FFC];
	_ =	sdelay $0x3  }
0x91: {  	_ =	strace s0  }
0x92: {  	s0 =	sld [smem:$0x3FFD];
	_ =	sdelay $0x3  }
0x93: {  	_ =	strace s0  }
0x94: {  	_ =	strace $0x8FFFFFFF  }
0x95: {  	s16 =	sld [smem:$0x3FDB];
	_ =	sdelay $0x1  }
0x96: {  	s17 =	simm.s32 $_scs_section_size  }
0x97: {  	s2 =	simm.s32 $_size__tile_overlayer_lowered;
	s3 =	simm.s32 $_tile_overlayer_lowered  }
0x98: {  	s20 =	simm.s32 $0x1BFF;
	s19 =	sshll.u32 s3, $0x1;
	s0 =	sadd.s32 s17, s16  }
0x99: {  	s4 =	simm.s32 $0x0;
	s18 =	sshll.u32 s2, $0x1;
	s2 =	sadd.s32 s19, s0  }
0x9a: {  	[timem:s4], [sflag:s20] =	dma.local [hbm:s2], s18  }
0x9b: {  	_ =	swait.ge [sflag:s20], s18  }
0x9c: {  	s1 =	ssub.s32 $0x0, s18;
	[sflag:s20] =	ssyncset.done $0x0  }
0x9d: {  	[sflag:s20] =	ssyncadd.s32 s1;
	_ =	sdelay $0x1  }
0x9e: {  	s21 =	simm.s32 $0x1B8B  }
0x9f: {  	_ =	swait.ge [sflag:s21], $0x1  }
0xa0: {  	[sflag:s21] =	ssyncset.done $0x0  }
0xa1: {  	s23 =	simm.s32 $0x1B8E;
	s22 =	sld [smem:$0x3FFE];
	[sflag:s21] =	ssyncadd.s32 $0xFFFFFFFF  }
0xa2: {  	s24 =	simm.s32 $execute0_lowered;
	[smem:$0x3FD2] =	sst s23  }
0xa3: {  	s2 =	sshll.u32 s24, $0x1;
	_ =	strace $0x8000005E;
	[dreg:$0x1] =	wrdreg $0xFFFFFFFF  }
0xa4: {  	s25 =	simm.s32 $_size_execute0_lowered;
	s0 =	sadd.s32 s0, s2;
	[dreg:$0x0] =	wrdreg $0x0  }
0xa5: {  	s2 =	sshll.u32 s25, $0x1;
	[dreg:$0x2] =	wrdreg s0  }
0xa6: {  	[dreg:$0x3] =	wrdreg s2  }
0xa7: {  	[dreg:$0x4] =	wrdreg $0xC0  }
0xa8: {  	_ =	task [dreg:s4], $0x5FFFF  }
0xa9: {  	[dreg:$0x1] =	wrdreg $0xFFFFFFFF  }
0xaa: {  	[dreg:$0x0] =	wrdreg $0x60  }
0xab: {  	[dreg:$0x2] =	wrdreg s22  }
0xac: {  	[dreg:$0x3] =	wrdreg $0x9  }
0xad: {  	_ =	task.clear_ibuf [dreg:s4], $0x4FFFF;
	_ =	strace $0x9000005E  }
0xae: {  	s26 =	simm.s32 $0x9;
	_ =	strace $0x80000060  }
0xaf: {  	_ =	swait.ge [sflag:s26], $0x1  }
0xb0: {  	[sflag:s26] =	ssyncadd.s32 $0xFFFFFFFF  }
0xb1: {  	_ =	strace $0x90000060  }
0xb2: {  	_ =	sfence  }
0xb3: {  	s28 =	sld [smem:$0x0];
	_ =	sdelay $0x1  }
0xb4: {  	s29 =	srdreg.scid  }
0xb5: {  	s30 =	sshll.u32 s29, $0xD;
	s31 =	sshrl.u32 s29, $0x2  }
0xb6: {  	s1 =	sand.u32 $0x1, s29;
	s2 =	sand.u32 $0x4000, s30;
	s0 =	sadd.s32 s31, s28  }
0xb7: {  	s1 =	sor.u32 s2, s1;
	s0 =	sshll.u32 s0, $0x11  }
0xb8: {  	s0 =	sor.u32 s0, s1  }
0xb9: {  	s0 =	sadd.s32 $0x8F2B, s0  }
0xba: {  	[sflag:s0] =	ssyncadd.remote.s32 $0x1  }
0xbb: {  	_ =	sfence.sel $0xFFFF  }
0xbc: {  	[dreg:$0x0] =	wrdreg $0xFFFFFFFF;
	(pc) =	sbr.abs _section_cstart, $3  }
0xbd: {  	[dreg:$0x1] =	wrdreg $0xFFFFFFFF  }
0xbe: {  	_ =	task.clear_ibuf [dreg:s4], $0x2FFFF;
	_ =	strace $0x9FFFFFFF  }
0xbf: {  	(tm) =	ssettm $0x7FFFFFFF  }
tec
execute0_lowered:
.L_overlay_start_1:
0x0: {  	(tag) =	ssettag $0x1  }
0x1: {  	s0 =	stileid.u32  }
0x2: {  	s1 =	smin.u32 s0, $0x9  }
0x3: {  	s1 =	sadd.s32 s0, s1  }
0x4: {  	p0 =	slt.u32 s0, $0x9;
	s2 =	smul.u32 $0x50, s1;
	s1 =	simm.s32 $0xA0  }
0x5: {  	s1 =	simm.s32 @!p0 $0x50  }
0x6: {  	s1 =	sadd.s32 s1, s2  }
0x7: {  	s3 =	smin.u32 s1, $0x7D0  }
0x8: {  	s7 =	ssub.s32 s3, s2  }
0x9: {  	p0 =	sgt.s32 s7, $0x0  }
0xa: {  	s7 =	simm.s32 @!p0 $0x0  }
0xb: {  	s4 =	smul.u32 $0xCCCD, s7  }
0xc: {  	s9 =	rddreg [dreg:$0x0];
	s6 =	simm.s32 $0x1;
	s11 =	simm.s32 $0x3  }
0xd: {  	s13 =	simm.s32 $0x0;
	s12 =	simm.s32 $0x0;
	s8 =	sshrl.u32 s4, $0x16  }
0xe: {  	s1 =	rddreg [dreg:$0x1];
	_ =	strace $0x8000005F;
	s10 =	smul.u32 $0x50, s8  }
.Ltmp0:
0xf: {  	s5 =	sadd.s32 $0xD400, s9;
	[sflag:s6] =	ssyncpa.u1 $0x0;
	(pc) =	sbr.rel .LBB2_1-.Ltmp0, $4  }
0x10: {  	s4 =	sadd.s32 $0x1A6C00, s9;
	p0 =	sne.s32 s7, s10;
	s10 =	simm.s32 $0x1  }
0x11: {  	s9 =	sadd.s32 $0xE400, s9;
	s7 =	simm.s32 $0x2;
	s10 =	simm.s32 @!p0 $0x0  }
0x12: {  	[sflag:s7] =	ssyncpa.u1 $0x0;
	p0 =	por $0x0, $0x0;
	s8 =	sadd.s32 s8, s10  }
0x13: {  	vm0 =	vmmov $0xff;
	vm1 =	vcmask $0x3F20;
	[sflag:s11] =	ssyncpa.u1 $0x0;
	s11 =	smov.u32 s2;
	s10 =	sadd.s32 $0x1, s8  }
.LBB2_6:
0x14: {  	[hbm:s17] =	stream.linear.scatter [tilespmem:s14], [sflag:$0x3], $0x400, $0x38;
	[tilespmem:$0x50A0] =	vst v63  }
.LBB2_7:
0x15: {  	s13 =	sadd.s32 $0x50, s11  }
0x16: {  	s15 =	smov.u32 s2;
	p2 =	slt.s32 s13, s3  }
0x17: {  	s15 =	smov.u32 @p2 s13;
	p2 =	sne.s32 s12, s10  }
.Ltmp1:
0x18: {  	p1 =	slt.u32 s12, $0x2;
	(pc) =	sbr.rel @!p2 .LBB2_8-.Ltmp1, $4  }
0x19: {  	s14 =	simm.s32 @!p1 $0x3  }
0x1a: {  	s16 =	sadd.s32 $0x1, s12;
	_ =	swait.ge @!p1 [sflag:s14], $0x2800  }
0x1b: {  	p0 =	por !p0, !p0;
	s13 =	smov.u32 s11;
	[sflag:s14] =	ssyncset.done @!p1 $0x0  }
0x1c: {  	s12 =	smov.u32 s16;
	s11 =	smov.u32 s15;
	[sflag:s14] =	ssyncadd.s32 @!p1 $0xFFFFD800  }
.LBB2_1:
0x1d: {  	p1 =	sge.u32 s12, s8  }
0x1e: {  	s14 =	sxor.u32 @!p1 $0xFFFFFFFF, s12  }
0x1f: {  	s14 =	sand.u32 @!p1 $0x1, s14  }
0x20: {  	s14 =	smul.u32 @!p1 $0x140, s14  }
0x21: {  	s31 =	sadd.s32 $0xFFFFFFFF, s12;
	s15 =	sshrl.u32 @!p1 s11, $0x3  }
0x22: {  	s16 =	sand.u32 @!p1 $0x7, s11;
	s15 =	sadd.s32 @!p1 s5, s15;
	s14 =	sshrl.u32 @!p1 s14, $0x2  }
0x23: {  	[tilespmem:s14], [sflag:$0x2] =	stream.linear.gather @!p1 [hbm4b:s15+s16], $0x50, $0x38;
	[tilespmem:$0x50A0] =	vst v63  }
0x24: {  	p1 =	sge.u32 s31, s8  }
.Ltmp2:
0x25: {  	_ = 	snop;
	(pc) =	sbr.rel @p1 .LBB2_7-.Ltmp2, $1  }
0x26: {  	_ =	sdelay $0x3  }
0x27: {  	s14 =	simm.s32 $0x1  }
0x28: {  	s14 =	simm.s32 @!p0 $0x0  }
0x29: {  	s15 =	smul.u32 $0x140, s14  }
0x2a: {  	_ =	swait.ge [sflag:s7], $0x50  }
0x2b: {  	[sflag:s7] =	ssyncset.done $0x0;
	s16 =	sshrl.u32 s15, $0x2  }
0x2c: {  	[sflag:s7] =	ssyncadd.s32 $0xFFFFFFB0;
	s15 =	sadd.s32 $0x0, s16  }
0x2d: {  	v0 =	vld.msk [tilespmem:s15+$0x0 ss:$0x1], $0xffff;
	_ =	sdelay $0x4  }
0x2e: {  	vm2 =	vgt.s32 v0, $0x0  }
0x2f: {  	v0 =	vnsel vm2, $0x0, v0  }
0x30: {  	v0 =	vmin.u32 v0, $0x2FFF  }
0x31: {  	v0 =	vshll.u32 v0, $0x4  }
0x32: {  	s14 =	smul.u32 $0xA000, s14;
	_ =	sdelay $0x1  }
0x33: {  	s14 =	sshrl.u32 s14, $0x2  }
0x34: {  	s14 =	sor.u32 $0xA0, s14  }
0x35: {  	[tilespmem:s14], [sflag:$0x1] =	stream.indirect_vreg.gather [hbm:s4], $0x80, v0, vm0, $0x38;
	[tilespmem:$0x50A0] =	vst v63  }
0x36: {  	s17 =	sadd.s32 $0x10, s16;
	s15 =	sadd.s32 $0x400, s14  }
0x37: {  	[tilespmem:s15], [sflag:$0x1] =	stream.indirect_vreg.gather [hbm:s4], $0x80, v0, vm1, $0x38;
	[tilespmem:$0x50A0] =	vst v63  }
0x38: {  	s18 =	simm.s32 $0x80;
	v0 =	vld.msk [tilespmem:s17+$0x0 ss:$0x1], $0xffff;
	s17 =	smov.u32 s14  }
.LBB2_3:
0x39: {  	p1 =	sne.s32 s18, $0x100;
	_ =	sdelay $0x4  }
0x3a: {  	vm2 =	vgt.s32 v0, $0x0  }
0x3b: {  	v0 =	vnsel vm2, $0x0, v0  }
0x3c: {  	v0 =	vmin.u32 v0, $0x2FFF  }
0x3d: {  	v0 =	vshll.u32 v0, $0x4;
	_ =	sdelay $0x3  }
.Ltmp3:
0x3e: {  	s19 =	sshra.s32 s18, $0x2;
	s17 =	sadd.s32 $0x800, s17;
	(pc) =	sbr.rel @p1 .LBB2_3-.Ltmp3, $4  }
0x3f: {  	[tilespmem:s17], [sflag:$0x1] =	stream.indirect_vreg.gather [hbm:s4], $0x80, v0, vm0, $0x38;
	[tilespmem:$0x50A0] =	vst v63  }
0x40: {  	s19 =	sadd.s32 s19, s16;
	s20 =	sadd.s32 $0x400, s17  }
0x41: {  	[tilespmem:s20], [sflag:$0x1] =	stream.indirect_vreg.gather [hbm:s4], $0x80, v0, vm1, $0x38;
	[tilespmem:$0x50A0] =	vst v63  }
0x42: {  	s18 =	sadd.s32 $0x40, s18;
	v0 =	vld.msk [tilespmem:s19+$0x0 ss:$0x1], $0xffff  }
0x43: {  	_ =	sdelay $0x3  }
0x44: {  	vm2 =	vgt.s32 v0, $0x0  }
0x45: {  	v0 =	vnsel vm2, $0x0, v0  }
0x46: {  	v0 =	vmin.u32 v0, $0x2FFF  }
0x47: {  	v0 =	vshll.u32 v0, $0x4;
	_ =	sdelay $0x3  }
0x48: {  	s16 =	sadd.s32 $0x800, s17  }
0x49: {  	[tilespmem:s16], [sflag:$0x1] =	stream.indirect_vreg.gather [hbm:s4], $0x80, v0, vm0, $0x38;
	[tilespmem:$0x50A0] =	vst v63  }
0x4a: {  	s16 =	sadd.s32 $0x400, s16  }
0x4b: {  	[tilespmem:s16], [sflag:$0x1] =	stream.indirect_vreg.gather [hbm:s4], $0x80, v0, vm1, $0x38;
	[tilespmem:$0x50A0] =	vst v63  }
0x4c: {  	s13 =	sshll.u32 s13, $0x4;
	_ =	swait.ge [sflag:s6], $0x2800  }
0x4d: {  	s13 =	sadd.s32 s13, s9;
	[sflag:s6] =	ssyncset.done $0x0  }
0x4e: {  	s17 =	sadd.s32 $0x0, s13;
	s16 =	simm.s32 $0x80;
	[sflag:s6] =	ssyncadd.s32 $0xFFFFD800  }
.LBB2_5:
0x4f: {  	[hbm:s17] =	stream.linear.scatter [tilespmem:s14], [sflag:$0x3], $0x400, $0x38;
	[tilespmem:$0x50A0] =	vst v63  }
0x50: {  	s17 =	smov.u32 s16;
	s14 =	smov.u32 s15;
	p1 =	sne.s32 s16, $0x480  }
.Ltmp4:
0x51: {  	s16 =	sadd.s32 $0x80, s16;
	(pc) =	sbr.rel @p1 .LBB2_5-.Ltmp4, $2  }
0x52: {  	_ =	sdelay $0x2  }
0x53: {  	s15 =	sadd.s32 $0x400, s15;
	s17 =	sadd.s32 s17, s13  }
.Ltmp5:
0x54: {  	_ = 	snop;
	(pc) =	sbr.rel .LBB2_6-.Ltmp5, $1  }
0x55: {  	_ =	sdelay $0x3  }
.LBB2_8:
0x56: {  	_ =	sfence.sel $0x180000  }
0x57: {  	s2 =	simm.s32 $0x2;
	[bflag:$0x0] =	sbarrier.arrive $0xFFFF  }
0x58: {  	s30 =	simm.s32 $0x3;
	[sflag:s2] =	ssyncpa.u1 $0x1  }
0x59: {  	s31 =	simm.s32 $0x1;
	[sflag:s30] =	ssyncpa.u1 $0x1  }
0x5a: {  	[sflag:s31] =	ssyncpa.u1 $0x1  }
0x5b: {  	p0 =	sne.s32 s0, $0x0;
	_ =	strace $0x9000005F  }
0x5c: {  	s0 =	sadd.s32 @!p0 $0x100000, s1;
	[bflag:$0x2] =	sbarrier.arrive $0xFFFF  }
0x5d: {  	[sflag:s0] =	ssyncadd.tile.s32 @!p0 $0x1;
	_ =	shalt  }
.Lfunc_end2:
_tile_overlayer_lowered:
.L_overlay_start_2:
0x5e: {  	(tag) =	ssettag $0x2  }
0x5f: {  	s0 =	rddreg [dreg:$0x0];
	s2 =	stileid.u32  }
0x60: {  	s1 =	rddreg [dreg:$0x1];
	p0 =	sne.s32 s2, $0x0  }
0x61: {  	s3 =	rddreg [dreg:$0x2];
	[bflag:$0x3] =	sbarrier.arrive $0xFFFF;
	s2 =	simm.s32 @!p0 $0x1C01  }
0x62: {  	[timem:s3], [sflag:s2] =	dma.local @!p0 [hbm:s0], s1  }
0x63: {  	s0 =	simm.s32 @!p0 $0x1  }
0x64: {  	_ =	swait.ge @!p0 [sflag:s0], s1  }
0x65: {  	s1 =	ssub.s32 @!p0 $0x0, s1;
	[sflag:s0] =	ssyncset.done @!p0 $0x0  }
0x66: {  	[sflag:s0] =	ssyncadd.s32 @!p0 s1  }
0x67: {  	[bflag:$0x3] =	sbarrier.arrive $0xFFFF  }
0x68: {  	_ =	shalt  }

// kernel: gather_offload_async_start.7
scs
__scs_entry_jumppad:
0x0: {  	(pc) =	sbr.rel $0x88, $3  }
0x1: {  	(tag) =	ssettag $0x0;
	lr =	simm.s32 $0x1  }
0x2: {  	[smem:$0x3F96] =	sst lr;
	_ =	strace $0xD0000000  }
0x3: {  	_ = 	snop  }
0x4: {  	_ = 	snop  }
0x5: {  	_ = 	snop  }
0x6: {  	_ = 	snop  }
0x7: {  	_ = 	snop  }
__scs_overlays_trampoline_lowered:
0x8: {  	[smem:$0x3FA5] =	sst s0  }
0x9: {  	[smem:$0x3FA6] =	sst s1  }
0xa: {  	[smem:$0x3FA7] =	sst s2  }
0xb: {  	[smem:$0x3FA8] =	sst s3  }
0xc: {  	[smem:$0x3FA9] =	sst s4  }
0xd: {  	[smem:$0x3FAA] =	sst s5  }
0xe: {  	[smem:$0x3FAB] =	sst s6  }
0xf: {  	[smem:$0x3FAC] =	sst s7  }
0x10: {  	[smem:$0x3FAD] =	sst s8  }
0x11: {  	[smem:$0x3FAE] =	sst s9;
	s0 =	simm.s32 @!p0 $0x0  }
0x12: {  	s1 =	sld [smem:$0x3F94];
	s0 =	simm.s32 @p0 $0x1  }
0x13: {  	[smem:$0x3FAF] =	sst s0;
	s0 =	simm.s32 @!p1 $0x0  }
0x14: {  	s2 =	sld [smem:$0x3F93];
	s0 =	simm.s32 @p1 $0x1  }
0x15: {  	[smem:$0x3FB0] =	sst s0;
	s0 =	simm.s32 @!p2 $0x0  }
0x16: {  	s3 =	sld [smem:$0x3FDB];
	s0 =	simm.s32 @p2 $0x1  }
0x17: {  	s4 =	simm.s32 $0x1BF5;
	[smem:$0x3FB2] =	sst s0  }
0x18: {  	s0 =	sld [smem:$0x3F95];
	_ =	swait.ge [sflag:s4], $0x0  }
0x19: {  	s7 =	sld [smem:$0x3F96]  }
0x1a: {  	s8 =	sadd.s32 $0xFFFFE003, lr  }
0x1b: {  	s9 =	sadd.s32 $0xFFFFFEF7, lr;
	s5 =	simm.s32 $0xFFFFFFFF;
	p2 =	slt.u32 s8, $0xFFFFF086  }
0x1c: {  	p1 =	slt.u32 s9, $0xF7A;
	s5 =	simm.s32 @!p2 $0x0  }
0x1d: {  	s5 =	simm.s32 @p1 $0x1;
	p0 =	seq.s32 s7, s2  }
0x1e: {  	s7 =	smul.u32 @!p0 $0xF7A, s2;
	p2 =	seq.s32 @!p0 s5, $0x0  }
0x1f: {  	s9 =	smul.u32 $0xF7A, s1;
	s8 =	simm.s32 @!p0 $0x1BF5;
	p2 =	por !p2, p0  }
0x20: {  	[sflag:s8] =	ssyncset.s32 @!p0 $0xFFFFF086;
	s6 =	sadd.s32 @!p0 s3, s7;
	s7 =	simm.s32 @!p0 $0x108  }
0x21: {  	s3 =	sadd.s32 s3, s9;
	s6 =	sadd.s32 @!p0 $0x88, s6;
	s7 =	simm.s32 @p2 $0x1082  }
0x22: {  	[simem:s7], [sflag:s8] =	dma.local @!p0 [hbm:s6], $0xF7A  }
0x23: {  	s9 =	sor.u32 $0xD0000000, s2;
	s6 =	simm.s32 $0x108;
	_ =	swait.ge @!p0 [sflag:s8], $0x0  }
0x24: {  	s3 =	sadd.s32 $0x88, s3;
	s6 =	simm.s32 @!p1 $0x1082;
	[sflag:s4] =	ssyncset.s32 $0xFFFFF086  }
0x25: {  	[simem:s6], [sflag:s4] =	dma.local [hbm:s3], $0xF7A  }
0x26: {  	[smem:$0x3F96] =	sst s1;
	(tag) =	ssettag s2;
	_ =	strace s9  }
0x27: {  	s1 =	sld [smem:$0x3FA6]  }
0x28: {  	s2 =	sld [smem:$0x3FA7]  }
0x29: {  	s4 =	sld [smem:$0x3FA9]  }
0x2a: {  	p0 =	seq.s32 s5, $0x0;
	s5 =	sld [smem:$0x3FAA]  }
0x2b: {  	s6 =	sld [smem:$0x3FAB]  }
0x2c: {  	s7 =	sld [smem:$0x3FAC]  }
0x2d: {  	s3 =	simm.s32 $0x108;
	s8 =	sld [smem:$0x3FAD]  }
0x2e: {  	s3 =	simm.s32 @!p0 $0x1082;
	s9 =	sld [smem:$0x3FAE]  }
0x2f: {  	lr =	sadd.s32 s0, s3;
	s0 =	sld [smem:$0x3FA5]  }
0x30: {  	s3 =	sld [smem:$0x3FA8]  }
0x31: {  	[smem:$0x3FB1] =	sst s10  }
0x32: {  	s10 =	sld [smem:$0x3FAF];
	_ =	sdelay $0x3  }
0x33: {  	p0 =	seq.s32 s10, $0x1;
	s10 =	sld [smem:$0x3FB1];
	_ =	sdelay $0x3  }
0x34: {  	[smem:$0x3FB1] =	sst s10  }
0x35: {  	s10 =	sld [smem:$0x3FB0];
	_ =	sdelay $0x3  }
0x36: {  	p1 =	seq.s32 s10, $0x1;
	s10 =	sld [smem:$0x3FB1];
	_ =	sdelay $0x3  }
0x37: {  	[smem:$0x3FB1] =	sst s10  }
0x38: {  	s10 =	sld [smem:$0x3FB2]  }
0x39: {  	_ = 	snop;
	(pc) =	sbr.ind lr, $3  }
0x3a: {  	_ = 	snop  }
0x3b: {  	_ = 	snop  }
0x3c: {  	p2 =	seq.s32 s10, $0x1;
	s10 =	sld [smem:$0x3FB1]  }
0x3d: {  	_ =	shalt  }
0x3e: {  	_ =	shalt  }
0x3f: {  	_ =	shalt  }
0x40: {  	_ =	shalt  }
0x41: {  	_ =	shalt  }
0x42: {  	_ =	shalt  }
0x43: {  	_ =	shalt  }
0x44: {  	_ =	shalt  }
0x45: {  	_ =	shalt  }
0x46: {  	_ =	shalt  }
0x47: {  	_ =	shalt  }
0x48: {  	_ =	shalt  }
0x49: {  	_ =	shalt  }
0x4a: {  	_ =	shalt  }
0x4b: {  	_ =	shalt  }
0x4c: {  	_ =	shalt  }
0x4d: {  	_ =	shalt  }
0x4e: {  	_ =	shalt  }
0x4f: {  	_ =	shalt  }
0x50: {  	_ =	shalt  }
0x51: {  	_ =	shalt  }
0x52: {  	_ =	shalt  }
0x53: {  	_ =	shalt  }
0x54: {  	_ =	shalt  }
0x55: {  	_ =	shalt  }
0x56: {  	_ =	shalt  }
0x57: {  	_ =	shalt  }
0x58: {  	_ =	shalt  }
0x59: {  	_ =	shalt  }
0x5a: {  	_ =	shalt  }
0x5b: {  	_ =	shalt  }
0x5c: {  	_ =	shalt  }
0x5d: {  	_ =	shalt  }
0x5e: {  	_ =	shalt  }
0x5f: {  	_ =	shalt  }
0x60: {  	_ =	shalt  }
0x61: {  	_ =	shalt  }
0x62: {  	_ =	shalt  }
0x63: {  	_ =	shalt  }
0x64: {  	_ =	shalt  }
0x65: {  	_ =	shalt  }
0x66: {  	_ =	shalt  }
0x67: {  	_ =	shalt  }
0x68: {  	_ =	shalt  }
0x69: {  	_ =	shalt  }
0x6a: {  	_ =	shalt  }
0x6b: {  	_ =	shalt  }
0x6c: {  	_ =	shalt  }
0x6d: {  	_ =	shalt  }
0x6e: {  	_ =	shalt  }
0x6f: {  	_ =	shalt  }
0x70: {  	_ =	shalt  }
0x71: {  	_ =	shalt  }
0x72: {  	_ =	shalt  }
0x73: {  	_ =	shalt  }
0x74: {  	_ =	shalt  }
0x75: {  	_ =	shalt  }
0x76: {  	_ =	shalt  }
0x77: {  	_ =	shalt  }
0x78: {  	_ =	shalt  }
0x79: {  	_ =	shalt  }
0x7a: {  	_ =	shalt  }
0x7b: {  	_ =	shalt  }
0x7c: {  	_ =	shalt  }
0x7d: {  	_ =	shalt  }
0x7e: {  	_ =	shalt  }
0x7f: {  	_ =	shalt  }
0x80: {  	_ =	shalt  }
0x81: {  	_ =	shalt  }
0x82: {  	_ =	shalt  }
0x83: {  	_ =	shalt  }
0x84: {  	_ =	shalt  }
0x85: {  	_ =	shalt  }
0x86: {  	_ =	shalt  }
0x87: {  	_ =	shalt  }
.Lfunc_end0:
.L_simem_size_0:
called_computation.7_lowered:
.L_overlay_start_0:
0x88: {  	s0 =	sld [smem:$0x3FD9]  }
0x89: {  	s1 =	sld [smem:$0x3FFE];
	_ =	sdelay $0x3  }
0x8a: {  	s0 =	sadd.s32 s1, s0  }
0x8b: {  	[smem:$0x3FBD] =	sst s0  }
0x8c: {  	_ = 	snop  }
0x8d: {  	(tm) =	ssettm $0x1  }
0x8e: {  	s15 =	sld [smem:$0x3FFB];
	_ =	sdelay $0x3  }
0x8f: {  	_ =	strace s15  }
0x90: {  	s0 =	sld [smem:$0x3FFC];
	_ =	sdelay $0x3  }
0x91: {  	_ =	strace s0  }
0x92: {  	s0 =	sld [smem:$0x3FFD];
	_ =	sdelay $0x3  }
0x93: {  	_ =	strace s0  }
0x94: {  	_ =	strace $0x8FFFFFFF  }
0x95: {  	s16 =	sld [smem:$0x3FDB];
	_ =	sdelay $0x1  }
0x96: {  	s17 =	simm.s32 $_scs_section_size  }
0x97: {  	s2 =	simm.s32 $_size__tile_overlayer_lowered;
	s3 =	simm.s32 $_tile_overlayer_lowered  }
0x98: {  	s20 =	simm.s32 $0x1BFF;
	s19 =	sshll.u32 s3, $0x1;
	s0 =	sadd.s32 s17, s16  }
0x99: {  	s4 =	simm.s32 $0x0;
	s18 =	sshll.u32 s2, $0x1;
	s2 =	sadd.s32 s19, s0  }
0x9a: {  	[timem:s4], [sflag:s20] =	dma.local [hbm:s2], s18  }
0x9b: {  	_ =	swait.ge [sflag:s20], s18  }
0x9c: {  	s1 =	ssub.s32 $0x0, s18;
	[sflag:s20] =	ssyncset.done $0x0  }
0x9d: {  	[sflag:s20] =	ssyncadd.s32 s1;
	_ =	sdelay $0x1  }
0x9e: {  	s21 =	simm.s32 $0x1B8B  }
0x9f: {  	_ =	swait.ge [sflag:s21], $0x1  }
0xa0: {  	[sflag:s21] =	ssyncset.done $0x0  }
0xa1: {  	s23 =	simm.s32 $0x1B8E;
	s22 =	sld [smem:$0x3FFE];
	[sflag:s21] =	ssyncadd.s32 $0xFFFFFFFF  }
0xa2: {  	s24 =	simm.s32 $execute0_lowered;
	[smem:$0x3FD2] =	sst s23  }
0xa3: {  	s2 =	sshll.u32 s24, $0x1;
	_ =	strace $0x8000004C;
	[dreg:$0x1] =	wrdreg $0xFFFFFFFF  }
0xa4: {  	s25 =	simm.s32 $_size_execute0_lowered;
	s0 =	sadd.s32 s0, s2;
	[dreg:$0x0] =	wrdreg $0x0  }
0xa5: {  	s2 =	sshll.u32 s25, $0x1;
	[dreg:$0x2] =	wrdreg s0  }
0xa6: {  	[dreg:$0x3] =	wrdreg s2  }
0xa7: {  	[dreg:$0x4] =	wrdreg $0xC0  }
0xa8: {  	_ =	task [dreg:s4], $0x5FFFF  }
0xa9: {  	[dreg:$0x1] =	wrdreg $0xFFFFFFFF  }
0xaa: {  	[dreg:$0x0] =	wrdreg $0x60  }
0xab: {  	[dreg:$0x2] =	wrdreg s22  }
0xac: {  	[dreg:$0x3] =	wrdreg $0xA  }
0xad: {  	_ =	task.clear_ibuf [dreg:s4], $0x4FFFF;
	_ =	strace $0x9000004C  }
0xae: {  	s26 =	simm.s32 $0xA;
	_ =	strace $0x8000004E  }
0xaf: {  	_ =	swait.ge [sflag:s26], $0x1  }
0xb0: {  	[sflag:s26] =	ssyncadd.s32 $0xFFFFFFFF  }
0xb1: {  	_ =	strace $0x9000004E  }
0xb2: {  	_ =	sfence  }
0xb3: {  	s28 =	sld [smem:$0x0];
	_ =	sdelay $0x1  }
0xb4: {  	s29 =	srdreg.scid  }
0xb5: {  	s30 =	sshll.u32 s29, $0xD;
	s31 =	sshrl.u32 s29, $0x2  }
0xb6: {  	s1 =	sand.u32 $0x1, s29;
	s2 =	sand.u32 $0x4000, s30;
	s0 =	sadd.s32 s31, s28  }
0xb7: {  	s1 =	sor.u32 s2, s1;
	s0 =	sshll.u32 s0, $0x11  }
0xb8: {  	s0 =	sor.u32 s0, s1  }
0xb9: {  	s0 =	sadd.s32 $0x8F2B, s0  }
0xba: {  	[sflag:s0] =	ssyncadd.remote.s32 $0x1  }
0xbb: {  	_ =	sfence.sel $0xFFFF  }
0xbc: {  	[dreg:$0x0] =	wrdreg $0xFFFFFFFF;
	(pc) =	sbr.abs _section_cstart, $3  }
0xbd: {  	[dreg:$0x1] =	wrdreg $0xFFFFFFFF  }
0xbe: {  	_ =	task.clear_ibuf [dreg:s4], $0x2FFFF;
	_ =	strace $0x9FFFFFFF  }
0xbf: {  	(tm) =	ssettm $0x7FFFFFFF  }
tec
execute0_lowered:
.L_overlay_start_1:
0x0: {  	(tag) =	ssettag $0x1  }
0x1: {  	s0 =	stileid.u32  }
0x2: {  	s1 =	smin.u32 s0, $0x9  }
0x3: {  	s1 =	sadd.s32 s0, s1  }
0x4: {  	p0 =	slt.u32 s0, $0x9;
	s2 =	smul.u32 $0x50, s1;
	s1 =	simm.s32 $0xA0  }
0x5: {  	s1 =	simm.s32 @!p0 $0x50  }
0x6: {  	s1 =	sadd.s32 s1, s2  }
0x7: {  	s3 =	smin.u32 s1, $0x7D0  }
0x8: {  	s7 =	ssub.s32 s3, s2  }
0x9: {  	p0 =	sgt.s32 s7, $0x0  }
0xa: {  	s7 =	simm.s32 @!p0 $0x0  }
0xb: {  	s31 =	smul.u32 $0xCCCD, s7  }
0xc: {  	s9 =	rddreg [dreg:$0x0];
	s6 =	simm.s32 $0x1;
	s11 =	simm.s32 $0x3  }
0xd: {  	s13 =	simm.s32 $0x0;
	s12 =	simm.s32 $0x0;
	s8 =	sshrl.u32 s31, $0x16  }
0xe: {  	s4 =	sadd.s32 $0xF5C00, s9;
	s5 =	sadd.s32 $0xD400, s9;
	s10 =	smul.u32 $0x50, s8  }
.Ltmp0:
0xf: {  	s9 =	sadd.s32 $0xE400, s9;
	s1 =	rddreg [dreg:$0x1];
	(pc) =	sbr.rel .LBB2_1-.Ltmp0, $4  }
0x10: {  	_ =	strace $0x8000004D;
	p0 =	sne.s32 s7, s10;
	s10 =	simm.s32 $0x1  }
0x11: {  	[sflag:s6] =	ssyncpa.u1 $0x0;
	s7 =	simm.s32 $0x2;
	s10 =	simm.s32 @!p0 $0x0  }
0x12: {  	[sflag:s7] =	ssyncpa.u1 $0x0;
	p0 =	por $0x0, $0x0;
	s8 =	sadd.s32 s8, s10  }
0x13: {  	vm0 =	vmmov $0xff;
	vm1 =	vcmask $0x3F20;
	[sflag:s11] =	ssyncpa.u1 $0x0;
	s11 =	smov.u32 s2;
	s10 =	sadd.s32 $0x1, s8  }
.LBB2_6:
0x14: {  	[hbm:s17] =	stream.linear.scatter [tilespmem:s14], [sflag:$0x3], $0x400, $0x38;
	[tilespmem:$0x50A0] =	vst v63  }
.LBB2_7:
0x15: {  	s13 =	sadd.s32 $0x50, s11  }
0x16: {  	s15 =	smov.u32 s2;
	p2 =	slt.s32 s13, s3  }
0x17: {  	s15 =	smov.u32 @p2 s13;
	p2 =	sne.s32 s12, s10  }
.Ltmp1:
0x18: {  	p1 =	slt.u32 s12, $0x2;
	(pc) =	sbr.rel @!p2 .LBB2_8-.Ltmp1, $4  }
0x19: {  	s14 =	simm.s32 @!p1 $0x3  }
0x1a: {  	s16 =	sadd.s32 $0x1, s12;
	_ =	swait.ge @!p1 [sflag:s14], $0x2800  }
0x1b: {  	p0 =	por !p0, !p0;
	s13 =	smov.u32 s11;
	[sflag:s14] =	ssyncset.done @!p1 $0x0  }
0x1c: {  	s12 =	smov.u32 s16;
	s11 =	smov.u32 s15;
	[sflag:s14] =	ssyncadd.s32 @!p1 $0xFFFFD800  }
.LBB2_1:
0x1d: {  	p1 =	sge.u32 s12, s8  }
0x1e: {  	s14 =	sxor.u32 @!p1 $0xFFFFFFFF, s12  }
0x1f: {  	s14 =	sand.u32 @!p1 $0x1, s14  }
0x20: {  	s14 =	smul.u32 @!p1 $0x140, s14  }
0x21: {  	s31 =	sadd.s32 $0xFFFFFFFF, s12;
	s15 =	sshrl.u32 @!p1 s11, $0x3  }
0x22: {  	s16 =	sand.u32 @!p1 $0x7, s11;
	s15 =	sadd.s32 @!p1 s5, s15;
	s14 =	sshrl.u32 @!p1 s14, $0x2  }
0x23: {  	[tilespmem:s14], [sflag:$0x2] =	stream.linear.gather @!p1 [hbm4b:s15+s16], $0x50, $0x38;
	[tilespmem:$0x50A0] =	vst v63  }
0x24: {  	p1 =	sge.u32 s31, s8  }
.Ltmp2:
0x25: {  	_ = 	snop;
	(pc) =	sbr.rel @p1 .LBB2_7-.Ltmp2, $1  }
0x26: {  	_ =	sdelay $0x3  }
0x27: {  	s14 =	simm.s32 $0x1  }
0x28: {  	s14 =	simm.s32 @!p0 $0x0  }
0x29: {  	s15 =	smul.u32 $0x140, s14  }
0x2a: {  	_ =	swait.ge [sflag:s7], $0x50  }
0x2b: {  	[sflag:s7] =	ssyncset.done $0x0;
	s16 =	sshrl.u32 s15, $0x2  }
0x2c: {  	[sflag:s7] =	ssyncadd.s32 $0xFFFFFFB0;
	s15 =	sadd.s32 $0x0, s16  }
0x2d: {  	v0 =	vld.msk [tilespmem:s15+$0x0 ss:$0x1], $0xffff;
	_ =	sdelay $0x4  }
0x2e: {  	vm2 =	vgt.s32 v0, $0x0  }
0x2f: {  	v0 =	vnsel vm2, $0x0, v0  }
0x30: {  	v0 =	vmin.u32 v0, $0x2FFF  }
0x31: {  	v0 =	vshll.u32 v0, $0x4  }
0x32: {  	s14 =	smul.u32 $0xA000, s14;
	_ =	sdelay $0x1  }
0x33: {  	s14 =	sshrl.u32 s14, $0x2  }
0x34: {  	s14 =	sor.u32 $0xA0, s14  }
0x35: {  	[tilespmem:s14], [sflag:$0x1] =	stream.indirect_vreg.gather [hbm:s4], $0x80, v0, vm0, $0x38;
	[tilespmem:$0x50A0] =	vst v63  }
0x36: {  	s17 =	sadd.s32 $0x10, s16;
	s15 =	sadd.s32 $0x400, s14  }
0x37: {  	[tilespmem:s15], [sflag:$0x1] =	stream.indirect_vreg.gather [hbm:s4], $0x80, v0, vm1, $0x38;
	[tilespmem:$0x50A0] =	vst v63  }
0x38: {  	s18 =	simm.s32 $0x80;
	v0 =	vld.msk [tilespmem:s17+$0x0 ss:$0x1], $0xffff;
	s17 =	smov.u32 s14  }
.LBB2_3:
0x39: {  	p1 =	sne.s32 s18, $0x100;
	_ =	sdelay $0x4  }
0x3a: {  	vm2 =	vgt.s32 v0, $0x0  }
0x3b: {  	v0 =	vnsel vm2, $0x0, v0  }
0x3c: {  	v0 =	vmin.u32 v0, $0x2FFF  }
0x3d: {  	v0 =	vshll.u32 v0, $0x4;
	_ =	sdelay $0x3  }
.Ltmp3:
0x3e: {  	s19 =	sshra.s32 s18, $0x2;
	s17 =	sadd.s32 $0x800, s17;
	(pc) =	sbr.rel @p1 .LBB2_3-.Ltmp3, $4  }
0x3f: {  	[tilespmem:s17], [sflag:$0x1] =	stream.indirect_vreg.gather [hbm:s4], $0x80, v0, vm0, $0x38;
	[tilespmem:$0x50A0] =	vst v63  }
0x40: {  	s19 =	sadd.s32 s19, s16;
	s20 =	sadd.s32 $0x400, s17  }
0x41: {  	[tilespmem:s20], [sflag:$0x1] =	stream.indirect_vreg.gather [hbm:s4], $0x80, v0, vm1, $0x38;
	[tilespmem:$0x50A0] =	vst v63  }
0x42: {  	s18 =	sadd.s32 $0x40, s18;
	v0 =	vld.msk [tilespmem:s19+$0x0 ss:$0x1], $0xffff  }
0x43: {  	_ =	sdelay $0x3  }
0x44: {  	vm2 =	vgt.s32 v0, $0x0  }
0x45: {  	v0 =	vnsel vm2, $0x0, v0  }
0x46: {  	v0 =	vmin.u32 v0, $0x2FFF  }
0x47: {  	v0 =	vshll.u32 v0, $0x4;
	_ =	sdelay $0x3  }
0x48: {  	s16 =	sadd.s32 $0x800, s17  }
0x49: {  	[tilespmem:s16], [sflag:$0x1] =	stream.indirect_vreg.gather [hbm:s4], $0x80, v0, vm0, $0x38;
	[tilespmem:$0x50A0] =	vst v63  }
0x4a: {  	s16 =	sadd.s32 $0x400, s16  }
0x4b: {  	[tilespmem:s16], [sflag:$0x1] =	stream.indirect_vreg.gather [hbm:s4], $0x80, v0, vm1, $0x38;
	[tilespmem:$0x50A0] =	vst v63  }
0x4c: {  	s13 =	sshll.u32 s13, $0x4;
	_ =	swait.ge [sflag:s6], $0x2800  }
0x4d: {  	s13 =	sadd.s32 s13, s9;
	[sflag:s6] =	ssyncset.done $0x0  }
0x4e: {  	s17 =	sadd.s32 $0x0, s13;
	s16 =	simm.s32 $0x80;
	[sflag:s6] =	ssyncadd.s32 $0xFFFFD800  }
.LBB2_5:
0x4f: {  	[hbm:s17] =	stream.linear.scatter [tilespmem:s14], [sflag:$0x3], $0x400, $0x38;
	[tilespmem:$0x50A0] =	vst v63  }
0x50: {  	s17 =	smov.u32 s16;
	s14 =	smov.u32 s15;
	p1 =	sne.s32 s16, $0x480  }
.Ltmp4:
0x51: {  	s16 =	sadd.s32 $0x80, s16;
	(pc) =	sbr.rel @p1 .LBB2_5-.Ltmp4, $2  }
0x52: {  	_ =	sdelay $0x2  }
0x53: {  	s15 =	sadd.s32 $0x400, s15;
	s17 =	sadd.s32 s17, s13  }
.Ltmp5:
0x54: {  	_ = 	snop;
	(pc) =	sbr.rel .LBB2_6-.Ltmp5, $1  }
0x55: {  	_ =	sdelay $0x3  }
.LBB2_8:
0x56: {  	_ =	sfence.sel $0x180000  }
0x57: {  	s2 =	simm.s32 $0x2;
	[bflag:$0x0] =	sbarrier.arrive $0xFFFF  }
0x58: {  	s30 =	simm.s32 $0x3;
	[sflag:s2] =	ssyncpa.u1 $0x1  }
0x59: {  	s31 =	simm.s32 $0x1;
	[sflag:s30] =	ssyncpa.u1 $0x1  }
0x5a: {  	[sflag:s31] =	ssyncpa.u1 $0x1  }
0x5b: {  	p0 =	sne.s32 s0, $0x0;
	_ =	strace $0x9000004D  }
0x5c: {  	s0 =	sadd.s32 @!p0 $0x100000, s1;
	[bflag:$0x2] =	sbarrier.arrive $0xFFFF  }
0x5d: {  	[sflag:s0] =	ssyncadd.tile.s32 @!p0 $0x1;
	_ =	shalt  }
.Lfunc_end2:
_tile_overlayer_lowered:
.L_overlay_start_2:
0x5e: {  	(tag) =	ssettag $0x2  }
0x5f: {  	s0 =	rddreg [dreg:$0x0];
	s2 =	stileid.u32  }
0x60: {  	s1 =	rddreg [dreg:$0x1];
	p0 =	sne.s32 s2, $0x0  }
0x61: {  	s3 =	rddreg [dreg:$0x2];
	[bflag:$0x3] =	sbarrier.arrive $0xFFFF;
	s2 =	simm.s32 @!p0 $0x1C01  }
0x62: {  	[timem:s3], [sflag:s2] =	dma.local @!p0 [hbm:s0], s1  }
0x63: {  	s0 =	simm.s32 @!p0 $0x1  }
0x64: {  	_ =	swait.ge @!p0 [sflag:s0], s1  }
0x65: {  	s1 =	ssub.s32 @!p0 $0x0, s1;
	[sflag:s0] =	ssyncset.done @!p0 $0x0  }
0x66: {  	[sflag:s0] =	ssyncadd.s32 @!p0 s1  }
0x67: {  	[bflag:$0x3] =	sbarrier.arrive $0xFFFF  }
0x68: {  	_ =	shalt  }

// kernel: gather_offload_async_start.8
scs
__scs_entry_jumppad:
0x0: {  	(pc) =	sbr.rel $0x88, $3  }
0x1: {  	(tag) =	ssettag $0x0;
	lr =	simm.s32 $0x1  }
0x2: {  	[smem:$0x3F96] =	sst lr;
	_ =	strace $0xD0000000  }
0x3: {  	_ = 	snop  }
0x4: {  	_ = 	snop  }
0x5: {  	_ = 	snop  }
0x6: {  	_ = 	snop  }
0x7: {  	_ = 	snop  }
__scs_overlays_trampoline_lowered:
0x8: {  	[smem:$0x3FA5] =	sst s0  }
0x9: {  	[smem:$0x3FA6] =	sst s1  }
0xa: {  	[smem:$0x3FA7] =	sst s2  }
0xb: {  	[smem:$0x3FA8] =	sst s3  }
0xc: {  	[smem:$0x3FA9] =	sst s4  }
0xd: {  	[smem:$0x3FAA] =	sst s5  }
0xe: {  	[smem:$0x3FAB] =	sst s6  }
0xf: {  	[smem:$0x3FAC] =	sst s7  }
0x10: {  	[smem:$0x3FAD] =	sst s8  }
0x11: {  	[smem:$0x3FAE] =	sst s9;
	s0 =	simm.s32 @!p0 $0x0  }
0x12: {  	s1 =	sld [smem:$0x3F94];
	s0 =	simm.s32 @p0 $0x1  }
0x13: {  	[smem:$0x3FAF] =	sst s0;
	s0 =	simm.s32 @!p1 $0x0  }
0x14: {  	s2 =	sld [smem:$0x3F93];
	s0 =	simm.s32 @p1 $0x1  }
0x15: {  	[smem:$0x3FB0] =	sst s0;
	s0 =	simm.s32 @!p2 $0x0  }
0x16: {  	s3 =	sld [smem:$0x3FDB];
	s0 =	simm.s32 @p2 $0x1  }
0x17: {  	s4 =	simm.s32 $0x1BF5;
	[smem:$0x3FB2] =	sst s0  }
0x18: {  	s0 =	sld [smem:$0x3F95];
	_ =	swait.ge [sflag:s4], $0x0  }
0x19: {  	s7 =	sld [smem:$0x3F96]  }
0x1a: {  	s8 =	sadd.s32 $0xFFFFE003, lr  }
0x1b: {  	s9 =	sadd.s32 $0xFFFFFEF7, lr;
	s5 =	simm.s32 $0xFFFFFFFF;
	p2 =	slt.u32 s8, $0xFFFFF086  }
0x1c: {  	p1 =	slt.u32 s9, $0xF7A;
	s5 =	simm.s32 @!p2 $0x0  }
0x1d: {  	s5 =	simm.s32 @p1 $0x1;
	p0 =	seq.s32 s7, s2  }
0x1e: {  	s7 =	smul.u32 @!p0 $0xF7A, s2;
	p2 =	seq.s32 @!p0 s5, $0x0  }
0x1f: {  	s9 =	smul.u32 $0xF7A, s1;
	s8 =	simm.s32 @!p0 $0x1BF5;
	p2 =	por !p2, p0  }
0x20: {  	[sflag:s8] =	ssyncset.s32 @!p0 $0xFFFFF086;
	s6 =	sadd.s32 @!p0 s3, s7;
	s7 =	simm.s32 @!p0 $0x108  }
0x21: {  	s3 =	sadd.s32 s3, s9;
	s6 =	sadd.s32 @!p0 $0x88, s6;
	s7 =	simm.s32 @p2 $0x1082  }
0x22: {  	[simem:s7], [sflag:s8] =	dma.local @!p0 [hbm:s6], $0xF7A  }
0x23: {  	s9 =	sor.u32 $0xD0000000, s2;
	s6 =	simm.s32 $0x108;
	_ =	swait.ge @!p0 [sflag:s8], $0x0  }
0x24: {  	s3 =	sadd.s32 $0x88, s3;
	s6 =	simm.s32 @!p1 $0x1082;
	[sflag:s4] =	ssyncset.s32 $0xFFFFF086  }
0x25: {  	[simem:s6], [sflag:s4] =	dma.local [hbm:s3], $0xF7A  }
0x26: {  	[smem:$0x3F96] =	sst s1;
	(tag) =	ssettag s2;
	_ =	strace s9  }
0x27: {  	s1 =	sld [smem:$0x3FA6]  }
0x28: {  	s2 =	sld [smem:$0x3FA7]  }
0x29: {  	s4 =	sld [smem:$0x3FA9]  }
0x2a: {  	p0 =	seq.s32 s5, $0x0;
	s5 =	sld [smem:$0x3FAA]  }
0x2b: {  	s6 =	sld [smem:$0x3FAB]  }
0x2c: {  	s7 =	sld [smem:$0x3FAC]  }
0x2d: {  	s3 =	simm.s32 $0x108;
	s8 =	sld [smem:$0x3FAD]  }
0x2e: {  	s3 =	simm.s32 @!p0 $0x1082;
	s9 =	sld [smem:$0x3FAE]  }
0x2f: {  	lr =	sadd.s32 s0, s3;
	s0 =	sld [smem:$0x3FA5]  }
0x30: {  	s3 =	sld [smem:$0x3FA8]  }
0x31: {  	[smem:$0x3FB1] =	sst s10  }
0x32: {  	s10 =	sld [smem:$0x3FAF];
	_ =	sdelay $0x3  }
0x33: {  	p0 =	seq.s32 s10, $0x1;
	s10 =	sld [smem:$0x3FB1];
	_ =	sdelay $0x3  }
0x34: {  	[smem:$0x3FB1] =	sst s10  }
0x35: {  	s10 =	sld [smem:$0x3FB0];
	_ =	sdelay $0x3  }
0x36: {  	p1 =	seq.s32 s10, $0x1;
	s10 =	sld [smem:$0x3FB1];
	_ =	sdelay $0x3  }
0x37: {  	[smem:$0x3FB1] =	sst s10  }
0x38: {  	s10 =	sld [smem:$0x3FB2]  }
0x39: {  	_ = 	snop;
	(pc) =	sbr.ind lr, $3  }
0x3a: {  	_ = 	snop  }
0x3b: {  	_ = 	snop  }
0x3c: {  	p2 =	seq.s32 s10, $0x1;
	s10 =	sld [smem:$0x3FB1]  }
0x3d: {  	_ =	shalt  }
0x3e: {  	_ =	shalt  }
0x3f: {  	_ =	shalt  }
0x40: {  	_ =	shalt  }
0x41: {  	_ =	shalt  }
0x42: {  	_ =	shalt  }
0x43: {  	_ =	shalt  }
0x44: {  	_ =	shalt  }
0x45: {  	_ =	shalt  }
0x46: {  	_ =	shalt  }
0x47: {  	_ =	shalt  }
0x48: {  	_ =	shalt  }
0x49: {  	_ =	shalt  }
0x4a: {  	_ =	shalt  }
0x4b: {  	_ =	shalt  }
0x4c: {  	_ =	shalt  }
0x4d: {  	_ =	shalt  }
0x4e: {  	_ =	shalt  }
0x4f: {  	_ =	shalt  }
0x50: {  	_ =	shalt  }
0x51: {  	_ =	shalt  }
0x52: {  	_ =	shalt  }
0x53: {  	_ =	shalt  }
0x54: {  	_ =	shalt  }
0x55: {  	_ =	shalt  }
0x56: {  	_ =	shalt  }
0x57: {  	_ =	shalt  }
0x58: {  	_ =	shalt  }
0x59: {  	_ =	shalt  }
0x5a: {  	_ =	shalt  }
0x5b: {  	_ =	shalt  }
0x5c: {  	_ =	shalt  }
0x5d: {  	_ =	shalt  }
0x5e: {  	_ =	shalt  }
0x5f: {  	_ =	shalt  }
0x60: {  	_ =	shalt  }
0x61: {  	_ =	shalt  }
0x62: {  	_ =	shalt  }
0x63: {  	_ =	shalt  }
0x64: {  	_ =	shalt  }
0x65: {  	_ =	shalt  }
0x66: {  	_ =	shalt  }
0x67: {  	_ =	shalt  }
0x68: {  	_ =	shalt  }
0x69: {  	_ =	shalt  }
0x6a: {  	_ =	shalt  }
0x6b: {  	_ =	shalt  }
0x6c: {  	_ =	shalt  }
0x6d: {  	_ =	shalt  }
0x6e: {  	_ =	shalt  }
0x6f: {  	_ =	shalt  }
0x70: {  	_ =	shalt  }
0x71: {  	_ =	shalt  }
0x72: {  	_ =	shalt  }
0x73: {  	_ =	shalt  }
0x74: {  	_ =	shalt  }
0x75: {  	_ =	shalt  }
0x76: {  	_ =	shalt  }
0x77: {  	_ =	shalt  }
0x78: {  	_ =	shalt  }
0x79: {  	_ =	shalt  }
0x7a: {  	_ =	shalt  }
0x7b: {  	_ =	shalt  }
0x7c: {  	_ =	shalt  }
0x7d: {  	_ =	shalt  }
0x7e: {  	_ =	shalt  }
0x7f: {  	_ =	shalt  }
0x80: {  	_ =	shalt  }
0x81: {  	_ =	shalt  }
0x82: {  	_ =	shalt  }
0x83: {  	_ =	shalt  }
0x84: {  	_ =	shalt  }
0x85: {  	_ =	shalt  }
0x86: {  	_ =	shalt  }
0x87: {  	_ =	shalt  }
.Lfunc_end0:
.L_simem_size_0:
called_computation.8_lowered:
.L_overlay_start_0:
0x88: {  	s0 =	sld [smem:$0x3FD9]  }
0x89: {  	s1 =	sld [smem:$0x3FFE];
	_ =	sdelay $0x3  }
0x8a: {  	s0 =	sadd.s32 s1, s0  }
0x8b: {  	[smem:$0x3FBD] =	sst s0  }
0x8c: {  	_ = 	snop  }
0x8d: {  	(tm) =	ssettm $0x1  }
0x8e: {  	s15 =	sld [smem:$0x3FFB];
	_ =	sdelay $0x3  }
0x8f: {  	_ =	strace s15  }
0x90: {  	s0 =	sld [smem:$0x3FFC];
	_ =	sdelay $0x3  }
0x91: {  	_ =	strace s0  }
0x92: {  	s0 =	sld [smem:$0x3FFD];
	_ =	sdelay $0x3  }
0x93: {  	_ =	strace s0  }
0x94: {  	_ =	strace $0x8FFFFFFF  }
0x95: {  	s16 =	sld [smem:$0x3FDB];
	_ =	sdelay $0x1  }
0x96: {  	s17 =	simm.s32 $_scs_section_size  }
0x97: {  	s2 =	simm.s32 $_size__tile_overlayer_lowered;
	s3 =	simm.s32 $_tile_overlayer_lowered  }
0x98: {  	s20 =	simm.s32 $0x1BFF;
	s19 =	sshll.u32 s3, $0x1;
	s0 =	sadd.s32 s17, s16  }
0x99: {  	s4 =	simm.s32 $0x0;
	s18 =	sshll.u32 s2, $0x1;
	s2 =	sadd.s32 s19, s0  }
0x9a: {  	[timem:s4], [sflag:s20] =	dma.local [hbm:s2], s18  }
0x9b: {  	_ =	swait.ge [sflag:s20], s18  }
0x9c: {  	s1 =	ssub.s32 $0x0, s18;
	[sflag:s20] =	ssyncset.done $0x0  }
0x9d: {  	[sflag:s20] =	ssyncadd.s32 s1;
	_ =	sdelay $0x1  }
0x9e: {  	s21 =	simm.s32 $0x1B8B  }
0x9f: {  	_ =	swait.ge [sflag:s21], $0x1  }
0xa0: {  	[sflag:s21] =	ssyncset.done $0x0  }
0xa1: {  	s23 =	simm.s32 $0x1B8E;
	s22 =	sld [smem:$0x3FFE];
	[sflag:s21] =	ssyncadd.s32 $0xFFFFFFFF  }
0xa2: {  	s24 =	simm.s32 $execute0_lowered;
	[smem:$0x3FD2] =	sst s23  }
0xa3: {  	s2 =	sshll.u32 s24, $0x1;
	_ =	strace $0x8000005B;
	[dreg:$0x1] =	wrdreg $0xFFFFFFFF  }
0xa4: {  	s25 =	simm.s32 $_size_execute0_lowered;
	s0 =	sadd.s32 s0, s2;
	[dreg:$0x0] =	wrdreg $0x0  }
0xa5: {  	s2 =	sshll.u32 s25, $0x1;
	[dreg:$0x2] =	wrdreg s0  }
0xa6: {  	[dreg:$0x3] =	wrdreg s2  }
0xa7: {  	[dreg:$0x4] =	wrdreg $0xC0  }
0xa8: {  	_ =	task [dreg:s4], $0x5FFFF  }
0xa9: {  	[dreg:$0x1] =	wrdreg $0xFFFFFFFF  }
0xaa: {  	[dreg:$0x0] =	wrdreg $0x60  }
0xab: {  	[dreg:$0x2] =	wrdreg s22  }
0xac: {  	[dreg:$0x3] =	wrdreg $0xA  }
0xad: {  	_ =	task.clear_ibuf [dreg:s4], $0x4FFFF;
	_ =	strace $0x9000005B  }
0xae: {  	s26 =	simm.s32 $0xA;
	_ =	strace $0x8000005D  }
0xaf: {  	_ =	swait.ge [sflag:s26], $0x1  }
0xb0: {  	[sflag:s26] =	ssyncadd.s32 $0xFFFFFFFF  }
0xb1: {  	_ =	strace $0x9000005D  }
0xb2: {  	_ =	sfence  }
0xb3: {  	s28 =	sld [smem:$0x0];
	_ =	sdelay $0x1  }
0xb4: {  	s29 =	srdreg.scid  }
0xb5: {  	s30 =	sshll.u32 s29, $0xD;
	s31 =	sshrl.u32 s29, $0x2  }
0xb6: {  	s1 =	sand.u32 $0x1, s29;
	s2 =	sand.u32 $0x4000, s30;
	s0 =	sadd.s32 s31, s28  }
0xb7: {  	s1 =	sor.u32 s2, s1;
	s0 =	sshll.u32 s0, $0x11  }
0xb8: {  	s0 =	sor.u32 s0, s1  }
0xb9: {  	s0 =	sadd.s32 $0x8F2B, s0  }
0xba: {  	[sflag:s0] =	ssyncadd.remote.s32 $0x1  }
0xbb: {  	_ =	sfence.sel $0xFFFF  }
0xbc: {  	[dreg:$0x0] =	wrdreg $0xFFFFFFFF;
	(pc) =	sbr.abs _section_cstart, $3  }
0xbd: {  	[dreg:$0x1] =	wrdreg $0xFFFFFFFF  }
0xbe: {  	_ =	task.clear_ibuf [dreg:s4], $0x2FFFF;
	_ =	strace $0x9FFFFFFF  }
0xbf: {  	(tm) =	ssettm $0x7FFFFFFF  }
tec
execute0_lowered:
.L_overlay_start_1:
0x0: {  	(tag) =	ssettag $0x1  }
0x1: {  	s0 =	stileid.u32  }
0x2: {  	s1 =	smin.u32 s0, $0x9  }
0x3: {  	s1 =	sadd.s32 s0, s1  }
0x4: {  	p0 =	slt.u32 s0, $0x9;
	s2 =	smul.u32 $0x50, s1;
	s1 =	simm.s32 $0xA0  }
0x5: {  	s1 =	simm.s32 @!p0 $0x50  }
0x6: {  	s1 =	sadd.s32 s1, s2  }
0x7: {  	s3 =	smin.u32 s1, $0x7D0  }
0x8: {  	s7 =	ssub.s32 s3, s2  }
0x9: {  	p0 =	sgt.s32 s7, $0x0  }
0xa: {  	s7 =	simm.s32 @!p0 $0x0  }
0xb: {  	s31 =	smul.u32 $0xCCCD, s7  }
0xc: {  	s4 =	rddreg [dreg:$0x0];
	s6 =	simm.s32 $0x1  }
0xd: {  	s10 =	simm.s32 $0x3;
	s13 =	simm.s32 $0x0;
	s8 =	sshrl.u32 s31, $0x16  }
0xe: {  	s12 =	simm.s32 $0x0;
	s5 =	sadd.s32 $0x16400, s4;
	s9 =	smul.u32 $0x50, s8  }
.Ltmp0:
0xf: {  	s11 =	smov.u32 s2;
	s1 =	rddreg [dreg:$0x1];
	(pc) =	sbr.rel .LBB2_1-.Ltmp0, $4  }
0x10: {  	_ =	strace $0x8000005C;
	p0 =	sne.s32 s7, s9;
	s9 =	simm.s32 $0x1  }
0x11: {  	[sflag:s6] =	ssyncpa.u1 $0x0;
	s7 =	simm.s32 $0x2;
	s9 =	simm.s32 @!p0 $0x0  }
0x12: {  	[sflag:s7] =	ssyncpa.u1 $0x0;
	p0 =	por $0x0, $0x0;
	s8 =	sadd.s32 s8, s9  }
0x13: {  	vm0 =	vmmov $0xff;
	vm1 =	vcmask $0x3F20;
	s9 =	sadd.s32 $0xD200, s4;
	[sflag:s10] =	ssyncpa.u1 $0x0;
	s10 =	sadd.s32 $0x1, s8  }
.LBB2_6:
0x14: {  	[hbm:s17] =	stream.linear.scatter [tilespmem:s14], [sflag:$0x3], $0x400, $0x38;
	[tilespmem:$0x50A0] =	vst v63  }
.LBB2_7:
0x15: {  	s13 =	sadd.s32 $0x50, s11  }
0x16: {  	s15 =	smov.u32 s2;
	p2 =	slt.s32 s13, s3  }
0x17: {  	s15 =	smov.u32 @p2 s13;
	p2 =	sne.s32 s12, s10  }
.Ltmp1:
0x18: {  	p1 =	slt.u32 s12, $0x2;
	(pc) =	sbr.rel @!p2 .LBB2_8-.Ltmp1, $4  }
0x19: {  	s14 =	simm.s32 @!p1 $0x3  }
0x1a: {  	s16 =	sadd.s32 $0x1, s12;
	_ =	swait.ge @!p1 [sflag:s14], $0x2800  }
0x1b: {  	p0 =	por !p0, !p0;
	s13 =	smov.u32 s11;
	[sflag:s14] =	ssyncset.done @!p1 $0x0  }
0x1c: {  	s12 =	smov.u32 s16;
	s11 =	smov.u32 s15;
	[sflag:s14] =	ssyncadd.s32 @!p1 $0xFFFFD800  }
.LBB2_1:
0x1d: {  	p1 =	sge.u32 s12, s8  }
0x1e: {  	s14 =	sxor.u32 @!p1 $0xFFFFFFFF, s12  }
0x1f: {  	s14 =	sand.u32 @!p1 $0x1, s14  }
0x20: {  	s14 =	smul.u32 @!p1 $0x140, s14  }
0x21: {  	s31 =	sadd.s32 $0xFFFFFFFF, s12;
	s15 =	sshrl.u32 @!p1 s11, $0x3  }
0x22: {  	s16 =	sand.u32 @!p1 $0x7, s11;
	s15 =	sadd.s32 @!p1 s9, s15;
	s14 =	sshrl.u32 @!p1 s14, $0x2  }
0x23: {  	[tilespmem:s14], [sflag:$0x2] =	stream.linear.gather @!p1 [hbm4b:s15+s16], $0x50, $0x38;
	[tilespmem:$0x50A0] =	vst v63  }
0x24: {  	p1 =	sge.u32 s31, s8  }
.Ltmp2:
0x25: {  	_ = 	snop;
	(pc) =	sbr.rel @p1 .LBB2_7-.Ltmp2, $1  }
0x26: {  	_ =	sdelay $0x3  }
0x27: {  	s14 =	simm.s32 $0x1  }
0x28: {  	s14 =	simm.s32 @!p0 $0x0  }
0x29: {  	s15 =	smul.u32 $0x140, s14  }
0x2a: {  	_ =	swait.ge [sflag:s7], $0x50  }
0x2b: {  	[sflag:s7] =	ssyncset.done $0x0;
	s16 =	sshrl.u32 s15, $0x2  }
0x2c: {  	[sflag:s7] =	ssyncadd.s32 $0xFFFFFFB0;
	s15 =	sadd.s32 $0x0, s16  }
0x2d: {  	v0 =	vld.msk [tilespmem:s15+$0x0 ss:$0x1], $0xffff;
	_ =	sdelay $0x4  }
0x2e: {  	vm2 =	vgt.s32 v0, $0x0  }
0x2f: {  	v0 =	vnsel vm2, $0x0, v0  }
0x30: {  	v0 =	vmin.u32 v0, $0xBFF  }
0x31: {  	v0 =	vshll.u32 v0, $0x4  }
0x32: {  	s14 =	smul.u32 $0xA000, s14;
	_ =	sdelay $0x1  }
0x33: {  	s14 =	sshrl.u32 s14, $0x2  }
0x34: {  	s14 =	sor.u32 $0xA0, s14  }
0x35: {  	[tilespmem:s14], [sflag:$0x1] =	stream.indirect_vreg.gather [hbm:s5], $0x80, v0, vm0, $0x38;
	[tilespmem:$0x50A0] =	vst v63  }
0x36: {  	s17 =	sadd.s32 $0x10, s16;
	s15 =	sadd.s32 $0x400, s14  }
0x37: {  	[tilespmem:s15], [sflag:$0x1] =	stream.indirect_vreg.gather [hbm:s5], $0x80, v0, vm1, $0x38;
	[tilespmem:$0x50A0] =	vst v63  }
0x38: {  	s18 =	simm.s32 $0x80;
	v0 =	vld.msk [tilespmem:s17+$0x0 ss:$0x1], $0xffff;
	s17 =	smov.u32 s14  }
.LBB2_3:
0x39: {  	p1 =	sne.s32 s18, $0x100;
	_ =	sdelay $0x4  }
0x3a: {  	vm2 =	vgt.s32 v0, $0x0  }
0x3b: {  	v0 =	vnsel vm2, $0x0, v0  }
0x3c: {  	v0 =	vmin.u32 v0, $0xBFF  }
0x3d: {  	v0 =	vshll.u32 v0, $0x4;
	_ =	sdelay $0x3  }
.Ltmp3:
0x3e: {  	s19 =	sshra.s32 s18, $0x2;
	s17 =	sadd.s32 $0x800, s17;
	(pc) =	sbr.rel @p1 .LBB2_3-.Ltmp3, $4  }
0x3f: {  	[tilespmem:s17], [sflag:$0x1] =	stream.indirect_vreg.gather [hbm:s5], $0x80, v0, vm0, $0x38;
	[tilespmem:$0x50A0] =	vst v63  }
0x40: {  	s19 =	sadd.s32 s19, s16;
	s20 =	sadd.s32 $0x400, s17  }
0x41: {  	[tilespmem:s20], [sflag:$0x1] =	stream.indirect_vreg.gather [hbm:s5], $0x80, v0, vm1, $0x38;
	[tilespmem:$0x50A0] =	vst v63  }
0x42: {  	s18 =	sadd.s32 $0x40, s18;
	v0 =	vld.msk [tilespmem:s19+$0x0 ss:$0x1], $0xffff  }
0x43: {  	_ =	sdelay $0x3  }
0x44: {  	vm2 =	vgt.s32 v0, $0x0  }
0x45: {  	v0 =	vnsel vm2, $0x0, v0  }
0x46: {  	v0 =	vmin.u32 v0, $0xBFF  }
0x47: {  	v0 =	vshll.u32 v0, $0x4;
	_ =	sdelay $0x3  }
0x48: {  	s16 =	sadd.s32 $0x800, s17  }
0x49: {  	[tilespmem:s16], [sflag:$0x1] =	stream.indirect_vreg.gather [hbm:s5], $0x80, v0, vm0, $0x38;
	[tilespmem:$0x50A0] =	vst v63  }
0x4a: {  	s16 =	sadd.s32 $0x400, s16  }
0x4b: {  	[tilespmem:s16], [sflag:$0x1] =	stream.indirect_vreg.gather [hbm:s5], $0x80, v0, vm1, $0x38;
	[tilespmem:$0x50A0] =	vst v63  }
0x4c: {  	s13 =	sshll.u32 s13, $0x4;
	_ =	swait.ge [sflag:s6], $0x2800  }
0x4d: {  	s13 =	sadd.s32 s13, s4;
	[sflag:s6] =	ssyncset.done $0x0  }
0x4e: {  	s17 =	sadd.s32 $0x0, s13;
	s16 =	simm.s32 $0x80;
	[sflag:s6] =	ssyncadd.s32 $0xFFFFD800  }
.LBB2_5:
0x4f: {  	[hbm:s17] =	stream.linear.scatter [tilespmem:s14], [sflag:$0x3], $0x400, $0x38;
	[tilespmem:$0x50A0] =	vst v63  }
0x50: {  	s17 =	smov.u32 s16;
	s14 =	smov.u32 s15;
	p1 =	sne.s32 s16, $0x480  }
.Ltmp4:
0x51: {  	s16 =	sadd.s32 $0x80, s16;
	(pc) =	sbr.rel @p1 .LBB2_5-.Ltmp4, $2  }
0x52: {  	_ =	sdelay $0x2  }
0x53: {  	s15 =	sadd.s32 $0x400, s15;
	s17 =	sadd.s32 s17, s13  }
.Ltmp5:
0x54: {  	_ = 	snop;
	(pc) =	sbr.rel .LBB2_6-.Ltmp5, $1  }
0x55: {  	_ =	sdelay $0x3  }
.LBB2_8:
0x56: {  	_ =	sfence.sel $0x180000  }
0x57: {  	s2 =	simm.s32 $0x2;
	[bflag:$0x0] =	sbarrier.arrive $0xFFFF  }
0x58: {  	s30 =	simm.s32 $0x3;
	[sflag:s2] =	ssyncpa.u1 $0x1  }
0x59: {  	s31 =	simm.s32 $0x1;
	[sflag:s30] =	ssyncpa.u1 $0x1  }
0x5a: {  	[sflag:s31] =	ssyncpa.u1 $0x1  }
0x5b: {  	p0 =	sne.s32 s0, $0x0;
	_ =	strace $0x9000005C  }
0x5c: {  	s0 =	sadd.s32 @!p0 $0x100000, s1;
	[bflag:$0x2] =	sbarrier.arrive $0xFFFF  }
0x5d: {  	[sflag:s0] =	ssyncadd.tile.s32 @!p0 $0x1;
	_ =	shalt  }
.Lfunc_end2:
_tile_overlayer_lowered:
.L_overlay_start_2:
0x5e: {  	(tag) =	ssettag $0x2  }
0x5f: {  	s0 =	rddreg [dreg:$0x0];
	s2 =	stileid.u32  }
0x60: {  	s1 =	rddreg [dreg:$0x1];
	p0 =	sne.s32 s2, $0x0  }
0x61: {  	s3 =	rddreg [dreg:$0x2];
	[bflag:$0x3] =	sbarrier.arrive $0xFFFF;
	s2 =	simm.s32 @!p0 $0x1C01  }
0x62: {  	[timem:s3], [sflag:s2] =	dma.local @!p0 [hbm:s0], s1  }
0x63: {  	s0 =	simm.s32 @!p0 $0x1  }
0x64: {  	_ =	swait.ge @!p0 [sflag:s0], s1  }
0x65: {  	s1 =	ssub.s32 @!p0 $0x0, s1;
	[sflag:s0] =	ssyncset.done @!p0 $0x0  }
0x66: {  	[sflag:s0] =	ssyncadd.s32 @!p0 s1  }
0x67: {  	[bflag:$0x3] =	sbarrier.arrive $0xFFFF  }
0x68: {  	_ =	shalt  }

// kernel: gather_offload_async_start.9
scs
__scs_entry_jumppad:
0x0: {  	(pc) =	sbr.rel $0x88, $3  }
0x1: {  	(tag) =	ssettag $0x0;
	lr =	simm.s32 $0x1  }
0x2: {  	[smem:$0x3F96] =	sst lr;
	_ =	strace $0xD0000000  }
0x3: {  	_ = 	snop  }
0x4: {  	_ = 	snop  }
0x5: {  	_ = 	snop  }
0x6: {  	_ = 	snop  }
0x7: {  	_ = 	snop  }
__scs_overlays_trampoline_lowered:
0x8: {  	[smem:$0x3FA5] =	sst s0  }
0x9: {  	[smem:$0x3FA6] =	sst s1  }
0xa: {  	[smem:$0x3FA7] =	sst s2  }
0xb: {  	[smem:$0x3FA8] =	sst s3  }
0xc: {  	[smem:$0x3FA9] =	sst s4  }
0xd: {  	[smem:$0x3FAA] =	sst s5  }
0xe: {  	[smem:$0x3FAB] =	sst s6  }
0xf: {  	[smem:$0x3FAC] =	sst s7  }
0x10: {  	[smem:$0x3FAD] =	sst s8  }
0x11: {  	[smem:$0x3FAE] =	sst s9;
	s0 =	simm.s32 @!p0 $0x0  }
0x12: {  	s1 =	sld [smem:$0x3F94];
	s0 =	simm.s32 @p0 $0x1  }
0x13: {  	[smem:$0x3FAF] =	sst s0;
	s0 =	simm.s32 @!p1 $0x0  }
0x14: {  	s2 =	sld [smem:$0x3F93];
	s0 =	simm.s32 @p1 $0x1  }
0x15: {  	[smem:$0x3FB0] =	sst s0;
	s0 =	simm.s32 @!p2 $0x0  }
0x16: {  	s3 =	sld [smem:$0x3FDB];
	s0 =	simm.s32 @p2 $0x1  }
0x17: {  	s4 =	simm.s32 $0x1BF5;
	[smem:$0x3FB2] =	sst s0  }
0x18: {  	s0 =	sld [smem:$0x3F95];
	_ =	swait.ge [sflag:s4], $0x0  }
0x19: {  	s7 =	sld [smem:$0x3F96]  }
0x1a: {  	s8 =	sadd.s32 $0xFFFFE003, lr  }
0x1b: {  	s9 =	sadd.s32 $0xFFFFFEF7, lr;
	s5 =	simm.s32 $0xFFFFFFFF;
	p2 =	slt.u32 s8, $0xFFFFF086  }
0x1c: {  	p1 =	slt.u32 s9, $0xF7A;
	s5 =	simm.s32 @!p2 $0x0  }
0x1d: {  	s5 =	simm.s32 @p1 $0x1;
	p0 =	seq.s32 s7, s2  }
0x1e: {  	s7 =	smul.u32 @!p0 $0xF7A, s2;
	p2 =	seq.s32 @!p0 s5, $0x0  }
0x1f: {  	s9 =	smul.u32 $0xF7A, s1;
	s8 =	simm.s32 @!p0 $0x1BF5;
	p2 =	por !p2, p0  }
0x20: {  	[sflag:s8] =	ssyncset.s32 @!p0 $0xFFFFF086;
	s6 =	sadd.s32 @!p0 s3, s7;
	s7 =	simm.s32 @!p0 $0x108  }
0x21: {  	s3 =	sadd.s32 s3, s9;
	s6 =	sadd.s32 @!p0 $0x88, s6;
	s7 =	simm.s32 @p2 $0x1082  }
0x22: {  	[simem:s7], [sflag:s8] =	dma.local @!p0 [hbm:s6], $0xF7A  }
0x23: {  	s9 =	sor.u32 $0xD0000000, s2;
	s6 =	simm.s32 $0x108;
	_ =	swait.ge @!p0 [sflag:s8], $0x0  }
0x24: {  	s3 =	sadd.s32 $0x88, s3;
	s6 =	simm.s32 @!p1 $0x1082;
	[sflag:s4] =	ssyncset.s32 $0xFFFFF086  }
0x25: {  	[simem:s6], [sflag:s4] =	dma.local [hbm:s3], $0xF7A  }
0x26: {  	[smem:$0x3F96] =	sst s1;
	(tag) =	ssettag s2;
	_ =	strace s9  }
0x27: {  	s1 =	sld [smem:$0x3FA6]  }
0x28: {  	s2 =	sld [smem:$0x3FA7]  }
0x29: {  	s4 =	sld [smem:$0x3FA9]  }
0x2a: {  	p0 =	seq.s32 s5, $0x0;
	s5 =	sld [smem:$0x3FAA]  }
0x2b: {  	s6 =	sld [smem:$0x3FAB]  }
0x2c: {  	s7 =	sld [smem:$0x3FAC]  }
0x2d: {  	s3 =	simm.s32 $0x108;
	s8 =	sld [smem:$0x3FAD]  }
0x2e: {  	s3 =	simm.s32 @!p0 $0x1082;
	s9 =	sld [smem:$0x3FAE]  }
0x2f: {  	lr =	sadd.s32 s0, s3;
	s0 =	sld [smem:$0x3FA5]  }
0x30: {  	s3 =	sld [smem:$0x3FA8]  }
0x31: {  	[smem:$0x3FB1] =	sst s10  }
0x32: {  	s10 =	sld [smem:$0x3FAF];
	_ =	sdelay $0x3  }
0x33: {  	p0 =	seq.s32 s10, $0x1;
	s10 =	sld [smem:$0x3FB1];
	_ =	sdelay $0x3  }
0x34: {  	[smem:$0x3FB1] =	sst s10  }
0x35: {  	s10 =	sld [smem:$0x3FB0];
	_ =	sdelay $0x3  }
0x36: {  	p1 =	seq.s32 s10, $0x1;
	s10 =	sld [smem:$0x3FB1];
	_ =	sdelay $0x3  }
0x37: {  	[smem:$0x3FB1] =	sst s10  }
0x38: {  	s10 =	sld [smem:$0x3FB2]  }
0x39: {  	_ = 	snop;
	(pc) =	sbr.ind lr, $3  }
0x3a: {  	_ = 	snop  }
0x3b: {  	_ = 	snop  }
0x3c: {  	p2 =	seq.s32 s10, $0x1;
	s10 =	sld [smem:$0x3FB1]  }
0x3d: {  	_ =	shalt  }
0x3e: {  	_ =	shalt  }
0x3f: {  	_ =	shalt  }
0x40: {  	_ =	shalt  }
0x41: {  	_ =	shalt  }
0x42: {  	_ =	shalt  }
0x43: {  	_ =	shalt  }
0x44: {  	_ =	shalt  }
0x45: {  	_ =	shalt  }
0x46: {  	_ =	shalt  }
0x47: {  	_ =	shalt  }
0x48: {  	_ =	shalt  }
0x49: {  	_ =	shalt  }
0x4a: {  	_ =	shalt  }
0x4b: {  	_ =	shalt  }
0x4c: {  	_ =	shalt  }
0x4d: {  	_ =	shalt  }
0x4e: {  	_ =	shalt  }
0x4f: {  	_ =	shalt  }
0x50: {  	_ =	shalt  }
0x51: {  	_ =	shalt  }
0x52: {  	_ =	shalt  }
0x53: {  	_ =	shalt  }
0x54: {  	_ =	shalt  }
0x55: {  	_ =	shalt  }
0x56: {  	_ =	shalt  }
0x57: {  	_ =	shalt  }
0x58: {  	_ =	shalt  }
0x59: {  	_ =	shalt  }
0x5a: {  	_ =	shalt  }
0x5b: {  	_ =	shalt  }
0x5c: {  	_ =	shalt  }
0x5d: {  	_ =	shalt  }
0x5e: {  	_ =	shalt  }
0x5f: {  	_ =	shalt  }
0x60: {  	_ =	shalt  }
0x61: {  	_ =	shalt  }
0x62: {  	_ =	shalt  }
0x63: {  	_ =	shalt  }
0x64: {  	_ =	shalt  }
0x65: {  	_ =	shalt  }
0x66: {  	_ =	shalt  }
0x67: {  	_ =	shalt  }
0x68: {  	_ =	shalt  }
0x69: {  	_ =	shalt  }
0x6a: {  	_ =	shalt  }
0x6b: {  	_ =	shalt  }
0x6c: {  	_ =	shalt  }
0x6d: {  	_ =	shalt  }
0x6e: {  	_ =	shalt  }
0x6f: {  	_ =	shalt  }
0x70: {  	_ =	shalt  }
0x71: {  	_ =	shalt  }
0x72: {  	_ =	shalt  }
0x73: {  	_ =	shalt  }
0x74: {  	_ =	shalt  }
0x75: {  	_ =	shalt  }
0x76: {  	_ =	shalt  }
0x77: {  	_ =	shalt  }
0x78: {  	_ =	shalt  }
0x79: {  	_ =	shalt  }
0x7a: {  	_ =	shalt  }
0x7b: {  	_ =	shalt  }
0x7c: {  	_ =	shalt  }
0x7d: {  	_ =	shalt  }
0x7e: {  	_ =	shalt  }
0x7f: {  	_ =	shalt  }
0x80: {  	_ =	shalt  }
0x81: {  	_ =	shalt  }
0x82: {  	_ =	shalt  }
0x83: {  	_ =	shalt  }
0x84: {  	_ =	shalt  }
0x85: {  	_ =	shalt  }
0x86: {  	_ =	shalt  }
0x87: {  	_ =	shalt  }
.Lfunc_end0:
.L_simem_size_0:
called_computation.9_lowered:
.L_overlay_start_0:
0x88: {  	s0 =	sld [smem:$0x3FD9]  }
0x89: {  	s1 =	sld [smem:$0x3FFE];
	_ =	sdelay $0x3  }
0x8a: {  	s0 =	sadd.s32 s1, s0  }
0x8b: {  	[smem:$0x3FBD] =	sst s0  }
0x8c: {  	_ = 	snop  }
0x8d: {  	(tm) =	ssettm $0x1  }
0x8e: {  	s15 =	sld [smem:$0x3FFB];
	_ =	sdelay $0x3  }
0x8f: {  	_ =	strace s15  }
0x90: {  	s0 =	sld [smem:$0x3FFC];
	_ =	sdelay $0x3  }
0x91: {  	_ =	strace s0  }
0x92: {  	s0 =	sld [smem:$0x3FFD];
	_ =	sdelay $0x3  }
0x93: {  	_ =	strace s0  }
0x94: {  	_ =	strace $0x8FFFFFFF  }
0x95: {  	s16 =	sld [smem:$0x3FDB];
	_ =	sdelay $0x1  }
0x96: {  	s17 =	simm.s32 $_scs_section_size  }
0x97: {  	s2 =	simm.s32 $_size__tile_overlayer_lowered;
	s3 =	simm.s32 $_tile_overlayer_lowered  }
0x98: {  	s20 =	simm.s32 $0x1BFF;
	s19 =	sshll.u32 s3, $0x1;
	s0 =	sadd.s32 s17, s16  }
0x99: {  	s4 =	simm.s32 $0x0;
	s18 =	sshll.u32 s2, $0x1;
	s2 =	sadd.s32 s19, s0  }
0x9a: {  	[timem:s4], [sflag:s20] =	dma.local [hbm:s2], s18  }
0x9b: {  	_ =	swait.ge [sflag:s20], s18  }
0x9c: {  	s1 =	ssub.s32 $0x0, s18;
	[sflag:s20] =	ssyncset.done $0x0  }
0x9d: {  	[sflag:s20] =	ssyncadd.s32 s1;
	_ =	sdelay $0x1  }
0x9e: {  	s21 =	simm.s32 $0x1B8B  }
0x9f: {  	_ =	swait.ge [sflag:s21], $0x1  }
0xa0: {  	[sflag:s21] =	ssyncset.done $0x0  }
0xa1: {  	s23 =	simm.s32 $0x1B8E;
	s22 =	sld [smem:$0x3FFE];
	[sflag:s21] =	ssyncadd.s32 $0xFFFFFFFF  }
0xa2: {  	s24 =	simm.s32 $execute0_lowered;
	[smem:$0x3FD2] =	sst s23  }
0xa3: {  	s2 =	sshll.u32 s24, $0x1;
	_ =	strace $0x80000049;
	[dreg:$0x1] =	wrdreg $0xFFFFFFFF  }
0xa4: {  	s25 =	simm.s32 $_size_execute0_lowered;
	s0 =	sadd.s32 s0, s2;
	[dreg:$0x0] =	wrdreg $0x0  }
0xa5: {  	s2 =	sshll.u32 s25, $0x1;
	[dreg:$0x2] =	wrdreg s0  }
0xa6: {  	[dreg:$0x3] =	wrdreg s2  }
0xa7: {  	[dreg:$0x4] =	wrdreg $0xC0  }
0xa8: {  	_ =	task [dreg:s4], $0x5FFFF  }
0xa9: {  	[dreg:$0x1] =	wrdreg $0xFFFFFFFF  }
0xaa: {  	[dreg:$0x0] =	wrdreg $0x60  }
0xab: {  	[dreg:$0x2] =	wrdreg s22  }
0xac: {  	[dreg:$0x3] =	wrdreg $0x9  }
0xad: {  	_ =	task.clear_ibuf [dreg:s4], $0x4FFFF;
	_ =	strace $0x90000049  }
0xae: {  	s26 =	simm.s32 $0x9;
	_ =	strace $0x8000004B  }
0xaf: {  	_ =	swait.ge [sflag:s26], $0x1  }
0xb0: {  	[sflag:s26] =	ssyncadd.s32 $0xFFFFFFFF  }
0xb1: {  	_ =	strace $0x9000004B  }
0xb2: {  	_ =	sfence  }
0xb3: {  	s28 =	sld [smem:$0x0];
	_ =	sdelay $0x1  }
0xb4: {  	s29 =	srdreg.scid  }
0xb5: {  	s30 =	sshll.u32 s29, $0xD;
	s31 =	sshrl.u32 s29, $0x2  }
0xb6: {  	s1 =	sand.u32 $0x1, s29;
	s2 =	sand.u32 $0x4000, s30;
	s0 =	sadd.s32 s31, s28  }
0xb7: {  	s1 =	sor.u32 s2, s1;
	s0 =	sshll.u32 s0, $0x11  }
0xb8: {  	s0 =	sor.u32 s0, s1  }
0xb9: {  	s0 =	sadd.s32 $0x8F2B, s0  }
0xba: {  	[sflag:s0] =	ssyncadd.remote.s32 $0x1  }
0xbb: {  	_ =	sfence.sel $0xFFFF  }
0xbc: {  	[dreg:$0x0] =	wrdreg $0xFFFFFFFF;
	(pc) =	sbr.abs _section_cstart, $3  }
0xbd: {  	[dreg:$0x1] =	wrdreg $0xFFFFFFFF  }
0xbe: {  	_ =	task.clear_ibuf [dreg:s4], $0x2FFFF;
	_ =	strace $0x9FFFFFFF  }
0xbf: {  	(tm) =	ssettm $0x7FFFFFFF  }
tec
execute0_lowered:
.L_overlay_start_1:
0x0: {  	(tag) =	ssettag $0x1  }
0x1: {  	s0 =	stileid.u32  }
0x2: {  	s1 =	smin.u32 s0, $0x9  }
0x3: {  	s1 =	sadd.s32 s0, s1  }
0x4: {  	p0 =	slt.u32 s0, $0x9;
	s2 =	smul.u32 $0x50, s1;
	s1 =	simm.s32 $0xA0  }
0x5: {  	s1 =	simm.s32 @!p0 $0x50  }
0x6: {  	s1 =	sadd.s32 s1, s2  }
0x7: {  	s3 =	smin.u32 s1, $0x7D0  }
0x8: {  	s7 =	ssub.s32 s3, s2  }
0x9: {  	p0 =	sgt.s32 s7, $0x0  }
0xa: {  	s7 =	simm.s32 @!p0 $0x0  }
0xb: {  	s31 =	smul.u32 $0xCCCD, s7  }
0xc: {  	s4 =	rddreg [dreg:$0x0];
	s6 =	simm.s32 $0x1  }
0xd: {  	s10 =	simm.s32 $0x3;
	s13 =	simm.s32 $0x0;
	s8 =	sshrl.u32 s31, $0x16  }
0xe: {  	s12 =	simm.s32 $0x0;
	s5 =	sadd.s32 $0xD200, s4;
	s9 =	smul.u32 $0x50, s8  }
.Ltmp0:
0xf: {  	s11 =	smov.u32 s2;
	s1 =	rddreg [dreg:$0x1];
	(pc) =	sbr.rel .LBB2_1-.Ltmp0, $4  }
0x10: {  	_ =	strace $0x8000004A;
	p0 =	sne.s32 s7, s9;
	s9 =	simm.s32 $0x1  }
0x11: {  	[sflag:s6] =	ssyncpa.u1 $0x0;
	s7 =	simm.s32 $0x2;
	s9 =	simm.s32 @!p0 $0x0  }
0x12: {  	[sflag:s7] =	ssyncpa.u1 $0x0;
	p0 =	por $0x0, $0x0;
	s8 =	sadd.s32 s8, s9  }
0x13: {  	vm0 =	vmmov $0xff;
	vm1 =	vcmask $0x3F20;
	s9 =	sadd.s32 $0x155C00, s4;
	[sflag:s10] =	ssyncpa.u1 $0x0;
	s10 =	sadd.s32 $0x1, s8  }
.LBB2_6:
0x14: {  	[hbm:s17] =	stream.linear.scatter [tilespmem:s14], [sflag:$0x3], $0x400, $0x38;
	[tilespmem:$0x50A0] =	vst v63  }
.LBB2_7:
0x15: {  	s13 =	sadd.s32 $0x50, s11  }
0x16: {  	s15 =	smov.u32 s2;
	p2 =	slt.s32 s13, s3  }
0x17: {  	s15 =	smov.u32 @p2 s13;
	p2 =	sne.s32 s12, s10  }
.Ltmp1:
0x18: {  	p1 =	slt.u32 s12, $0x2;
	(pc) =	sbr.rel @!p2 .LBB2_8-.Ltmp1, $4  }
0x19: {  	s14 =	simm.s32 @!p1 $0x3  }
0x1a: {  	s16 =	sadd.s32 $0x1, s12;
	_ =	swait.ge @!p1 [sflag:s14], $0x2800  }
0x1b: {  	p0 =	por !p0, !p0;
	s13 =	smov.u32 s11;
	[sflag:s14] =	ssyncset.done @!p1 $0x0  }
0x1c: {  	s12 =	smov.u32 s16;
	s11 =	smov.u32 s15;
	[sflag:s14] =	ssyncadd.s32 @!p1 $0xFFFFD800  }
.LBB2_1:
0x1d: {  	p1 =	sge.u32 s12, s8  }
0x1e: {  	s14 =	sxor.u32 @!p1 $0xFFFFFFFF, s12  }
0x1f: {  	s14 =	sand.u32 @!p1 $0x1, s14  }
0x20: {  	s14 =	smul.u32 @!p1 $0x140, s14  }
0x21: {  	s31 =	sadd.s32 $0xFFFFFFFF, s12;
	s15 =	sshrl.u32 @!p1 s11, $0x3  }
0x22: {  	s16 =	sand.u32 @!p1 $0x7, s11;
	s15 =	sadd.s32 @!p1 s5, s15;
	s14 =	sshrl.u32 @!p1 s14, $0x2  }
0x23: {  	[tilespmem:s14], [sflag:$0x2] =	stream.linear.gather @!p1 [hbm4b:s15+s16], $0x50, $0x38;
	[tilespmem:$0x50A0] =	vst v63  }
0x24: {  	p1 =	sge.u32 s31, s8  }
.Ltmp2:
0x25: {  	_ = 	snop;
	(pc) =	sbr.rel @p1 .LBB2_7-.Ltmp2, $1  }
0x26: {  	_ =	sdelay $0x3  }
0x27: {  	s14 =	simm.s32 $0x1  }
0x28: {  	s14 =	simm.s32 @!p0 $0x0  }
0x29: {  	s15 =	smul.u32 $0x140, s14  }
0x2a: {  	_ =	swait.ge [sflag:s7], $0x50  }
0x2b: {  	[sflag:s7] =	ssyncset.done $0x0;
	s16 =	sshrl.u32 s15, $0x2  }
0x2c: {  	[sflag:s7] =	ssyncadd.s32 $0xFFFFFFB0;
	s15 =	sadd.s32 $0x0, s16  }
0x2d: {  	v0 =	vld.msk [tilespmem:s15+$0x0 ss:$0x1], $0xffff;
	_ =	sdelay $0x4  }
0x2e: {  	vm2 =	vgt.s32 v0, $0x0  }
0x2f: {  	v0 =	vnsel vm2, $0x0, v0  }
0x30: {  	v0 =	vmin.u32 v0, $0xBFF  }
0x31: {  	v0 =	vshll.u32 v0, $0x4  }
0x32: {  	s14 =	smul.u32 $0xA000, s14;
	_ =	sdelay $0x1  }
0x33: {  	s14 =	sshrl.u32 s14, $0x2  }
0x34: {  	s14 =	sor.u32 $0xA0, s14  }
0x35: {  	[tilespmem:s14], [sflag:$0x1] =	stream.indirect_vreg.gather [hbm:s4], $0x80, v0, vm0, $0x38;
	[tilespmem:$0x50A0] =	vst v63  }
0x36: {  	s17 =	sadd.s32 $0x10, s16;
	s15 =	sadd.s32 $0x400, s14  }
0x37: {  	[tilespmem:s15], [sflag:$0x1] =	stream.indirect_vreg.gather [hbm:s4], $0x80, v0, vm1, $0x38;
	[tilespmem:$0x50A0] =	vst v63  }
0x38: {  	s18 =	simm.s32 $0x80;
	v0 =	vld.msk [tilespmem:s17+$0x0 ss:$0x1], $0xffff;
	s17 =	smov.u32 s14  }
.LBB2_3:
0x39: {  	p1 =	sne.s32 s18, $0x100;
	_ =	sdelay $0x4  }
0x3a: {  	vm2 =	vgt.s32 v0, $0x0  }
0x3b: {  	v0 =	vnsel vm2, $0x0, v0  }
0x3c: {  	v0 =	vmin.u32 v0, $0xBFF  }
0x3d: {  	v0 =	vshll.u32 v0, $0x4;
	_ =	sdelay $0x3  }
.Ltmp3:
0x3e: {  	s19 =	sshra.s32 s18, $0x2;
	s17 =	sadd.s32 $0x800, s17;
	(pc) =	sbr.rel @p1 .LBB2_3-.Ltmp3, $4  }
0x3f: {  	[tilespmem:s17], [sflag:$0x1] =	stream.indirect_vreg.gather [hbm:s4], $0x80, v0, vm0, $0x38;
	[tilespmem:$0x50A0] =	vst v63  }
0x40: {  	s19 =	sadd.s32 s19, s16;
	s20 =	sadd.s32 $0x400, s17  }
0x41: {  	[tilespmem:s20], [sflag:$0x1] =	stream.indirect_vreg.gather [hbm:s4], $0x80, v0, vm1, $0x38;
	[tilespmem:$0x50A0] =	vst v63  }
0x42: {  	s18 =	sadd.s32 $0x40, s18;
	v0 =	vld.msk [tilespmem:s19+$0x0 ss:$0x1], $0xffff  }
0x43: {  	_ =	sdelay $0x3  }
0x44: {  	vm2 =	vgt.s32 v0, $0x0  }
0x45: {  	v0 =	vnsel vm2, $0x0, v0  }
0x46: {  	v0 =	vmin.u32 v0, $0xBFF  }
0x47: {  	v0 =	vshll.u32 v0, $0x4;
	_ =	sdelay $0x3  }
0x48: {  	s16 =	sadd.s32 $0x800, s17  }
0x49: {  	[tilespmem:s16], [sflag:$0x1] =	stream.indirect_vreg.gather [hbm:s4], $0x80, v0, vm0, $0x38;
	[tilespmem:$0x50A0] =	vst v63  }
0x4a: {  	s16 =	sadd.s32 $0x400, s16  }
0x4b: {  	[tilespmem:s16], [sflag:$0x1] =	stream.indirect_vreg.gather [hbm:s4], $0x80, v0, vm1, $0x38;
	[tilespmem:$0x50A0] =	vst v63  }
0x4c: {  	s13 =	sshll.u32 s13, $0x4;
	_ =	swait.ge [sflag:s6], $0x2800  }
0x4d: {  	s13 =	sadd.s32 s13, s9;
	[sflag:s6] =	ssyncset.done $0x0  }
0x4e: {  	s17 =	sadd.s32 $0x0, s13;
	s16 =	simm.s32 $0x80;
	[sflag:s6] =	ssyncadd.s32 $0xFFFFD800  }
.LBB2_5:
0x4f: {  	[hbm:s17] =	stream.linear.scatter [tilespmem:s14], [sflag:$0x3], $0x400, $0x38;
	[tilespmem:$0x50A0] =	vst v63  }
0x50: {  	s17 =	smov.u32 s16;
	s14 =	smov.u32 s15;
	p1 =	sne.s32 s16, $0x480  }
.Ltmp4:
0x51: {  	s16 =	sadd.s32 $0x80, s16;
	(pc) =	sbr.rel @p1 .LBB2_5-.Ltmp4, $2  }
0x52: {  	_ =	sdelay $0x2  }
0x53: {  	s15 =	sadd.s32 $0x400, s15;
	s17 =	sadd.s32 s17, s13  }
.Ltmp5:
0x54: {  	_ = 	snop;
	(pc) =	sbr.rel .LBB2_6-.Ltmp5, $1  }
0x55: {  	_ =	sdelay $0x3  }
.LBB2_8:
0x56: {  	_ =	sfence.sel $0x180000  }
0x57: {  	s2 =	simm.s32 $0x2;
	[bflag:$0x0] =	sbarrier.arrive $0xFFFF  }
0x58: {  	s30 =	simm.s32 $0x3;
	[sflag:s2] =	ssyncpa.u1 $0x1  }
0x59: {  	s31 =	simm.s32 $0x1;
	[sflag:s30] =	ssyncpa.u1 $0x1  }
0x5a: {  	[sflag:s31] =	ssyncpa.u1 $0x1  }
0x5b: {  	p0 =	sne.s32 s0, $0x0;
	_ =	strace $0x9000004A  }
0x5c: {  	s0 =	sadd.s32 @!p0 $0x100000, s1;
	[bflag:$0x2] =	sbarrier.arrive $0xFFFF  }
0x5d: {  	[sflag:s0] =	ssyncadd.tile.s32 @!p0 $0x1;
	_ =	shalt  }
.Lfunc_end2:
_tile_overlayer_lowered:
.L_overlay_start_2:
0x5e: {  	(tag) =	ssettag $0x2  }
0x5f: {  	s0 =	rddreg [dreg:$0x0];
	s2 =	stileid.u32  }
0x60: {  	s1 =	rddreg [dreg:$0x1];
	p0 =	sne.s32 s2, $0x0  }
0x61: {  	s3 =	rddreg [dreg:$0x2];
	[bflag:$0x3] =	sbarrier.arrive $0xFFFF;
	s2 =	simm.s32 @!p0 $0x1C01  }
0x62: {  	[timem:s3], [sflag:s2] =	dma.local @!p0 [hbm:s0], s1  }
0x63: {  	s0 =	simm.s32 @!p0 $0x1  }
0x64: {  	_ =	swait.ge @!p0 [sflag:s0], s1  }
0x65: {  	s1 =	ssub.s32 @!p0 $0x0, s1;
	[sflag:s0] =	ssyncset.done @!p0 $0x0  }
0x66: {  	[sflag:s0] =	ssyncadd.s32 @!p0 s1  }
0x67: {  	[bflag:$0x3] =	sbarrier.arrive $0xFFFF  }
0x68: {  	_ =	shalt  }

// kernel: gather_offload_async_start
scs
__scs_entry_jumppad:
0x0: {  	(pc) =	sbr.rel $0x88, $3  }
0x1: {  	(tag) =	ssettag $0x0;
	lr =	simm.s32 $0x1  }
0x2: {  	[smem:$0x3F96] =	sst lr;
	_ =	strace $0xD0000000  }
0x3: {  	_ = 	snop  }
0x4: {  	_ = 	snop  }
0x5: {  	_ = 	snop  }
0x6: {  	_ = 	snop  }
0x7: {  	_ = 	snop  }
__scs_overlays_trampoline_lowered:
0x8: {  	[smem:$0x3FA5] =	sst s0  }
0x9: {  	[smem:$0x3FA6] =	sst s1  }
0xa: {  	[smem:$0x3FA7] =	sst s2  }
0xb: {  	[smem:$0x3FA8] =	sst s3  }
0xc: {  	[smem:$0x3FA9] =	sst s4  }
0xd: {  	[smem:$0x3FAA] =	sst s5  }
0xe: {  	[smem:$0x3FAB] =	sst s6  }
0xf: {  	[smem:$0x3FAC] =	sst s7  }
0x10: {  	[smem:$0x3FAD] =	sst s8  }
0x11: {  	[smem:$0x3FAE] =	sst s9;
	s0 =	simm.s32 @!p0 $0x0  }
0x12: {  	s1 =	sld [smem:$0x3F94];
	s0 =	simm.s32 @p0 $0x1  }
0x13: {  	[smem:$0x3FAF] =	sst s0;
	s0 =	simm.s32 @!p1 $0x0  }
0x14: {  	s2 =	sld [smem:$0x3F93];
	s0 =	simm.s32 @p1 $0x1  }
0x15: {  	[smem:$0x3FB0] =	sst s0;
	s0 =	simm.s32 @!p2 $0x0  }
0x16: {  	s3 =	sld [smem:$0x3FDB];
	s0 =	simm.s32 @p2 $0x1  }
0x17: {  	s4 =	simm.s32 $0x1BF5;
	[smem:$0x3FB2] =	sst s0  }
0x18: {  	s0 =	sld [smem:$0x3F95];
	_ =	swait.ge [sflag:s4], $0x0  }
0x19: {  	s7 =	sld [smem:$0x3F96]  }
0x1a: {  	s8 =	sadd.s32 $0xFFFFE003, lr  }
0x1b: {  	s9 =	sadd.s32 $0xFFFFFEF7, lr;
	s5 =	simm.s32 $0xFFFFFFFF;
	p2 =	slt.u32 s8, $0xFFFFF086  }
0x1c: {  	p1 =	slt.u32 s9, $0xF7A;
	s5 =	simm.s32 @!p2 $0x0  }
0x1d: {  	s5 =	simm.s32 @p1 $0x1;
	p0 =	seq.s32 s7, s2  }
0x1e: {  	s7 =	smul.u32 @!p0 $0xF7A, s2;
	p2 =	seq.s32 @!p0 s5, $0x0  }
0x1f: {  	s9 =	smul.u32 $0xF7A, s1;
	s8 =	simm.s32 @!p0 $0x1BF5;
	p2 =	por !p2, p0  }
0x20: {  	[sflag:s8] =	ssyncset.s32 @!p0 $0xFFFFF086;
	s6 =	sadd.s32 @!p0 s3, s7;
	s7 =	simm.s32 @!p0 $0x108  }
0x21: {  	s3 =	sadd.s32 s3, s9;
	s6 =	sadd.s32 @!p0 $0x88, s6;
	s7 =	simm.s32 @p2 $0x1082  }
0x22: {  	[simem:s7], [sflag:s8] =	dma.local @!p0 [hbm:s6], $0xF7A  }
0x23: {  	s9 =	sor.u32 $0xD0000000, s2;
	s6 =	simm.s32 $0x108;
	_ =	swait.ge @!p0 [sflag:s8], $0x0  }
0x24: {  	s3 =	sadd.s32 $0x88, s3;
	s6 =	simm.s32 @!p1 $0x1082;
	[sflag:s4] =	ssyncset.s32 $0xFFFFF086  }
0x25: {  	[simem:s6], [sflag:s4] =	dma.local [hbm:s3], $0xF7A  }
0x26: {  	[smem:$0x3F96] =	sst s1;
	(tag) =	ssettag s2;
	_ =	strace s9  }
0x27: {  	s1 =	sld [smem:$0x3FA6]  }
0x28: {  	s2 =	sld [smem:$0x3FA7]  }
0x29: {  	s4 =	sld [smem:$0x3FA9]  }
0x2a: {  	p0 =	seq.s32 s5, $0x0;
	s5 =	sld [smem:$0x3FAA]  }
0x2b: {  	s6 =	sld [smem:$0x3FAB]  }
0x2c: {  	s7 =	sld [smem:$0x3FAC]  }
0x2d: {  	s3 =	simm.s32 $0x108;
	s8 =	sld [smem:$0x3FAD]  }
0x2e: {  	s3 =	simm.s32 @!p0 $0x1082;
	s9 =	sld [smem:$0x3FAE]  }
0x2f: {  	lr =	sadd.s32 s0, s3;
	s0 =	sld [smem:$0x3FA5]  }
0x30: {  	s3 =	sld [smem:$0x3FA8]  }
0x31: {  	[smem:$0x3FB1] =	sst s10  }
0x32: {  	s10 =	sld [smem:$0x3FAF];
	_ =	sdelay $0x3  }
0x33: {  	p0 =	seq.s32 s10, $0x1;
	s10 =	sld [smem:$0x3FB1];
	_ =	sdelay $0x3  }
0x34: {  	[smem:$0x3FB1] =	sst s10  }
0x35: {  	s10 =	sld [smem:$0x3FB0];
	_ =	sdelay $0x3  }
0x36: {  	p1 =	seq.s32 s10, $0x1;
	s10 =	sld [smem:$0x3FB1];
	_ =	sdelay $0x3  }
0x37: {  	[smem:$0x3FB1] =	sst s10  }
0x38: {  	s10 =	sld [smem:$0x3FB2]  }
0x39: {  	_ = 	snop;
	(pc) =	sbr.ind lr, $3  }
0x3a: {  	_ = 	snop  }
0x3b: {  	_ = 	snop  }
0x3c: {  	p2 =	seq.s32 s10, $0x1;
	s10 =	sld [smem:$0x3FB1]  }
0x3d: {  	_ =	shalt  }
0x3e: {  	_ =	shalt  }
0x3f: {  	_ =	shalt  }
0x40: {  	_ =	shalt  }
0x41: {  	_ =	shalt  }
0x42: {  	_ =	shalt  }
0x43: {  	_ =	shalt  }
0x44: {  	_ =	shalt  }
0x45: {  	_ =	shalt  }
0x46: {  	_ =	shalt  }
0x47: {  	_ =	shalt  }
0x48: {  	_ =	shalt  }
0x49: {  	_ =	shalt  }
0x4a: {  	_ =	shalt  }
0x4b: {  	_ =	shalt  }
0x4c: {  	_ =	shalt  }
0x4d: {  	_ =	shalt  }
0x4e: {  	_ =	shalt  }
0x4f: {  	_ =	shalt  }
0x50: {  	_ =	shalt  }
0x51: {  	_ =	shalt  }
0x52: {  	_ =	shalt  }
0x53: {  	_ =	shalt  }
0x54: {  	_ =	shalt  }
0x55: {  	_ =	shalt  }
0x56: {  	_ =	shalt  }
0x57: {  	_ =	shalt  }
0x58: {  	_ =	shalt  }
0x59: {  	_ =	shalt  }
0x5a: {  	_ =	shalt  }
0x5b: {  	_ =	shalt  }
0x5c: {  	_ =	shalt  }
0x5d: {  	_ =	shalt  }
0x5e: {  	_ =	shalt  }
0x5f: {  	_ =	shalt  }
0x60: {  	_ =	shalt  }
0x61: {  	_ =	shalt  }
0x62: {  	_ =	shalt  }
0x63: {  	_ =	shalt  }
0x64: {  	_ =	shalt  }
0x65: {  	_ =	shalt  }
0x66: {  	_ =	shalt  }
0x67: {  	_ =	shalt  }
0x68: {  	_ =	shalt  }
0x69: {  	_ =	shalt  }
0x6a: {  	_ =	shalt  }
0x6b: {  	_ =	shalt  }
0x6c: {  	_ =	shalt  }
0x6d: {  	_ =	shalt  }
0x6e: {  	_ =	shalt  }
0x6f: {  	_ =	shalt  }
0x70: {  	_ =	shalt  }
0x71: {  	_ =	shalt  }
0x72: {  	_ =	shalt  }
0x73: {  	_ =	shalt  }
0x74: {  	_ =	shalt  }
0x75: {  	_ =	shalt  }
0x76: {  	_ =	shalt  }
0x77: {  	_ =	shalt  }
0x78: {  	_ =	shalt  }
0x79: {  	_ =	shalt  }
0x7a: {  	_ =	shalt  }
0x7b: {  	_ =	shalt  }
0x7c: {  	_ =	shalt  }
0x7d: {  	_ =	shalt  }
0x7e: {  	_ =	shalt  }
0x7f: {  	_ =	shalt  }
0x80: {  	_ =	shalt  }
0x81: {  	_ =	shalt  }
0x82: {  	_ =	shalt  }
0x83: {  	_ =	shalt  }
0x84: {  	_ =	shalt  }
0x85: {  	_ =	shalt  }
0x86: {  	_ =	shalt  }
0x87: {  	_ =	shalt  }
.Lfunc_end0:
.L_simem_size_0:
called_computation_lowered:
.L_overlay_start_0:
0x88: {  	s0 =	sld [smem:$0x3FD9]  }
0x89: {  	s1 =	sld [smem:$0x3FFE];
	_ =	sdelay $0x3  }
0x8a: {  	s0 =	sadd.s32 s1, s0  }
0x8b: {  	[smem:$0x3FBD] =	sst s0  }
0x8c: {  	_ = 	snop  }
0x8d: {  	(tm) =	ssettm $0x1  }
0x8e: {  	s15 =	sld [smem:$0x3FFB];
	_ =	sdelay $0x3  }
0x8f: {  	_ =	strace s15  }
0x90: {  	s0 =	sld [smem:$0x3FFC];
	_ =	sdelay $0x3  }
0x91: {  	_ =	strace s0  }
0x92: {  	s0 =	sld [smem:$0x3FFD];
	_ =	sdelay $0x3  }
0x93: {  	_ =	strace s0  }
0x94: {  	_ =	strace $0x8FFFFFFF  }
0x95: {  	s16 =	sld [smem:$0x3FDB];
	_ =	sdelay $0x1  }
0x96: {  	s17 =	simm.s32 $_scs_section_size  }
0x97: {  	s2 =	simm.s32 $_size__tile_overlayer_lowered;
	s3 =	simm.s32 $_tile_overlayer_lowered  }
0x98: {  	s20 =	simm.s32 $0x1BFF;
	s19 =	sshll.u32 s3, $0x1;
	s0 =	sadd.s32 s17, s16  }
0x99: {  	s4 =	simm.s32 $0x0;
	s18 =	sshll.u32 s2, $0x1;
	s2 =	sadd.s32 s19, s0  }
0x9a: {  	[timem:s4], [sflag:s20] =	dma.local [hbm:s2], s18  }
0x9b: {  	_ =	swait.ge [sflag:s20], s18  }
0x9c: {  	s1 =	ssub.s32 $0x0, s18;
	[sflag:s20] =	ssyncset.done $0x0  }
0x9d: {  	[sflag:s20] =	ssyncadd.s32 s1;
	_ =	sdelay $0x1  }
0x9e: {  	s21 =	simm.s32 $0x1B8B  }
0x9f: {  	_ =	swait.ge [sflag:s21], $0x1  }
0xa0: {  	[sflag:s21] =	ssyncset.done $0x0  }
0xa1: {  	s23 =	simm.s32 $0x1B8E;
	s22 =	sld [smem:$0x3FFE];
	[sflag:s21] =	ssyncadd.s32 $0xFFFFFFFF  }
0xa2: {  	s24 =	simm.s32 $execute0_lowered;
	[smem:$0x3FD2] =	sst s23  }
0xa3: {  	s2 =	sshll.u32 s24, $0x1;
	_ =	strace $0x80000067;
	[dreg:$0x1] =	wrdreg $0xFFFFFFFF  }
0xa4: {  	s25 =	simm.s32 $_size_execute0_lowered;
	s0 =	sadd.s32 s0, s2;
	[dreg:$0x0] =	wrdreg $0x0  }
0xa5: {  	s2 =	sshll.u32 s25, $0x1;
	[dreg:$0x2] =	wrdreg s0  }
0xa6: {  	[dreg:$0x3] =	wrdreg s2  }
0xa7: {  	[dreg:$0x4] =	wrdreg $0xC0  }
0xa8: {  	_ =	task [dreg:s4], $0x5FFFF  }
0xa9: {  	[dreg:$0x1] =	wrdreg $0xFFFFFFFF  }
0xaa: {  	[dreg:$0x0] =	wrdreg $0x60  }
0xab: {  	[dreg:$0x2] =	wrdreg s22  }
0xac: {  	[dreg:$0x3] =	wrdreg $0xA  }
0xad: {  	_ =	task.clear_ibuf [dreg:s4], $0x4FFFF;
	_ =	strace $0x90000067  }
0xae: {  	s26 =	simm.s32 $0xA;
	_ =	strace $0x80000069  }
0xaf: {  	_ =	swait.ge [sflag:s26], $0x1  }
0xb0: {  	[sflag:s26] =	ssyncadd.s32 $0xFFFFFFFF  }
0xb1: {  	_ =	strace $0x90000069  }
0xb2: {  	_ =	sfence  }
0xb3: {  	s28 =	sld [smem:$0x0];
	_ =	sdelay $0x1  }
0xb4: {  	s29 =	srdreg.scid  }
0xb5: {  	s30 =	sshll.u32 s29, $0xD;
	s31 =	sshrl.u32 s29, $0x2  }
0xb6: {  	s1 =	sand.u32 $0x1, s29;
	s2 =	sand.u32 $0x4000, s30;
	s0 =	sadd.s32 s31, s28  }
0xb7: {  	s1 =	sor.u32 s2, s1;
	s0 =	sshll.u32 s0, $0x11  }
0xb8: {  	s0 =	sor.u32 s0, s1  }
0xb9: {  	s0 =	sadd.s32 $0x8F2B, s0  }
0xba: {  	[sflag:s0] =	ssyncadd.remote.s32 $0x1  }
0xbb: {  	_ =	sfence.sel $0xFFFF  }
0xbc: {  	[dreg:$0x0] =	wrdreg $0xFFFFFFFF;
	(pc) =	sbr.abs _section_cstart, $3  }
0xbd: {  	[dreg:$0x1] =	wrdreg $0xFFFFFFFF  }
0xbe: {  	_ =	task.clear_ibuf [dreg:s4], $0x2FFFF;
	_ =	strace $0x9FFFFFFF  }
0xbf: {  	(tm) =	ssettm $0x7FFFFFFF  }
tec
execute0_lowered:
.L_overlay_start_1:
0x0: {  	(tag) =	ssettag $0x1  }
0x1: {  	s0 =	stileid.u32  }
0x2: {  	s1 =	smin.u32 s0, $0x9  }
0x3: {  	s1 =	sadd.s32 s0, s1  }
0x4: {  	p0 =	slt.u32 s0, $0x9;
	s2 =	smul.u32 $0x50, s1;
	s1 =	simm.s32 $0xA0  }
0x5: {  	s1 =	simm.s32 @!p0 $0x50  }
0x6: {  	s1 =	sadd.s32 s1, s2  }
0x7: {  	s3 =	smin.u32 s1, $0x7D0  }
0x8: {  	s7 =	ssub.s32 s3, s2  }
0x9: {  	p0 =	sgt.s32 s7, $0x0  }
0xa: {  	s7 =	simm.s32 @!p0 $0x0  }
0xb: {  	s31 =	smul.u32 $0xCCCD, s7  }
0xc: {  	s4 =	rddreg [dreg:$0x0];
	s6 =	simm.s32 $0x1  }
0xd: {  	s10 =	simm.s32 $0x3;
	s13 =	simm.s32 $0x0;
	s8 =	sshrl.u32 s31, $0x16  }
0xe: {  	s12 =	simm.s32 $0x0;
	s5 =	sadd.s32 $0x296C00, s4;
	s9 =	smul.u32 $0x50, s8  }
.Ltmp0:
0xf: {  	s11 =	smov.u32 s2;
	s1 =	rddreg [dreg:$0x1];
	(pc) =	sbr.rel .LBB2_1-.Ltmp0, $4  }
0x10: {  	_ =	strace $0x80000068;
	p0 =	sne.s32 s7, s9;
	s9 =	simm.s32 $0x1  }
0x11: {  	[sflag:s6] =	ssyncpa.u1 $0x0;
	s7 =	simm.s32 $0x2;
	s9 =	simm.s32 @!p0 $0x0  }
0x12: {  	[sflag:s7] =	ssyncpa.u1 $0x0;
	p0 =	por $0x0, $0x0;
	s8 =	sadd.s32 s8, s9  }
0x13: {  	vm0 =	vmmov $0xff;
	vm1 =	vcmask $0x3F20;
	s9 =	sadd.s32 $0xD800, s4;
	[sflag:s10] =	ssyncpa.u1 $0x0;
	s10 =	sadd.s32 $0x1, s8  }
.LBB2_6:
0x14: {  	[hbm:s17] =	stream.linear.scatter [tilespmem:s14], [sflag:$0x3], $0x400, $0x38;
	[tilespmem:$0x50A0] =	vst v63  }
.LBB2_7:
0x15: {  	s13 =	sadd.s32 $0x50, s11  }
0x16: {  	s15 =	smov.u32 s2;
	p2 =	slt.s32 s13, s3  }
0x17: {  	s15 =	smov.u32 @p2 s13;
	p2 =	sne.s32 s12, s10  }
.Ltmp1:
0x18: {  	p1 =	slt.u32 s12, $0x2;
	(pc) =	sbr.rel @!p2 .LBB2_8-.Ltmp1, $4  }
0x19: {  	s14 =	simm.s32 @!p1 $0x3  }
0x1a: {  	s16 =	sadd.s32 $0x1, s12;
	_ =	swait.ge @!p1 [sflag:s14], $0x2800  }
0x1b: {  	p0 =	por !p0, !p0;
	s13 =	smov.u32 s11;
	[sflag:s14] =	ssyncset.done @!p1 $0x0  }
0x1c: {  	s12 =	smov.u32 s16;
	s11 =	smov.u32 s15;
	[sflag:s14] =	ssyncadd.s32 @!p1 $0xFFFFD800  }
.LBB2_1:
0x1d: {  	p1 =	sge.u32 s12, s8  }
0x1e: {  	s14 =	sxor.u32 @!p1 $0xFFFFFFFF, s12  }
0x1f: {  	s14 =	sand.u32 @!p1 $0x1, s14  }
0x20: {  	s14 =	smul.u32 @!p1 $0x140, s14  }
0x21: {  	s31 =	sadd.s32 $0xFFFFFFFF, s12;
	s15 =	sshrl.u32 @!p1 s11, $0x3  }
0x22: {  	s16 =	sand.u32 @!p1 $0x7, s11;
	s15 =	sadd.s32 @!p1 s9, s15;
	s14 =	sshrl.u32 @!p1 s14, $0x2  }
0x23: {  	[tilespmem:s14], [sflag:$0x2] =	stream.linear.gather @!p1 [hbm4b:s15+s16], $0x50, $0x38;
	[tilespmem:$0x50A0] =	vst v63  }
0x24: {  	p1 =	sge.u32 s31, s8  }
.Ltmp2:
0x25: {  	_ = 	snop;
	(pc) =	sbr.rel @p1 .LBB2_7-.Ltmp2, $1  }
0x26: {  	_ =	sdelay $0x3  }
0x27: {  	s14 =	simm.s32 $0x1  }
0x28: {  	s14 =	simm.s32 @!p0 $0x0  }
0x29: {  	s15 =	smul.u32 $0x140, s14  }
0x2a: {  	_ =	swait.ge [sflag:s7], $0x50  }
0x2b: {  	[sflag:s7] =	ssyncset.done $0x0;
	s16 =	sshrl.u32 s15, $0x2  }
0x2c: {  	[sflag:s7] =	ssyncadd.s32 $0xFFFFFFB0;
	s15 =	sadd.s32 $0x0, s16  }
0x2d: {  	v0 =	vld.msk [tilespmem:s15+$0x0 ss:$0x1], $0xffff;
	_ =	sdelay $0x4  }
0x2e: {  	vm2 =	vgt.s32 v0, $0x0  }
0x2f: {  	v0 =	vnsel vm2, $0x0, v0  }
0x30: {  	v0 =	vmin.u32 v0, $0xBFFF  }
0x31: {  	v0 =	vshll.u32 v0, $0x4  }
0x32: {  	s14 =	smul.u32 $0xA000, s14;
	_ =	sdelay $0x1  }
0x33: {  	s14 =	sshrl.u32 s14, $0x2  }
0x34: {  	s14 =	sor.u32 $0xA0, s14  }
0x35: {  	[tilespmem:s14], [sflag:$0x1] =	stream.indirect_vreg.gather [hbm:s5], $0x80, v0, vm0, $0x38;
	[tilespmem:$0x50A0] =	vst v63  }
0x36: {  	s17 =	sadd.s32 $0x10, s16;
	s15 =	sadd.s32 $0x400, s14  }
0x37: {  	[tilespmem:s15], [sflag:$0x1] =	stream.indirect_vreg.gather [hbm:s5], $0x80, v0, vm1, $0x38;
	[tilespmem:$0x50A0] =	vst v63  }
0x38: {  	s18 =	simm.s32 $0x80;
	v0 =	vld.msk [tilespmem:s17+$0x0 ss:$0x1], $0xffff;
	s17 =	smov.u32 s14  }
.LBB2_3:
0x39: {  	p1 =	sne.s32 s18, $0x100;
	_ =	sdelay $0x4  }
0x3a: {  	vm2 =	vgt.s32 v0, $0x0  }
0x3b: {  	v0 =	vnsel vm2, $0x0, v0  }
0x3c: {  	v0 =	vmin.u32 v0, $0xBFFF  }
0x3d: {  	v0 =	vshll.u32 v0, $0x4;
	_ =	sdelay $0x3  }
.Ltmp3:
0x3e: {  	s19 =	sshra.s32 s18, $0x2;
	s17 =	sadd.s32 $0x800, s17;
	(pc) =	sbr.rel @p1 .LBB2_3-.Ltmp3, $4  }
0x3f: {  	[tilespmem:s17], [sflag:$0x1] =	stream.indirect_vreg.gather [hbm:s5], $0x80, v0, vm0, $0x38;
	[tilespmem:$0x50A0] =	vst v63  }
0x40: {  	s19 =	sadd.s32 s19, s16;
	s20 =	sadd.s32 $0x400, s17  }
0x41: {  	[tilespmem:s20], [sflag:$0x1] =	stream.indirect_vreg.gather [hbm:s5], $0x80, v0, vm1, $0x38;
	[tilespmem:$0x50A0] =	vst v63  }
0x42: {  	s18 =	sadd.s32 $0x40, s18;
	v0 =	vld.msk [tilespmem:s19+$0x0 ss:$0x1], $0xffff  }
0x43: {  	_ =	sdelay $0x3  }
0x44: {  	vm2 =	vgt.s32 v0, $0x0  }
0x45: {  	v0 =	vnsel vm2, $0x0, v0  }
0x46: {  	v0 =	vmin.u32 v0, $0xBFFF  }
0x47: {  	v0 =	vshll.u32 v0, $0x4;
	_ =	sdelay $0x3  }
0x48: {  	s16 =	sadd.s32 $0x800, s17  }
0x49: {  	[tilespmem:s16], [sflag:$0x1] =	stream.indirect_vreg.gather [hbm:s5], $0x80, v0, vm0, $0x38;
	[tilespmem:$0x50A0] =	vst v63  }
0x4a: {  	s16 =	sadd.s32 $0x400, s16  }
0x4b: {  	[tilespmem:s16], [sflag:$0x1] =	stream.indirect_vreg.gather [hbm:s5], $0x80, v0, vm1, $0x38;
	[tilespmem:$0x50A0] =	vst v63  }
0x4c: {  	s13 =	sshll.u32 s13, $0x4;
	_ =	swait.ge [sflag:s6], $0x2800  }
0x4d: {  	s13 =	sadd.s32 s13, s4;
	[sflag:s6] =	ssyncset.done $0x0  }
0x4e: {  	s17 =	sadd.s32 $0x0, s13;
	s16 =	simm.s32 $0x80;
	[sflag:s6] =	ssyncadd.s32 $0xFFFFD800  }
.LBB2_5:
0x4f: {  	[hbm:s17] =	stream.linear.scatter [tilespmem:s14], [sflag:$0x3], $0x400, $0x38;
	[tilespmem:$0x50A0] =	vst v63  }
0x50: {  	s17 =	smov.u32 s16;
	s14 =	smov.u32 s15;
	p1 =	sne.s32 s16, $0x480  }
.Ltmp4:
0x51: {  	s16 =	sadd.s32 $0x80, s16;
	(pc) =	sbr.rel @p1 .LBB2_5-.Ltmp4, $2  }
0x52: {  	_ =	sdelay $0x2  }
0x53: {  	s15 =	sadd.s32 $0x400, s15;
	s17 =	sadd.s32 s17, s13  }
.Ltmp5:
0x54: {  	_ = 	snop;
	(pc) =	sbr.rel .LBB2_6-.Ltmp5, $1  }
0x55: {  	_ =	sdelay $0x3  }
.LBB2_8:
0x56: {  	_ =	sfence.sel $0x180000  }
0x57: {  	s2 =	simm.s32 $0x2;
	[bflag:$0x0] =	sbarrier.arrive $0xFFFF  }
0x58: {  	s30 =	simm.s32 $0x3;
	[sflag:s2] =	ssyncpa.u1 $0x1  }
0x59: {  	s31 =	simm.s32 $0x1;
	[sflag:s30] =	ssyncpa.u1 $0x1  }
0x5a: {  	[sflag:s31] =	ssyncpa.u1 $0x1  }
0x5b: {  	p0 =	sne.s32 s0, $0x0;
	_ =	strace $0x90000068  }
0x5c: {  	s0 =	sadd.s32 @!p0 $0x100000, s1;
	[bflag:$0x2] =	sbarrier.arrive $0xFFFF  }
0x5d: {  	[sflag:s0] =	ssyncadd.tile.s32 @!p0 $0x1;
	_ =	shalt  }
.Lfunc_end2:
_tile_overlayer_lowered:
.L_overlay_start_2:
0x5e: {  	(tag) =	ssettag $0x2  }
0x5f: {  	s0 =	rddreg [dreg:$0x0];
	s2 =	stileid.u32  }
0x60: {  	s1 =	rddreg [dreg:$0x1];
	p0 =	sne.s32 s2, $0x0  }
0x61: {  	s3 =	rddreg [dreg:$0x2];
	[bflag:$0x3] =	sbarrier.arrive $0xFFFF;
	s2 =	simm.s32 @!p0 $0x1C01  }
0x62: {  	[timem:s3], [sflag:s2] =	dma.local @!p0 [hbm:s0], s1  }
0x63: {  	s0 =	simm.s32 @!p0 $0x1  }
0x64: {  	_ =	swait.ge @!p0 [sflag:s0], s1  }
0x65: {  	s1 =	ssub.s32 @!p0 $0x0, s1;
	[sflag:s0] =	ssyncset.done @!p0 $0x0  }
0x66: {  	[sflag:s0] =	ssyncadd.s32 @!p0 s1  }
0x67: {  	[bflag:$0x3] =	sbarrier.arrive $0xFFFF  }
0x68: {  	_ =	shalt  }

</sc_bundles>
